<compile_context>
chip_gen: v7x
topology: tpu7x:2x2x1
jax: 0.10.2.dev20260603
libtpu: 0.0.44.dev20260713+nightly
codegen_flags: <defaults>
</compile_context>

<pallas_src>
import functools
import jax
import jax.numpy as jnp
from jax import lax
from jax.experimental import pallas as pl
from jax.experimental.pallas import tpu as pltpu
from jax.experimental.pallas import tpu_sc as plsc

F32 = jnp.float32
BF16 = jnp.bfloat16
HD = 128
CP = 16
NC = 2
NS = 16
NW = NC * NS
K = 80


def _silu(v):
    return v * (1.0 / (1.0 + jnp.exp(-v)))


def _sc_gather(hs, ht, coordp, row, col):
    N = hs.shape[0]
    E = row.shape[0]
    per_w = E // NW
    n_chunks = per_w // K
    assert per_w % K == 0 and E % NW == 0

    mesh = plsc.VectorSubcoreMesh(core_axis_name="c", subcore_axis_name="s")

    @functools.partial(
        pl.kernel,
        out_type=(
            jax.ShapeDtypeStruct((E, HD), BF16),
            jax.ShapeDtypeStruct((E, HD), BF16),
            jax.ShapeDtypeStruct((E, CP), F32),
            jax.ShapeDtypeStruct((E, CP), F32),
        ),
        mesh=mesh,
        compiler_params=pltpu.CompilerParams(use_tc_tiling_on_sc=False),
        scratch_types=[
            pltpu.VMEM((K,), jnp.int32),
            pltpu.VMEM((K,), jnp.int32),
            pltpu.VMEM((K, HD), BF16),
            pltpu.VMEM((K, HD), BF16),
            pltpu.VMEM((K, CP), F32),
            pltpu.VMEM((K, CP), F32),
            pltpu.SemaphoreType.DMA,
            pltpu.SemaphoreType.DMA,
        ],
    )
    def k(hs_h, ht_h, cp_h, row_h, col_h,
          src_h, tgt_h, crow_h, ccol_h,
          ridx, cidx, sbuf, tbuf, crbuf, ccbuf, gsem, wsem):
        wid = lax.axis_index("s") * NC + lax.axis_index("c")
        base = wid * per_w

        def body(i, _):
            off = base + i * K
            pltpu.sync_copy(row_h.at[pl.ds(off, K)], ridx)
            pltpu.sync_copy(col_h.at[pl.ds(off, K)], cidx)
            g1 = pltpu.async_copy(hs_h.at[ridx], sbuf, gsem)
            g2 = pltpu.async_copy(ht_h.at[cidx], tbuf, gsem)
            g3 = pltpu.async_copy(cp_h.at[ridx], crbuf, gsem)
            g4 = pltpu.async_copy(cp_h.at[cidx], ccbuf, gsem)
            g1.wait(); g2.wait(); g3.wait(); g4.wait()
            w1 = pltpu.async_copy(sbuf, src_h.at[pl.ds(off, K)], wsem)
            w2 = pltpu.async_copy(tbuf, tgt_h.at[pl.ds(off, K)], wsem)
            w3 = pltpu.async_copy(crbuf, crow_h.at[pl.ds(off, K)], wsem)
            w4 = pltpu.async_copy(ccbuf, ccol_h.at[pl.ds(off, K)], wsem)
            w1.wait(); w2.wait(); w3.wait(); w4.wait()
            return 0

        lax.fori_loop(0, n_chunks, body, 0, unroll=False)

    return k(hs, ht, coordp, row, col)


def _sc_scatter(m_e, t_e, row, zeros_m, zeros_t):
    E = row.shape[0]
    N = zeros_m.shape[0]
    per_w = E // NW
    n_chunks = per_w // K

    mesh = plsc.VectorSubcoreMesh(core_axis_name="c", subcore_axis_name="s")

    @functools.partial(
        pl.kernel,
        out_type=(
            jax.ShapeDtypeStruct((NC, N, HD), F32),
            jax.ShapeDtypeStruct((NC, N, CP), F32),
        ),
        mesh=mesh,
        compiler_params=pltpu.CompilerParams(use_tc_tiling_on_sc=False),
        scratch_types=[
            pltpu.VMEM((K,), jnp.int32),
            pltpu.VMEM((K, HD), F32),
            pltpu.VMEM((K, CP), F32),
            pltpu.VMEM_SHARED((N, HD), F32),
            pltpu.VMEM_SHARED((N, CP), F32),
            pltpu.SemaphoreType.DMA,
        ],
    )
    def k(m_h, t_h, row_h, zm_h, zt_h, outm_h, outt_h,
          idxb, mbuf, tbuf, accm, acct, sem):
        cid = lax.axis_index("c")
        sid = lax.axis_index("s")

        @pl.when(sid == 0)
        def _():
            pltpu.sync_copy(zm_h, accm)
            pltpu.sync_copy(zt_h, acct)

        plsc.subcore_barrier()

        wid = sid * NC + cid
        base = wid * per_w

        def body(i, _):
            off = base + i * K
            pltpu.sync_copy(row_h.at[pl.ds(off, K)], idxb)
            c1 = pltpu.async_copy(m_h.at[pl.ds(off, K)], mbuf, sem)
            c2 = pltpu.async_copy(t_h.at[pl.ds(off, K)], tbuf, sem)
            c1.wait(); c2.wait()
            pltpu.sync_copy(mbuf, accm.at[idxb], add=True)
            pltpu.sync_copy(tbuf, acct.at[idxb], add=True)
            return 0

        lax.fori_loop(0, n_chunks, body, 0, unroll=False)
        plsc.subcore_barrier()

        @pl.when(sid == 0)
        def _():
            pltpu.sync_copy(accm, outm_h.at[cid])
            pltpu.sync_copy(acct, outt_h.at[cid])

    return k(m_e, t_e, row, zeros_m, zeros_t)


def _tc_init(x, wemb, bemb, ws0, wt0):
    N = x.shape[0]

    def body(x_ref, we_ref, be_ref, ws_ref, wt_ref, h_ref, hs_ref, ht_ref):
        h = jnp.dot(x_ref[...], we_ref[...], preferred_element_type=F32) + be_ref[...]
        h_ref[...] = h
        hs_ref[...] = jnp.dot(h, ws_ref[...], preferred_element_type=F32).astype(BF16)
        ht_ref[...] = jnp.dot(h, wt_ref[...], preferred_element_type=F32).astype(BF16)

    return pl.pallas_call(
        body,
        out_shape=(
            jax.ShapeDtypeStruct((N, HD), F32),
            jax.ShapeDtypeStruct((N, HD), BF16),
            jax.ShapeDtypeStruct((N, HD), BF16),
        ),
    )(x, wemb, bemb, ws0, wt0)


def _tc_edge(srcp, tgtp, crow, ccol, edge_attr, we, b1, wr, w2, b2, cw1, cb1, cw2t):
    E = srcp.shape[0]
    BE = 2000
    grid = E // BE
    DE = edge_attr.shape[1]

    def body(src_ref, tgt_ref, cr_ref, cc_ref, ea_ref,
             we_ref, b1_ref, wr_ref, w2_ref, b2_ref, cw1_ref, cb1_ref, cw2_ref,
             m_ref, t_ref):
        cdiff = cr_ref[...] - cc_ref[...]
        radial = jnp.sum(cdiff * cdiff, axis=1, keepdims=True)
        pre = (src_ref[...].astype(F32) + tgt_ref[...].astype(F32)
               + jnp.dot(ea_ref[...], we_ref[...], preferred_element_type=F32)
               + radial * wr_ref[...] + b1_ref[...])
        m1 = _silu(pre)
        m = _silu(jnp.dot(m1, w2_ref[...], preferred_element_type=F32) + b2_ref[...])
        t = _silu(jnp.dot(m, cw1_ref[...], preferred_element_type=F32) + cb1_ref[...])
        c = jnp.sum(t * cw2_ref[...], axis=1, keepdims=True)
        lane = lax.broadcasted_iota(jnp.int32, (BE, CP), 1)
        onec = jnp.where(lane == CP - 1, 1.0, 0.0)
        m_ref[...] = m
        t_ref[...] = cdiff * c + onec

    eb = lambda w: pl.BlockSpec((BE, w), lambda i: (i, 0))
    full = lambda s: pl.BlockSpec(s, lambda i: (0, 0))
    return pl.pallas_call(
        body,
        grid=(grid,),
        in_specs=[
            eb(HD), eb(HD), eb(CP), eb(CP), eb(DE),
            full((DE, HD)), full((1, HD)), full((1, HD)),
            full((HD, HD)), full((1, HD)),
            full((HD, HD)), full((1, HD)), full((1, HD)),
        ],
        out_specs=(eb(HD), eb(CP)),
        out_shape=(
            jax.ShapeDtypeStruct((E, HD), F32),
            jax.ShapeDtypeStruct((E, CP), F32),
        ),
    )(srcp, tgtp, crow, ccol, edge_attr, we, b1, wr, w2, b2, cw1, cb1, cw2t)


def _tc_node(h, pm0, pm1, pc0, pc1, cp, nw1a, nw1b, nb1, nw2, nb2, ws, wt):
    N = h.shape[0]

    def body(h_ref, pm0_ref, pm1_ref, pc0_ref, pc1_ref, cp_ref,
             nw1a_ref, nw1b_ref, nb1_ref, nw2_ref, nb2_ref, ws_ref, wt_ref,
             h_out, cp_out, hs_out, ht_out):
        magg = pm0_ref[...] + pm1_ref[...]
        cagg = pc0_ref[...] + pc1_ref[...]
        cnt = cagg[:, CP - 1:CP]
        inv = 1.0 / jnp.maximum(cnt, 1.0)
        lane = lax.broadcasted_iota(jnp.int32, (N, CP), 1)
        cmask = jnp.where(lane < 3, 1.0, 0.0)
        cp_out[...] = cp_ref[...] + cagg * cmask * inv
        h = h_ref[...]
        o = _silu(jnp.dot(h, nw1a_ref[...], preferred_element_type=F32)
                  + jnp.dot(magg, nw1b_ref[...], preferred_element_type=F32)
                  + nb1_ref[...])
        hn = h + jnp.dot(o, nw2_ref[...], preferred_element_type=F32) + nb2_ref[...]
        h_out[...] = hn
        hs_out[...] = jnp.dot(hn, ws_ref[...], preferred_element_type=F32).astype(BF16)
        ht_out[...] = jnp.dot(hn, wt_ref[...], preferred_element_type=F32).astype(BF16)

    return pl.pallas_call(
        body,
        out_shape=(
            jax.ShapeDtypeStruct((N, HD), F32),
            jax.ShapeDtypeStruct((N, CP), F32),
            jax.ShapeDtypeStruct((N, HD), BF16),
            jax.ShapeDtypeStruct((N, HD), BF16),
        ),
    )(h, pm0, pm1, pc0, pc1, cp, nw1a, nw1b, nb1, nw2, nb2, ws, wt)


def _tc_node_final(h, pm0, pm1, nw1a, nw1b, nb1, nw2, nb2, wout, bout):
    N = h.shape[0]

    def body(h_ref, pm0_ref, pm1_ref,
             nw1a_ref, nw1b_ref, nb1_ref, nw2_ref, nb2_ref, wo_ref, bo_ref,
             hout_ref):
        magg = pm0_ref[...] + pm1_ref[...]
        h = h_ref[...]
        o = _silu(jnp.dot(h, nw1a_ref[...], preferred_element_type=F32)
                  + jnp.dot(magg, nw1b_ref[...], preferred_element_type=F32)
                  + nb1_ref[...])
        hn = h + jnp.dot(o, nw2_ref[...], preferred_element_type=F32) + nb2_ref[...]
        hout_ref[...] = jnp.dot(hn, wo_ref[...], preferred_element_type=F32) + bo_ref[...]

    return pl.pallas_call(
        body,
        out_shape=jax.ShapeDtypeStruct((N, HD), F32),
    )(h, pm0, pm1, nw1a, nw1b, nb1, nw2, nb2, wout, bout)


def _tc_head(hout, batch2d, fl, af, rw1, rb1, rw2, rb2, hw, hb, n_graphs):
    N = hout.shape[0]
    P = hb.shape[1]
    GF = fl.shape[1]

    def body(h_ref, b_ref, fl_ref, af_ref,
             rw1_ref, rb1_ref, rw2_ref, rb2_ref, hw_ref, hb_ref, out_ref,
             pooled_ref):
        h = h_ref[...]
        b = b_ref[...]

        def gbody(g, _):
            masked = jnp.where(b == g, h, -3e38)
            mx = jnp.max(masked, axis=0, keepdims=True)
            pooled_ref[pl.ds(g, 1), :] = mx
            return 0

        lax.fori_loop(0, n_graphs, gbody, 0)
        z = jnp.concatenate([pooled_ref[...], fl_ref[...], af_ref[...]], axis=1)
        r = _silu(jnp.dot(z, rw1_ref[...], preferred_element_type=F32) + rb1_ref[...])
        r = jnp.dot(r, rw2_ref[...], preferred_element_type=F32) + rb2_ref[...]
        z = z + r
        out_ref[...] = jnp.dot(z, hw_ref[...], preferred_element_type=F32) + hb_ref[...]

    return pl.pallas_call(
        body,
        out_shape=jax.ShapeDtypeStruct((n_graphs, P), F32),
        scratch_shapes=[pltpu.VMEM((n_graphs, HD), F32)],
    )(hout, batch2d, fl, af, rw1, rb1, rw2, rb2, hw, hb)


def kernel(x, pos, edge_attr, frag_levels, adduct_feats, params, edge_index, batch):
    N = x.shape[0]
    E = edge_index.shape[1]
    row = edge_index[0]
    col = edge_index[1]
    n_graphs = 64
    r2 = lambda b: b.reshape(1, -1)

    coordp = jnp.pad(pos, ((0, 0), (0, CP - pos.shape[1])))
    zeros_m = jnp.zeros((N, HD), F32)
    zeros_t = jnp.zeros((N, CP), F32)

    layers = params['layers']
    Ws = [lp['edge_w1'][:HD] for lp in layers]
    Wt = [lp['edge_w1'][HD:2 * HD] for lp in layers]
    wr = [lp['edge_w1'][2 * HD:2 * HD + 1] for lp in layers]
    We = [lp['edge_w1'][2 * HD + 1:] for lp in layers]
    nw1a = [lp['node_w1'][:HD] for lp in layers]
    nw1b = [lp['node_w1'][HD:] for lp in layers]

    h, hs, ht = _tc_init(x, params['emb_in_w'], r2(params['emb_in_b']), Ws[0], Wt[0])
    cp = coordp

    for l, lp in enumerate(layers):
        srcp, tgtp, crow, ccol = _sc_gather(hs, ht, cp, row, col)
        m_e, t_e = _tc_edge(srcp, tgtp, crow, ccol, edge_attr,
                            We[l], r2(lp['edge_b1']), wr[l],
                            lp['edge_w2'], r2(lp['edge_b2']),
                            lp['coord_w1'], r2(lp['coord_b1']),
                            lp['coord_w2'].reshape(1, HD))
        pm, pc = _sc_scatter(m_e, t_e, row, zeros_m, zeros_t)
        if l + 1 < len(layers):
            h, cp, hs, ht = _tc_node(h, pm[0], pm[1], pc[0], pc[1], cp,
                                     nw1a[l], nw1b[l], r2(lp['node_b1']),
                                     lp['node_w2'], r2(lp['node_b2']),
                                     Ws[l + 1], Wt[l + 1])
        else:
            hout = _tc_node_final(h, pm[0], pm[1],
                                  nw1a[l], nw1b[l], r2(lp['node_b1']),
                                  lp['node_w2'], r2(lp['node_b2']),
                                  params['emb_out_w'], r2(params['emb_out_b']))

    fl = frag_levels.reshape(n_graphs, -1)
    af = adduct_feats.reshape(n_graphs, -1)
    out = _tc_head(hout, batch.reshape(N, 1), fl, af,
                   params['res_w1'], r2(params['res_b1']),
                   params['res_w2'], r2(params['res_b2']),
                   params['head_w'], r2(params['head_b']), n_graphs)
    return out

# --- scband reference (transcript-rebuilt; emitter-appended) ---
"""Pipeline reference for scband-mol2-spec-egnn-61770219651085 (READ-ONLY COPY).

The authoritative reference and input builder live on the scoring server;
editing this copy changes nothing except your own understanding.
"""

import jax, jax.numpy as jnp
import numpy as np

N_NODES = 10000
N_EDGES = 320000
N_GRAPHS = 64
D_NODE = 128
HDIM = 128
D_EDGE = 16
GFEAT = 32
PROP = 1000
N_LAYERS = 4


def _lin(key, din, dout, scale=0.05):
    return jax.random.normal(key, (din, dout), dtype=jnp.float32) * scale


def setup_inputs(seed: int = 0) -> dict:
    key = jax.random.key(seed)
    ks = jax.random.split(key, 64)
    x = jax.random.normal(ks[0], (N_NODES, D_NODE), dtype=jnp.float32)
    pos = jax.random.normal(ks[1], (N_NODES, 3), dtype=jnp.float32)
    edge_index = jax.random.randint(ks[2], (2, N_EDGES), 0, N_NODES, dtype=jnp.int32)
    edge_attr = jax.random.normal(ks[3], (N_EDGES, D_EDGE), dtype=jnp.float32)
    batch = jnp.sort(jax.random.randint(ks[4], (N_NODES,), 0, N_GRAPHS, dtype=jnp.int32))
    frag_levels = jax.random.normal(ks[5], (N_GRAPHS * 16,), dtype=jnp.float32)
    adduct_feats = jax.random.normal(ks[6], (N_GRAPHS * 16,), dtype=jnp.float32)
    i = 7
    params = {}
    params['emb_in_w'] = _lin(ks[i], D_NODE, HDIM); i += 1
    params['emb_in_b'] = jnp.zeros((HDIM,), jnp.float32)
    layers = []
    for _ in range(N_LAYERS):
        lp = {}
        lp['edge_w1'] = _lin(ks[i], 2 * HDIM + 1 + D_EDGE, HDIM); i += 1
        lp['edge_b1'] = jnp.zeros((HDIM,), jnp.float32)
        lp['edge_w2'] = _lin(ks[i], HDIM, HDIM); i += 1
        lp['edge_b2'] = jnp.zeros((HDIM,), jnp.float32)
        lp['coord_w1'] = _lin(ks[i], HDIM, HDIM); i += 1
        lp['coord_b1'] = jnp.zeros((HDIM,), jnp.float32)
        lp['coord_w2'] = _lin(ks[i], HDIM, 1); i += 1
        lp['node_w1'] = _lin(ks[i], 2 * HDIM, HDIM); i += 1
        lp['node_b1'] = jnp.zeros((HDIM,), jnp.float32)
        lp['node_w2'] = _lin(ks[i], HDIM, HDIM); i += 1
        lp['node_b2'] = jnp.zeros((HDIM,), jnp.float32)
        layers.append(lp)
    params['layers'] = layers
    params['emb_out_w'] = _lin(ks[i], HDIM, HDIM); i += 1
    params['emb_out_b'] = jnp.zeros((HDIM,), jnp.float32)
    params['res_w1'] = _lin(ks[i], HDIM + GFEAT, HDIM); i += 1
    params['res_b1'] = jnp.zeros((HDIM,), jnp.float32)
    params['res_w2'] = _lin(ks[i], HDIM, HDIM + GFEAT); i += 1
    params['res_b2'] = jnp.zeros((HDIM + GFEAT,), jnp.float32)
    params['head_w'] = _lin(ks[i], HDIM + GFEAT, PROP); i += 1
    params['head_b'] = jnp.zeros((PROP,), jnp.float32)
    return dict(x=x, pos=pos, edge_attr=edge_attr, frag_levels=frag_levels,
                adduct_feats=adduct_feats, params=params,
                edge_index=edge_index, batch=batch)


def _silu(v):
    return v * jax.nn.sigmoid(v)


def _forward(x, pos, edge_attr, frag_levels, adduct_feats, params, edge_index, batch):
    row, col = edge_index[0], edge_index[1]
    h = x @ params['emb_in_w'] + params['emb_in_b']
    coord = pos
    for lp in params['layers']:
        src = h[row]
        tgt = h[col]
        coord_diff = coord[row] - coord[col]
        radial = jnp.sum(coord_diff ** 2, axis=1, keepdims=True)
        m = jnp.concatenate([src, tgt, radial, edge_attr], axis=1)
        m = _silu(m @ lp['edge_w1'] + lp['edge_b1'])
        m = _silu(m @ lp['edge_w2'] + lp['edge_b2'])
        c = _silu(m @ lp['coord_w1'] + lp['coord_b1'])
        c = c @ lp['coord_w2']
        trans = coord_diff * c
        agg = jax.ops.segment_sum(trans, row, num_segments=N_NODES)
        cnt = jax.ops.segment_sum(jnp.ones((N_EDGES, 1), jnp.float32), row, num_segments=N_NODES)
        coord = coord + agg / jnp.clip(cnt, 1.0, None)
        magg = jax.ops.segment_sum(m, row, num_segments=N_NODES)
        o = jnp.concatenate([h, magg], axis=1)
        o = _silu(o @ lp['node_w1'] + lp['node_b1'])
        o = o @ lp['node_w2'] + lp['node_b2']
        h = h + o
    h = h @ params['emb_out_w'] + params['emb_out_b']
    pooled = jax.ops.segment_max(h, batch, num_segments=N_GRAPHS)
    fl = frag_levels.reshape(N_GRAPHS, -1)
    af = adduct_feats.reshape(N_GRAPHS, -1)
    z = jnp.concatenate([pooled, fl, af], axis=1)
    r = _silu(z @ params['res_w1'] + params['res_b1'])
    r = r @ params['res_w2'] + params['res_b2']
    z = z + r
    out = z @ params['head_w'] + params['head_b']
    return out


def reference(x, pos, edge_attr, frag_levels, adduct_feats, params, edge_index, batch):
    return _forward(x, pos, edge_attr, frag_levels, adduct_feats, params, edge_index, batch)

if __name__ == "__main__":
    import jax
    _d = setup_inputs()
    print(jax.jit(kernel)(*tuple(_d.values())))

</pallas_src>

<mosaic_0001>
#map = affine_map<(d0, d1) -> (0, 0)>
#map1 = affine_map<(d0, d1) -> (0)>
module attributes {stable_mosaic.version = 14 : i64} {
  func.func @k(%arg0: i32, %arg1: i32, %arg2: memref<10000x128xbf16, #tpu.memory_space<hbm>>, %arg3: memref<10000x128xbf16, #tpu.memory_space<hbm>>, %arg4: memref<10000x16xf32, #tpu.memory_space<hbm>>, %arg5: memref<320000xi32, #tpu.memory_space<hbm>>, %arg6: memref<320000xi32, #tpu.memory_space<hbm>>, %arg7: memref<320000x128xbf16, #tpu.memory_space<hbm>>, %arg8: memref<320000x128xbf16, #tpu.memory_space<hbm>>, %arg9: memref<320000x16xf32, #tpu.memory_space<hbm>>, %arg10: memref<320000x16xf32, #tpu.memory_space<hbm>>, %arg11: memref<80xi32, #tpu.memory_space<vmem>>, %arg12: memref<80xi32, #tpu.memory_space<vmem>>, %arg13: memref<80x128xbf16, #tpu.memory_space<vmem>>, %arg14: memref<80x128xbf16, #tpu.memory_space<vmem>>, %arg15: memref<80x16xf32, #tpu.memory_space<vmem>>, %arg16: memref<80x16xf32, #tpu.memory_space<vmem>>, %arg17: memref<!tpu.dma_semaphore, #tpu.memory_space<semaphore_mem>>, %arg18: memref<!tpu.dma_semaphore, #tpu.memory_space<semaphore_mem>>) attributes {dimension_semantics = [#tpu.dimension_semantics<core_parallel>, #tpu.dimension_semantics<subcore_parallel>], iteration_bounds = array<i64: 2, 16>, scalar_prefetch = 0 : i64, scratch_operands = 8 : i64, tpu.core_type = #tpu.core_type<sc_vector_subcore>, window_params = [{transform_indices = #map}, {transform_indices = #map}, {transform_indices = #map}, {transform_indices = #map1}, {transform_indices = #map1}, {transform_indices = #map}, {transform_indices = #map}, {transform_indices = #map}, {transform_indices = #map}]} {
    %mul3A = arith.constant 2 : i32
    %mul3A_0 = arith.muli %arg1, %mul3A : i32
    %add3A = arith.addi %mul3A_0, %arg0 : i32
    %mul3A_1 = arith.constant 10000 : i32
    %mul3A_2 = arith.muli %add3A, %mul3A_1 : i32
    %scan3A = arith.constant 0 : i32
    %scan3A_3 = arith.constant 0 : i32
    %scan3A_4 = arith.constant 125 : i32
    %scan3A_5 = arith.addi %scan3A_3, %scan3A_4 : i32
    %scan3A_6 = arith.constant 1 : i32
    %scan3A_7 = scf.for %scan3A_9 = %scan3A_3 to %scan3A_5 step %scan3A_6 iter_args(%scan3A_10 = %scan3A) -> (i32)  : i32 {
      %mul3A_11 = arith.constant 80 : i32
      %mul3A_12 = arith.muli %scan3A_9, %mul3A_11 : i32
      %add3A_13 = arith.addi %mul3A_2, %mul3A_12 : i32
      "tpu.region"() ({
        %run_scoped3A = tpu.sem_alloc : memref<!tpu.dma_semaphore, #tpu.memory_space<semaphore_mem>>
        %dma_start3A_69 = tpu.memref_slice %arg5[%add3A_13] : memref<320000xi32, #tpu.memory_space<hbm>> -> memref<80xi32, #tpu.memory_space<hbm>>
        %dma_start3A_70 = tpu.memref_slice %arg5[%add3A_13] : memref<320000xi32, #tpu.memory_space<hbm>> -> memref<80xi32, #tpu.memory_space<hbm>>
        tpu.enqueue_dma source(%dma_start3A_70 : memref<80xi32, #tpu.memory_space<hbm>>) target(%arg11 : memref<80xi32, #tpu.memory_space<vmem>>) target_semaphore(%run_scoped3A : memref<!tpu.dma_semaphore, #tpu.memory_space<semaphore_mem>>)
        %dma_wait3A_71 = tpu.memref_slice %arg5[%add3A_13] : memref<320000xi32, #tpu.memory_space<hbm>> -> memref<80xi32, #tpu.memory_space<hbm>>
        %dma_wait3A_72 = tpu.memref_slice %arg5[%add3A_13] : memref<320000xi32, #tpu.memory_space<hbm>> -> memref<80xi32, #tpu.memory_space<hbm>>
        tpu.wait_dma2 semaphore(%run_scoped3A : memref<!tpu.dma_semaphore, #tpu.memory_space<semaphore_mem>>) src(%dma_wait3A_72 : memref<80xi32, #tpu.memory_space<hbm>>) dst(%arg11 : memref<80xi32, #tpu.memory_space<vmem>>)
        tpu.yield
      }) : () -> ()
      "tpu.region"() ({
        %run_scoped3A = tpu.sem_alloc : memref<!tpu.dma_semaphore, #tpu.memory_space<semaphore_mem>>
        %dma_start3A_69 = tpu.memref_slice %arg6[%add3A_13] : memref<320000xi32, #tpu.memory_space<hbm>> -> memref<80xi32, #tpu.memory_space<hbm>>
        %dma_start3A_70 = tpu.memref_slice %arg6[%add3A_13] : memref<320000xi32, #tpu.memory_space<hbm>> -> memref<80xi32, #tpu.memory_space<hbm>>
        tpu.enqueue_dma source(%dma_start3A_70 : memref<80xi32, #tpu.memory_space<hbm>>) target(%arg12 : memref<80xi32, #tpu.memory_space<vmem>>) target_semaphore(%run_scoped3A : memref<!tpu.dma_semaphore, #tpu.memory_space<semaphore_mem>>)
        %dma_wait3A_71 = tpu.memref_slice %arg6[%add3A_13] : memref<320000xi32, #tpu.memory_space<hbm>> -> memref<80xi32, #tpu.memory_space<hbm>>
        %dma_wait3A_72 = tpu.memref_slice %arg6[%add3A_13] : memref<320000xi32, #tpu.memory_space<hbm>> -> memref<80xi32, #tpu.memory_space<hbm>>
        tpu.wait_dma2 semaphore(%run_scoped3A : memref<!tpu.dma_semaphore, #tpu.memory_space<semaphore_mem>>) src(%dma_wait3A_72 : memref<80xi32, #tpu.memory_space<hbm>>) dst(%arg12 : memref<80xi32, #tpu.memory_space<vmem>>)
        tpu.yield
      }) : () -> ()
      %dma_start3A = arith.constant 0 : i32
      %dma_start3A_14 = arith.constant 0 : i32
      %dma_start3A_15 = tpu.memref_slice %arg2[%dma_start3A, %dma_start3A_14] : memref<10000x128xbf16, #tpu.memory_space<hbm>> -> memref<10000x128xbf16, #tpu.memory_space<hbm>>
      tpu.enqueue_indirect_dma source(%dma_start3A_15 : memref<10000x128xbf16, #tpu.memory_space<hbm>>) target(%arg13 : memref<80x128xbf16, #tpu.memory_space<vmem>>) offsets(%arg11 : memref<80xi32, #tpu.memory_space<vmem>>) semaphore(%arg17 : memref<!tpu.dma_semaphore, #tpu.memory_space<semaphore_mem>>)
      %dma_start3A_16 = arith.constant 0 : i32
      %dma_start3A_17 = arith.constant 0 : i32
      %dma_start3A_18 = tpu.memref_slice %arg3[%dma_start3A_16, %dma_start3A_17] : memref<10000x128xbf16, #tpu.memory_space<hbm>> -> memref<10000x128xbf16, #tpu.memory_space<hbm>>
      tpu.enqueue_indirect_dma source(%dma_start3A_18 : memref<10000x128xbf16, #tpu.memory_space<hbm>>) target(%arg14 : memref<80x128xbf16, #tpu.memory_space<vmem>>) offsets(%arg12 : memref<80xi32, #tpu.memory_space<vmem>>) semaphore(%arg17 : memref<!tpu.dma_semaphore, #tpu.memory_space<semaphore_mem>>)
      %dma_start3A_19 = arith.constant 0 : i32
      %dma_start3A_20 = arith.constant 0 : i32
      %dma_start3A_21 = tpu.memref_slice %arg4[%dma_start3A_19, %dma_start3A_20] : memref<10000x16xf32, #tpu.memory_space<hbm>> -> memref<10000x16xf32, #tpu.memory_space<hbm>>
      tpu.enqueue_indirect_dma source(%dma_start3A_21 : memref<10000x16xf32, #tpu.memory_space<hbm>>) target(%arg15 : memref<80x16xf32, #tpu.memory_space<vmem>>) offsets(%arg11 : memref<80xi32, #tpu.memory_space<vmem>>) semaphore(%arg17 : memref<!tpu.dma_semaphore, #tpu.memory_space<semaphore_mem>>)
      %dma_start3A_22 = arith.constant 0 : i32
      %dma_start3A_23 = arith.constant 0 : i32
      %dma_start3A_24 = tpu.memref_slice %arg4[%dma_start3A_22, %dma_start3A_23] : memref<10000x16xf32, #tpu.memory_space<hbm>> -> memref<10000x16xf32, #tpu.memory_space<hbm>>
      tpu.enqueue_indirect_dma source(%dma_start3A_24 : memref<10000x16xf32, #tpu.memory_space<hbm>>) target(%arg16 : memref<80x16xf32, #tpu.memory_space<vmem>>) offsets(%arg12 : memref<80xi32, #tpu.memory_space<vmem>>) semaphore(%arg17 : memref<!tpu.dma_semaphore, #tpu.memory_space<semaphore_mem>>)
      %dma_wait3A = arith.constant 0 : i32
      %dma_wait3A_25 = arith.constant 0 : i32
      %dma_wait3A_26 = tpu.memref_slice %arg2[%dma_wait3A, %dma_wait3A_25] : memref<10000x128xbf16, #tpu.memory_space<hbm>> -> memref<10000x128xbf16, #tpu.memory_space<hbm>>
      tpu.wait_indirect_dma semaphore(%arg17 : memref<!tpu.dma_semaphore, #tpu.memory_space<semaphore_mem>>) src(%dma_wait3A_26 : memref<10000x128xbf16, #tpu.memory_space<hbm>>) dst(%arg13 : memref<80x128xbf16, #tpu.memory_space<vmem>>)
      %dma_wait3A_27 = arith.constant 0 : i32
      %dma_wait3A_28 = arith.constant 0 : i32
      %dma_wait3A_29 = tpu.memref_slice %arg3[%dma_wait3A_27, %dma_wait3A_28] : memref<10000x128xbf16, #tpu.memory_space<hbm>> -> memref<10000x128xbf16, #tpu.memory_space<hbm>>
      tpu.wait_indirect_dma semaphore(%arg17 : memref<!tpu.dma_semaphore, #tpu.memory_space<semaphore_mem>>) src(%dma_wait3A_29 : memref<10000x128xbf16, #tpu.memory_space<hbm>>) dst(%arg14 : memref<80x128xbf16, #tpu.memory_space<vmem>>)
      %dma_wait3A_30 = arith.constant 0 : i32
      %dma_wait3A_31 = arith.constant 0 : i32
      %dma_wait3A_32 = tpu.memref_slice %arg4[%dma_wait3A_30, %dma_wait3A_31] : memref<10000x16xf32, #tpu.memory_space<hbm>> -> memref<10000x16xf32, #tpu.memory_space<hbm>>
      tpu.wait_indirect_dma semaphore(%arg17 : memref<!tpu.dma_semaphore, #tpu.memory_space<semaphore_mem>>) src(%dma_wait3A_32 : memref<10000x16xf32, #tpu.memory_space<hbm>>) dst(%arg15 : memref<80x16xf32, #tpu.memory_space<vmem>>)
      %dma_wait3A_33 = arith.constant 0 : i32
      %dma_wait3A_34 = arith.constant 0 : i32
      %dma_wait3A_35 = tpu.memref_slice %arg4[%dma_wait3A_33, %dma_wait3A_34] : memref<10000x16xf32, #tpu.memory_space<hbm>> -> memref<10000x16xf32, #tpu.memory_space<hbm>>
      tpu.wait_indirect_dma semaphore(%arg17 : memref<!tpu.dma_semaphore, #tpu.memory_space<semaphore_mem>>) src(%dma_wait3A_35 : memref<10000x16xf32, #tpu.memory_space<hbm>>) dst(%arg16 : memref<80x16xf32, #tpu.memory_space<vmem>>)
      %dma_start3A_36 = arith.constant 0 : i32
      %dma_start3A_37 = tpu.memref_slice %arg7[%add3A_13, %dma_start3A_36] : memref<320000x128xbf16, #tpu.memory_space<hbm>> -> memref<80x128xbf16, #tpu.memory_space<hbm>>
      %dma_start3A_38 = arith.constant 0 : i32
      %dma_start3A_39 = tpu.memref_slice %arg7[%add3A_13, %dma_start3A_38] : memref<320000x128xbf16, #tpu.memory_space<hbm>> -> memref<80x128xbf16, #tpu.memory_space<hbm>>
      tpu.enqueue_dma source(%arg13 : memref<80x128xbf16, #tpu.memory_space<vmem>>) target(%dma_start3A_39 : memref<80x128xbf16, #tpu.memory_space<hbm>>) target_semaphore(%arg18 : memref<!tpu.dma_semaphore, #tpu.memory_space<semaphore_mem>>)
      %dma_start3A_40 = arith.constant 0 : i32
      %dma_start3A_41 = tpu.memref_slice %arg8[%add3A_13, %dma_start3A_40] : memref<320000x128xbf16, #tpu.memory_space<hbm>> -> memref<80x128xbf16, #tpu.memory_space<hbm>>
      %dma_start3A_42 = arith.constant 0 : i32
      %dma_start3A_43 = tpu.memref_slice %arg8[%add3A_13, %dma_start3A_42] : memref<320000x128xbf16, #tpu.memory_space<hbm>> -> memref<80x128xbf16, #tpu.memory_space<hbm>>
      tpu.enqueue_dma source(%arg14 : memref<80x128xbf16, #tpu.memory_space<vmem>>) target(%dma_start3A_43 : memref<80x128xbf16, #tpu.memory_space<hbm>>) target_semaphore(%arg18 : memref<!tpu.dma_semaphore, #tpu.memory_space<semaphore_mem>>)
      %dma_start3A_44 = arith.constant 0 : i32
      %dma_start3A_45 = tpu.memref_slice %arg9[%add3A_13, %dma_start3A_44] : memref<320000x16xf32, #tpu.memory_space<hbm>> -> memref<80x16xf32, #tpu.memory_space<hbm>>
      %dma_start3A_46 = arith.constant 0 : i32
      %dma_start3A_47 = tpu.memref_slice %arg9[%add3A_13, %dma_start3A_46] : memref<320000x16xf32, #tpu.memory_space<hbm>> -> memref<80x16xf32, #tpu.memory_space<hbm>>
      tpu.enqueue_dma source(%arg15 : memref<80x16xf32, #tpu.memory_space<vmem>>) target(%dma_start3A_47 : memref<80x16xf32, #tpu.memory_space<hbm>>) target_semaphore(%arg18 : memref<!tpu.dma_semaphore, #tpu.memory_space<semaphore_mem>>)
      %dma_start3A_48 = arith.constant 0 : i32
      %dma_start3A_49 = tpu.memref_slice %arg10[%add3A_13, %dma_start3A_48] : memref<320000x16xf32, #tpu.memory_space<hbm>> -> memref<80x16xf32, #tpu.memory_space<hbm>>
      %dma_start3A_50 = arith.constant 0 : i32
      %dma_start3A_51 = tpu.memref_slice %arg10[%add3A_13, %dma_start3A_50] : memref<320000x16xf32, #tpu.memory_space<hbm>> -> memref<80x16xf32, #tpu.memory_space<hbm>>
      tpu.enqueue_dma source(%arg16 : memref<80x16xf32, #tpu.memory_space<vmem>>) target(%dma_start3A_51 : memref<80x16xf32, #tpu.memory_space<hbm>>) target_semaphore(%arg18 : memref<!tpu.dma_semaphore, #tpu.memory_space<semaphore_mem>>)
      %dma_wait3A_52 = arith.constant 0 : i32
      %dma_wait3A_53 = tpu.memref_slice %arg7[%add3A_13, %dma_wait3A_52] : memref<320000x128xbf16, #tpu.memory_space<hbm>> -> memref<80x128xbf16, #tpu.memory_space<hbm>>
      %dma_wait3A_54 = arith.constant 0 : i32
      %dma_wait3A_55 = tpu.memref_slice %arg7[%add3A_13, %dma_wait3A_54] : memref<320000x128xbf16, #tpu.memory_space<hbm>> -> memref<80x128xbf16, #tpu.memory_space<hbm>>
      tpu.wait_dma2 semaphore(%arg18 : memref<!tpu.dma_semaphore, #tpu.memory_space<semaphore_mem>>) src(%arg13 : memref<80x128xbf16, #tpu.memory_space<vmem>>) dst(%dma_wait3A_55 : memref<80x128xbf16, #tpu.memory_space<hbm>>)
      %dma_wait3A_56 = arith.constant 0 : i32
      %dma_wait3A_57 = tpu.memref_slice %arg8[%add3A_13, %dma_wait3A_56] : memref<320000x128xbf16, #tpu.memory_space<hbm>> -> memref<80x128xbf16, #tpu.memory_space<hbm>>
      %dma_wait3A_58 = arith.constant 0 : i32
      %dma_wait3A_59 = tpu.memref_slice %arg8[%add3A_13, %dma_wait3A_58] : memref<320000x128xbf16, #tpu.memory_space<hbm>> -> memref<80x128xbf16, #tpu.memory_space<hbm>>
      tpu.wait_dma2 semaphore(%arg18 : memref<!tpu.dma_semaphore, #tpu.memory_space<semaphore_mem>>) src(%arg14 : memref<80x128xbf16, #tpu.memory_space<vmem>>) dst(%dma_wait3A_59 : memref<80x128xbf16, #tpu.memory_space<hbm>>)
      %dma_wait3A_60 = arith.constant 0 : i32
      %dma_wait3A_61 = tpu.memref_slice %arg9[%add3A_13, %dma_wait3A_60] : memref<320000x16xf32, #tpu.memory_space<hbm>> -> memref<80x16xf32, #tpu.memory_space<hbm>>
      %dma_wait3A_62 = arith.constant 0 : i32
      %dma_wait3A_63 = tpu.memref_slice %arg9[%add3A_13, %dma_wait3A_62] : memref<320000x16xf32, #tpu.memory_space<hbm>> -> memref<80x16xf32, #tpu.memory_space<hbm>>
      tpu.wait_dma2 semaphore(%arg18 : memref<!tpu.dma_semaphore, #tpu.memory_space<semaphore_mem>>) src(%arg15 : memref<80x16xf32, #tpu.memory_space<vmem>>) dst(%dma_wait3A_63 : memref<80x16xf32, #tpu.memory_space<hbm>>)
      %dma_wait3A_64 = arith.constant 0 : i32
      %dma_wait3A_65 = tpu.memref_slice %arg10[%add3A_13, %dma_wait3A_64] : memref<320000x16xf32, #tpu.memory_space<hbm>> -> memref<80x16xf32, #tpu.memory_space<hbm>>
      %dma_wait3A_66 = arith.constant 0 : i32
      %dma_wait3A_67 = tpu.memref_slice %arg10[%add3A_13, %dma_wait3A_66] : memref<320000x16xf32, #tpu.memory_space<hbm>> -> memref<80x16xf32, #tpu.memory_space<hbm>>
      tpu.wait_dma2 semaphore(%arg18 : memref<!tpu.dma_semaphore, #tpu.memory_space<semaphore_mem>>) src(%arg16 : memref<80x16xf32, #tpu.memory_space<vmem>>) dst(%dma_wait3A_67 : memref<80x16xf32, #tpu.memory_space<hbm>>)
      %scan3A_68 = arith.constant 0 : i32
      scf.yield %scan3A_68 : i32
    }
    %scan3A_8 = arith.constant 125 : i32
    return
  }
}

#map = affine_map<(d0, d1) -> (0, 0)>
#map1 = affine_map<(d0, d1) -> (0)>
module attributes {stable_mosaic.version = 14 : i64} {
  func.func @k(%arg0: i32, %arg1: i32, %arg2: memref<10000x128xbf16, #tpu.memory_space<hbm>>, %arg3: memref<10000x128xbf16, #tpu.memory_space<hbm>>, %arg4: memref<10000x16xf32, #tpu.memory_space<hbm>>, %arg5: memref<320000xi32, #tpu.memory_space<hbm>>, %arg6: memref<320000xi32, #tpu.memory_space<hbm>>, %arg7: memref<320000x128xbf16, #tpu.memory_space<hbm>>, %arg8: memref<320000x128xbf16, #tpu.memory_space<hbm>>, %arg9: memref<320000x16xf32, #tpu.memory_space<hbm>>, %arg10: memref<320000x16xf32, #tpu.memory_space<hbm>>, %arg11: memref<80xi32, #tpu.memory_space<vmem>>, %arg12: memref<80xi32, #tpu.memory_space<vmem>>, %arg13: memref<80x128xbf16, #tpu.memory_space<vmem>>, %arg14: memref<80x128xbf16, #tpu.memory_space<vmem>>, %arg15: memref<80x16xf32, #tpu.memory_space<vmem>>, %arg16: memref<80x16xf32, #tpu.memory_space<vmem>>, %arg17: memref<!tpu.dma_semaphore, #tpu.memory_space<semaphore_mem>>, %arg18: memref<!tpu.dma_semaphore, #tpu.memory_space<semaphore_mem>>) attributes {dimension_semantics = [#tpu.dimension_semantics<core_parallel>, #tpu.dimension_semantics<subcore_parallel>], iteration_bounds = array<i64: 2, 16>, scalar_prefetch = 0 : i64, scratch_operands = 8 : i64, tpu.core_type = #tpu.core_type<sc_vector_subcore>, window_params = [{transform_indices = #map}, {transform_indices = #map}, {transform_indices = #map}, {transform_indices = #map1}, {transform_indices = #map1}, {transform_indices = #map}, {transform_indices = #map}, {transform_indices = #map}, {transform_indices = #map}]} {
    %mul3A = arith.constant 2 : i32
    %mul3A_0 = arith.muli %arg1, %mul3A : i32
    %add3A = arith.addi %mul3A_0, %arg0 : i32
    %mul3A_1 = arith.constant 10000 : i32
    %mul3A_2 = arith.muli %add3A, %mul3A_1 : i32
    %scan3A = arith.constant 0 : i32
    %scan3A_3 = arith.constant 0 : i32
    %scan3A_4 = arith.constant 125 : i32
    %scan3A_5 = arith.addi %scan3A_3, %scan3A_4 : i32
    %scan3A_6 = arith.constant 1 : i32
    %scan3A_7 = scf.for %scan3A_9 = %scan3A_3 to %scan3A_5 step %scan3A_6 iter_args(%scan3A_10 = %scan3A) -> (i32)  : i32 {
      %mul3A_11 = arith.constant 80 : i32
      %mul3A_12 = arith.muli %scan3A_9, %mul3A_11 : i32
      %add3A_13 = arith.addi %mul3A_2, %mul3A_12 : i32
      "tpu.region"() ({
        %run_scoped3A = tpu.sem_alloc : memref<!tpu.dma_semaphore, #tpu.memory_space<semaphore_mem>>
        %dma_start3A_69 = tpu.memref_slice %arg5[%add3A_13] : memref<320000xi32, #tpu.memory_space<hbm>> -> memref<80xi32, #tpu.memory_space<hbm>>
        %dma_start3A_70 = tpu.memref_slice %arg5[%add3A_13] : memref<320000xi32, #tpu.memory_space<hbm>> -> memref<80xi32, #tpu.memory_space<hbm>>
        tpu.enqueue_dma source(%dma_start3A_70 : memref<80xi32, #tpu.memory_space<hbm>>) target(%arg11 : memref<80xi32, #tpu.memory_space<vmem>>) target_semaphore(%run_scoped3A : memref<!tpu.dma_semaphore, #tpu.memory_space<semaphore_mem>>)
        %dma_wait3A_71 = tpu.memref_slice %arg5[%add3A_13] : memref<320000xi32, #tpu.memory_space<hbm>> -> memref<80xi32, #tpu.memory_space<hbm>>
        %dma_wait3A_72 = tpu.memref_slice %arg5[%add3A_13] : memref<320000xi32, #tpu.memory_space<hbm>> -> memref<80xi32, #tpu.memory_space<hbm>>
        tpu.wait_dma2 semaphore(%run_scoped3A : memref<!tpu.dma_semaphore, #tpu.memory_space<semaphore_mem>>) src(%dma_wait3A_72 : memref<80xi32, #tpu.memory_space<hbm>>) dst(%arg11 : memref<80xi32, #tpu.memory_space<vmem>>)
        tpu.yield
      }) : () -> ()
      "tpu.region"() ({
        %run_scoped3A = tpu.sem_alloc : memref<!tpu.dma_semaphore, #tpu.memory_space<semaphore_mem>>
        %dma_start3A_69 = tpu.memref_slice %arg6[%add3A_13] : memref<320000xi32, #tpu.memory_space<hbm>> -> memref<80xi32, #tpu.memory_space<hbm>>
        %dma_start3A_70 = tpu.memref_slice %arg6[%add3A_13] : memref<320000xi32, #tpu.memory_space<hbm>> -> memref<80xi32, #tpu.memory_space<hbm>>
        tpu.enqueue_dma source(%dma_start3A_70 : memref<80xi32, #tpu.memory_space<hbm>>) target(%arg12 : memref<80xi32, #tpu.memory_space<vmem>>) target_semaphore(%run_scoped3A : memref<!tpu.dma_semaphore, #tpu.memory_space<semaphore_mem>>)
        %dma_wait3A_71 = tpu.memref_slice %arg6[%add3A_13] : memref<320000xi32, #tpu.memory_space<hbm>> -> memref<80xi32, #tpu.memory_space<hbm>>
        %dma_wait3A_72 = tpu.memref_slice %arg6[%add3A_13] : memref<320000xi32, #tpu.memory_space<hbm>> -> memref<80xi32, #tpu.memory_space<hbm>>
        tpu.wait_dma2 semaphore(%run_scoped3A : memref<!tpu.dma_semaphore, #tpu.memory_space<semaphore_mem>>) src(%dma_wait3A_72 : memref<80xi32, #tpu.memory_space<hbm>>) dst(%arg12 : memref<80xi32, #tpu.memory_space<vmem>>)
        tpu.yield
      }) : () -> ()
      %dma_start3A = arith.constant 0 : i32
      %dma_start3A_14 = arith.constant 0 : i32
      %dma_start3A_15 = tpu.memref_slice %arg2[%dma_start3A, %dma_start3A_14] : memref<10000x128xbf16, #tpu.memory_space<hbm>> -> memref<10000x128xbf16, #tpu.memory_space<hbm>>
      tpu.enqueue_indirect_dma source(%dma_start3A_15 : memref<10000x128xbf16, #tpu.memory_space<hbm>>) target(%arg13 : memref<80x128xbf16, #tpu.memory_space<vmem>>) offsets(%arg11 : memref<80xi32, #tpu.memory_space<vmem>>) semaphore(%arg17 : memref<!tpu.dma_semaphore, #tpu.memory_space<semaphore_mem>>)
      %dma_start3A_16 = arith.constant 0 : i32
      %dma_start3A_17 = arith.constant 0 : i32
      %dma_start3A_18 = tpu.memref_slice %arg3[%dma_start3A_16, %dma_start3A_17] : memref<10000x128xbf16, #tpu.memory_space<hbm>> -> memref<10000x128xbf16, #tpu.memory_space<hbm>>
      tpu.enqueue_indirect_dma source(%dma_start3A_18 : memref<10000x128xbf16, #tpu.memory_space<hbm>>) target(%arg14 : memref<80x128xbf16, #tpu.memory_space<vmem>>) offsets(%arg12 : memref<80xi32, #tpu.memory_space<vmem>>) semaphore(%arg17 : memref<!tpu.dma_semaphore, #tpu.memory_space<semaphore_mem>>)
      %dma_start3A_19 = arith.constant 0 : i32
      %dma_start3A_20 = arith.constant 0 : i32
      %dma_start3A_21 = tpu.memref_slice %arg4[%dma_start3A_19, %dma_start3A_20] : memref<10000x16xf32, #tpu.memory_space<hbm>> -> memref<10000x16xf32, #tpu.memory_space<hbm>>
      tpu.enqueue_indirect_dma source(%dma_start3A_21 : memref<10000x16xf32, #tpu.memory_space<hbm>>) target(%arg15 : memref<80x16xf32, #tpu.memory_space<vmem>>) offsets(%arg11 : memref<80xi32, #tpu.memory_space<vmem>>) semaphore(%arg17 : memref<!tpu.dma_semaphore, #tpu.memory_space<semaphore_mem>>)
      %dma_start3A_22 = arith.constant 0 : i32
      %dma_start3A_23 = arith.constant 0 : i32
      %dma_start3A_24 = tpu.memref_slice %arg4[%dma_start3A_22, %dma_start3A_23] : memref<10000x16xf32, #tpu.memory_space<hbm>> -> memref<10000x16xf32, #tpu.memory_space<hbm>>
      tpu.enqueue_indirect_dma source(%dma_start3A_24 : memref<10000x16xf32, #tpu.memory_space<hbm>>) target(%arg16 : memref<80x16xf32, #tpu.memory_space<vmem>>) offsets(%arg12 : memref<80xi32, #tpu.memory_space<vmem>>) semaphore(%arg17 : memref<!tpu.dma_semaphore, #tpu.memory_space<semaphore_mem>>)
      %dma_wait3A = arith.constant 0 : i32
      %dma_wait3A_25 = arith.constant 0 : i32
      %dma_wait3A_26 = tpu.memref_slice %arg2[%dma_wait3A, %dma_wait3A_25] : memref<10000x128xbf16, #tpu.memory_space<hbm>> -> memref<10000x128xbf16, #tpu.memory_space<hbm>>
      tpu.wait_indirect_dma semaphore(%arg17 : memref<!tpu.dma_semaphore, #tpu.memory_space<semaphore_mem>>) src(%dma_wait3A_26 : memref<10000x128xbf16, #tpu.memory_space<hbm>>) dst(%arg13 : memref<80x128xbf16, #tpu.memory_space<vmem>>)
      %dma_wait3A_27 = arith.constant 0 : i32
      %dma_wait3A_28 = arith.constant 0 : i32
      %dma_wait3A_29 = tpu.memref_slice %arg3[%dma_wait3A_27, %dma_wait3A_28] : memref<10000x128xbf16, #tpu.memory_space<hbm>> -> memref<10000x128xbf16, #tpu.memory_space<hbm>>
      tpu.wait_indirect_dma semaphore(%arg17 : memref<!tpu.dma_semaphore, #tpu.memory_space<semaphore_mem>>) src(%dma_wait3A_29 : memref<10000x128xbf16, #tpu.memory_space<hbm>>) dst(%arg14 : memref<80x128xbf16, #tpu.memory_space<vmem>>)
      %dma_wait3A_30 = arith.constant 0 : i32
      %dma_wait3A_31 = arith.constant 0 : i32
      %dma_wait3A_32 = tpu.memref_slice %arg4[%dma_wait3A_30, %dma_wait3A_31] : memref<10000x16xf32, #tpu.memory_space<hbm>> -> memref<10000x16xf32, #tpu.memory_space<hbm>>
      tpu.wait_indirect_dma semaphore(%arg17 : memref<!tpu.dma_semaphore, #tpu.memory_space<semaphore_mem>>) src(%dma_wait3A_32 : memref<10000x16xf32, #tpu.memory_space<hbm>>) dst(%arg15 : memref<80x16xf32, #tpu.memory_space<vmem>>)
      %dma_wait3A_33 = arith.constant 0 : i32
      %dma_wait3A_34 = arith.constant 0 : i32
      %dma_wait3A_35 = tpu.memref_slice %arg4[%dma_wait3A_33, %dma_wait3A_34] : memref<10000x16xf32, #tpu.memory_space<hbm>> -> memref<10000x16xf32, #tpu.memory_space<hbm>>
      tpu.wait_indirect_dma semaphore(%arg17 : memref<!tpu.dma_semaphore, #tpu.memory_space<semaphore_mem>>) src(%dma_wait3A_35 : memref<10000x16xf32, #tpu.memory_space<hbm>>) dst(%arg16 : memref<80x16xf32, #tpu.memory_space<vmem>>)
      %dma_start3A_36 = arith.constant 0 : i32
      %dma_start3A_37 = tpu.memref_slice %arg7[%add3A_13, %dma_start3A_36] : memref<320000x128xbf16, #tpu.memory_space<hbm>> -> memref<80x128xbf16, #tpu.memory_space<hbm>>
      %dma_start3A_38 = arith.constant 0 : i32
      %dma_start3A_39 = tpu.memref_slice %arg7[%add3A_13, %dma_start3A_38] : memref<320000x128xbf16, #tpu.memory_space<hbm>> -> memref<80x128xbf16, #tpu.memory_space<hbm>>
      tpu.enqueue_dma source(%arg13 : memref<80x128xbf16, #tpu.memory_space<vmem>>) target(%dma_start3A_39 : memref<80x128xbf16, #tpu.memory_space<hbm>>) target_semaphore(%arg18 : memref<!tpu.dma_semaphore, #tpu.memory_space<semaphore_mem>>)
      %dma_start3A_40 = arith.constant 0 : i32
      %dma_start3A_41 = tpu.memref_slice %arg8[%add3A_13, %dma_start3A_40] : memref<320000x128xbf16, #tpu.memory_space<hbm>> -> memref<80x128xbf16, #tpu.memory_space<hbm>>
      %dma_start3A_42 = arith.constant 0 : i32
      %dma_start3A_43 = tpu.memref_slice %arg8[%add3A_13, %dma_start3A_42] : memref<320000x128xbf16, #tpu.memory_space<hbm>> -> memref<80x128xbf16, #tpu.memory_space<hbm>>
      tpu.enqueue_dma source(%arg14 : memref<80x128xbf16, #tpu.memory_space<vmem>>) target(%dma_start3A_43 : memref<80x128xbf16, #tpu.memory_space<hbm>>) target_semaphore(%arg18 : memref<!tpu.dma_semaphore, #tpu.memory_space<semaphore_mem>>)
      %dma_start3A_44 = arith.constant 0 : i32
      %dma_start3A_45 = tpu.memref_slice %arg9[%add3A_13, %dma_start3A_44] : memref<320000x16xf32, #tpu.memory_space<hbm>> -> memref<80x16xf32, #tpu.memory_space<hbm>>
      %dma_start3A_46 = arith.constant 0 : i32
      %dma_start3A_47 = tpu.memref_slice %arg9[%add3A_13, %dma_start3A_46] : memref<320000x16xf32, #tpu.memory_space<hbm>> -> memref<80x16xf32, #tpu.memory_space<hbm>>
      tpu.enqueue_dma source(%arg15 : memref<80x16xf32, #tpu.memory_space<vmem>>) target(%dma_start3A_47 : memref<80x16xf32, #tpu.memory_space<hbm>>) target_semaphore(%arg18 : memref<!tpu.dma_semaphore, #tpu.memory_space<semaphore_mem>>)
      %dma_start3A_48 = arith.constant 0 : i32
      %dma_start3A_49 = tpu.memref_slice %arg10[%add3A_13, %dma_start3A_48] : memref<320000x16xf32, #tpu.memory_space<hbm>> -> memref<80x16xf32, #tpu.memory_space<hbm>>
      %dma_start3A_50 = arith.constant 0 : i32
      %dma_start3A_51 = tpu.memref_slice %arg10[%add3A_13, %dma_start3A_50] : memref<320000x16xf32, #tpu.memory_space<hbm>> -> memref<80x16xf32, #tpu.memory_space<hbm>>
      tpu.enqueue_dma source(%arg16 : memref<80x16xf32, #tpu.memory_space<vmem>>) target(%dma_start3A_51 : memref<80x16xf32, #tpu.memory_space<hbm>>) target_semaphore(%arg18 : memref<!tpu.dma_semaphore, #tpu.memory_space<semaphore_mem>>)
      %dma_wait3A_52 = arith.constant 0 : i32
      %dma_wait3A_53 = tpu.memref_slice %arg7[%add3A_13, %dma_wait3A_52] : memref<320000x128xbf16, #tpu.memory_space<hbm>> -> memref<80x128xbf16, #tpu.memory_space<hbm>>
      %dma_wait3A_54 = arith.constant 0 : i32
      %dma_wait3A_55 = tpu.memref_slice %arg7[%add3A_13, %dma_wait3A_54] : memref<320000x128xbf16, #tpu.memory_space<hbm>> -> memref<80x128xbf16, #tpu.memory_space<hbm>>
      tpu.wait_dma2 semaphore(%arg18 : memref<!tpu.dma_semaphore, #tpu.memory_space<semaphore_mem>>) src(%arg13 : memref<80x128xbf16, #tpu.memory_space<vmem>>) dst(%dma_wait3A_55 : memref<80x128xbf16, #tpu.memory_space<hbm>>)
      %dma_wait3A_56 = arith.constant 0 : i32
      %dma_wait3A_57 = tpu.memref_slice %arg8[%add3A_13, %dma_wait3A_56] : memref<320000x128xbf16, #tpu.memory_space<hbm>> -> memref<80x128xbf16, #tpu.memory_space<hbm>>
      %dma_wait3A_58 = arith.constant 0 : i32
      %dma_wait3A_59 = tpu.memref_slice %arg8[%add3A_13, %dma_wait3A_58] : memref<320000x128xbf16, #tpu.memory_space<hbm>> -> memref<80x128xbf16, #tpu.memory_space<hbm>>
      tpu.wait_dma2 semaphore(%arg18 : memref<!tpu.dma_semaphore, #tpu.memory_space<semaphore_mem>>) src(%arg14 : memref<80x128xbf16, #tpu.memory_space<vmem>>) dst(%dma_wait3A_59 : memref<80x128xbf16, #tpu.memory_space<hbm>>)
      %dma_wait3A_60 = arith.constant 0 : i32
      %dma_wait3A_61 = tpu.memref_slice %arg9[%add3A_13, %dma_wait3A_60] : memref<320000x16xf32, #tpu.memory_space<hbm>> -> memref<80x16xf32, #tpu.memory_space<hbm>>
      %dma_wait3A_62 = arith.constant 0 : i32
      %dma_wait3A_63 = tpu.memref_slice %arg9[%add3A_13, %dma_wait3A_62] : memref<320000x16xf32, #tpu.memory_space<hbm>> -> memref<80x16xf32, #tpu.memory_space<hbm>>
      tpu.wait_dma2 semaphore(%arg18 : memref<!tpu.dma_semaphore, #tpu.memory_space<semaphore_mem>>) src(%arg15 : memref<80x16xf32, #tpu.memory_space<vmem>>) dst(%dma_wait3A_63 : memref<80x16xf32, #tpu.memory_space<hbm>>)
      %dma_wait3A_64 = arith.constant 0 : i32
      %dma_wait3A_65 = tpu.memref_slice %arg10[%add3A_13, %dma_wait3A_64] : memref<320000x16xf32, #tpu.memory_space<hbm>> -> memref<80x16xf32, #tpu.memory_space<hbm>>
      %dma_wait3A_66 = arith.constant 0 : i32
      %dma_wait3A_67 = tpu.memref_slice %arg10[%add3A_13, %dma_wait3A_66] : memref<320000x16xf32, #tpu.memory_space<hbm>> -> memref<80x16xf32, #tpu.memory_space<hbm>>
      tpu.wait_dma2 semaphore(%arg18 : memref<!tpu.dma_semaphore, #tpu.memory_space<semaphore_mem>>) src(%arg16 : memref<80x16xf32, #tpu.memory_space<vmem>>) dst(%dma_wait3A_67 : memref<80x16xf32, #tpu.memory_space<hbm>>)
      %scan3A_68 = arith.constant 0 : i32
      scf.yield %scan3A_68 : i32
    }
    %scan3A_8 = arith.constant 125 : i32
    return
  }
}

#map = affine_map<(d0, d1) -> (0, 0)>
#map1 = affine_map<(d0, d1) -> (0)>
#map2 = affine_map<(d0, d1) -> (0, 0, 0)>
module attributes {stable_mosaic.version = 14 : i64} {
  func.func @k(%arg0: i32, %arg1: i32, %arg2: memref<320000x128xf32, #tpu.memory_space<hbm>>, %arg3: memref<320000x16xf32, #tpu.memory_space<hbm>>, %arg4: memref<320000xi32, #tpu.memory_space<hbm>>, %arg5: memref<10000x128xf32, #tpu.memory_space<hbm>>, %arg6: memref<10000x16xf32, #tpu.memory_space<hbm>>, %arg7: memref<2x10000x128xf32, #tpu.memory_space<hbm>>, %arg8: memref<2x10000x16xf32, #tpu.memory_space<hbm>>, %arg9: memref<80xi32, #tpu.memory_space<vmem>>, %arg10: memref<80x128xf32, #tpu.memory_space<vmem>>, %arg11: memref<80x16xf32, #tpu.memory_space<vmem>>, %arg12: memref<10000x128xf32, #tpu.memory_space<vmem_shared>>, %arg13: memref<10000x16xf32, #tpu.memory_space<vmem_shared>>, %arg14: memref<!tpu.dma_semaphore, #tpu.memory_space<semaphore_mem>>) attributes {dimension_semantics = [#tpu.dimension_semantics<core_parallel>, #tpu.dimension_semantics<subcore_parallel>], iteration_bounds = array<i64: 2, 16>, scalar_prefetch = 0 : i64, scratch_operands = 6 : i64, tpu.core_type = #tpu.core_type<sc_vector_subcore>, window_params = [{transform_indices = #map}, {transform_indices = #map}, {transform_indices = #map1}, {transform_indices = #map}, {transform_indices = #map}, {transform_indices = #map2}, {transform_indices = #map2}]} {
    %eq3A = arith.constant 0 : i32
    %eq3A_0 = arith.cmpi eq, %arg1, %eq3A : i32
    %convert_element_type3A = arith.extui %eq3A_0 : i1 to i32
    %cond3A = arith.constant 0 : i32
    %cond3A_1 = arith.cmpi ne, %convert_element_type3A, %cond3A : i32
    scf.if %cond3A_1 {
      "tpu.region"() ({
        %run_scoped3A = tpu.sem_alloc : memref<!tpu.dma_semaphore, #tpu.memory_space<semaphore_mem>>
        tpu.enqueue_dma source(%arg5 : memref<10000x128xf32, #tpu.memory_space<hbm>>) target(%arg12 : memref<10000x128xf32, #tpu.memory_space<vmem_shared>>) target_semaphore(%run_scoped3A : memref<!tpu.dma_semaphore, #tpu.memory_space<semaphore_mem>>)
        tpu.wait_dma2 semaphore(%run_scoped3A : memref<!tpu.dma_semaphore, #tpu.memory_space<semaphore_mem>>) src(%arg5 : memref<10000x128xf32, #tpu.memory_space<hbm>>) dst(%arg12 : memref<10000x128xf32, #tpu.memory_space<vmem_shared>>)
        tpu.yield
      }) : () -> ()
      "tpu.region"() ({
        %run_scoped3A = tpu.sem_alloc : memref<!tpu.dma_semaphore, #tpu.memory_space<semaphore_mem>>
        tpu.enqueue_dma source(%arg6 : memref<10000x16xf32, #tpu.memory_space<hbm>>) target(%arg13 : memref<10000x16xf32, #tpu.memory_space<vmem_shared>>) target_semaphore(%run_scoped3A : memref<!tpu.dma_semaphore, #tpu.memory_space<semaphore_mem>>)
        tpu.wait_dma2 semaphore(%run_scoped3A : memref<!tpu.dma_semaphore, #tpu.memory_space<semaphore_mem>>) src(%arg6 : memref<10000x16xf32, #tpu.memory_space<hbm>>) dst(%arg13 : memref<10000x16xf32, #tpu.memory_space<vmem_shared>>)
        tpu.yield
      }) : () -> ()
    } else {
    }
    %barrier3A = arith.constant 0 : index
    tpu.barrier barrier_id(%barrier3A)
    %mul3A = arith.constant 2 : i32
    %mul3A_2 = arith.muli %arg1, %mul3A : i32
    %add3A = arith.addi %mul3A_2, %arg0 : i32
    %mul3A_3 = arith.constant 10000 : i32
    %mul3A_4 = arith.muli %add3A, %mul3A_3 : i32
    %scan3A = arith.constant 0 : i32
    %scan3A_5 = arith.constant 0 : i32
    %scan3A_6 = arith.constant 125 : i32
    %scan3A_7 = arith.addi %scan3A_5, %scan3A_6 : i32
    %scan3A_8 = arith.constant 1 : i32
    %scan3A_9 = scf.for %scan3A_17 = %scan3A_5 to %scan3A_7 step %scan3A_8 iter_args(%scan3A_18 = %scan3A) -> (i32)  : i32 {
      %mul3A_19 = arith.constant 80 : i32
      %mul3A_20 = arith.muli %scan3A_17, %mul3A_19 : i32
      %add3A_21 = arith.addi %mul3A_4, %mul3A_20 : i32
      "tpu.region"() ({
        %run_scoped3A = tpu.sem_alloc : memref<!tpu.dma_semaphore, #tpu.memory_space<semaphore_mem>>
        %dma_start3A_37 = tpu.memref_slice %arg4[%add3A_21] : memref<320000xi32, #tpu.memory_space<hbm>> -> memref<80xi32, #tpu.memory_space<hbm>>
        %dma_start3A_38 = tpu.memref_slice %arg4[%add3A_21] : memref<320000xi32, #tpu.memory_space<hbm>> -> memref<80xi32, #tpu.memory_space<hbm>>
        tpu.enqueue_dma source(%dma_start3A_38 : memref<80xi32, #tpu.memory_space<hbm>>) target(%arg9 : memref<80xi32, #tpu.memory_space<vmem>>) target_semaphore(%run_scoped3A : memref<!tpu.dma_semaphore, #tpu.memory_space<semaphore_mem>>)
        %dma_wait3A_39 = tpu.memref_slice %arg4[%add3A_21] : memref<320000xi32, #tpu.memory_space<hbm>> -> memref<80xi32, #tpu.memory_space<hbm>>
        %dma_wait3A_40 = tpu.memref_slice %arg4[%add3A_21] : memref<320000xi32, #tpu.memory_space<hbm>> -> memref<80xi32, #tpu.memory_space<hbm>>
        tpu.wait_dma2 semaphore(%run_scoped3A : memref<!tpu.dma_semaphore, #tpu.memory_space<semaphore_mem>>) src(%dma_wait3A_40 : memref<80xi32, #tpu.memory_space<hbm>>) dst(%arg9 : memref<80xi32, #tpu.memory_space<vmem>>)
        tpu.yield
      }) : () -> ()
      %dma_start3A = arith.constant 0 : i32
      %dma_start3A_22 = tpu.memref_slice %arg2[%add3A_21, %dma_start3A] : memref<320000x128xf32, #tpu.memory_space<hbm>> -> memref<80x128xf32, #tpu.memory_space<hbm>>
      %dma_start3A_23 = arith.constant 0 : i32
      %dma_start3A_24 = tpu.memref_slice %arg2[%add3A_21, %dma_start3A_23] : memref<320000x128xf32, #tpu.memory_space<hbm>> -> memref<80x128xf32, #tpu.memory_space<hbm>>
      tpu.enqueue_dma source(%dma_start3A_24 : memref<80x128xf32, #tpu.memory_space<hbm>>) target(%arg10 : memref<80x128xf32, #tpu.memory_space<vmem>>) target_semaphore(%arg14 : memref<!tpu.dma_semaphore, #tpu.memory_space<semaphore_mem>>)
      %dma_start3A_25 = arith.constant 0 : i32
      %dma_start3A_26 = tpu.memref_slice %arg3[%add3A_21, %dma_start3A_25] : memref<320000x16xf32, #tpu.memory_space<hbm>> -> memref<80x16xf32, #tpu.memory_space<hbm>>
      %dma_start3A_27 = arith.constant 0 : i32
      %dma_start3A_28 = tpu.memref_slice %arg3[%add3A_21, %dma_start3A_27] : memref<320000x16xf32, #tpu.memory_space<hbm>> -> memref<80x16xf32, #tpu.memory_space<hbm>>
      tpu.enqueue_dma source(%dma_start3A_28 : memref<80x16xf32, #tpu.memory_space<hbm>>) target(%arg11 : memref<80x16xf32, #tpu.memory_space<vmem>>) target_semaphore(%arg14 : memref<!tpu.dma_semaphore, #tpu.memory_space<semaphore_mem>>)
      %dma_wait3A = arith.constant 0 : i32
      %dma_wait3A_29 = tpu.memref_slice %arg2[%add3A_21, %dma_wait3A] : memref<320000x128xf32, #tpu.memory_space<hbm>> -> memref<80x128xf32, #tpu.memory_space<hbm>>
      %dma_wait3A_30 = arith.constant 0 : i32
      %dma_wait3A_31 = tpu.memref_slice %arg2[%add3A_21, %dma_wait3A_30] : memref<320000x128xf32, #tpu.memory_space<hbm>> -> memref<80x128xf32, #tpu.memory_space<hbm>>
      tpu.wait_dma2 semaphore(%arg14 : memref<!tpu.dma_semaphore, #tpu.memory_space<semaphore_mem>>) src(%dma_wait3A_31 : memref<80x128xf32, #tpu.memory_space<hbm>>) dst(%arg10 : memref<80x128xf32, #tpu.memory_space<vmem>>)
      %dma_wait3A_32 = arith.constant 0 : i32
      %dma_wait3A_33 = tpu.memref_slice %arg3[%add3A_21, %dma_wait3A_32] : memref<320000x16xf32, #tpu.memory_space<hbm>> -> memref<80x16xf32, #tpu.memory_space<hbm>>
      %dma_wait3A_34 = arith.constant 0 : i32
      %dma_wait3A_35 = tpu.memref_slice %arg3[%add3A_21, %dma_wait3A_34] : memref<320000x16xf32, #tpu.memory_space<hbm>> -> memref<80x16xf32, #tpu.memory_space<hbm>>
      tpu.wait_dma2 semaphore(%arg14 : memref<!tpu.dma_semaphore, #tpu.memory_space<semaphore_mem>>) src(%dma_wait3A_35 : memref<80x16xf32, #tpu.memory_space<hbm>>) dst(%arg11 : memref<80x16xf32, #tpu.memory_space<vmem>>)
      "tpu.region"() ({
        %run_scoped3A = tpu.sem_alloc : memref<!tpu.dma_semaphore, #tpu.memory_space<semaphore_mem>>
        %dma_start3A_37 = arith.constant 0 : i32
        %dma_start3A_38 = arith.constant 0 : i32
        %dma_start3A_39 = tpu.memref_slice %arg12[%dma_start3A_37, %dma_start3A_38] : memref<10000x128xf32, #tpu.memory_space<vmem_shared>> -> memref<10000x128xf32, #tpu.memory_space<vmem_shared>>
        tpu.enqueue_indirect_dma source(%arg10 : memref<80x128xf32, #tpu.memory_space<vmem>>) target(%dma_start3A_39 : memref<10000x128xf32, #tpu.memory_space<vmem_shared>>) offsets(%arg9 : memref<80xi32, #tpu.memory_space<vmem>>) semaphore(%run_scoped3A : memref<!tpu.dma_semaphore, #tpu.memory_space<semaphore_mem>>) {add = true}
        %dma_wait3A_40 = arith.constant 0 : i32
        %dma_wait3A_41 = arith.constant 0 : i32
        %dma_wait3A_42 = tpu.memref_slice %arg12[%dma_wait3A_40, %dma_wait3A_41] : memref<10000x128xf32, #tpu.memory_space<vmem_shared>> -> memref<10000x128xf32, #tpu.memory_space<vmem_shared>>
        tpu.wait_indirect_dma semaphore(%run_scoped3A : memref<!tpu.dma_semaphore, #tpu.memory_space<semaphore_mem>>) src(%arg10 : memref<80x128xf32, #tpu.memory_space<vmem>>) dst(%dma_wait3A_42 : memref<10000x128xf32, #tpu.memory_space<vmem_shared>>)
        tpu.yield
      }) : () -> ()
      "tpu.region"() ({
        %run_scoped3A = tpu.sem_alloc : memref<!tpu.dma_semaphore, #tpu.memory_space<semaphore_mem>>
        %dma_start3A_37 = arith.constant 0 : i32
        %dma_start3A_38 = arith.constant 0 : i32
        %dma_start3A_39 = tpu.memref_slice %arg13[%dma_start3A_37, %dma_start3A_38] : memref<10000x16xf32, #tpu.memory_space<vmem_shared>> -> memref<10000x16xf32, #tpu.memory_space<vmem_shared>>
        tpu.enqueue_indirect_dma source(%arg11 : memref<80x16xf32, #tpu.memory_space<vmem>>) target(%dma_start3A_39 : memref<10000x16xf32, #tpu.memory_space<vmem_shared>>) offsets(%arg9 : memref<80xi32, #tpu.memory_space<vmem>>) semaphore(%run_scoped3A : memref<!tpu.dma_semaphore, #tpu.memory_space<semaphore_mem>>) {add = true}
        %dma_wait3A_40 = arith.constant 0 : i32
        %dma_wait3A_41 = arith.constant 0 : i32
        %dma_wait3A_42 = tpu.memref_slice %arg13[%dma_wait3A_40, %dma_wait3A_41] : memref<10000x16xf32, #tpu.memory_space<vmem_shared>> -> memref<10000x16xf32, #tpu.memory_space<vmem_shared>>
        tpu.wait_indirect_dma semaphore(%run_scoped3A : memref<!tpu.dma_semaphore, #tpu.memory_space<semaphore_mem>>) src(%arg11 : memref<80x16xf32, #tpu.memory_space<vmem>>) dst(%dma_wait3A_42 : memref<10000x16xf32, #tpu.memory_space<vmem_shared>>)
        tpu.yield
      }) : () -> ()
      %scan3A_36 = arith.constant 0 : i32
      scf.yield %scan3A_36 : i32
    }
    %scan3A_10 = arith.constant 125 : i32
    %barrier3A_11 = arith.constant 0 : index
    tpu.barrier barrier_id(%barrier3A_11)
    %eq3A_12 = arith.constant 0 : i32
    %eq3A_13 = arith.cmpi eq, %arg1, %eq3A_12 : i32
    %convert_element_type3A_14 = arith.extui %eq3A_13 : i1 to i32
    %cond3A_15 = arith.constant 0 : i32
    %cond3A_16 = arith.cmpi ne, %convert_element_type3A_14, %cond3A_15 : i32
    scf.if %cond3A_16 {
      "tpu.region"() ({
        %run_scoped3A = tpu.sem_alloc : memref<!tpu.dma_semaphore, #tpu.memory_space<semaphore_mem>>
        %dma_start3A = arith.constant 0 : i32
        %dma_start3A_17 = arith.constant 0 : i32
        %dma_start3A_18 = tpu.memref_slice %arg7[%arg0, %dma_start3A, %dma_start3A_17] : memref<2x10000x128xf32, #tpu.memory_space<hbm>> -> memref<1x10000x128xf32, #tpu.memory_space<hbm>>
        %dma_start3A_19 = tpu.memref_squeeze %dma_start3A_18 : memref<1x10000x128xf32, #tpu.memory_space<hbm>> -> memref<10000x128xf32, #tpu.memory_space<hbm>>
        tpu.enqueue_dma source(%arg12 : memref<10000x128xf32, #tpu.memory_space<vmem_shared>>) target(%dma_start3A_19 : memref<10000x128xf32, #tpu.memory_space<hbm>>) target_semaphore(%run_scoped3A : memref<!tpu.dma_semaphore, #tpu.memory_space<semaphore_mem>>)
        %dma_wait3A = arith.constant 0 : i32
        %dma_wait3A_20 = arith.constant 0 : i32
        %dma_wait3A_21 = tpu.memref_slice %arg7[%arg0, %dma_wait3A, %dma_wait3A_20] : memref<2x10000x128xf32, #tpu.memory_space<hbm>> -> memref<1x10000x128xf32, #tpu.memory_space<hbm>>
        %dma_wait3A_22 = tpu.memref_squeeze %dma_wait3A_21 : memref<1x10000x128xf32, #tpu.memory_space<hbm>> -> memref<10000x128xf32, #tpu.memory_space<hbm>>
        tpu.wait_dma2 semaphore(%run_scoped3A : memref<!tpu.dma_semaphore, #tpu.memory_space<semaphore_mem>>) src(%arg12 : memref<10000x128xf32, #tpu.memory_space<vmem_shared>>) dst(%dma_wait3A_22 : memref<10000x128xf32, #tpu.memory_space<hbm>>)
        tpu.yield
      }) : () -> ()
      "tpu.region"() ({
        %run_scoped3A = tpu.sem_alloc : memref<!tpu.dma_semaphore, #tpu.memory_space<semaphore_mem>>
        %dma_start3A = arith.constant 0 : i32
        %dma_start3A_17 = arith.constant 0 : i32
        %dma_start3A_18 = tpu.memref_slice %arg8[%arg0, %dma_start3A, %dma_start3A_17] : memref<2x10000x16xf32, #tpu.memory_space<hbm>> -> memref<1x10000x16xf32, #tpu.memory_space<hbm>>
        %dma_start3A_19 = tpu.memref_squeeze %dma_start3A_18 : memref<1x10000x16xf32, #tpu.memory_space<hbm>> -> memref<10000x16xf32, #tpu.memory_space<hbm>>
        tpu.enqueue_dma source(%arg13 : memref<10000x16xf32, #tpu.memory_space<vmem_shared>>) target(%dma_start3A_19 : memref<10000x16xf32, #tpu.memory_space<hbm>>) target_semaphore(%run_scoped3A : memref<!tpu.dma_semaphore, #tpu.memory_space<semaphore_mem>>)
        %dma_wait3A = arith.constant 0 : i32
        %dma_wait3A_20 = arith.constant 0 : i32
        %dma_wait3A_21 = tpu.memref_slice %arg8[%arg0, %dma_wait3A, %dma_wait3A_20] : memref<2x10000x16xf32, #tpu.memory_space<hbm>> -> memref<1x10000x16xf32, #tpu.memory_space<hbm>>
        %dma_wait3A_22 = tpu.memref_squeeze %dma_wait3A_21 : memref<1x10000x16xf32, #tpu.memory_space<hbm>> -> memref<10000x16xf32, #tpu.memory_space<hbm>>
        tpu.wait_dma2 semaphore(%run_scoped3A : memref<!tpu.dma_semaphore, #tpu.memory_space<semaphore_mem>>) src(%arg13 : memref<10000x16xf32, #tpu.memory_space<vmem_shared>>) dst(%dma_wait3A_22 : memref<10000x16xf32, #tpu.memory_space<hbm>>)
        tpu.yield
      }) : () -> ()
    } else {
    }
    return
  }
}

#map = affine_map<(d0, d1) -> (0, 0)>
#map1 = affine_map<(d0, d1) -> (0)>
#map2 = affine_map<(d0, d1) -> (0, 0, 0)>
module attributes {stable_mosaic.version = 14 : i64} {
  func.func @k(%arg0: i32, %arg1: i32, %arg2: memref<320000x128xf32, #tpu.memory_space<hbm>>, %arg3: memref<320000x16xf32, #tpu.memory_space<hbm>>, %arg4: memref<320000xi32, #tpu.memory_space<hbm>>, %arg5: memref<10000x128xf32, #tpu.memory_space<hbm>>, %arg6: memref<10000x16xf32, #tpu.memory_space<hbm>>, %arg7: memref<2x10000x128xf32, #tpu.memory_space<hbm>>, %arg8: memref<2x10000x16xf32, #tpu.memory_space<hbm>>, %arg9: memref<80xi32, #tpu.memory_space<vmem>>, %arg10: memref<80x128xf32, #tpu.memory_space<vmem>>, %arg11: memref<80x16xf32, #tpu.memory_space<vmem>>, %arg12: memref<10000x128xf32, #tpu.memory_space<vmem_shared>>, %arg13: memref<10000x16xf32, #tpu.memory_space<vmem_shared>>, %arg14: memref<!tpu.dma_semaphore, #tpu.memory_space<semaphore_mem>>) attributes {dimension_semantics = [#tpu.dimension_semantics<core_parallel>, #tpu.dimension_semantics<subcore_parallel>], iteration_bounds = array<i64: 2, 16>, scalar_prefetch = 0 : i64, scratch_operands = 6 : i64, tpu.core_type = #tpu.core_type<sc_vector_subcore>, window_params = [{transform_indices = #map}, {transform_indices = #map}, {transform_indices = #map1}, {transform_indices = #map}, {transform_indices = #map}, {transform_indices = #map2}, {transform_indices = #map2}]} {
    %eq3A = arith.constant 0 : i32
    %eq3A_0 = arith.cmpi eq, %arg1, %eq3A : i32
    %convert_element_type3A = arith.extui %eq3A_0 : i1 to i32
    %cond3A = arith.constant 0 : i32
    %cond3A_1 = arith.cmpi ne, %convert_element_type3A, %cond3A : i32
    scf.if %cond3A_1 {
      "tpu.region"() ({
        %run_scoped3A = tpu.sem_alloc : memref<!tpu.dma_semaphore, #tpu.memory_space<semaphore_mem>>
        tpu.enqueue_dma source(%arg5 : memref<10000x128xf32, #tpu.memory_space<hbm>>) target(%arg12 : memref<10000x128xf32, #tpu.memory_space<vmem_shared>>) target_semaphore(%run_scoped3A : memref<!tpu.dma_semaphore, #tpu.memory_space<semaphore_mem>>)
        tpu.wait_dma2 semaphore(%run_scoped3A : memref<!tpu.dma_semaphore, #tpu.memory_space<semaphore_mem>>) src(%arg5 : memref<10000x128xf32, #tpu.memory_space<hbm>>) dst(%arg12 : memref<10000x128xf32, #tpu.memory_space<vmem_shared>>)
        tpu.yield
      }) : () -> ()
      "tpu.region"() ({
        %run_scoped3A = tpu.sem_alloc : memref<!tpu.dma_semaphore, #tpu.memory_space<semaphore_mem>>
        tpu.enqueue_dma source(%arg6 : memref<10000x16xf32, #tpu.memory_space<hbm>>) target(%arg13 : memref<10000x16xf32, #tpu.memory_space<vmem_shared>>) target_semaphore(%run_scoped3A : memref<!tpu.dma_semaphore, #tpu.memory_space<semaphore_mem>>)
        tpu.wait_dma2 semaphore(%run_scoped3A : memref<!tpu.dma_semaphore, #tpu.memory_space<semaphore_mem>>) src(%arg6 : memref<10000x16xf32, #tpu.memory_space<hbm>>) dst(%arg13 : memref<10000x16xf32, #tpu.memory_space<vmem_shared>>)
        tpu.yield
      }) : () -> ()
    } else {
    }
    %barrier3A = arith.constant 0 : index
    tpu.barrier barrier_id(%barrier3A)
    %mul3A = arith.constant 2 : i32
    %mul3A_2 = arith.muli %arg1, %mul3A : i32
    %add3A = arith.addi %mul3A_2, %arg0 : i32
    %mul3A_3 = arith.constant 10000 : i32
    %mul3A_4 = arith.muli %add3A, %mul3A_3 : i32
    %scan3A = arith.constant 0 : i32
    %scan3A_5 = arith.constant 0 : i32
    %scan3A_6 = arith.constant 125 : i32
    %scan3A_7 = arith.addi %scan3A_5, %scan3A_6 : i32
    %scan3A_8 = arith.constant 1 : i32
    %scan3A_9 = scf.for %scan3A_17 = %scan3A_5 to %scan3A_7 step %scan3A_8 iter_args(%scan3A_18 = %scan3A) -> (i32)  : i32 {
      %mul3A_19 = arith.constant 80 : i32
      %mul3A_20 = arith.muli %scan3A_17, %mul3A_19 : i32
      %add3A_21 = arith.addi %mul3A_4, %mul3A_20 : i32
      "tpu.region"() ({
        %run_scoped3A = tpu.sem_alloc : memref<!tpu.dma_semaphore, #tpu.memory_space<semaphore_mem>>
        %dma_start3A_37 = tpu.memref_slice %arg4[%add3A_21] : memref<320000xi32, #tpu.memory_space<hbm>> -> memref<80xi32, #tpu.memory_space<hbm>>
        %dma_start3A_38 = tpu.memref_slice %arg4[%add3A_21] : memref<320000xi32, #tpu.memory_space<hbm>> -> memref<80xi32, #tpu.memory_space<hbm>>
        tpu.enqueue_dma source(%dma_start3A_38 : memref<80xi32, #tpu.memory_space<hbm>>) target(%arg9 : memref<80xi32, #tpu.memory_space<vmem>>) target_semaphore(%run_scoped3A : memref<!tpu.dma_semaphore, #tpu.memory_space<semaphore_mem>>)
        %dma_wait3A_39 = tpu.memref_slice %arg4[%add3A_21] : memref<320000xi32, #tpu.memory_space<hbm>> -> memref<80xi32, #tpu.memory_space<hbm>>
        %dma_wait3A_40 = tpu.memref_slice %arg4[%add3A_21] : memref<320000xi32, #tpu.memory_space<hbm>> -> memref<80xi32, #tpu.memory_space<hbm>>
        tpu.wait_dma2 semaphore(%run_scoped3A : memref<!tpu.dma_semaphore, #tpu.memory_space<semaphore_mem>>) src(%dma_wait3A_40 : memref<80xi32, #tpu.memory_space<hbm>>) dst(%arg9 : memref<80xi32, #tpu.memory_space<vmem>>)
        tpu.yield
      }) : () -> ()
      %dma_start3A = arith.constant 0 : i32
      %dma_start3A_22 = tpu.memref_slice %arg2[%add3A_21, %dma_start3A] : memref<320000x128xf32, #tpu.memory_space<hbm>> -> memref<80x128xf32, #tpu.memory_space<hbm>>
      %dma_start3A_23 = arith.constant 0 : i32
      %dma_start3A_24 = tpu.memref_slice %arg2[%add3A_21, %dma_start3A_23] : memref<320000x128xf32, #tpu.memory_space<hbm>> -> memref<80x128xf32, #tpu.memory_space<hbm>>
      tpu.enqueue_dma source(%dma_start3A_24 : memref<80x128xf32, #tpu.memory_space<hbm>>) target(%arg10 : memref<80x128xf32, #tpu.memory_space<vmem>>) target_semaphore(%arg14 : memref<!tpu.dma_semaphore, #tpu.memory_space<semaphore_mem>>)
      %dma_start3A_25 = arith.constant 0 : i32
      %dma_start3A_26 = tpu.memref_slice %arg3[%add3A_21, %dma_start3A_25] : memref<320000x16xf32, #tpu.memory_space<hbm>> -> memref<80x16xf32, #tpu.memory_space<hbm>>
      %dma_start3A_27 = arith.constant 0 : i32
      %dma_start3A_28 = tpu.memref_slice %arg3[%add3A_21, %dma_start3A_27] : memref<320000x16xf32, #tpu.memory_space<hbm>> -> memref<80x16xf32, #tpu.memory_space<hbm>>
      tpu.enqueue_dma source(%dma_start3A_28 : memref<80x16xf32, #tpu.memory_space<hbm>>) target(%arg11 : memref<80x16xf32, #tpu.memory_space<vmem>>) target_semaphore(%arg14 : memref<!tpu.dma_semaphore, #tpu.memory_space<semaphore_mem>>)
      %dma_wait3A = arith.constant 0 : i32
      %dma_wait3A_29 = tpu.memref_slice %arg2[%add3A_21, %dma_wait3A] : memref<320000x128xf32, #tpu.memory_space<hbm>> -> memref<80x128xf32, #tpu.memory_space<hbm>>
      %dma_wait3A_30 = arith.constant 0 : i32
      %dma_wait3A_31 = tpu.memref_slice %arg2[%add3A_21, %dma_wait3A_30] : memref<320000x128xf32, #tpu.memory_space<hbm>> -> memref<80x128xf32, #tpu.memory_space<hbm>>
      tpu.wait_dma2 semaphore(%arg14 : memref<!tpu.dma_semaphore, #tpu.memory_space<semaphore_mem>>) src(%dma_wait3A_31 : memref<80x128xf32, #tpu.memory_space<hbm>>) dst(%arg10 : memref<80x128xf32, #tpu.memory_space<vmem>>)
      %dma_wait3A_32 = arith.constant 0 : i32
      %dma_wait3A_33 = tpu.memref_slice %arg3[%add3A_21, %dma_wait3A_32] : memref<320000x16xf32, #tpu.memory_space<hbm>> -> memref<80x16xf32, #tpu.memory_space<hbm>>
      %dma_wait3A_34 = arith.constant 0 : i32
      %dma_wait3A_35 = tpu.memref_slice %arg3[%add3A_21, %dma_wait3A_34] : memref<320000x16xf32, #tpu.memory_space<hbm>> -> memref<80x16xf32, #tpu.memory_space<hbm>>
      tpu.wait_dma2 semaphore(%arg14 : memref<!tpu.dma_semaphore, #tpu.memory_space<semaphore_mem>>) src(%dma_wait3A_35 : memref<80x16xf32, #tpu.memory_space<hbm>>) dst(%arg11 : memref<80x16xf32, #tpu.memory_space<vmem>>)
      "tpu.region"() ({
        %run_scoped3A = tpu.sem_alloc : memref<!tpu.dma_semaphore, #tpu.memory_space<semaphore_mem>>
        %dma_start3A_37 = arith.constant 0 : i32
        %dma_start3A_38 = arith.constant 0 : i32
        %dma_start3A_39 = tpu.memref_slice %arg12[%dma_start3A_37, %dma_start3A_38] : memref<10000x128xf32, #tpu.memory_space<vmem_shared>> -> memref<10000x128xf32, #tpu.memory_space<vmem_shared>>
        tpu.enqueue_indirect_dma source(%arg10 : memref<80x128xf32, #tpu.memory_space<vmem>>) target(%dma_start3A_39 : memref<10000x128xf32, #tpu.memory_space<vmem_shared>>) offsets(%arg9 : memref<80xi32, #tpu.memory_space<vmem>>) semaphore(%run_scoped3A : memref<!tpu.dma_semaphore, #tpu.memory_space<semaphore_mem>>) {add = true}
        %dma_wait3A_40 = arith.constant 0 : i32
        %dma_wait3A_41 = arith.constant 0 : i32
        %dma_wait3A_42 = tpu.memref_slice %arg12[%dma_wait3A_40, %dma_wait3A_41] : memref<10000x128xf32, #tpu.memory_space<vmem_shared>> -> memref<10000x128xf32, #tpu.memory_space<vmem_shared>>
        tpu.wait_indirect_dma semaphore(%run_scoped3A : memref<!tpu.dma_semaphore, #tpu.memory_space<semaphore_mem>>) src(%arg10 : memref<80x128xf32, #tpu.memory_space<vmem>>) dst(%dma_wait3A_42 : memref<10000x128xf32, #tpu.memory_space<vmem_shared>>)
        tpu.yield
      }) : () -> ()
      "tpu.region"() ({
        %run_scoped3A = tpu.sem_alloc : memref<!tpu.dma_semaphore, #tpu.memory_space<semaphore_mem>>
        %dma_start3A_37 = arith.constant 0 : i32
        %dma_start3A_38 = arith.constant 0 : i32
        %dma_start3A_39 = tpu.memref_slice %arg13[%dma_start3A_37, %dma_start3A_38] : memref<10000x16xf32, #tpu.memory_space<vmem_shared>> -> memref<10000x16xf32, #tpu.memory_space<vmem_shared>>
        tpu.enqueue_indirect_dma source(%arg11 : memref<80x16xf32, #tpu.memory_space<vmem>>) target(%dma_start3A_39 : memref<10000x16xf32, #tpu.memory_space<vmem_shared>>) offsets(%arg9 : memref<80xi32, #tpu.memory_space<vmem>>) semaphore(%run_scoped3A : memref<!tpu.dma_semaphore, #tpu.memory_space<semaphore_mem>>) {add = true}
        %dma_wait3A_40 = arith.constant 0 : i32
        %dma_wait3A_41 = arith.constant 0 : i32
        %dma_wait3A_42 = tpu.memref_slice %arg13[%dma_wait3A_40, %dma_wait3A_41] : memref<10000x16xf32, #tpu.memory_space<vmem_shared>> -> memref<10000x16xf32, #tpu.memory_space<vmem_shared>>
        tpu.wait_indirect_dma semaphore(%run_scoped3A : memref<!tpu.dma_semaphore, #tpu.memory_space<semaphore_mem>>) src(%arg11 : memref<80x16xf32, #tpu.memory_space<vmem>>) dst(%dma_wait3A_42 : memref<10000x16xf32, #tpu.memory_space<vmem_shared>>)
        tpu.yield
      }) : () -> ()
      %scan3A_36 = arith.constant 0 : i32
      scf.yield %scan3A_36 : i32
    }
    %scan3A_10 = arith.constant 125 : i32
    %barrier3A_11 = arith.constant 0 : index
    tpu.barrier barrier_id(%barrier3A_11)
    %eq3A_12 = arith.constant 0 : i32
    %eq3A_13 = arith.cmpi eq, %arg1, %eq3A_12 : i32
    %convert_element_type3A_14 = arith.extui %eq3A_13 : i1 to i32
    %cond3A_15 = arith.constant 0 : i32
    %cond3A_16 = arith.cmpi ne, %convert_element_type3A_14, %cond3A_15 : i32
    scf.if %cond3A_16 {
      "tpu.region"() ({
        %run_scoped3A = tpu.sem_alloc : memref<!tpu.dma_semaphore, #tpu.memory_space<semaphore_mem>>
        %dma_start3A = arith.constant 0 : i32
        %dma_start3A_17 = arith.constant 0 : i32
        %dma_start3A_18 = tpu.memref_slice %arg7[%arg0, %dma_start3A, %dma_start3A_17] : memref<2x10000x128xf32, #tpu.memory_space<hbm>> -> memref<1x10000x128xf32, #tpu.memory_space<hbm>>
        %dma_start3A_19 = tpu.memref_squeeze %dma_start3A_18 : memref<1x10000x128xf32, #tpu.memory_space<hbm>> -> memref<10000x128xf32, #tpu.memory_space<hbm>>
        tpu.enqueue_dma source(%arg12 : memref<10000x128xf32, #tpu.memory_space<vmem_shared>>) target(%dma_start3A_19 : memref<10000x128xf32, #tpu.memory_space<hbm>>) target_semaphore(%run_scoped3A : memref<!tpu.dma_semaphore, #tpu.memory_space<semaphore_mem>>)
        %dma_wait3A = arith.constant 0 : i32
        %dma_wait3A_20 = arith.constant 0 : i32
        %dma_wait3A_21 = tpu.memref_slice %arg7[%arg0, %dma_wait3A, %dma_wait3A_20] : memref<2x10000x128xf32, #tpu.memory_space<hbm>> -> memref<1x10000x128xf32, #tpu.memory_space<hbm>>
        %dma_wait3A_22 = tpu.memref_squeeze %dma_wait3A_21 : memref<1x10000x128xf32, #tpu.memory_space<hbm>> -> memref<10000x128xf32, #tpu.memory_space<hbm>>
        tpu.wait_dma2 semaphore(%run_scoped3A : memref<!tpu.dma_semaphore, #tpu.memory_space<semaphore_mem>>) src(%arg12 : memref<10000x128xf32, #tpu.memory_space<vmem_shared>>) dst(%dma_wait3A_22 : memref<10000x128xf32, #tpu.memory_space<hbm>>)
        tpu.yield
      }) : () -> ()
      "tpu.region"() ({
        %run_scoped3A = tpu.sem_alloc : memref<!tpu.dma_semaphore, #tpu.memory_space<semaphore_mem>>
        %dma_start3A = arith.constant 0 : i32
        %dma_start3A_17 = arith.constant 0 : i32
        %dma_start3A_18 = tpu.memref_slice %arg8[%arg0, %dma_start3A, %dma_start3A_17] : memref<2x10000x16xf32, #tpu.memory_space<hbm>> -> memref<1x10000x16xf32, #tpu.memory_space<hbm>>
        %dma_start3A_19 = tpu.memref_squeeze %dma_start3A_18 : memref<1x10000x16xf32, #tpu.memory_space<hbm>> -> memref<10000x16xf32, #tpu.memory_space<hbm>>
        tpu.enqueue_dma source(%arg13 : memref<10000x16xf32, #tpu.memory_space<vmem_shared>>) target(%dma_start3A_19 : memref<10000x16xf32, #tpu.memory_space<hbm>>) target_semaphore(%run_scoped3A : memref<!tpu.dma_semaphore, #tpu.memory_space<semaphore_mem>>)
        %dma_wait3A = arith.constant 0 : i32
        %dma_wait3A_20 = arith.constant 0 : i32
        %dma_wait3A_21 = tpu.memref_slice %arg8[%arg0, %dma_wait3A, %dma_wait3A_20] : memref<2x10000x16xf32, #tpu.memory_space<hbm>> -> memref<1x10000x16xf32, #tpu.memory_space<hbm>>
        %dma_wait3A_22 = tpu.memref_squeeze %dma_wait3A_21 : memref<1x10000x16xf32, #tpu.memory_space<hbm>> -> memref<10000x16xf32, #tpu.memory_space<hbm>>
        tpu.wait_dma2 semaphore(%run_scoped3A : memref<!tpu.dma_semaphore, #tpu.memory_space<semaphore_mem>>) src(%arg13 : memref<10000x16xf32, #tpu.memory_space<vmem_shared>>) dst(%dma_wait3A_22 : memref<10000x16xf32, #tpu.memory_space<hbm>>)
        tpu.yield
      }) : () -> ()
    } else {
    }
    return
  }
}

#map = affine_map<(d0, d1) -> (0, 0)>
#map1 = affine_map<(d0, d1) -> (0)>
module attributes {stable_mosaic.version = 14 : i64} {
  func.func @k(%arg0: i32, %arg1: i32, %arg2: memref<10000x128xbf16, #tpu.memory_space<hbm>>, %arg3: memref<10000x128xbf16, #tpu.memory_space<hbm>>, %arg4: memref<10000x16xf32, #tpu.memory_space<hbm>>, %arg5: memref<320000xi32, #tpu.memory_space<hbm>>, %arg6: memref<320000xi32, #tpu.memory_space<hbm>>, %arg7: memref<320000x128xbf16, #tpu.memory_space<hbm>>, %arg8: memref<320000x128xbf16, #tpu.memory_space<hbm>>, %arg9: memref<320000x16xf32, #tpu.memory_space<hbm>>, %arg10: memref<320000x16xf32, #tpu.memory_space<hbm>>, %arg11: memref<80xi32, #tpu.memory_space<vmem>>, %arg12: memref<80xi32, #tpu.memory_space<vmem>>, %arg13: memref<80x128xbf16, #tpu.memory_space<vmem>>, %arg14: memref<80x128xbf16, #tpu.memory_space<vmem>>, %arg15: memref<80x16xf32, #tpu.memory_space<vmem>>, %arg16: memref<80x16xf32, #tpu.memory_space<vmem>>, %arg17: memref<!tpu.dma_semaphore, #tpu.memory_space<semaphore_mem>>, %arg18: memref<!tpu.dma_semaphore, #tpu.memory_space<semaphore_mem>>) attributes {dimension_semantics = [#tpu.dimension_semantics<core_parallel>, #tpu.dimension_semantics<subcore_parallel>], iteration_bounds = array<i64: 2, 16>, scalar_prefetch = 0 : i64, scratch_operands = 8 : i64, tpu.core_type = #tpu.core_type<sc_vector_subcore>, window_params = [{transform_indices = #map}, {transform_indices = #map}, {transform_indices = #map}, {transform_indices = #map1}, {transform_indices = #map1}, {transform_indices = #map}, {transform_indices = #map}, {transform_indices = #map}, {transform_indices = #map}]} {
    %mul3A = arith.constant 2 : i32
    %mul3A_0 = arith.muli %arg1, %mul3A : i32
    %add3A = arith.addi %mul3A_0, %arg0 : i32
    %mul3A_1 = arith.constant 10000 : i32
    %mul3A_2 = arith.muli %add3A, %mul3A_1 : i32
    %scan3A = arith.constant 0 : i32
    %scan3A_3 = arith.constant 0 : i32
    %scan3A_4 = arith.constant 125 : i32
    %scan3A_5 = arith.addi %scan3A_3, %scan3A_4 : i32
    %scan3A_6 = arith.constant 1 : i32
    %scan3A_7 = scf.for %scan3A_9 = %scan3A_3 to %scan3A_5 step %scan3A_6 iter_args(%scan3A_10 = %scan3A) -> (i32)  : i32 {
      %mul3A_11 = arith.constant 80 : i32
      %mul3A_12 = arith.muli %scan3A_9, %mul3A_11 : i32
      %add3A_13 = arith.addi %mul3A_2, %mul3A_12 : i32
      "tpu.region"() ({
        %run_scoped3A = tpu.sem_alloc : memref<!tpu.dma_semaphore, #tpu.memory_space<semaphore_mem>>
        %dma_start3A_69 = tpu.memref_slice %arg5[%add3A_13] : memref<320000xi32, #tpu.memory_space<hbm>> -> memref<80xi32, #tpu.memory_space<hbm>>
        %dma_start3A_70 = tpu.memref_slice %arg5[%add3A_13] : memref<320000xi32, #tpu.memory_space<hbm>> -> memref<80xi32, #tpu.memory_space<hbm>>
        tpu.enqueue_dma source(%dma_start3A_70 : memref<80xi32, #tpu.memory_space<hbm>>) target(%arg11 : memref<80xi32, #tpu.memory_space<vmem>>) target_semaphore(%run_scoped3A : memref<!tpu.dma_semaphore, #tpu.memory_space<semaphore_mem>>)
        %dma_wait3A_71 = tpu.memref_slice %arg5[%add3A_13] : memref<320000xi32, #tpu.memory_space<hbm>> -> memref<80xi32, #tpu.memory_space<hbm>>
        %dma_wait3A_72 = tpu.memref_slice %arg5[%add3A_13] : memref<320000xi32, #tpu.memory_space<hbm>> -> memref<80xi32, #tpu.memory_space<hbm>>
        tpu.wait_dma2 semaphore(%run_scoped3A : memref<!tpu.dma_semaphore, #tpu.memory_space<semaphore_mem>>) src(%dma_wait3A_72 : memref<80xi32, #tpu.memory_space<hbm>>) dst(%arg11 : memref<80xi32, #tpu.memory_space<vmem>>)
        tpu.yield
      }) : () -> ()
      "tpu.region"() ({
        %run_scoped3A = tpu.sem_alloc : memref<!tpu.dma_semaphore, #tpu.memory_space<semaphore_mem>>
        %dma_start3A_69 = tpu.memref_slice %arg6[%add3A_13] : memref<320000xi32, #tpu.memory_space<hbm>> -> memref<80xi32, #tpu.memory_space<hbm>>
        %dma_start3A_70 = tpu.memref_slice %arg6[%add3A_13] : memref<320000xi32, #tpu.memory_space<hbm>> -> memref<80xi32, #tpu.memory_space<hbm>>
        tpu.enqueue_dma source(%dma_start3A_70 : memref<80xi32, #tpu.memory_space<hbm>>) target(%arg12 : memref<80xi32, #tpu.memory_space<vmem>>) target_semaphore(%run_scoped3A : memref<!tpu.dma_semaphore, #tpu.memory_space<semaphore_mem>>)
        %dma_wait3A_71 = tpu.memref_slice %arg6[%add3A_13] : memref<320000xi32, #tpu.memory_space<hbm>> -> memref<80xi32, #tpu.memory_space<hbm>>
        %dma_wait3A_72 = tpu.memref_slice %arg6[%add3A_13] : memref<320000xi32, #tpu.memory_space<hbm>> -> memref<80xi32, #tpu.memory_space<hbm>>
        tpu.wait_dma2 semaphore(%run_scoped3A : memref<!tpu.dma_semaphore, #tpu.memory_space<semaphore_mem>>) src(%dma_wait3A_72 : memref<80xi32, #tpu.memory_space<hbm>>) dst(%arg12 : memref<80xi32, #tpu.memory_space<vmem>>)
        tpu.yield
      }) : () -> ()
      %dma_start3A = arith.constant 0 : i32
      %dma_start3A_14 = arith.constant 0 : i32
      %dma_start3A_15 = tpu.memref_slice %arg2[%dma_start3A, %dma_start3A_14] : memref<10000x128xbf16, #tpu.memory_space<hbm>> -> memref<10000x128xbf16, #tpu.memory_space<hbm>>
      tpu.enqueue_indirect_dma source(%dma_start3A_15 : memref<10000x128xbf16, #tpu.memory_space<hbm>>) target(%arg13 : memref<80x128xbf16, #tpu.memory_space<vmem>>) offsets(%arg11 : memref<80xi32, #tpu.memory_space<vmem>>) semaphore(%arg17 : memref<!tpu.dma_semaphore, #tpu.memory_space<semaphore_mem>>)
      %dma_start3A_16 = arith.constant 0 : i32
      %dma_start3A_17 = arith.constant 0 : i32
      %dma_start3A_18 = tpu.memref_slice %arg3[%dma_start3A_16, %dma_start3A_17] : memref<10000x128xbf16, #tpu.memory_space<hbm>> -> memref<10000x128xbf16, #tpu.memory_space<hbm>>
      tpu.enqueue_indirect_dma source(%dma_start3A_18 : memref<10000x128xbf16, #tpu.memory_space<hbm>>) target(%arg14 : memref<80x128xbf16, #tpu.memory_space<vmem>>) offsets(%arg12 : memref<80xi32, #tpu.memory_space<vmem>>) semaphore(%arg17 : memref<!tpu.dma_semaphore, #tpu.memory_space<semaphore_mem>>)
      %dma_start3A_19 = arith.constant 0 : i32
      %dma_start3A_20 = arith.constant 0 : i32
      %dma_start3A_21 = tpu.memref_slice %arg4[%dma_start3A_19, %dma_start3A_20] : memref<10000x16xf32, #tpu.memory_space<hbm>> -> memref<10000x16xf32, #tpu.memory_space<hbm>>
      tpu.enqueue_indirect_dma source(%dma_start3A_21 : memref<10000x16xf32, #tpu.memory_space<hbm>>) target(%arg15 : memref<80x16xf32, #tpu.memory_space<vmem>>) offsets(%arg11 : memref<80xi32, #tpu.memory_space<vmem>>) semaphore(%arg17 : memref<!tpu.dma_semaphore, #tpu.memory_space<semaphore_mem>>)
      %dma_start3A_22 = arith.constant 0 : i32
      %dma_start3A_23 = arith.constant 0 : i32
      %dma_start3A_24 = tpu.memref_slice %arg4[%dma_start3A_22, %dma_start3A_23] : memref<10000x16xf32, #tpu.memory_space<hbm>> -> memref<10000x16xf32, #tpu.memory_space<hbm>>
      tpu.enqueue_indirect_dma source(%dma_start3A_24 : memref<10000x16xf32, #tpu.memory_space<hbm>>) target(%arg16 : memref<80x16xf32, #tpu.memory_space<vmem>>) offsets(%arg12 : memref<80xi32, #tpu.memory_space<vmem>>) semaphore(%arg17 : memref<!tpu.dma_semaphore, #tpu.memory_space<semaphore_mem>>)
      %dma_wait3A = arith.constant 0 : i32
      %dma_wait3A_25 = arith.constant 0 : i32
      %dma_wait3A_26 = tpu.memref_slice %arg2[%dma_wait3A, %dma_wait3A_25] : memref<10000x128xbf16, #tpu.memory_space<hbm>> -> memref<10000x128xbf16, #tpu.memory_space<hbm>>
      tpu.wait_indirect_dma semaphore(%arg17 : memref<!tpu.dma_semaphore, #tpu.memory_space<semaphore_mem>>) src(%dma_wait3A_26 : memref<10000x128xbf16, #tpu.memory_space<hbm>>) dst(%arg13 : memref<80x128xbf16, #tpu.memory_space<vmem>>)
      %dma_wait3A_27 = arith.constant 0 : i32
      %dma_wait3A_28 = arith.constant 0 : i32
      %dma_wait3A_29 = tpu.memref_slice %arg3[%dma_wait3A_27, %dma_wait3A_28] : memref<10000x128xbf16, #tpu.memory_space<hbm>> -> memref<10000x128xbf16, #tpu.memory_space<hbm>>
      tpu.wait_indirect_dma semaphore(%arg17 : memref<!tpu.dma_semaphore, #tpu.memory_space<semaphore_mem>>) src(%dma_wait3A_29 : memref<10000x128xbf16, #tpu.memory_space<hbm>>) dst(%arg14 : memref<80x128xbf16, #tpu.memory_space<vmem>>)
      %dma_wait3A_30 = arith.constant 0 : i32
      %dma_wait3A_31 = arith.constant 0 : i32
      %dma_wait3A_32 = tpu.memref_slice %arg4[%dma_wait3A_30, %dma_wait3A_31] : memref<10000x16xf32, #tpu.memory_space<hbm>> -> memref<10000x16xf32, #tpu.memory_space<hbm>>
      tpu.wait_indirect_dma semaphore(%arg17 : memref<!tpu.dma_semaphore, #tpu.memory_space<semaphore_mem>>) src(%dma_wait3A_32 : memref<10000x16xf32, #tpu.memory_space<hbm>>) dst(%arg15 : memref<80x16xf32, #tpu.memory_space<vmem>>)
      %dma_wait3A_33 = arith.constant 0 : i32
      %dma_wait3A_34 = arith.constant 0 : i32
      %dma_wait3A_35 = tpu.memref_slice %arg4[%dma_wait3A_33, %dma_wait3A_34] : memref<10000x16xf32, #tpu.memory_space<hbm>> -> memref<10000x16xf32, #tpu.memory_space<hbm>>
      tpu.wait_indirect_dma semaphore(%arg17 : memref<!tpu.dma_semaphore, #tpu.memory_space<semaphore_mem>>) src(%dma_wait3A_35 : memref<10000x16xf32, #tpu.memory_space<hbm>>) dst(%arg16 : memref<80x16xf32, #tpu.memory_space<vmem>>)
      %dma_start3A_36 = arith.constant 0 : i32
      %dma_start3A_37 = tpu.memref_slice %arg7[%add3A_13, %dma_start3A_36] : memref<320000x128xbf16, #tpu.memory_space<hbm>> -> memref<80x128xbf16, #tpu.memory_space<hbm>>
      %dma_start3A_38 = arith.constant 0 : i32
      %dma_start3A_39 = tpu.memref_slice %arg7[%add3A_13, %dma_start3A_38] : memref<320000x128xbf16, #tpu.memory_space<hbm>> -> memref<80x128xbf16, #tpu.memory_space<hbm>>
      tpu.enqueue_dma source(%arg13 : memref<80x128xbf16, #tpu.memory_space<vmem>>) target(%dma_start3A_39 : memref<80x128xbf16, #tpu.memory_space<hbm>>) target_semaphore(%arg18 : memref<!tpu.dma_semaphore, #tpu.memory_space<semaphore_mem>>)
      %dma_start3A_40 = arith.constant 0 : i32
      %dma_start3A_41 = tpu.memref_slice %arg8[%add3A_13, %dma_start3A_40] : memref<320000x128xbf16, #tpu.memory_space<hbm>> -> memref<80x128xbf16, #tpu.memory_space<hbm>>
      %dma_start3A_42 = arith.constant 0 : i32
      %dma_start3A_43 = tpu.memref_slice %arg8[%add3A_13, %dma_start3A_42] : memref<320000x128xbf16, #tpu.memory_space<hbm>> -> memref<80x128xbf16, #tpu.memory_space<hbm>>
      tpu.enqueue_dma source(%arg14 : memref<80x128xbf16, #tpu.memory_space<vmem>>) target(%dma_start3A_43 : memref<80x128xbf16, #tpu.memory_space<hbm>>) target_semaphore(%arg18 : memref<!tpu.dma_semaphore, #tpu.memory_space<semaphore_mem>>)
      %dma_start3A_44 = arith.constant 0 : i32
      %dma_start3A_45 = tpu.memref_slice %arg9[%add3A_13, %dma_start3A_44] : memref<320000x16xf32, #tpu.memory_space<hbm>> -> memref<80x16xf32, #tpu.memory_space<hbm>>
      %dma_start3A_46 = arith.constant 0 : i32
      %dma_start3A_47 = tpu.memref_slice %arg9[%add3A_13, %dma_start3A_46] : memref<320000x16xf32, #tpu.memory_space<hbm>> -> memref<80x16xf32, #tpu.memory_space<hbm>>
      tpu.enqueue_dma source(%arg15 : memref<80x16xf32, #tpu.memory_space<vmem>>) target(%dma_start3A_47 : memref<80x16xf32, #tpu.memory_space<hbm>>) target_semaphore(%arg18 : memref<!tpu.dma_semaphore, #tpu.memory_space<semaphore_mem>>)
      %dma_start3A_48 = arith.constant 0 : i32
      %dma_start3A_49 = tpu.memref_slice %arg10[%add3A_13, %dma_start3A_48] : memref<320000x16xf32, #tpu.memory_space<hbm>> -> memref<80x16xf32, #tpu.memory_space<hbm>>
      %dma_start3A_50 = arith.constant 0 : i32
      %dma_start3A_51 = tpu.memref_slice %arg10[%add3A_13, %dma_start3A_50] : memref<320000x16xf32, #tpu.memory_space<hbm>> -> memref<80x16xf32, #tpu.memory_space<hbm>>
      tpu.enqueue_dma source(%arg16 : memref<80x16xf32, #tpu.memory_space<vmem>>) target(%dma_start3A_51 : memref<80x16xf32, #tpu.memory_space<hbm>>) target_semaphore(%arg18 : memref<!tpu.dma_semaphore, #tpu.memory_space<semaphore_mem>>)
      %dma_wait3A_52 = arith.constant 0 : i32
      %dma_wait3A_53 = tpu.memref_slice %arg7[%add3A_13, %dma_wait3A_52] : memref<320000x128xbf16, #tpu.memory_space<hbm>> -> memref<80x128xbf16, #tpu.memory_space<hbm>>
      %dma_wait3A_54 = arith.constant 0 : i32
      %dma_wait3A_55 = tpu.memref_slice %arg7[%add3A_13, %dma_wait3A_54] : memref<320000x128xbf16, #tpu.memory_space<hbm>> -> memref<80x128xbf16, #tpu.memory_space<hbm>>
      tpu.wait_dma2 semaphore(%arg18 : memref<!tpu.dma_semaphore, #tpu.memory_space<semaphore_mem>>) src(%arg13 : memref<80x128xbf16, #tpu.memory_space<vmem>>) dst(%dma_wait3A_55 : memref<80x128xbf16, #tpu.memory_space<hbm>>)
      %dma_wait3A_56 = arith.constant 0 : i32
      %dma_wait3A_57 = tpu.memref_slice %arg8[%add3A_13, %dma_wait3A_56] : memref<320000x128xbf16, #tpu.memory_space<hbm>> -> memref<80x128xbf16, #tpu.memory_space<hbm>>
      %dma_wait3A_58 = arith.constant 0 : i32
      %dma_wait3A_59 = tpu.memref_slice %arg8[%add3A_13, %dma_wait3A_58] : memref<320000x128xbf16, #tpu.memory_space<hbm>> -> memref<80x128xbf16, #tpu.memory_space<hbm>>
      tpu.wait_dma2 semaphore(%arg18 : memref<!tpu.dma_semaphore, #tpu.memory_space<semaphore_mem>>) src(%arg14 : memref<80x128xbf16, #tpu.memory_space<vmem>>) dst(%dma_wait3A_59 : memref<80x128xbf16, #tpu.memory_space<hbm>>)
      %dma_wait3A_60 = arith.constant 0 : i32
      %dma_wait3A_61 = tpu.memref_slice %arg9[%add3A_13, %dma_wait3A_60] : memref<320000x16xf32, #tpu.memory_space<hbm>> -> memref<80x16xf32, #tpu.memory_space<hbm>>
      %dma_wait3A_62 = arith.constant 0 : i32
      %dma_wait3A_63 = tpu.memref_slice %arg9[%add3A_13, %dma_wait3A_62] : memref<320000x16xf32, #tpu.memory_space<hbm>> -> memref<80x16xf32, #tpu.memory_space<hbm>>
      tpu.wait_dma2 semaphore(%arg18 : memref<!tpu.dma_semaphore, #tpu.memory_space<semaphore_mem>>) src(%arg15 : memref<80x16xf32, #tpu.memory_space<vmem>>) dst(%dma_wait3A_63 : memref<80x16xf32, #tpu.memory_space<hbm>>)
      %dma_wait3A_64 = arith.constant 0 : i32
      %dma_wait3A_65 = tpu.memref_slice %arg10[%add3A_13, %dma_wait3A_64] : memref<320000x16xf32, #tpu.memory_space<hbm>> -> memref<80x16xf32, #tpu.memory_space<hbm>>
      %dma_wait3A_66 = arith.constant 0 : i32
      %dma_wait3A_67 = tpu.memref_slice %arg10[%add3A_13, %dma_wait3A_66] : memref<320000x16xf32, #tpu.memory_space<hbm>> -> memref<80x16xf32, #tpu.memory_space<hbm>>
      tpu.wait_dma2 semaphore(%arg18 : memref<!tpu.dma_semaphore, #tpu.memory_space<semaphore_mem>>) src(%arg16 : memref<80x16xf32, #tpu.memory_space<vmem>>) dst(%dma_wait3A_67 : memref<80x16xf32, #tpu.memory_space<hbm>>)
      %scan3A_68 = arith.constant 0 : i32
      scf.yield %scan3A_68 : i32
    }
    %scan3A_8 = arith.constant 125 : i32
    return
  }
}

#map = affine_map<(d0, d1) -> (0, 0)>
#map1 = affine_map<(d0, d1) -> (0)>
#map2 = affine_map<(d0, d1) -> (0, 0, 0)>
module attributes {stable_mosaic.version = 14 : i64} {
  func.func @k(%arg0: i32, %arg1: i32, %arg2: memref<320000x128xf32, #tpu.memory_space<hbm>>, %arg3: memref<320000x16xf32, #tpu.memory_space<hbm>>, %arg4: memref<320000xi32, #tpu.memory_space<hbm>>, %arg5: memref<10000x128xf32, #tpu.memory_space<hbm>>, %arg6: memref<10000x16xf32, #tpu.memory_space<hbm>>, %arg7: memref<2x10000x128xf32, #tpu.memory_space<hbm>>, %arg8: memref<2x10000x16xf32, #tpu.memory_space<hbm>>, %arg9: memref<80xi32, #tpu.memory_space<vmem>>, %arg10: memref<80x128xf32, #tpu.memory_space<vmem>>, %arg11: memref<80x16xf32, #tpu.memory_space<vmem>>, %arg12: memref<10000x128xf32, #tpu.memory_space<vmem_shared>>, %arg13: memref<10000x16xf32, #tpu.memory_space<vmem_shared>>, %arg14: memref<!tpu.dma_semaphore, #tpu.memory_space<semaphore_mem>>) attributes {dimension_semantics = [#tpu.dimension_semantics<core_parallel>, #tpu.dimension_semantics<subcore_parallel>], iteration_bounds = array<i64: 2, 16>, scalar_prefetch = 0 : i64, scratch_operands = 6 : i64, tpu.core_type = #tpu.core_type<sc_vector_subcore>, window_params = [{transform_indices = #map}, {transform_indices = #map}, {transform_indices = #map1}, {transform_indices = #map}, {transform_indices = #map}, {transform_indices = #map2}, {transform_indices = #map2}]} {
    %eq3A = arith.constant 0 : i32
    %eq3A_0 = arith.cmpi eq, %arg1, %eq3A : i32
    %convert_element_type3A = arith.extui %eq3A_0 : i1 to i32
    %cond3A = arith.constant 0 : i32
    %cond3A_1 = arith.cmpi ne, %convert_element_type3A, %cond3A : i32
    scf.if %cond3A_1 {
      "tpu.region"() ({
        %run_scoped3A = tpu.sem_alloc : memref<!tpu.dma_semaphore, #tpu.memory_space<semaphore_mem>>
        tpu.enqueue_dma source(%arg5 : memref<10000x128xf32, #tpu.memory_space<hbm>>) target(%arg12 : memref<10000x128xf32, #tpu.memory_space<vmem_shared>>) target_semaphore(%run_scoped3A : memref<!tpu.dma_semaphore, #tpu.memory_space<semaphore_mem>>)
        tpu.wait_dma2 semaphore(%run_scoped3A : memref<!tpu.dma_semaphore, #tpu.memory_space<semaphore_mem>>) src(%arg5 : memref<10000x128xf32, #tpu.memory_space<hbm>>) dst(%arg12 : memref<10000x128xf32, #tpu.memory_space<vmem_shared>>)
        tpu.yield
      }) : () -> ()
      "tpu.region"() ({
        %run_scoped3A = tpu.sem_alloc : memref<!tpu.dma_semaphore, #tpu.memory_space<semaphore_mem>>
        tpu.enqueue_dma source(%arg6 : memref<10000x16xf32, #tpu.memory_space<hbm>>) target(%arg13 : memref<10000x16xf32, #tpu.memory_space<vmem_shared>>) target_semaphore(%run_scoped3A : memref<!tpu.dma_semaphore, #tpu.memory_space<semaphore_mem>>)
        tpu.wait_dma2 semaphore(%run_scoped3A : memref<!tpu.dma_semaphore, #tpu.memory_space<semaphore_mem>>) src(%arg6 : memref<10000x16xf32, #tpu.memory_space<hbm>>) dst(%arg13 : memref<10000x16xf32, #tpu.memory_space<vmem_shared>>)
        tpu.yield
      }) : () -> ()
    } else {
    }
    %barrier3A = arith.constant 0 : index
    tpu.barrier barrier_id(%barrier3A)
    %mul3A = arith.constant 2 : i32
    %mul3A_2 = arith.muli %arg1, %mul3A : i32
    %add3A = arith.addi %mul3A_2, %arg0 : i32
    %mul3A_3 = arith.constant 10000 : i32
    %mul3A_4 = arith.muli %add3A, %mul3A_3 : i32
    %scan3A = arith.constant 0 : i32
    %scan3A_5 = arith.constant 0 : i32
    %scan3A_6 = arith.constant 125 : i32
    %scan3A_7 = arith.addi %scan3A_5, %scan3A_6 : i32
    %scan3A_8 = arith.constant 1 : i32
    %scan3A_9 = scf.for %scan3A_17 = %scan3A_5 to %scan3A_7 step %scan3A_8 iter_args(%scan3A_18 = %scan3A) -> (i32)  : i32 {
      %mul3A_19 = arith.constant 80 : i32
      %mul3A_20 = arith.muli %scan3A_17, %mul3A_19 : i32
      %add3A_21 = arith.addi %mul3A_4, %mul3A_20 : i32
      "tpu.region"() ({
        %run_scoped3A = tpu.sem_alloc : memref<!tpu.dma_semaphore, #tpu.memory_space<semaphore_mem>>
        %dma_start3A_37 = tpu.memref_slice %arg4[%add3A_21] : memref<320000xi32, #tpu.memory_space<hbm>> -> memref<80xi32, #tpu.memory_space<hbm>>
        %dma_start3A_38 = tpu.memref_slice %arg4[%add3A_21] : memref<320000xi32, #tpu.memory_space<hbm>> -> memref<80xi32, #tpu.memory_space<hbm>>
        tpu.enqueue_dma source(%dma_start3A_38 : memref<80xi32, #tpu.memory_space<hbm>>) target(%arg9 : memref<80xi32, #tpu.memory_space<vmem>>) target_semaphore(%run_scoped3A : memref<!tpu.dma_semaphore, #tpu.memory_space<semaphore_mem>>)
        %dma_wait3A_39 = tpu.memref_slice %arg4[%add3A_21] : memref<320000xi32, #tpu.memory_space<hbm>> -> memref<80xi32, #tpu.memory_space<hbm>>
        %dma_wait3A_40 = tpu.memref_slice %arg4[%add3A_21] : memref<320000xi32, #tpu.memory_space<hbm>> -> memref<80xi32, #tpu.memory_space<hbm>>
        tpu.wait_dma2 semaphore(%run_scoped3A : memref<!tpu.dma_semaphore, #tpu.memory_space<semaphore_mem>>) src(%dma_wait3A_40 : memref<80xi32, #tpu.memory_space<hbm>>) dst(%arg9 : memref<80xi32, #tpu.memory_space<vmem>>)
        tpu.yield
      }) : () -> ()
      %dma_start3A = arith.constant 0 : i32
      %dma_start3A_22 = tpu.memref_slice %arg2[%add3A_21, %dma_start3A] : memref<320000x128xf32, #tpu.memory_space<hbm>> -> memref<80x128xf32, #tpu.memory_space<hbm>>
      %dma_start3A_23 = arith.constant 0 : i32
      %dma_start3A_24 = tpu.memref_slice %arg2[%add3A_21, %dma_start3A_23] : memref<320000x128xf32, #tpu.memory_space<hbm>> -> memref<80x128xf32, #tpu.memory_space<hbm>>
      tpu.enqueue_dma source(%dma_start3A_24 : memref<80x128xf32, #tpu.memory_space<hbm>>) target(%arg10 : memref<80x128xf32, #tpu.memory_space<vmem>>) target_semaphore(%arg14 : memref<!tpu.dma_semaphore, #tpu.memory_space<semaphore_mem>>)
      %dma_start3A_25 = arith.constant 0 : i32
      %dma_start3A_26 = tpu.memref_slice %arg3[%add3A_21, %dma_start3A_25] : memref<320000x16xf32, #tpu.memory_space<hbm>> -> memref<80x16xf32, #tpu.memory_space<hbm>>
      %dma_start3A_27 = arith.constant 0 : i32
      %dma_start3A_28 = tpu.memref_slice %arg3[%add3A_21, %dma_start3A_27] : memref<320000x16xf32, #tpu.memory_space<hbm>> -> memref<80x16xf32, #tpu.memory_space<hbm>>
      tpu.enqueue_dma source(%dma_start3A_28 : memref<80x16xf32, #tpu.memory_space<hbm>>) target(%arg11 : memref<80x16xf32, #tpu.memory_space<vmem>>) target_semaphore(%arg14 : memref<!tpu.dma_semaphore, #tpu.memory_space<semaphore_mem>>)
      %dma_wait3A = arith.constant 0 : i32
      %dma_wait3A_29 = tpu.memref_slice %arg2[%add3A_21, %dma_wait3A] : memref<320000x128xf32, #tpu.memory_space<hbm>> -> memref<80x128xf32, #tpu.memory_space<hbm>>
      %dma_wait3A_30 = arith.constant 0 : i32
      %dma_wait3A_31 = tpu.memref_slice %arg2[%add3A_21, %dma_wait3A_30] : memref<320000x128xf32, #tpu.memory_space<hbm>> -> memref<80x128xf32, #tpu.memory_space<hbm>>
      tpu.wait_dma2 semaphore(%arg14 : memref<!tpu.dma_semaphore, #tpu.memory_space<semaphore_mem>>) src(%dma_wait3A_31 : memref<80x128xf32, #tpu.memory_space<hbm>>) dst(%arg10 : memref<80x128xf32, #tpu.memory_space<vmem>>)
      %dma_wait3A_32 = arith.constant 0 : i32
      %dma_wait3A_33 = tpu.memref_slice %arg3[%add3A_21, %dma_wait3A_32] : memref<320000x16xf32, #tpu.memory_space<hbm>> -> memref<80x16xf32, #tpu.memory_space<hbm>>
      %dma_wait3A_34 = arith.constant 0 : i32
      %dma_wait3A_35 = tpu.memref_slice %arg3[%add3A_21, %dma_wait3A_34] : memref<320000x16xf32, #tpu.memory_space<hbm>> -> memref<80x16xf32, #tpu.memory_space<hbm>>
      tpu.wait_dma2 semaphore(%arg14 : memref<!tpu.dma_semaphore, #tpu.memory_space<semaphore_mem>>) src(%dma_wait3A_35 : memref<80x16xf32, #tpu.memory_space<hbm>>) dst(%arg11 : memref<80x16xf32, #tpu.memory_space<vmem>>)
      "tpu.region"() ({
        %run_scoped3A = tpu.sem_alloc : memref<!tpu.dma_semaphore, #tpu.memory_space<semaphore_mem>>
        %dma_start3A_37 = arith.constant 0 : i32
        %dma_start3A_38 = arith.constant 0 : i32
        %dma_start3A_39 = tpu.memref_slice %arg12[%dma_start3A_37, %dma_start3A_38] : memref<10000x128xf32, #tpu.memory_space<vmem_shared>> -> memref<10000x128xf32, #tpu.memory_space<vmem_shared>>
        tpu.enqueue_indirect_dma source(%arg10 : memref<80x128xf32, #tpu.memory_space<vmem>>) target(%dma_start3A_39 : memref<10000x128xf32, #tpu.memory_space<vmem_shared>>) offsets(%arg9 : memref<80xi32, #tpu.memory_space<vmem>>) semaphore(%run_scoped3A : memref<!tpu.dma_semaphore, #tpu.memory_space<semaphore_mem>>) {add = true}
        %dma_wait3A_40 = arith.constant 0 : i32
        %dma_wait3A_41 = arith.constant 0 : i32
        %dma_wait3A_42 = tpu.memref_slice %arg12[%dma_wait3A_40, %dma_wait3A_41] : memref<10000x128xf32, #tpu.memory_space<vmem_shared>> -> memref<10000x128xf32, #tpu.memory_space<vmem_shared>>
        tpu.wait_indirect_dma semaphore(%run_scoped3A : memref<!tpu.dma_semaphore, #tpu.memory_space<semaphore_mem>>) src(%arg10 : memref<80x128xf32, #tpu.memory_space<vmem>>) dst(%dma_wait3A_42 : memref<10000x128xf32, #tpu.memory_space<vmem_shared>>)
        tpu.yield
      }) : () -> ()
      "tpu.region"() ({
        %run_scoped3A = tpu.sem_alloc : memref<!tpu.dma_semaphore, #tpu.memory_space<semaphore_mem>>
        %dma_start3A_37 = arith.constant 0 : i32
        %dma_start3A_38 = arith.constant 0 : i32
        %dma_start3A_39 = tpu.memref_slice %arg13[%dma_start3A_37, %dma_start3A_38] : memref<10000x16xf32, #tpu.memory_space<vmem_shared>> -> memref<10000x16xf32, #tpu.memory_space<vmem_shared>>
        tpu.enqueue_indirect_dma source(%arg11 : memref<80x16xf32, #tpu.memory_space<vmem>>) target(%dma_start3A_39 : memref<10000x16xf32, #tpu.memory_space<vmem_shared>>) offsets(%arg9 : memref<80xi32, #tpu.memory_space<vmem>>) semaphore(%run_scoped3A : memref<!tpu.dma_semaphore, #tpu.memory_space<semaphore_mem>>) {add = true}
        %dma_wait3A_40 = arith.constant 0 : i32
        %dma_wait3A_41 = arith.constant 0 : i32
        %dma_wait3A_42 = tpu.memref_slice %arg13[%dma_wait3A_40, %dma_wait3A_41] : memref<10000x16xf32, #tpu.memory_space<vmem_shared>> -> memref<10000x16xf32, #tpu.memory_space<vmem_shared>>
        tpu.wait_indirect_dma semaphore(%run_scoped3A : memref<!tpu.dma_semaphore, #tpu.memory_space<semaphore_mem>>) src(%arg11 : memref<80x16xf32, #tpu.memory_space<vmem>>) dst(%dma_wait3A_42 : memref<10000x16xf32, #tpu.memory_space<vmem_shared>>)
        tpu.yield
      }) : () -> ()
      %scan3A_36 = arith.constant 0 : i32
      scf.yield %scan3A_36 : i32
    }
    %scan3A_10 = arith.constant 125 : i32
    %barrier3A_11 = arith.constant 0 : index
    tpu.barrier barrier_id(%barrier3A_11)
    %eq3A_12 = arith.constant 0 : i32
    %eq3A_13 = arith.cmpi eq, %arg1, %eq3A_12 : i32
    %convert_element_type3A_14 = arith.extui %eq3A_13 : i1 to i32
    %cond3A_15 = arith.constant 0 : i32
    %cond3A_16 = arith.cmpi ne, %convert_element_type3A_14, %cond3A_15 : i32
    scf.if %cond3A_16 {
      "tpu.region"() ({
        %run_scoped3A = tpu.sem_alloc : memref<!tpu.dma_semaphore, #tpu.memory_space<semaphore_mem>>
        %dma_start3A = arith.constant 0 : i32
        %dma_start3A_17 = arith.constant 0 : i32
        %dma_start3A_18 = tpu.memref_slice %arg7[%arg0, %dma_start3A, %dma_start3A_17] : memref<2x10000x128xf32, #tpu.memory_space<hbm>> -> memref<1x10000x128xf32, #tpu.memory_space<hbm>>
        %dma_start3A_19 = tpu.memref_squeeze %dma_start3A_18 : memref<1x10000x128xf32, #tpu.memory_space<hbm>> -> memref<10000x128xf32, #tpu.memory_space<hbm>>
        tpu.enqueue_dma source(%arg12 : memref<10000x128xf32, #tpu.memory_space<vmem_shared>>) target(%dma_start3A_19 : memref<10000x128xf32, #tpu.memory_space<hbm>>) target_semaphore(%run_scoped3A : memref<!tpu.dma_semaphore, #tpu.memory_space<semaphore_mem>>)
        %dma_wait3A = arith.constant 0 : i32
        %dma_wait3A_20 = arith.constant 0 : i32
        %dma_wait3A_21 = tpu.memref_slice %arg7[%arg0, %dma_wait3A, %dma_wait3A_20] : memref<2x10000x128xf32, #tpu.memory_space<hbm>> -> memref<1x10000x128xf32, #tpu.memory_space<hbm>>
        %dma_wait3A_22 = tpu.memref_squeeze %dma_wait3A_21 : memref<1x10000x128xf32, #tpu.memory_space<hbm>> -> memref<10000x128xf32, #tpu.memory_space<hbm>>
        tpu.wait_dma2 semaphore(%run_scoped3A : memref<!tpu.dma_semaphore, #tpu.memory_space<semaphore_mem>>) src(%arg12 : memref<10000x128xf32, #tpu.memory_space<vmem_shared>>) dst(%dma_wait3A_22 : memref<10000x128xf32, #tpu.memory_space<hbm>>)
        tpu.yield
      }) : () -> ()
      "tpu.region"() ({
        %run_scoped3A = tpu.sem_alloc : memref<!tpu.dma_semaphore, #tpu.memory_space<semaphore_mem>>
        %dma_start3A = arith.constant 0 : i32
        %dma_start3A_17 = arith.constant 0 : i32
        %dma_start3A_18 = tpu.memref_slice %arg8[%arg0, %dma_start3A, %dma_start3A_17] : memref<2x10000x16xf32, #tpu.memory_space<hbm>> -> memref<1x10000x16xf32, #tpu.memory_space<hbm>>
        %dma_start3A_19 = tpu.memref_squeeze %dma_start3A_18 : memref<1x10000x16xf32, #tpu.memory_space<hbm>> -> memref<10000x16xf32, #tpu.memory_space<hbm>>
        tpu.enqueue_dma source(%arg13 : memref<10000x16xf32, #tpu.memory_space<vmem_shared>>) target(%dma_start3A_19 : memref<10000x16xf32, #tpu.memory_space<hbm>>) target_semaphore(%run_scoped3A : memref<!tpu.dma_semaphore, #tpu.memory_space<semaphore_mem>>)
        %dma_wait3A = arith.constant 0 : i32
        %dma_wait3A_20 = arith.constant 0 : i32
        %dma_wait3A_21 = tpu.memref_slice %arg8[%arg0, %dma_wait3A, %dma_wait3A_20] : memref<2x10000x16xf32, #tpu.memory_space<hbm>> -> memref<1x10000x16xf32, #tpu.memory_space<hbm>>
        %dma_wait3A_22 = tpu.memref_squeeze %dma_wait3A_21 : memref<1x10000x16xf32, #tpu.memory_space<hbm>> -> memref<10000x16xf32, #tpu.memory_space<hbm>>
        tpu.wait_dma2 semaphore(%run_scoped3A : memref<!tpu.dma_semaphore, #tpu.memory_space<semaphore_mem>>) src(%arg13 : memref<10000x16xf32, #tpu.memory_space<vmem_shared>>) dst(%dma_wait3A_22 : memref<10000x16xf32, #tpu.memory_space<hbm>>)
        tpu.yield
      }) : () -> ()
    } else {
    }
    return
  }
}

#map = affine_map<(d0, d1) -> (0, 0)>
#map1 = affine_map<(d0, d1) -> (0)>
module attributes {stable_mosaic.version = 14 : i64} {
  func.func @k(%arg0: i32, %arg1: i32, %arg2: memref<10000x128xbf16, #tpu.memory_space<hbm>>, %arg3: memref<10000x128xbf16, #tpu.memory_space<hbm>>, %arg4: memref<10000x16xf32, #tpu.memory_space<hbm>>, %arg5: memref<320000xi32, #tpu.memory_space<hbm>>, %arg6: memref<320000xi32, #tpu.memory_space<hbm>>, %arg7: memref<320000x128xbf16, #tpu.memory_space<hbm>>, %arg8: memref<320000x128xbf16, #tpu.memory_space<hbm>>, %arg9: memref<320000x16xf32, #tpu.memory_space<hbm>>, %arg10: memref<320000x16xf32, #tpu.memory_space<hbm>>, %arg11: memref<80xi32, #tpu.memory_space<vmem>>, %arg12: memref<80xi32, #tpu.memory_space<vmem>>, %arg13: memref<80x128xbf16, #tpu.memory_space<vmem>>, %arg14: memref<80x128xbf16, #tpu.memory_space<vmem>>, %arg15: memref<80x16xf32, #tpu.memory_space<vmem>>, %arg16: memref<80x16xf32, #tpu.memory_space<vmem>>, %arg17: memref<!tpu.dma_semaphore, #tpu.memory_space<semaphore_mem>>, %arg18: memref<!tpu.dma_semaphore, #tpu.memory_space<semaphore_mem>>) attributes {dimension_semantics = [#tpu.dimension_semantics<core_parallel>, #tpu.dimension_semantics<subcore_parallel>], iteration_bounds = array<i64: 2, 16>, scalar_prefetch = 0 : i64, scratch_operands = 8 : i64, tpu.core_type = #tpu.core_type<sc_vector_subcore>, window_params = [{transform_indices = #map}, {transform_indices = #map}, {transform_indices = #map}, {transform_indices = #map1}, {transform_indices = #map1}, {transform_indices = #map}, {transform_indices = #map}, {transform_indices = #map}, {transform_indices = #map}]} {
    %mul3A = arith.constant 2 : i32
    %mul3A_0 = arith.muli %arg1, %mul3A : i32
    %add3A = arith.addi %mul3A_0, %arg0 : i32
    %mul3A_1 = arith.constant 10000 : i32
    %mul3A_2 = arith.muli %add3A, %mul3A_1 : i32
    %scan3A = arith.constant 0 : i32
    %scan3A_3 = arith.constant 0 : i32
    %scan3A_4 = arith.constant 125 : i32
    %scan3A_5 = arith.addi %scan3A_3, %scan3A_4 : i32
    %scan3A_6 = arith.constant 1 : i32
    %scan3A_7 = scf.for %scan3A_9 = %scan3A_3 to %scan3A_5 step %scan3A_6 iter_args(%scan3A_10 = %scan3A) -> (i32)  : i32 {
      %mul3A_11 = arith.constant 80 : i32
      %mul3A_12 = arith.muli %scan3A_9, %mul3A_11 : i32
      %add3A_13 = arith.addi %mul3A_2, %mul3A_12 : i32
      "tpu.region"() ({
        %run_scoped3A = tpu.sem_alloc : memref<!tpu.dma_semaphore, #tpu.memory_space<semaphore_mem>>
        %dma_start3A_69 = tpu.memref_slice %arg5[%add3A_13] : memref<320000xi32, #tpu.memory_space<hbm>> -> memref<80xi32, #tpu.memory_space<hbm>>
        %dma_start3A_70 = tpu.memref_slice %arg5[%add3A_13] : memref<320000xi32, #tpu.memory_space<hbm>> -> memref<80xi32, #tpu.memory_space<hbm>>
        tpu.enqueue_dma source(%dma_start3A_70 : memref<80xi32, #tpu.memory_space<hbm>>) target(%arg11 : memref<80xi32, #tpu.memory_space<vmem>>) target_semaphore(%run_scoped3A : memref<!tpu.dma_semaphore, #tpu.memory_space<semaphore_mem>>)
        %dma_wait3A_71 = tpu.memref_slice %arg5[%add3A_13] : memref<320000xi32, #tpu.memory_space<hbm>> -> memref<80xi32, #tpu.memory_space<hbm>>
        %dma_wait3A_72 = tpu.memref_slice %arg5[%add3A_13] : memref<320000xi32, #tpu.memory_space<hbm>> -> memref<80xi32, #tpu.memory_space<hbm>>
        tpu.wait_dma2 semaphore(%run_scoped3A : memref<!tpu.dma_semaphore, #tpu.memory_space<semaphore_mem>>) src(%dma_wait3A_72 : memref<80xi32, #tpu.memory_space<hbm>>) dst(%arg11 : memref<80xi32, #tpu.memory_space<vmem>>)
        tpu.yield
      }) : () -> ()
      "tpu.region"() ({
        %run_scoped3A = tpu.sem_alloc : memref<!tpu.dma_semaphore, #tpu.memory_space<semaphore_mem>>
        %dma_start3A_69 = tpu.memref_slice %arg6[%add3A_13] : memref<320000xi32, #tpu.memory_space<hbm>> -> memref<80xi32, #tpu.memory_space<hbm>>
        %dma_start3A_70 = tpu.memref_slice %arg6[%add3A_13] : memref<320000xi32, #tpu.memory_space<hbm>> -> memref<80xi32, #tpu.memory_space<hbm>>
        tpu.enqueue_dma source(%dma_start3A_70 : memref<80xi32, #tpu.memory_space<hbm>>) target(%arg12 : memref<80xi32, #tpu.memory_space<vmem>>) target_semaphore(%run_scoped3A : memref<!tpu.dma_semaphore, #tpu.memory_space<semaphore_mem>>)
        %dma_wait3A_71 = tpu.memref_slice %arg6[%add3A_13] : memref<320000xi32, #tpu.memory_space<hbm>> -> memref<80xi32, #tpu.memory_space<hbm>>
        %dma_wait3A_72 = tpu.memref_slice %arg6[%add3A_13] : memref<320000xi32, #tpu.memory_space<hbm>> -> memref<80xi32, #tpu.memory_space<hbm>>
        tpu.wait_dma2 semaphore(%run_scoped3A : memref<!tpu.dma_semaphore, #tpu.memory_space<semaphore_mem>>) src(%dma_wait3A_72 : memref<80xi32, #tpu.memory_space<hbm>>) dst(%arg12 : memref<80xi32, #tpu.memory_space<vmem>>)
        tpu.yield
      }) : () -> ()
      %dma_start3A = arith.constant 0 : i32
      %dma_start3A_14 = arith.constant 0 : i32
      %dma_start3A_15 = tpu.memref_slice %arg2[%dma_start3A, %dma_start3A_14] : memref<10000x128xbf16, #tpu.memory_space<hbm>> -> memref<10000x128xbf16, #tpu.memory_space<hbm>>
      tpu.enqueue_indirect_dma source(%dma_start3A_15 : memref<10000x128xbf16, #tpu.memory_space<hbm>>) target(%arg13 : memref<80x128xbf16, #tpu.memory_space<vmem>>) offsets(%arg11 : memref<80xi32, #tpu.memory_space<vmem>>) semaphore(%arg17 : memref<!tpu.dma_semaphore, #tpu.memory_space<semaphore_mem>>)
      %dma_start3A_16 = arith.constant 0 : i32
      %dma_start3A_17 = arith.constant 0 : i32
      %dma_start3A_18 = tpu.memref_slice %arg3[%dma_start3A_16, %dma_start3A_17] : memref<10000x128xbf16, #tpu.memory_space<hbm>> -> memref<10000x128xbf16, #tpu.memory_space<hbm>>
      tpu.enqueue_indirect_dma source(%dma_start3A_18 : memref<10000x128xbf16, #tpu.memory_space<hbm>>) target(%arg14 : memref<80x128xbf16, #tpu.memory_space<vmem>>) offsets(%arg12 : memref<80xi32, #tpu.memory_space<vmem>>) semaphore(%arg17 : memref<!tpu.dma_semaphore, #tpu.memory_space<semaphore_mem>>)
      %dma_start3A_19 = arith.constant 0 : i32
      %dma_start3A_20 = arith.constant 0 : i32
      %dma_start3A_21 = tpu.memref_slice %arg4[%dma_start3A_19, %dma_start3A_20] : memref<10000x16xf32, #tpu.memory_space<hbm>> -> memref<10000x16xf32, #tpu.memory_space<hbm>>
      tpu.enqueue_indirect_dma source(%dma_start3A_21 : memref<10000x16xf32, #tpu.memory_space<hbm>>) target(%arg15 : memref<80x16xf32, #tpu.memory_space<vmem>>) offsets(%arg11 : memref<80xi32, #tpu.memory_space<vmem>>) semaphore(%arg17 : memref<!tpu.dma_semaphore, #tpu.memory_space<semaphore_mem>>)
      %dma_start3A_22 = arith.constant 0 : i32
      %dma_start3A_23 = arith.constant 0 : i32
      %dma_start3A_24 = tpu.memref_slice %arg4[%dma_start3A_22, %dma_start3A_23] : memref<10000x16xf32, #tpu.memory_space<hbm>> -> memref<10000x16xf32, #tpu.memory_space<hbm>>
      tpu.enqueue_indirect_dma source(%dma_start3A_24 : memref<10000x16xf32, #tpu.memory_space<hbm>>) target(%arg16 : memref<80x16xf32, #tpu.memory_space<vmem>>) offsets(%arg12 : memref<80xi32, #tpu.memory_space<vmem>>) semaphore(%arg17 : memref<!tpu.dma_semaphore, #tpu.memory_space<semaphore_mem>>)
      %dma_wait3A = arith.constant 0 : i32
      %dma_wait3A_25 = arith.constant 0 : i32
      %dma_wait3A_26 = tpu.memref_slice %arg2[%dma_wait3A, %dma_wait3A_25] : memref<10000x128xbf16, #tpu.memory_space<hbm>> -> memref<10000x128xbf16, #tpu.memory_space<hbm>>
      tpu.wait_indirect_dma semaphore(%arg17 : memref<!tpu.dma_semaphore, #tpu.memory_space<semaphore_mem>>) src(%dma_wait3A_26 : memref<10000x128xbf16, #tpu.memory_space<hbm>>) dst(%arg13 : memref<80x128xbf16, #tpu.memory_space<vmem>>)
      %dma_wait3A_27 = arith.constant 0 : i32
      %dma_wait3A_28 = arith.constant 0 : i32
      %dma_wait3A_29 = tpu.memref_slice %arg3[%dma_wait3A_27, %dma_wait3A_28] : memref<10000x128xbf16, #tpu.memory_space<hbm>> -> memref<10000x128xbf16, #tpu.memory_space<hbm>>
      tpu.wait_indirect_dma semaphore(%arg17 : memref<!tpu.dma_semaphore, #tpu.memory_space<semaphore_mem>>) src(%dma_wait3A_29 : memref<10000x128xbf16, #tpu.memory_space<hbm>>) dst(%arg14 : memref<80x128xbf16, #tpu.memory_space<vmem>>)
      %dma_wait3A_30 = arith.constant 0 : i32
      %dma_wait3A_31 = arith.constant 0 : i32
      %dma_wait3A_32 = tpu.memref_slice %arg4[%dma_wait3A_30, %dma_wait3A_31] : memref<10000x16xf32, #tpu.memory_space<hbm>> -> memref<10000x16xf32, #tpu.memory_space<hbm>>
      tpu.wait_indirect_dma semaphore(%arg17 : memref<!tpu.dma_semaphore, #tpu.memory_space<semaphore_mem>>) src(%dma_wait3A_32 : memref<10000x16xf32, #tpu.memory_space<hbm>>) dst(%arg15 : memref<80x16xf32, #tpu.memory_space<vmem>>)
      %dma_wait3A_33 = arith.constant 0 : i32
      %dma_wait3A_34 = arith.constant 0 : i32
      %dma_wait3A_35 = tpu.memref_slice %arg4[%dma_wait3A_33, %dma_wait3A_34] : memref<10000x16xf32, #tpu.memory_space<hbm>> -> memref<10000x16xf32, #tpu.memory_space<hbm>>
      tpu.wait_indirect_dma semaphore(%arg17 : memref<!tpu.dma_semaphore, #tpu.memory_space<semaphore_mem>>) src(%dma_wait3A_35 : memref<10000x16xf32, #tpu.memory_space<hbm>>) dst(%arg16 : memref<80x16xf32, #tpu.memory_space<vmem>>)
      %dma_start3A_36 = arith.constant 0 : i32
      %dma_start3A_37 = tpu.memref_slice %arg7[%add3A_13, %dma_start3A_36] : memref<320000x128xbf16, #tpu.memory_space<hbm>> -> memref<80x128xbf16, #tpu.memory_space<hbm>>
      %dma_start3A_38 = arith.constant 0 : i32
      %dma_start3A_39 = tpu.memref_slice %arg7[%add3A_13, %dma_start3A_38] : memref<320000x128xbf16, #tpu.memory_space<hbm>> -> memref<80x128xbf16, #tpu.memory_space<hbm>>
      tpu.enqueue_dma source(%arg13 : memref<80x128xbf16, #tpu.memory_space<vmem>>) target(%dma_start3A_39 : memref<80x128xbf16, #tpu.memory_space<hbm>>) target_semaphore(%arg18 : memref<!tpu.dma_semaphore, #tpu.memory_space<semaphore_mem>>)
      %dma_start3A_40 = arith.constant 0 : i32
      %dma_start3A_41 = tpu.memref_slice %arg8[%add3A_13, %dma_start3A_40] : memref<320000x128xbf16, #tpu.memory_space<hbm>> -> memref<80x128xbf16, #tpu.memory_space<hbm>>
      %dma_start3A_42 = arith.constant 0 : i32
      %dma_start3A_43 = tpu.memref_slice %arg8[%add3A_13, %dma_start3A_42] : memref<320000x128xbf16, #tpu.memory_space<hbm>> -> memref<80x128xbf16, #tpu.memory_space<hbm>>
      tpu.enqueue_dma source(%arg14 : memref<80x128xbf16, #tpu.memory_space<vmem>>) target(%dma_start3A_43 : memref<80x128xbf16, #tpu.memory_space<hbm>>) target_semaphore(%arg18 : memref<!tpu.dma_semaphore, #tpu.memory_space<semaphore_mem>>)
      %dma_start3A_44 = arith.constant 0 : i32
      %dma_start3A_45 = tpu.memref_slice %arg9[%add3A_13, %dma_start3A_44] : memref<320000x16xf32, #tpu.memory_space<hbm>> -> memref<80x16xf32, #tpu.memory_space<hbm>>
      %dma_start3A_46 = arith.constant 0 : i32
      %dma_start3A_47 = tpu.memref_slice %arg9[%add3A_13, %dma_start3A_46] : memref<320000x16xf32, #tpu.memory_space<hbm>> -> memref<80x16xf32, #tpu.memory_space<hbm>>
      tpu.enqueue_dma source(%arg15 : memref<80x16xf32, #tpu.memory_space<vmem>>) target(%dma_start3A_47 : memref<80x16xf32, #tpu.memory_space<hbm>>) target_semaphore(%arg18 : memref<!tpu.dma_semaphore, #tpu.memory_space<semaphore_mem>>)
      %dma_start3A_48 = arith.constant 0 : i32
      %dma_start3A_49 = tpu.memref_slice %arg10[%add3A_13, %dma_start3A_48] : memref<320000x16xf32, #tpu.memory_space<hbm>> -> memref<80x16xf32, #tpu.memory_space<hbm>>
      %dma_start3A_50 = arith.constant 0 : i32
      %dma_start3A_51 = tpu.memref_slice %arg10[%add3A_13, %dma_start3A_50] : memref<320000x16xf32, #tpu.memory_space<hbm>> -> memref<80x16xf32, #tpu.memory_space<hbm>>
      tpu.enqueue_dma source(%arg16 : memref<80x16xf32, #tpu.memory_space<vmem>>) target(%dma_start3A_51 : memref<80x16xf32, #tpu.memory_space<hbm>>) target_semaphore(%arg18 : memref<!tpu.dma_semaphore, #tpu.memory_space<semaphore_mem>>)
      %dma_wait3A_52 = arith.constant 0 : i32
      %dma_wait3A_53 = tpu.memref_slice %arg7[%add3A_13, %dma_wait3A_52] : memref<320000x128xbf16, #tpu.memory_space<hbm>> -> memref<80x128xbf16, #tpu.memory_space<hbm>>
      %dma_wait3A_54 = arith.constant 0 : i32
      %dma_wait3A_55 = tpu.memref_slice %arg7[%add3A_13, %dma_wait3A_54] : memref<320000x128xbf16, #tpu.memory_space<hbm>> -> memref<80x128xbf16, #tpu.memory_space<hbm>>
      tpu.wait_dma2 semaphore(%arg18 : memref<!tpu.dma_semaphore, #tpu.memory_space<semaphore_mem>>) src(%arg13 : memref<80x128xbf16, #tpu.memory_space<vmem>>) dst(%dma_wait3A_55 : memref<80x128xbf16, #tpu.memory_space<hbm>>)
      %dma_wait3A_56 = arith.constant 0 : i32
      %dma_wait3A_57 = tpu.memref_slice %arg8[%add3A_13, %dma_wait3A_56] : memref<320000x128xbf16, #tpu.memory_space<hbm>> -> memref<80x128xbf16, #tpu.memory_space<hbm>>
      %dma_wait3A_58 = arith.constant 0 : i32
      %dma_wait3A_59 = tpu.memref_slice %arg8[%add3A_13, %dma_wait3A_58] : memref<320000x128xbf16, #tpu.memory_space<hbm>> -> memref<80x128xbf16, #tpu.memory_space<hbm>>
      tpu.wait_dma2 semaphore(%arg18 : memref<!tpu.dma_semaphore, #tpu.memory_space<semaphore_mem>>) src(%arg14 : memref<80x128xbf16, #tpu.memory_space<vmem>>) dst(%dma_wait3A_59 : memref<80x128xbf16, #tpu.memory_space<hbm>>)
      %dma_wait3A_60 = arith.constant 0 : i32
      %dma_wait3A_61 = tpu.memref_slice %arg9[%add3A_13, %dma_wait3A_60] : memref<320000x16xf32, #tpu.memory_space<hbm>> -> memref<80x16xf32, #tpu.memory_space<hbm>>
      %dma_wait3A_62 = arith.constant 0 : i32
      %dma_wait3A_63 = tpu.memref_slice %arg9[%add3A_13, %dma_wait3A_62] : memref<320000x16xf32, #tpu.memory_space<hbm>> -> memref<80x16xf32, #tpu.memory_space<hbm>>
      tpu.wait_dma2 semaphore(%arg18 : memref<!tpu.dma_semaphore, #tpu.memory_space<semaphore_mem>>) src(%arg15 : memref<80x16xf32, #tpu.memory_space<vmem>>) dst(%dma_wait3A_63 : memref<80x16xf32, #tpu.memory_space<hbm>>)
      %dma_wait3A_64 = arith.constant 0 : i32
      %dma_wait3A_65 = tpu.memref_slice %arg10[%add3A_13, %dma_wait3A_64] : memref<320000x16xf32, #tpu.memory_space<hbm>> -> memref<80x16xf32, #tpu.memory_space<hbm>>
      %dma_wait3A_66 = arith.constant 0 : i32
      %dma_wait3A_67 = tpu.memref_slice %arg10[%add3A_13, %dma_wait3A_66] : memref<320000x16xf32, #tpu.memory_space<hbm>> -> memref<80x16xf32, #tpu.memory_space<hbm>>
      tpu.wait_dma2 semaphore(%arg18 : memref<!tpu.dma_semaphore, #tpu.memory_space<semaphore_mem>>) src(%arg16 : memref<80x16xf32, #tpu.memory_space<vmem>>) dst(%dma_wait3A_67 : memref<80x16xf32, #tpu.memory_space<hbm>>)
      %scan3A_68 = arith.constant 0 : i32
      scf.yield %scan3A_68 : i32
    }
    %scan3A_8 = arith.constant 125 : i32
    return
  }
}

#map = affine_map<(d0, d1) -> (0, 0)>
#map1 = affine_map<(d0, d1) -> (0)>
#map2 = affine_map<(d0, d1) -> (0, 0, 0)>
module attributes {stable_mosaic.version = 14 : i64} {
  func.func @k(%arg0: i32, %arg1: i32, %arg2: memref<320000x128xf32, #tpu.memory_space<hbm>>, %arg3: memref<320000x16xf32, #tpu.memory_space<hbm>>, %arg4: memref<320000xi32, #tpu.memory_space<hbm>>, %arg5: memref<10000x128xf32, #tpu.memory_space<hbm>>, %arg6: memref<10000x16xf32, #tpu.memory_space<hbm>>, %arg7: memref<2x10000x128xf32, #tpu.memory_space<hbm>>, %arg8: memref<2x10000x16xf32, #tpu.memory_space<hbm>>, %arg9: memref<80xi32, #tpu.memory_space<vmem>>, %arg10: memref<80x128xf32, #tpu.memory_space<vmem>>, %arg11: memref<80x16xf32, #tpu.memory_space<vmem>>, %arg12: memref<10000x128xf32, #tpu.memory_space<vmem_shared>>, %arg13: memref<10000x16xf32, #tpu.memory_space<vmem_shared>>, %arg14: memref<!tpu.dma_semaphore, #tpu.memory_space<semaphore_mem>>) attributes {dimension_semantics = [#tpu.dimension_semantics<core_parallel>, #tpu.dimension_semantics<subcore_parallel>], iteration_bounds = array<i64: 2, 16>, scalar_prefetch = 0 : i64, scratch_operands = 6 : i64, tpu.core_type = #tpu.core_type<sc_vector_subcore>, window_params = [{transform_indices = #map}, {transform_indices = #map}, {transform_indices = #map1}, {transform_indices = #map}, {transform_indices = #map}, {transform_indices = #map2}, {transform_indices = #map2}]} {
    %eq3A = arith.constant 0 : i32
    %eq3A_0 = arith.cmpi eq, %arg1, %eq3A : i32
    %convert_element_type3A = arith.extui %eq3A_0 : i1 to i32
    %cond3A = arith.constant 0 : i32
    %cond3A_1 = arith.cmpi ne, %convert_element_type3A, %cond3A : i32
    scf.if %cond3A_1 {
      "tpu.region"() ({
        %run_scoped3A = tpu.sem_alloc : memref<!tpu.dma_semaphore, #tpu.memory_space<semaphore_mem>>
        tpu.enqueue_dma source(%arg5 : memref<10000x128xf32, #tpu.memory_space<hbm>>) target(%arg12 : memref<10000x128xf32, #tpu.memory_space<vmem_shared>>) target_semaphore(%run_scoped3A : memref<!tpu.dma_semaphore, #tpu.memory_space<semaphore_mem>>)
        tpu.wait_dma2 semaphore(%run_scoped3A : memref<!tpu.dma_semaphore, #tpu.memory_space<semaphore_mem>>) src(%arg5 : memref<10000x128xf32, #tpu.memory_space<hbm>>) dst(%arg12 : memref<10000x128xf32, #tpu.memory_space<vmem_shared>>)
        tpu.yield
      }) : () -> ()
      "tpu.region"() ({
        %run_scoped3A = tpu.sem_alloc : memref<!tpu.dma_semaphore, #tpu.memory_space<semaphore_mem>>
        tpu.enqueue_dma source(%arg6 : memref<10000x16xf32, #tpu.memory_space<hbm>>) target(%arg13 : memref<10000x16xf32, #tpu.memory_space<vmem_shared>>) target_semaphore(%run_scoped3A : memref<!tpu.dma_semaphore, #tpu.memory_space<semaphore_mem>>)
        tpu.wait_dma2 semaphore(%run_scoped3A : memref<!tpu.dma_semaphore, #tpu.memory_space<semaphore_mem>>) src(%arg6 : memref<10000x16xf32, #tpu.memory_space<hbm>>) dst(%arg13 : memref<10000x16xf32, #tpu.memory_space<vmem_shared>>)
        tpu.yield
      }) : () -> ()
    } else {
    }
    %barrier3A = arith.constant 0 : index
    tpu.barrier barrier_id(%barrier3A)
    %mul3A = arith.constant 2 : i32
    %mul3A_2 = arith.muli %arg1, %mul3A : i32
    %add3A = arith.addi %mul3A_2, %arg0 : i32
    %mul3A_3 = arith.constant 10000 : i32
    %mul3A_4 = arith.muli %add3A, %mul3A_3 : i32
    %scan3A = arith.constant 0 : i32
    %scan3A_5 = arith.constant 0 : i32
    %scan3A_6 = arith.constant 125 : i32
    %scan3A_7 = arith.addi %scan3A_5, %scan3A_6 : i32
    %scan3A_8 = arith.constant 1 : i32
    %scan3A_9 = scf.for %scan3A_17 = %scan3A_5 to %scan3A_7 step %scan3A_8 iter_args(%scan3A_18 = %scan3A) -> (i32)  : i32 {
      %mul3A_19 = arith.constant 80 : i32
      %mul3A_20 = arith.muli %scan3A_17, %mul3A_19 : i32
      %add3A_21 = arith.addi %mul3A_4, %mul3A_20 : i32
      "tpu.region"() ({
        %run_scoped3A = tpu.sem_alloc : memref<!tpu.dma_semaphore, #tpu.memory_space<semaphore_mem>>
        %dma_start3A_37 = tpu.memref_slice %arg4[%add3A_21] : memref<320000xi32, #tpu.memory_space<hbm>> -> memref<80xi32, #tpu.memory_space<hbm>>
        %dma_start3A_38 = tpu.memref_slice %arg4[%add3A_21] : memref<320000xi32, #tpu.memory_space<hbm>> -> memref<80xi32, #tpu.memory_space<hbm>>
        tpu.enqueue_dma source(%dma_start3A_38 : memref<80xi32, #tpu.memory_space<hbm>>) target(%arg9 : memref<80xi32, #tpu.memory_space<vmem>>) target_semaphore(%run_scoped3A : memref<!tpu.dma_semaphore, #tpu.memory_space<semaphore_mem>>)
        %dma_wait3A_39 = tpu.memref_slice %arg4[%add3A_21] : memref<320000xi32, #tpu.memory_space<hbm>> -> memref<80xi32, #tpu.memory_space<hbm>>
        %dma_wait3A_40 = tpu.memref_slice %arg4[%add3A_21] : memref<320000xi32, #tpu.memory_space<hbm>> -> memref<80xi32, #tpu.memory_space<hbm>>
        tpu.wait_dma2 semaphore(%run_scoped3A : memref<!tpu.dma_semaphore, #tpu.memory_space<semaphore_mem>>) src(%dma_wait3A_40 : memref<80xi32, #tpu.memory_space<hbm>>) dst(%arg9 : memref<80xi32, #tpu.memory_space<vmem>>)
        tpu.yield
      }) : () -> ()
      %dma_start3A = arith.constant 0 : i32
      %dma_start3A_22 = tpu.memref_slice %arg2[%add3A_21, %dma_start3A] : memref<320000x128xf32, #tpu.memory_space<hbm>> -> memref<80x128xf32, #tpu.memory_space<hbm>>
      %dma_start3A_23 = arith.constant 0 : i32
      %dma_start3A_24 = tpu.memref_slice %arg2[%add3A_21, %dma_start3A_23] : memref<320000x128xf32, #tpu.memory_space<hbm>> -> memref<80x128xf32, #tpu.memory_space<hbm>>
      tpu.enqueue_dma source(%dma_start3A_24 : memref<80x128xf32, #tpu.memory_space<hbm>>) target(%arg10 : memref<80x128xf32, #tpu.memory_space<vmem>>) target_semaphore(%arg14 : memref<!tpu.dma_semaphore, #tpu.memory_space<semaphore_mem>>)
      %dma_start3A_25 = arith.constant 0 : i32
      %dma_start3A_26 = tpu.memref_slice %arg3[%add3A_21, %dma_start3A_25] : memref<320000x16xf32, #tpu.memory_space<hbm>> -> memref<80x16xf32, #tpu.memory_space<hbm>>
      %dma_start3A_27 = arith.constant 0 : i32
      %dma_start3A_28 = tpu.memref_slice %arg3[%add3A_21, %dma_start3A_27] : memref<320000x16xf32, #tpu.memory_space<hbm>> -> memref<80x16xf32, #tpu.memory_space<hbm>>
      tpu.enqueue_dma source(%dma_start3A_28 : memref<80x16xf32, #tpu.memory_space<hbm>>) target(%arg11 : memref<80x16xf32, #tpu.memory_space<vmem>>) target_semaphore(%arg14 : memref<!tpu.dma_semaphore, #tpu.memory_space<semaphore_mem>>)
      %dma_wait3A = arith.constant 0 : i32
      %dma_wait3A_29 = tpu.memref_slice %arg2[%add3A_21, %dma_wait3A] : memref<320000x128xf32, #tpu.memory_space<hbm>> -> memref<80x128xf32, #tpu.memory_space<hbm>>
      %dma_wait3A_30 = arith.constant 0 : i32
      %dma_wait3A_31 = tpu.memref_slice %arg2[%add3A_21, %dma_wait3A_30] : memref<320000x128xf32, #tpu.memory_space<hbm>> -> memref<80x128xf32, #tpu.memory_space<hbm>>
      tpu.wait_dma2 semaphore(%arg14 : memref<!tpu.dma_semaphore, #tpu.memory_space<semaphore_mem>>) src(%dma_wait3A_31 : memref<80x128xf32, #tpu.memory_space<hbm>>) dst(%arg10 : memref<80x128xf32, #tpu.memory_space<vmem>>)
      %dma_wait3A_32 = arith.constant 0 : i32
      %dma_wait3A_33 = tpu.memref_slice %arg3[%add3A_21, %dma_wait3A_32] : memref<320000x16xf32, #tpu.memory_space<hbm>> -> memref<80x16xf32, #tpu.memory_space<hbm>>
      %dma_wait3A_34 = arith.constant 0 : i32
      %dma_wait3A_35 = tpu.memref_slice %arg3[%add3A_21, %dma_wait3A_34] : memref<320000x16xf32, #tpu.memory_space<hbm>> -> memref<80x16xf32, #tpu.memory_space<hbm>>
      tpu.wait_dma2 semaphore(%arg14 : memref<!tpu.dma_semaphore, #tpu.memory_space<semaphore_mem>>) src(%dma_wait3A_35 : memref<80x16xf32, #tpu.memory_space<hbm>>) dst(%arg11 : memref<80x16xf32, #tpu.memory_space<vmem>>)
      "tpu.region"() ({
        %run_scoped3A = tpu.sem_alloc : memref<!tpu.dma_semaphore, #tpu.memory_space<semaphore_mem>>
        %dma_start3A_37 = arith.constant 0 : i32
        %dma_start3A_38 = arith.constant 0 : i32
        %dma_start3A_39 = tpu.memref_slice %arg12[%dma_start3A_37, %dma_start3A_38] : memref<10000x128xf32, #tpu.memory_space<vmem_shared>> -> memref<10000x128xf32, #tpu.memory_space<vmem_shared>>
        tpu.enqueue_indirect_dma source(%arg10 : memref<80x128xf32, #tpu.memory_space<vmem>>) target(%dma_start3A_39 : memref<10000x128xf32, #tpu.memory_space<vmem_shared>>) offsets(%arg9 : memref<80xi32, #tpu.memory_space<vmem>>) semaphore(%run_scoped3A : memref<!tpu.dma_semaphore, #tpu.memory_space<semaphore_mem>>) {add = true}
        %dma_wait3A_40 = arith.constant 0 : i32
        %dma_wait3A_41 = arith.constant 0 : i32
        %dma_wait3A_42 = tpu.memref_slice %arg12[%dma_wait3A_40, %dma_wait3A_41] : memref<10000x128xf32, #tpu.memory_space<vmem_shared>> -> memref<10000x128xf32, #tpu.memory_space<vmem_shared>>
        tpu.wait_indirect_dma semaphore(%run_scoped3A : memref<!tpu.dma_semaphore, #tpu.memory_space<semaphore_mem>>) src(%arg10 : memref<80x128xf32, #tpu.memory_space<vmem>>) dst(%dma_wait3A_42 : memref<10000x128xf32, #tpu.memory_space<vmem_shared>>)
        tpu.yield
      }) : () -> ()
      "tpu.region"() ({
        %run_scoped3A = tpu.sem_alloc : memref<!tpu.dma_semaphore, #tpu.memory_space<semaphore_mem>>
        %dma_start3A_37 = arith.constant 0 : i32
        %dma_start3A_38 = arith.constant 0 : i32
        %dma_start3A_39 = tpu.memref_slice %arg13[%dma_start3A_37, %dma_start3A_38] : memref<10000x16xf32, #tpu.memory_space<vmem_shared>> -> memref<10000x16xf32, #tpu.memory_space<vmem_shared>>
        tpu.enqueue_indirect_dma source(%arg11 : memref<80x16xf32, #tpu.memory_space<vmem>>) target(%dma_start3A_39 : memref<10000x16xf32, #tpu.memory_space<vmem_shared>>) offsets(%arg9 : memref<80xi32, #tpu.memory_space<vmem>>) semaphore(%run_scoped3A : memref<!tpu.dma_semaphore, #tpu.memory_space<semaphore_mem>>) {add = true}
        %dma_wait3A_40 = arith.constant 0 : i32
        %dma_wait3A_41 = arith.constant 0 : i32
        %dma_wait3A_42 = tpu.memref_slice %arg13[%dma_wait3A_40, %dma_wait3A_41] : memref<10000x16xf32, #tpu.memory_space<vmem_shared>> -> memref<10000x16xf32, #tpu.memory_space<vmem_shared>>
        tpu.wait_indirect_dma semaphore(%run_scoped3A : memref<!tpu.dma_semaphore, #tpu.memory_space<semaphore_mem>>) src(%arg11 : memref<80x16xf32, #tpu.memory_space<vmem>>) dst(%dma_wait3A_42 : memref<10000x16xf32, #tpu.memory_space<vmem_shared>>)
        tpu.yield
      }) : () -> ()
      %scan3A_36 = arith.constant 0 : i32
      scf.yield %scan3A_36 : i32
    }
    %scan3A_10 = arith.constant 125 : i32
    %barrier3A_11 = arith.constant 0 : index
    tpu.barrier barrier_id(%barrier3A_11)
    %eq3A_12 = arith.constant 0 : i32
    %eq3A_13 = arith.cmpi eq, %arg1, %eq3A_12 : i32
    %convert_element_type3A_14 = arith.extui %eq3A_13 : i1 to i32
    %cond3A_15 = arith.constant 0 : i32
    %cond3A_16 = arith.cmpi ne, %convert_element_type3A_14, %cond3A_15 : i32
    scf.if %cond3A_16 {
      "tpu.region"() ({
        %run_scoped3A = tpu.sem_alloc : memref<!tpu.dma_semaphore, #tpu.memory_space<semaphore_mem>>
        %dma_start3A = arith.constant 0 : i32
        %dma_start3A_17 = arith.constant 0 : i32
        %dma_start3A_18 = tpu.memref_slice %arg7[%arg0, %dma_start3A, %dma_start3A_17] : memref<2x10000x128xf32, #tpu.memory_space<hbm>> -> memref<1x10000x128xf32, #tpu.memory_space<hbm>>
        %dma_start3A_19 = tpu.memref_squeeze %dma_start3A_18 : memref<1x10000x128xf32, #tpu.memory_space<hbm>> -> memref<10000x128xf32, #tpu.memory_space<hbm>>
        tpu.enqueue_dma source(%arg12 : memref<10000x128xf32, #tpu.memory_space<vmem_shared>>) target(%dma_start3A_19 : memref<10000x128xf32, #tpu.memory_space<hbm>>) target_semaphore(%run_scoped3A : memref<!tpu.dma_semaphore, #tpu.memory_space<semaphore_mem>>)
        %dma_wait3A = arith.constant 0 : i32
        %dma_wait3A_20 = arith.constant 0 : i32
        %dma_wait3A_21 = tpu.memref_slice %arg7[%arg0, %dma_wait3A, %dma_wait3A_20] : memref<2x10000x128xf32, #tpu.memory_space<hbm>> -> memref<1x10000x128xf32, #tpu.memory_space<hbm>>
        %dma_wait3A_22 = tpu.memref_squeeze %dma_wait3A_21 : memref<1x10000x128xf32, #tpu.memory_space<hbm>> -> memref<10000x128xf32, #tpu.memory_space<hbm>>
        tpu.wait_dma2 semaphore(%run_scoped3A : memref<!tpu.dma_semaphore, #tpu.memory_space<semaphore_mem>>) src(%arg12 : memref<10000x128xf32, #tpu.memory_space<vmem_shared>>) dst(%dma_wait3A_22 : memref<10000x128xf32, #tpu.memory_space<hbm>>)
        tpu.yield
      }) : () -> ()
      "tpu.region"() ({
        %run_scoped3A = tpu.sem_alloc : memref<!tpu.dma_semaphore, #tpu.memory_space<semaphore_mem>>
        %dma_start3A = arith.constant 0 : i32
        %dma_start3A_17 = arith.constant 0 : i32
        %dma_start3A_18 = tpu.memref_slice %arg8[%arg0, %dma_start3A, %dma_start3A_17] : memref<2x10000x16xf32, #tpu.memory_space<hbm>> -> memref<1x10000x16xf32, #tpu.memory_space<hbm>>
        %dma_start3A_19 = tpu.memref_squeeze %dma_start3A_18 : memref<1x10000x16xf32, #tpu.memory_space<hbm>> -> memref<10000x16xf32, #tpu.memory_space<hbm>>
        tpu.enqueue_dma source(%arg13 : memref<10000x16xf32, #tpu.memory_space<vmem_shared>>) target(%dma_start3A_19 : memref<10000x16xf32, #tpu.memory_space<hbm>>) target_semaphore(%run_scoped3A : memref<!tpu.dma_semaphore, #tpu.memory_space<semaphore_mem>>)
        %dma_wait3A = arith.constant 0 : i32
        %dma_wait3A_20 = arith.constant 0 : i32
        %dma_wait3A_21 = tpu.memref_slice %arg8[%arg0, %dma_wait3A, %dma_wait3A_20] : memref<2x10000x16xf32, #tpu.memory_space<hbm>> -> memref<1x10000x16xf32, #tpu.memory_space<hbm>>
        %dma_wait3A_22 = tpu.memref_squeeze %dma_wait3A_21 : memref<1x10000x16xf32, #tpu.memory_space<hbm>> -> memref<10000x16xf32, #tpu.memory_space<hbm>>
        tpu.wait_dma2 semaphore(%run_scoped3A : memref<!tpu.dma_semaphore, #tpu.memory_space<semaphore_mem>>) src(%arg13 : memref<10000x16xf32, #tpu.memory_space<vmem_shared>>) dst(%dma_wait3A_22 : memref<10000x16xf32, #tpu.memory_space<hbm>>)
        tpu.yield
      }) : () -> ()
    } else {
    }
    return
  }
}

module attributes {stable_mosaic.version = 14 : i64} {
  func.func @body(%arg0: memref<10000x128xf32, #tpu.memory_space<vmem>>, %arg1: memref<128x128xf32, #tpu.memory_space<vmem>>, %arg2: memref<1x128xf32, #tpu.memory_space<vmem>>, %arg3: memref<128x128xf32, #tpu.memory_space<vmem>>, %arg4: memref<128x128xf32, #tpu.memory_space<vmem>>, %arg5: memref<10000x128xf32, #tpu.memory_space<vmem>>, %arg6: memref<10000x128xbf16, #tpu.memory_space<vmem>>, %arg7: memref<10000x128xbf16, #tpu.memory_space<vmem>>) attributes {dimension_semantics = [], scalar_prefetch = 0 : i64, scratch_operands = 0 : i64, tpu.core_type = #tpu.core_type<tc>} {
    %get3A = arith.constant 0 : index
    %get3A_0 = arith.constant 0 : index
    %get3A_1 = vector.load %arg0[%get3A, %get3A_0] : memref<10000x128xf32, #tpu.memory_space<vmem>>, vector<10000x128xf32>
    %get3A_2 = arith.constant 0 : index
    %get3A_3 = arith.constant 0 : index
    %get3A_4 = vector.load %arg1[%get3A_2, %get3A_3] : memref<128x128xf32, #tpu.memory_space<vmem>>, vector<128x128xf32>
    %dot_general3A = arith.constant dense<0.000000e+00> : vector<10000x128xf32>
    %dot_general3A_5 = tpu.matmul %get3A_1, %get3A_4, %dot_general3A {dimension_numbers = #tpu.dot_dimension_numbers<[1], [0], [0], [1], [0, 0, 1, 1], [], []>, transpose_lhs_hint = false} : vector<10000x128xf32>, vector<128x128xf32>, vector<10000x128xf32> -> vector<10000x128xf32>
    %get3A_6 = arith.constant 0 : index
    %get3A_7 = arith.constant 0 : index
    %get3A_8 = vector.load %arg2[%get3A_6, %get3A_7] : memref<1x128xf32, #tpu.memory_space<vmem>>, vector<1x128xf32>
    %add3A = vector.broadcast %get3A_8 : vector<1x128xf32> to vector<10000x128xf32>
    %add3A_9 = arith.addf %dot_general3A_5, %add3A : vector<10000x128xf32>
    %swap3A = arith.constant 0 : index
    %swap3A_10 = arith.constant 0 : index
    %swap3A_11 = vector.load %arg5[%swap3A, %swap3A_10] : memref<10000x128xf32, #tpu.memory_space<vmem>>, vector<10000x128xf32>
    tpu.vector_store %arg5[%swap3A, %swap3A_10], %add3A_9 {strides = array<i32>} : memref<10000x128xf32, #tpu.memory_space<vmem>>, vector<10000x128xf32>,
    %get3A_12 = arith.constant 0 : index
    %get3A_13 = arith.constant 0 : index
    %get3A_14 = vector.load %arg3[%get3A_12, %get3A_13] : memref<128x128xf32, #tpu.memory_space<vmem>>, vector<128x128xf32>
    %dot_general3A_15 = arith.constant dense<0.000000e+00> : vector<10000x128xf32>
    %dot_general3A_16 = tpu.matmul %add3A_9, %get3A_14, %dot_general3A_15 {dimension_numbers = #tpu.dot_dimension_numbers<[1], [0], [0], [1], [0, 0, 1, 1], [], []>, transpose_lhs_hint = false} : vector<10000x128xf32>, vector<128x128xf32>, vector<10000x128xf32> -> vector<10000x128xf32>
    %convert_element_type3A = arith.truncf %dot_general3A_16 : vector<10000x128xf32> to vector<10000x128xbf16>
    %swap3A_17 = arith.constant 0 : index
    %swap3A_18 = arith.constant 0 : index
    %swap3A_19 = vector.load %arg6[%swap3A_17, %swap3A_18] : memref<10000x128xbf16, #tpu.memory_space<vmem>>, vector<10000x128xbf16>
    tpu.vector_store %arg6[%swap3A_17, %swap3A_18], %convert_element_type3A {strides = array<i32>} : memref<10000x128xbf16, #tpu.memory_space<vmem>>, vector<10000x128xbf16>,
    %get3A_20 = arith.constant 0 : index
    %get3A_21 = arith.constant 0 : index
    %get3A_22 = vector.load %arg4[%get3A_20, %get3A_21] : memref<128x128xf32, #tpu.memory_space<vmem>>, vector<128x128xf32>
    %dot_general3A_23 = arith.constant dense<0.000000e+00> : vector<10000x128xf32>
    %dot_general3A_24 = tpu.matmul %add3A_9, %get3A_22, %dot_general3A_23 {dimension_numbers = #tpu.dot_dimension_numbers<[1], [0], [0], [1], [0, 0, 1, 1], [], []>, transpose_lhs_hint = false} : vector<10000x128xf32>, vector<128x128xf32>, vector<10000x128xf32> -> vector<10000x128xf32>
    %convert_element_type3A_25 = arith.truncf %dot_general3A_24 : vector<10000x128xf32> to vector<10000x128xbf16>
    %swap3A_26 = arith.constant 0 : index
    %swap3A_27 = arith.constant 0 : index
    %swap3A_28 = vector.load %arg7[%swap3A_26, %swap3A_27] : memref<10000x128xbf16, #tpu.memory_space<vmem>>, vector<10000x128xbf16>
    tpu.vector_store %arg7[%swap3A_26, %swap3A_27], %convert_element_type3A_25 {strides = array<i32>} : memref<10000x128xbf16, #tpu.memory_space<vmem>>, vector<10000x128xbf16>,
    return
  }
}

module attributes {stable_mosaic.version = 14 : i64} {
  func.func @body(%arg0: i32, %arg1: memref<2000x128xbf16, #tpu.memory_space<vmem>>, %arg2: memref<2000x128xbf16, #tpu.memory_space<vmem>>, %arg3: memref<2000x16xf32, #tpu.memory_space<vmem>>, %arg4: memref<2000x16xf32, #tpu.memory_space<vmem>>, %arg5: memref<2000x16xf32, #tpu.memory_space<vmem>>, %arg6: memref<16x128xf32, #tpu.memory_space<vmem>>, %arg7: memref<1x128xf32, #tpu.memory_space<vmem>>, %arg8: memref<1x128xf32, #tpu.memory_space<vmem>>, %arg9: memref<128x128xf32, #tpu.memory_space<vmem>>, %arg10: memref<1x128xf32, #tpu.memory_space<vmem>>, %arg11: memref<128x128xf32, #tpu.memory_space<vmem>>, %arg12: memref<1x128xf32, #tpu.memory_space<vmem>>, %arg13: memref<1x128xf32, #tpu.memory_space<vmem>>, %arg14: memref<2000x128xf32, #tpu.memory_space<vmem>>, %arg15: memref<2000x16xf32, #tpu.memory_space<vmem>>) attributes {dimension_semantics = [#tpu.dimension_semantics<arbitrary>], iteration_bounds = array<i64: 160>, scalar_prefetch = 0 : i64, scratch_operands = 0 : i64, tpu.core_type = #tpu.core_type<tc>, window_params = [{transform_indices = @transform_0, window_bounds = array<i64: 2000, 128>}, {transform_indices = @transform_1, window_bounds = array<i64: 2000, 128>}, {transform_indices = @transform_2, window_bounds = array<i64: 2000, 16>}, {transform_indices = @transform_3, window_bounds = array<i64: 2000, 16>}, {transform_indices = @transform_4, window_bounds = array<i64: 2000, 16>}, {pipeline_mode = #tpu.pipeline_mode<synchronous>, transform_indices = @transform_5, window_bounds = array<i64: 16, 128>}, {pipeline_mode = #tpu.pipeline_mode<synchronous>, transform_indices = @transform_6, window_bounds = array<i64: 1, 128>}, {pipeline_mode = #tpu.pipeline_mode<synchronous>, transform_indices = @transform_7, window_bounds = array<i64: 1, 128>}, {pipeline_mode = #tpu.pipeline_mode<synchronous>, transform_indices = @transform_8, window_bounds = array<i64: 128, 128>}, {pipeline_mode = #tpu.pipeline_mode<synchronous>, transform_indices = @transform_9, window_bounds = array<i64: 1, 128>}, {pipeline_mode = #tpu.pipeline_mode<synchronous>, transform_indices = @transform_10, window_bounds = array<i64: 128, 128>}, {pipeline_mode = #tpu.pipeline_mode<synchronous>, transform_indices = @transform_11, window_bounds = array<i64: 1, 128>}, {pipeline_mode = #tpu.pipeline_mode<synchronous>, transform_indices = @transform_12, window_bounds = array<i64: 1, 128>}, {transform_indices = @transform_13, window_bounds = array<i64: 2000, 128>}, {transform_indices = @transform_14, window_bounds = array<i64: 2000, 16>}]} {
    %get3A = arith.constant 0 : index
    %get3A_0 = arith.constant 0 : index
    %get3A_1 = vector.load %arg3[%get3A, %get3A_0] : memref<2000x16xf32, #tpu.memory_space<vmem>>, vector<2000x16xf32>
    %get3A_2 = arith.constant 0 : index
    %get3A_3 = arith.constant 0 : index
    %get3A_4 = vector.load %arg4[%get3A_2, %get3A_3] : memref<2000x16xf32, #tpu.memory_space<vmem>>, vector<2000x16xf32>
    %sub3A = arith.subf %get3A_1, %get3A_4 : vector<2000x16xf32>
    %mul3A = arith.mulf %sub3A, %sub3A : vector<2000x16xf32>
    %reduce_sum3A = arith.constant dense<0.000000e+00> : vector<2000xf32>
    %reduce_sum3A_5 = vector.multi_reduction <add>, %mul3A, %reduce_sum3A [1] : vector<2000x16xf32> to vector<2000xf32>
    %broadcast_in_dim3A = vector.shape_cast %reduce_sum3A_5 : vector<2000xf32> to vector<2000x1xf32>
    %get3A_6 = arith.constant 0 : index
    %get3A_7 = arith.constant 0 : index
    %get3A_8 = vector.load %arg1[%get3A_6, %get3A_7] : memref<2000x128xbf16, #tpu.memory_space<vmem>>, vector<2000x128xbf16>
    %convert_element_type3A = arith.extf %get3A_8 : vector<2000x128xbf16> to vector<2000x128xf32>
    %get3A_9 = arith.constant 0 : index
    %get3A_10 = arith.constant 0 : index
    %get3A_11 = vector.load %arg2[%get3A_9, %get3A_10] : memref<2000x128xbf16, #tpu.memory_space<vmem>>, vector<2000x128xbf16>
    %convert_element_type3A_12 = arith.extf %get3A_11 : vector<2000x128xbf16> to vector<2000x128xf32>
    %add3A = arith.addf %convert_element_type3A, %convert_element_type3A_12 : vector<2000x128xf32>
    %get3A_13 = arith.constant 0 : index
    %get3A_14 = arith.constant 0 : index
    %get3A_15 = vector.load %arg5[%get3A_13, %get3A_14] : memref<2000x16xf32, #tpu.memory_space<vmem>>, vector<2000x16xf32>
    %get3A_16 = arith.constant 0 : index
    %get3A_17 = arith.constant 0 : index
    %get3A_18 = vector.load %arg6[%get3A_16, %get3A_17] : memref<16x128xf32, #tpu.memory_space<vmem>>, vector<16x128xf32>
    %dot_general3A = arith.constant dense<0.000000e+00> : vector<2000x128xf32>
    %dot_general3A_19 = tpu.matmul %get3A_15, %get3A_18, %dot_general3A {dimension_numbers = #tpu.dot_dimension_numbers<[1], [0], [0], [1], [0, 0, 1, 1], [], []>, transpose_lhs_hint = false} : vector<2000x16xf32>, vector<16x128xf32>, vector<2000x128xf32> -> vector<2000x128xf32>
    %add3A_20 = arith.addf %add3A, %dot_general3A_19 : vector<2000x128xf32>
    %get3A_21 = arith.constant 0 : index
    %get3A_22 = arith.constant 0 : index
    %get3A_23 = vector.load %arg8[%get3A_21, %get3A_22] : memref<1x128xf32, #tpu.memory_space<vmem>>, vector<1x128xf32>
    %mul3A_24 = vector.broadcast %broadcast_in_dim3A : vector<2000x1xf32> to vector<2000x128xf32>
    %mul3A_25 = vector.broadcast %get3A_23 : vector<1x128xf32> to vector<2000x128xf32>
    %mul3A_26 = arith.mulf %mul3A_24, %mul3A_25 : vector<2000x128xf32>
    %add3A_27 = arith.addf %add3A_20, %mul3A_26 : vector<2000x128xf32>
    %get3A_28 = arith.constant 0 : index
    %get3A_29 = arith.constant 0 : index
    %get3A_30 = vector.load %arg7[%get3A_28, %get3A_29] : memref<1x128xf32, #tpu.memory_space<vmem>>, vector<1x128xf32>
    %add3A_31 = vector.broadcast %get3A_30 : vector<1x128xf32> to vector<2000x128xf32>
    %add3A_32 = arith.addf %add3A_27, %add3A_31 : vector<2000x128xf32>
    %logistic3A = arith.negf %add3A_32 : vector<2000x128xf32>
    %logistic3A_33 = math.exp %logistic3A : vector<2000x128xf32>
    %logistic3A_34 = arith.constant 1.000000e+00 : f32
    %logistic3A_35 = vector.broadcast %logistic3A_34 : f32 to vector<2000x128xf32>
    %logistic3A_36 = arith.addf %logistic3A_35, %logistic3A_33 : vector<2000x128xf32>
    %logistic3A_37 = arith.divf %logistic3A_35, %logistic3A_36 : vector<2000x128xf32>
    %mul3A_38 = arith.mulf %add3A_32, %logistic3A_37 : vector<2000x128xf32>
    %get3A_39 = arith.constant 0 : index
    %get3A_40 = arith.constant 0 : index
    %get3A_41 = vector.load %arg9[%get3A_39, %get3A_40] : memref<128x128xf32, #tpu.memory_space<vmem>>, vector<128x128xf32>
    %dot_general3A_42 = arith.constant dense<0.000000e+00> : vector<2000x128xf32>
    %dot_general3A_43 = tpu.matmul %mul3A_38, %get3A_41, %dot_general3A_42 {dimension_numbers = #tpu.dot_dimension_numbers<[1], [0], [0], [1], [0, 0, 1, 1], [], []>, transpose_lhs_hint = false} : vector<2000x128xf32>, vector<128x128xf32>, vector<2000x128xf32> -> vector<2000x128xf32>
    %get3A_44 = arith.constant 0 : index
    %get3A_45 = arith.constant 0 : index
    %get3A_46 = vector.load %arg10[%get3A_44, %get3A_45] : memref<1x128xf32, #tpu.memory_space<vmem>>, vector<1x128xf32>
    %add3A_47 = vector.broadcast %get3A_46 : vector<1x128xf32> to vector<2000x128xf32>
    %add3A_48 = arith.addf %dot_general3A_43, %add3A_47 : vector<2000x128xf32>
    %logistic3A_49 = arith.negf %add3A_48 : vector<2000x128xf32>
    %logistic3A_50 = math.exp %logistic3A_49 : vector<2000x128xf32>
    %logistic3A_51 = arith.constant 1.000000e+00 : f32
    %logistic3A_52 = vector.broadcast %logistic3A_51 : f32 to vector<2000x128xf32>
    %logistic3A_53 = arith.addf %logistic3A_52, %logistic3A_50 : vector<2000x128xf32>
    %logistic3A_54 = arith.divf %logistic3A_52, %logistic3A_53 : vector<2000x128xf32>
    %mul3A_55 = arith.mulf %add3A_48, %logistic3A_54 : vector<2000x128xf32>
    %get3A_56 = arith.constant 0 : index
    %get3A_57 = arith.constant 0 : index
    %get3A_58 = vector.load %arg11[%get3A_56, %get3A_57] : memref<128x128xf32, #tpu.memory_space<vmem>>, vector<128x128xf32>
    %dot_general3A_59 = arith.constant dense<0.000000e+00> : vector<2000x128xf32>
    %dot_general3A_60 = tpu.matmul %mul3A_55, %get3A_58, %dot_general3A_59 {dimension_numbers = #tpu.dot_dimension_numbers<[1], [0], [0], [1], [0, 0, 1, 1], [], []>, transpose_lhs_hint = false} : vector<2000x128xf32>, vector<128x128xf32>, vector<2000x128xf32> -> vector<2000x128xf32>
    %get3A_61 = arith.constant 0 : index
    %get3A_62 = arith.constant 0 : index
    %get3A_63 = vector.load %arg12[%get3A_61, %get3A_62] : memref<1x128xf32, #tpu.memory_space<vmem>>, vector<1x128xf32>
    %add3A_64 = vector.broadcast %get3A_63 : vector<1x128xf32> to vector<2000x128xf32>
    %add3A_65 = arith.addf %dot_general3A_60, %add3A_64 : vector<2000x128xf32>
    %logistic3A_66 = arith.negf %add3A_65 : vector<2000x128xf32>
    %logistic3A_67 = math.exp %logistic3A_66 : vector<2000x128xf32>
    %logistic3A_68 = arith.constant 1.000000e+00 : f32
    %logistic3A_69 = vector.broadcast %logistic3A_68 : f32 to vector<2000x128xf32>
    %logistic3A_70 = arith.addf %logistic3A_69, %logistic3A_67 : vector<2000x128xf32>
    %logistic3A_71 = arith.divf %logistic3A_69, %logistic3A_70 : vector<2000x128xf32>
    %mul3A_72 = arith.mulf %add3A_65, %logistic3A_71 : vector<2000x128xf32>
    %get3A_73 = arith.constant 0 : index
    %get3A_74 = arith.constant 0 : index
    %get3A_75 = vector.load %arg13[%get3A_73, %get3A_74] : memref<1x128xf32, #tpu.memory_space<vmem>>, vector<1x128xf32>
    %mul3A_76 = vector.broadcast %get3A_75 : vector<1x128xf32> to vector<2000x128xf32>
    %mul3A_77 = arith.mulf %mul3A_72, %mul3A_76 : vector<2000x128xf32>
    %reduce_sum3A_78 = arith.constant dense<0.000000e+00> : vector<2000xf32>
    %reduce_sum3A_79 = vector.multi_reduction <add>, %mul3A_77, %reduce_sum3A_78 [1] : vector<2000x128xf32> to vector<2000xf32>
    %broadcast_in_dim3A_80 = vector.shape_cast %reduce_sum3A_79 : vector<2000xf32> to vector<2000x1xf32>
    %iota3A = tpu.iota {dimensions = array<i32: 1>} : vector<2000x16xi32>
    %eq3A = arith.constant 15 : i32
    %eq3A_81 = vector.broadcast %eq3A : i32 to vector<2000x16xi32>
    %eq3A_82 = arith.cmpi eq, %iota3A, %eq3A_81 : vector<2000x16xi32>
    %jit3A = arith.constant 1.000000e+00 : f32
    %jit3A_83 = arith.constant 0.000000e+00 : f32
    %broadcast_in_dim3A_84 = vector.broadcast %jit3A : f32 to vector<2000x16xf32>
    %broadcast_in_dim3A_85 = vector.broadcast %jit3A_83 : f32 to vector<2000x16xf32>
    %select_n3A = arith.select %eq3A_82, %broadcast_in_dim3A_84, %broadcast_in_dim3A_85 : vector<2000x16xi1>, vector<2000x16xf32>
    %swap3A = arith.constant 0 : index
    %swap3A_86 = arith.constant 0 : index
    %swap3A_87 = vector.load %arg14[%swap3A, %swap3A_86] : memref<2000x128xf32, #tpu.memory_space<vmem>>, vector<2000x128xf32>
    tpu.vector_store %arg14[%swap3A, %swap3A_86], %mul3A_55 {strides = array<i32>} : memref<2000x128xf32, #tpu.memory_space<vmem>>, vector<2000x128xf32>,
    %mul3A_88 = vector.broadcast %broadcast_in_dim3A_80 : vector<2000x1xf32> to vector<2000x16xf32>
    %mul3A_89 = arith.mulf %sub3A, %mul3A_88 : vector<2000x16xf32>
    %add3A_90 = arith.addf %mul3A_89, %select_n3A : vector<2000x16xf32>
    %swap3A_91 = arith.constant 0 : index
    %swap3A_92 = arith.constant 0 : index
    %swap3A_93 = vector.load %arg15[%swap3A_91, %swap3A_92] : memref<2000x16xf32, #tpu.memory_space<vmem>>, vector<2000x16xf32>
    tpu.vector_store %arg15[%swap3A_91, %swap3A_92], %add3A_90 {strides = array<i32>} : memref<2000x16xf32, #tpu.memory_space<vmem>>, vector<2000x16xf32>,
    return
  }
  func.func @transform_0(%arg0: i32) -> (i32, i32) {
    %c0_i32 = arith.constant 0 : i32
    %c0_i32_0 = arith.constant 0 : i32
    return %arg0, %c0_i32 : i32, i32
  }
  func.func @transform_1(%arg0: i32) -> (i32, i32) {
    %c0_i32 = arith.constant 0 : i32
    %c0_i32_0 = arith.constant 0 : i32
    return %arg0, %c0_i32 : i32, i32
  }
  func.func @transform_2(%arg0: i32) -> (i32, i32) {
    %c0_i32 = arith.constant 0 : i32
    %c0_i32_0 = arith.constant 0 : i32
    return %arg0, %c0_i32 : i32, i32
  }
  func.func @transform_3(%arg0: i32) -> (i32, i32) {
    %c0_i32 = arith.constant 0 : i32
    %c0_i32_0 = arith.constant 0 : i32
    return %arg0, %c0_i32 : i32, i32
  }
  func.func @transform_4(%arg0: i32) -> (i32, i32) {
    %c0_i32 = arith.constant 0 : i32
    %c0_i32_0 = arith.constant 0 : i32
    return %arg0, %c0_i32 : i32, i32
  }
  func.func @transform_5(%arg0: i32) -> (i32, i32) {
    %c0_i32 = arith.constant 0 : i32
    %c0_i32_0 = arith.constant 0 : i32
    %c0_i32_1 = arith.constant 0 : i32
    return %c0_i32, %c0_i32_0 : i32, i32
  }
  func.func @transform_6(%arg0: i32) -> (i32, i32) {
    %c0_i32 = arith.constant 0 : i32
    %c0_i32_0 = arith.constant 0 : i32
    %c0_i32_1 = arith.constant 0 : i32
    return %c0_i32, %c0_i32_0 : i32, i32
  }
  func.func @transform_7(%arg0: i32) -> (i32, i32) {
    %c0_i32 = arith.constant 0 : i32
    %c0_i32_0 = arith.constant 0 : i32
    %c0_i32_1 = arith.constant 0 : i32
    return %c0_i32, %c0_i32_0 : i32, i32
  }
  func.func @transform_8(%arg0: i32) -> (i32, i32) {
    %c0_i32 = arith.constant 0 : i32
    %c0_i32_0 = arith.constant 0 : i32
    %c0_i32_1 = arith.constant 0 : i32
    return %c0_i32, %c0_i32_0 : i32, i32
  }
  func.func @transform_9(%arg0: i32) -> (i32, i32) {
    %c0_i32 = arith.constant 0 : i32
    %c0_i32_0 = arith.constant 0 : i32
    %c0_i32_1 = arith.constant 0 : i32
    return %c0_i32, %c0_i32_0 : i32, i32
  }
  func.func @transform_10(%arg0: i32) -> (i32, i32) {
    %c0_i32 = arith.constant 0 : i32
    %c0_i32_0 = arith.constant 0 : i32
    %c0_i32_1 = arith.constant 0 : i32
    return %c0_i32, %c0_i32_0 : i32, i32
  }
  func.func @transform_11(%arg0: i32) -> (i32, i32) {
    %c0_i32 = arith.constant 0 : i32
    %c0_i32_0 = arith.constant 0 : i32
    %c0_i32_1 = arith.constant 0 : i32
    return %c0_i32, %c0_i32_0 : i32, i32
  }
  func.func @transform_12(%arg0: i32) -> (i32, i32) {
    %c0_i32 = arith.constant 0 : i32
    %c0_i32_0 = arith.constant 0 : i32
    %c0_i32_1 = arith.constant 0 : i32
    return %c0_i32, %c0_i32_0 : i32, i32
  }
  func.func @transform_13(%arg0: i32) -> (i32, i32) {
    %c0_i32 = arith.constant 0 : i32
    %c0_i32_0 = arith.constant 0 : i32
    return %arg0, %c0_i32 : i32, i32
  }
  func.func @transform_14(%arg0: i32) -> (i32, i32) {
    %c0_i32 = arith.constant 0 : i32
    %c0_i32_0 = arith.constant 0 : i32
    return %arg0, %c0_i32 : i32, i32
  }
}

module attributes {stable_mosaic.version = 14 : i64} {
  func.func @body(%arg0: memref<10000x128xf32, #tpu.memory_space<vmem>>, %arg1: memref<10000x128xf32, #tpu.memory_space<vmem>>, %arg2: memref<10000x128xf32, #tpu.memory_space<vmem>>, %arg3: memref<10000x16xf32, #tpu.memory_space<vmem>>, %arg4: memref<10000x16xf32, #tpu.memory_space<vmem>>, %arg5: memref<10000x16xf32, #tpu.memory_space<vmem>>, %arg6: memref<128x128xf32, #tpu.memory_space<vmem>>, %arg7: memref<128x128xf32, #tpu.memory_space<vmem>>, %arg8: memref<1x128xf32, #tpu.memory_space<vmem>>, %arg9: memref<128x128xf32, #tpu.memory_space<vmem>>, %arg10: memref<1x128xf32, #tpu.memory_space<vmem>>, %arg11: memref<128x128xf32, #tpu.memory_space<vmem>>, %arg12: memref<128x128xf32, #tpu.memory_space<vmem>>, %arg13: memref<10000x128xf32, #tpu.memory_space<vmem>>, %arg14: memref<10000x16xf32, #tpu.memory_space<vmem>>, %arg15: memref<10000x128xbf16, #tpu.memory_space<vmem>>, %arg16: memref<10000x128xbf16, #tpu.memory_space<vmem>>) attributes {dimension_semantics = [], scalar_prefetch = 0 : i64, scratch_operands = 0 : i64, tpu.core_type = #tpu.core_type<tc>} {
    %get3A = arith.constant 0 : index
    %get3A_0 = arith.constant 0 : index
    %get3A_1 = vector.load %arg1[%get3A, %get3A_0] : memref<10000x128xf32, #tpu.memory_space<vmem>>, vector<10000x128xf32>
    %get3A_2 = arith.constant 0 : index
    %get3A_3 = arith.constant 0 : index
    %get3A_4 = vector.load %arg2[%get3A_2, %get3A_3] : memref<10000x128xf32, #tpu.memory_space<vmem>>, vector<10000x128xf32>
    %add3A = arith.addf %get3A_1, %get3A_4 : vector<10000x128xf32>
    %get3A_5 = arith.constant 0 : index
    %get3A_6 = arith.constant 0 : index
    %get3A_7 = vector.load %arg3[%get3A_5, %get3A_6] : memref<10000x16xf32, #tpu.memory_space<vmem>>, vector<10000x16xf32>
    %get3A_8 = arith.constant 0 : index
    %get3A_9 = arith.constant 0 : index
    %get3A_10 = vector.load %arg4[%get3A_8, %get3A_9] : memref<10000x16xf32, #tpu.memory_space<vmem>>, vector<10000x16xf32>
    %add3A_11 = arith.addf %get3A_7, %get3A_10 : vector<10000x16xf32>
    %slice3A = vector.extract_strided_slice %add3A_11 {offsets = [0, 15], sizes = [10000, 1], strides = [1, 1]} : vector<10000x16xf32> to vector<10000x1xf32>
    %max3A = arith.constant 1.000000e+00 : f32
    %max3A_12 = vector.broadcast %max3A : f32 to vector<10000x1xf32>
    %max3A_13 = arith.maximumf %slice3A, %max3A_12 : vector<10000x1xf32>
    %div3A = arith.constant 1.000000e+00 : f32
    %div3A_14 = vector.broadcast %div3A : f32 to vector<10000x1xf32>
    %div3A_15 = arith.divf %div3A_14, %max3A_13 : vector<10000x1xf32>
    %iota3A = tpu.iota {dimensions = array<i32: 1>} : vector<10000x16xi32>
    %lt3A = arith.constant 3 : i32
    %lt3A_16 = vector.broadcast %lt3A : i32 to vector<10000x16xi32>
    %lt3A_17 = arith.cmpi slt, %iota3A, %lt3A_16 : vector<10000x16xi32>
    %jit3A = arith.constant 1.000000e+00 : f32
    %jit3A_18 = arith.constant 0.000000e+00 : f32
    %broadcast_in_dim3A = vector.broadcast %jit3A : f32 to vector<10000x16xf32>
    %broadcast_in_dim3A_19 = vector.broadcast %jit3A_18 : f32 to vector<10000x16xf32>
    %select_n3A = arith.select %lt3A_17, %broadcast_in_dim3A, %broadcast_in_dim3A_19 : vector<10000x16xi1>, vector<10000x16xf32>
    %get3A_20 = arith.constant 0 : index
    %get3A_21 = arith.constant 0 : index
    %get3A_22 = vector.load %arg5[%get3A_20, %get3A_21] : memref<10000x16xf32, #tpu.memory_space<vmem>>, vector<10000x16xf32>
    %mul3A = arith.mulf %add3A_11, %select_n3A : vector<10000x16xf32>
    %mul3A_23 = vector.broadcast %div3A_15 : vector<10000x1xf32> to vector<10000x16xf32>
    %mul3A_24 = arith.mulf %mul3A, %mul3A_23 : vector<10000x16xf32>
    %add3A_25 = arith.addf %get3A_22, %mul3A_24 : vector<10000x16xf32>
    %swap3A = arith.constant 0 : index
    %swap3A_26 = arith.constant 0 : index
    %swap3A_27 = vector.load %arg14[%swap3A, %swap3A_26] : memref<10000x16xf32, #tpu.memory_space<vmem>>, vector<10000x16xf32>
    tpu.vector_store %arg14[%swap3A, %swap3A_26], %add3A_25 {strides = array<i32>} : memref<10000x16xf32, #tpu.memory_space<vmem>>, vector<10000x16xf32>,
    %get3A_28 = arith.constant 0 : index
    %get3A_29 = arith.constant 0 : index
    %get3A_30 = vector.load %arg0[%get3A_28, %get3A_29] : memref<10000x128xf32, #tpu.memory_space<vmem>>, vector<10000x128xf32>
    %get3A_31 = arith.constant 0 : index
    %get3A_32 = arith.constant 0 : index
    %get3A_33 = vector.load %arg6[%get3A_31, %get3A_32] : memref<128x128xf32, #tpu.memory_space<vmem>>, vector<128x128xf32>
    %dot_general3A = arith.constant dense<0.000000e+00> : vector<10000x128xf32>
    %dot_general3A_34 = tpu.matmul %get3A_30, %get3A_33, %dot_general3A {dimension_numbers = #tpu.dot_dimension_numbers<[1], [0], [0], [1], [0, 0, 1, 1], [], []>, transpose_lhs_hint = false} : vector<10000x128xf32>, vector<128x128xf32>, vector<10000x128xf32> -> vector<10000x128xf32>
    %get3A_35 = arith.constant 0 : index
    %get3A_36 = arith.constant 0 : index
    %get3A_37 = vector.load %arg7[%get3A_35, %get3A_36] : memref<128x128xf32, #tpu.memory_space<vmem>>, vector<128x128xf32>
    %dot_general3A_38 = arith.constant dense<0.000000e+00> : vector<10000x128xf32>
    %dot_general3A_39 = tpu.matmul %add3A, %get3A_37, %dot_general3A_38 {dimension_numbers = #tpu.dot_dimension_numbers<[1], [0], [0], [1], [0, 0, 1, 1], [], []>, transpose_lhs_hint = false} : vector<10000x128xf32>, vector<128x128xf32>, vector<10000x128xf32> -> vector<10000x128xf32>
    %add3A_40 = arith.addf %dot_general3A_34, %dot_general3A_39 : vector<10000x128xf32>
    %get3A_41 = arith.constant 0 : index
    %get3A_42 = arith.constant 0 : index
    %get3A_43 = vector.load %arg8[%get3A_41, %get3A_42] : memref<1x128xf32, #tpu.memory_space<vmem>>, vector<1x128xf32>
    %add3A_44 = vector.broadcast %get3A_43 : vector<1x128xf32> to vector<10000x128xf32>
    %add3A_45 = arith.addf %add3A_40, %add3A_44 : vector<10000x128xf32>
    %logistic3A = arith.negf %add3A_45 : vector<10000x128xf32>
    %logistic3A_46 = math.exp %logistic3A : vector<10000x128xf32>
    %logistic3A_47 = arith.constant 1.000000e+00 : f32
    %logistic3A_48 = vector.broadcast %logistic3A_47 : f32 to vector<10000x128xf32>
    %logistic3A_49 = arith.addf %logistic3A_48, %logistic3A_46 : vector<10000x128xf32>
    %logistic3A_50 = arith.divf %logistic3A_48, %logistic3A_49 : vector<10000x128xf32>
    %mul3A_51 = arith.mulf %add3A_45, %logistic3A_50 : vector<10000x128xf32>
    %get3A_52 = arith.constant 0 : index
    %get3A_53 = arith.constant 0 : index
    %get3A_54 = vector.load %arg9[%get3A_52, %get3A_53] : memref<128x128xf32, #tpu.memory_space<vmem>>, vector<128x128xf32>
    %dot_general3A_55 = arith.constant dense<0.000000e+00> : vector<10000x128xf32>
    %dot_general3A_56 = tpu.matmul %mul3A_51, %get3A_54, %dot_general3A_55 {dimension_numbers = #tpu.dot_dimension_numbers<[1], [0], [0], [1], [0, 0, 1, 1], [], []>, transpose_lhs_hint = false} : vector<10000x128xf32>, vector<128x128xf32>, vector<10000x128xf32> -> vector<10000x128xf32>
    %add3A_57 = arith.addf %get3A_30, %dot_general3A_56 : vector<10000x128xf32>
    %get3A_58 = arith.constant 0 : index
    %get3A_59 = arith.constant 0 : index
    %get3A_60 = vector.load %arg10[%get3A_58, %get3A_59] : memref<1x128xf32, #tpu.memory_space<vmem>>, vector<1x128xf32>
    %add3A_61 = vector.broadcast %get3A_60 : vector<1x128xf32> to vector<10000x128xf32>
    %add3A_62 = arith.addf %add3A_57, %add3A_61 : vector<10000x128xf32>
    %swap3A_63 = arith.constant 0 : index
    %swap3A_64 = arith.constant 0 : index
    %swap3A_65 = vector.load %arg13[%swap3A_63, %swap3A_64] : memref<10000x128xf32, #tpu.memory_space<vmem>>, vector<10000x128xf32>
    tpu.vector_store %arg13[%swap3A_63, %swap3A_64], %add3A_62 {strides = array<i32>} : memref<10000x128xf32, #tpu.memory_space<vmem>>, vector<10000x128xf32>,
    %get3A_66 = arith.constant 0 : index
    %get3A_67 = arith.constant 0 : index
    %get3A_68 = vector.load %arg11[%get3A_66, %get3A_67] : memref<128x128xf32, #tpu.memory_space<vmem>>, vector<128x128xf32>
    %dot_general3A_69 = arith.constant dense<0.000000e+00> : vector<10000x128xf32>
    %dot_general3A_70 = tpu.matmul %add3A_62, %get3A_68, %dot_general3A_69 {dimension_numbers = #tpu.dot_dimension_numbers<[1], [0], [0], [1], [0, 0, 1, 1], [], []>, transpose_lhs_hint = false} : vector<10000x128xf32>, vector<128x128xf32>, vector<10000x128xf32> -> vector<10000x128xf32>
    %convert_element_type3A = arith.truncf %dot_general3A_70 : vector<10000x128xf32> to vector<10000x128xbf16>
    %swap3A_71 = arith.constant 0 : index
    %swap3A_72 = arith.constant 0 : index
    %swap3A_73 = vector.load %arg15[%swap3A_71, %swap3A_72] : memref<10000x128xbf16, #tpu.memory_space<vmem>>, vector<10000x128xbf16>
    tpu.vector_store %arg15[%swap3A_71, %swap3A_72], %convert_element_type3A {strides = array<i32>} : memref<10000x128xbf16, #tpu.memory_space<vmem>>, vector<10000x128xbf16>,
    %get3A_74 = arith.constant 0 : index
    %get3A_75 = arith.constant 0 : index
    %get3A_76 = vector.load %arg12[%get3A_74, %get3A_75] : memref<128x128xf32, #tpu.memory_space<vmem>>, vector<128x128xf32>
    %dot_general3A_77 = arith.constant dense<0.000000e+00> : vector<10000x128xf32>
    %dot_general3A_78 = tpu.matmul %add3A_62, %get3A_76, %dot_general3A_77 {dimension_numbers = #tpu.dot_dimension_numbers<[1], [0], [0], [1], [0, 0, 1, 1], [], []>, transpose_lhs_hint = false} : vector<10000x128xf32>, vector<128x128xf32>, vector<10000x128xf32> -> vector<10000x128xf32>
    %convert_element_type3A_79 = arith.truncf %dot_general3A_78 : vector<10000x128xf32> to vector<10000x128xbf16>
    %swap3A_80 = arith.constant 0 : index
    %swap3A_81 = arith.constant 0 : index
    %swap3A_82 = vector.load %arg16[%swap3A_80, %swap3A_81] : memref<10000x128xbf16, #tpu.memory_space<vmem>>, vector<10000x128xbf16>
    tpu.vector_store %arg16[%swap3A_80, %swap3A_81], %convert_element_type3A_79 {strides = array<i32>} : memref<10000x128xbf16, #tpu.memory_space<vmem>>, vector<10000x128xbf16>,
    return
  }
}

module attributes {stable_mosaic.version = 14 : i64} {
  func.func @body(%arg0: memref<10000x128xf32, #tpu.memory_space<vmem>>, %arg1: memref<10000x128xf32, #tpu.memory_space<vmem>>, %arg2: memref<10000x128xf32, #tpu.memory_space<vmem>>, %arg3: memref<128x128xf32, #tpu.memory_space<vmem>>, %arg4: memref<128x128xf32, #tpu.memory_space<vmem>>, %arg5: memref<1x128xf32, #tpu.memory_space<vmem>>, %arg6: memref<128x128xf32, #tpu.memory_space<vmem>>, %arg7: memref<1x128xf32, #tpu.memory_space<vmem>>, %arg8: memref<128x128xf32, #tpu.memory_space<vmem>>, %arg9: memref<1x128xf32, #tpu.memory_space<vmem>>, %arg10: memref<10000x128xf32, #tpu.memory_space<vmem>>) attributes {dimension_semantics = [], scalar_prefetch = 0 : i64, scratch_operands = 0 : i64, tpu.core_type = #tpu.core_type<tc>} {
    %get3A = arith.constant 0 : index
    %get3A_0 = arith.constant 0 : index
    %get3A_1 = vector.load %arg1[%get3A, %get3A_0] : memref<10000x128xf32, #tpu.memory_space<vmem>>, vector<10000x128xf32>
    %get3A_2 = arith.constant 0 : index
    %get3A_3 = arith.constant 0 : index
    %get3A_4 = vector.load %arg2[%get3A_2, %get3A_3] : memref<10000x128xf32, #tpu.memory_space<vmem>>, vector<10000x128xf32>
    %add3A = arith.addf %get3A_1, %get3A_4 : vector<10000x128xf32>
    %get3A_5 = arith.constant 0 : index
    %get3A_6 = arith.constant 0 : index
    %get3A_7 = vector.load %arg0[%get3A_5, %get3A_6] : memref<10000x128xf32, #tpu.memory_space<vmem>>, vector<10000x128xf32>
    %get3A_8 = arith.constant 0 : index
    %get3A_9 = arith.constant 0 : index
    %get3A_10 = vector.load %arg3[%get3A_8, %get3A_9] : memref<128x128xf32, #tpu.memory_space<vmem>>, vector<128x128xf32>
    %dot_general3A = arith.constant dense<0.000000e+00> : vector<10000x128xf32>
    %dot_general3A_11 = tpu.matmul %get3A_7, %get3A_10, %dot_general3A {dimension_numbers = #tpu.dot_dimension_numbers<[1], [0], [0], [1], [0, 0, 1, 1], [], []>, transpose_lhs_hint = false} : vector<10000x128xf32>, vector<128x128xf32>, vector<10000x128xf32> -> vector<10000x128xf32>
    %get3A_12 = arith.constant 0 : index
    %get3A_13 = arith.constant 0 : index
    %get3A_14 = vector.load %arg4[%get3A_12, %get3A_13] : memref<128x128xf32, #tpu.memory_space<vmem>>, vector<128x128xf32>
    %dot_general3A_15 = arith.constant dense<0.000000e+00> : vector<10000x128xf32>
    %dot_general3A_16 = tpu.matmul %add3A, %get3A_14, %dot_general3A_15 {dimension_numbers = #tpu.dot_dimension_numbers<[1], [0], [0], [1], [0, 0, 1, 1], [], []>, transpose_lhs_hint = false} : vector<10000x128xf32>, vector<128x128xf32>, vector<10000x128xf32> -> vector<10000x128xf32>
    %add3A_17 = arith.addf %dot_general3A_11, %dot_general3A_16 : vector<10000x128xf32>
    %get3A_18 = arith.constant 0 : index
    %get3A_19 = arith.constant 0 : index
    %get3A_20 = vector.load %arg5[%get3A_18, %get3A_19] : memref<1x128xf32, #tpu.memory_space<vmem>>, vector<1x128xf32>
    %add3A_21 = vector.broadcast %get3A_20 : vector<1x128xf32> to vector<10000x128xf32>
    %add3A_22 = arith.addf %add3A_17, %add3A_21 : vector<10000x128xf32>
    %logistic3A = arith.negf %add3A_22 : vector<10000x128xf32>
    %logistic3A_23 = math.exp %logistic3A : vector<10000x128xf32>
    %logistic3A_24 = arith.constant 1.000000e+00 : f32
    %logistic3A_25 = vector.broadcast %logistic3A_24 : f32 to vector<10000x128xf32>
    %logistic3A_26 = arith.addf %logistic3A_25, %logistic3A_23 : vector<10000x128xf32>
    %logistic3A_27 = arith.divf %logistic3A_25, %logistic3A_26 : vector<10000x128xf32>
    %mul3A = arith.mulf %add3A_22, %logistic3A_27 : vector<10000x128xf32>
    %get3A_28 = arith.constant 0 : index
    %get3A_29 = arith.constant 0 : index
    %get3A_30 = vector.load %arg6[%get3A_28, %get3A_29] : memref<128x128xf32, #tpu.memory_space<vmem>>, vector<128x128xf32>
    %dot_general3A_31 = arith.constant dense<0.000000e+00> : vector<10000x128xf32>
    %dot_general3A_32 = tpu.matmul %mul3A, %get3A_30, %dot_general3A_31 {dimension_numbers = #tpu.dot_dimension_numbers<[1], [0], [0], [1], [0, 0, 1, 1], [], []>, transpose_lhs_hint = false} : vector<10000x128xf32>, vector<128x128xf32>, vector<10000x128xf32> -> vector<10000x128xf32>
    %add3A_33 = arith.addf %get3A_7, %dot_general3A_32 : vector<10000x128xf32>
    %get3A_34 = arith.constant 0 : index
    %get3A_35 = arith.constant 0 : index
    %get3A_36 = vector.load %arg7[%get3A_34, %get3A_35] : memref<1x128xf32, #tpu.memory_space<vmem>>, vector<1x128xf32>
    %add3A_37 = vector.broadcast %get3A_36 : vector<1x128xf32> to vector<10000x128xf32>
    %add3A_38 = arith.addf %add3A_33, %add3A_37 : vector<10000x128xf32>
    %get3A_39 = arith.constant 0 : index
    %get3A_40 = arith.constant 0 : index
    %get3A_41 = vector.load %arg8[%get3A_39, %get3A_40] : memref<128x128xf32, #tpu.memory_space<vmem>>, vector<128x128xf32>
    %dot_general3A_42 = arith.constant dense<0.000000e+00> : vector<10000x128xf32>
    %dot_general3A_43 = tpu.matmul %add3A_38, %get3A_41, %dot_general3A_42 {dimension_numbers = #tpu.dot_dimension_numbers<[1], [0], [0], [1], [0, 0, 1, 1], [], []>, transpose_lhs_hint = false} : vector<10000x128xf32>, vector<128x128xf32>, vector<10000x128xf32> -> vector<10000x128xf32>
    %get3A_44 = arith.constant 0 : index
    %get3A_45 = arith.constant 0 : index
    %get3A_46 = vector.load %arg9[%get3A_44, %get3A_45] : memref<1x128xf32, #tpu.memory_space<vmem>>, vector<1x128xf32>
    %add3A_47 = vector.broadcast %get3A_46 : vector<1x128xf32> to vector<10000x128xf32>
    %add3A_48 = arith.addf %dot_general3A_43, %add3A_47 : vector<10000x128xf32>
    %swap3A = arith.constant 0 : index
    %swap3A_49 = arith.constant 0 : index
    %swap3A_50 = vector.load %arg10[%swap3A, %swap3A_49] : memref<10000x128xf32, #tpu.memory_space<vmem>>, vector<10000x128xf32>
    tpu.vector_store %arg10[%swap3A, %swap3A_49], %add3A_48 {strides = array<i32>} : memref<10000x128xf32, #tpu.memory_space<vmem>>, vector<10000x128xf32>,
    return
  }
}

module attributes {stable_mosaic.version = 14 : i64} {
  func.func @body(%arg0: memref<10000x128xf32, #tpu.memory_space<vmem>>, %arg1: memref<10000x1xi32, #tpu.memory_space<vmem>>, %arg2: memref<64x16xf32, #tpu.memory_space<vmem>>, %arg3: memref<64x16xf32, #tpu.memory_space<vmem>>, %arg4: memref<160x128xf32, #tpu.memory_space<vmem>>, %arg5: memref<1x128xf32, #tpu.memory_space<vmem>>, %arg6: memref<128x160xf32, #tpu.memory_space<vmem>>, %arg7: memref<1x160xf32, #tpu.memory_space<vmem>>, %arg8: memref<160x1000xf32, #tpu.memory_space<vmem>>, %arg9: memref<1x1000xf32, #tpu.memory_space<vmem>>, %arg10: memref<64x1000xf32, #tpu.memory_space<vmem>>, %arg11: memref<64x128xf32, #tpu.memory_space<vmem>>) attributes {dimension_semantics = [], scalar_prefetch = 0 : i64, scratch_operands = 1 : i64, tpu.core_type = #tpu.core_type<tc>} {
    %get3A = arith.constant 0 : index
    %get3A_0 = arith.constant 0 : index
    %get3A_1 = vector.load %arg0[%get3A, %get3A_0] : memref<10000x128xf32, #tpu.memory_space<vmem>>, vector<10000x128xf32>
    %get3A_2 = arith.constant 0 : index
    %get3A_3 = arith.constant 0 : index
    %get3A_4 = vector.load %arg1[%get3A_2, %get3A_3] : memref<10000x1xi32, #tpu.memory_space<vmem>>, vector<10000x1xi32>
    %scan3A = arith.constant 0 : i32
    %scan3A_5 = arith.constant 64 : i32
    %scan3A_6 = arith.addi %scan3A, %scan3A_5 : i32
    %scan3A_7 = arith.constant 1 : i32
    scf.for %scan3A_54 = %scan3A to %scan3A_6 step %scan3A_7  : i32 {
      %eq3A = vector.broadcast %scan3A_54 : i32 to vector<10000x1xi32>
      %eq3A_55 = arith.cmpi eq, %get3A_4, %eq3A : vector<10000x1xi32>
      %jit3A = arith.constant -3.000000e+38 : f32
      %broadcast_in_dim3A = vector.shape_cast %eq3A_55 : vector<10000x1xi1> to vector<10000x1xi1>
      %broadcast_in_dim3A_56 = vector.broadcast %broadcast_in_dim3A : vector<10000x1xi1> to vector<10000x128xi1>
      %broadcast_in_dim3A_57 = vector.broadcast %jit3A : f32 to vector<10000x128xf32>
      %select_n3A = arith.select %broadcast_in_dim3A_56, %get3A_1, %broadcast_in_dim3A_57 : vector<10000x128xi1>, vector<10000x128xf32>
      %reduce_max3A = arith.constant dense<0xFF800000> : vector<128xf32>
      %reduce_max3A_58 = vector.multi_reduction <maximumf>, %select_n3A, %reduce_max3A [0] : vector<10000x128xf32> to vector<128xf32>
      %broadcast_in_dim3A_59 = vector.shape_cast %reduce_max3A_58 : vector<128xf32> to vector<1x128xf32>
      %swap3A_60 = arith.index_cast %scan3A_54 : i32 to index
      %swap3A_61 = arith.constant 0 : index
      %swap3A_62 = vector.load %arg11[%swap3A_60, %swap3A_61] : memref<64x128xf32, #tpu.memory_space<vmem>>, vector<1x128xf32>
      tpu.vector_store %arg11[%swap3A_60, %swap3A_61], %broadcast_in_dim3A_59 {strides = array<i32>} : memref<64x128xf32, #tpu.memory_space<vmem>>, vector<1x128xf32>,
    }
    %scan3A_8 = arith.constant 64 : i32
    %get3A_9 = arith.constant 0 : index
    %get3A_10 = arith.constant 0 : index
    %get3A_11 = vector.load %arg11[%get3A_9, %get3A_10] : memref<64x128xf32, #tpu.memory_space<vmem>>, vector<64x128xf32>
    %get3A_12 = arith.constant 0 : index
    %get3A_13 = arith.constant 0 : index
    %get3A_14 = vector.load %arg2[%get3A_12, %get3A_13] : memref<64x16xf32, #tpu.memory_space<vmem>>, vector<64x16xf32>
    %get3A_15 = arith.constant 0 : index
    %get3A_16 = arith.constant 0 : index
    %get3A_17 = vector.load %arg3[%get3A_15, %get3A_16] : memref<64x16xf32, #tpu.memory_space<vmem>>, vector<64x16xf32>
    %concatenate3A = tpu.concatenate %get3A_11, %get3A_14, %get3A_17 in 1 : vector<64x128xf32>, vector<64x16xf32>, vector<64x16xf32> -> vector<64x160xf32>
    %get3A_18 = arith.constant 0 : index
    %get3A_19 = arith.constant 0 : index
    %get3A_20 = vector.load %arg4[%get3A_18, %get3A_19] : memref<160x128xf32, #tpu.memory_space<vmem>>, vector<160x128xf32>
    %dot_general3A = arith.constant dense<0.000000e+00> : vector<64x128xf32>
    %dot_general3A_21 = tpu.matmul %concatenate3A, %get3A_20, %dot_general3A {dimension_numbers = #tpu.dot_dimension_numbers<[1], [0], [0], [1], [0, 0, 1, 1], [], []>, transpose_lhs_hint = false} : vector<64x160xf32>, vector<160x128xf32>, vector<64x128xf32> -> vector<64x128xf32>
    %get3A_22 = arith.constant 0 : index
    %get3A_23 = arith.constant 0 : index
    %get3A_24 = vector.load %arg5[%get3A_22, %get3A_23] : memref<1x128xf32, #tpu.memory_space<vmem>>, vector<1x128xf32>
    %add3A = vector.broadcast %get3A_24 : vector<1x128xf32> to vector<64x128xf32>
    %add3A_25 = arith.addf %dot_general3A_21, %add3A : vector<64x128xf32>
    %logistic3A = arith.negf %add3A_25 : vector<64x128xf32>
    %logistic3A_26 = math.exp %logistic3A : vector<64x128xf32>
    %logistic3A_27 = arith.constant 1.000000e+00 : f32
    %logistic3A_28 = vector.broadcast %logistic3A_27 : f32 to vector<64x128xf32>
    %logistic3A_29 = arith.addf %logistic3A_28, %logistic3A_26 : vector<64x128xf32>
    %logistic3A_30 = arith.divf %logistic3A_28, %logistic3A_29 : vector<64x128xf32>
    %mul3A = arith.mulf %add3A_25, %logistic3A_30 : vector<64x128xf32>
    %get3A_31 = arith.constant 0 : index
    %get3A_32 = arith.constant 0 : index
    %get3A_33 = vector.load %arg6[%get3A_31, %get3A_32] : memref<128x160xf32, #tpu.memory_space<vmem>>, vector<128x160xf32>
    %dot_general3A_34 = arith.constant dense<0.000000e+00> : vector<64x160xf32>
    %dot_general3A_35 = tpu.matmul %mul3A, %get3A_33, %dot_general3A_34 {dimension_numbers = #tpu.dot_dimension_numbers<[1], [0], [0], [1], [0, 0, 1, 1], [], []>, transpose_lhs_hint = false} : vector<64x128xf32>, vector<128x160xf32>, vector<64x160xf32> -> vector<64x160xf32>
    %get3A_36 = arith.constant 0 : index
    %get3A_37 = arith.constant 0 : index
    %get3A_38 = vector.load %arg7[%get3A_36, %get3A_37] : memref<1x160xf32, #tpu.memory_space<vmem>>, vector<1x160xf32>
    %add3A_39 = vector.broadcast %get3A_38 : vector<1x160xf32> to vector<64x160xf32>
    %add3A_40 = arith.addf %dot_general3A_35, %add3A_39 : vector<64x160xf32>
    %add3A_41 = arith.addf %concatenate3A, %add3A_40 : vector<64x160xf32>
    %get3A_42 = arith.constant 0 : index
    %get3A_43 = arith.constant 0 : index
    %get3A_44 = vector.load %arg8[%get3A_42, %get3A_43] : memref<160x1000xf32, #tpu.memory_space<vmem>>, vector<160x1000xf32>
    %dot_general3A_45 = arith.constant dense<0.000000e+00> : vector<64x1000xf32>
    %dot_general3A_46 = tpu.matmul %add3A_41, %get3A_44, %dot_general3A_45 {dimension_numbers = #tpu.dot_dimension_numbers<[1], [0], [0], [1], [0, 0, 1, 1], [], []>, transpose_lhs_hint = false} : vector<64x160xf32>, vector<160x1000xf32>, vector<64x1000xf32> -> vector<64x1000xf32>
    %get3A_47 = arith.constant 0 : index
    %get3A_48 = arith.constant 0 : index
    %get3A_49 = vector.load %arg9[%get3A_47, %get3A_48] : memref<1x1000xf32, #tpu.memory_space<vmem>>, vector<1x1000xf32>
    %add3A_50 = vector.broadcast %get3A_49 : vector<1x1000xf32> to vector<64x1000xf32>
    %add3A_51 = arith.addf %dot_general3A_46, %add3A_50 : vector<64x1000xf32>
    %swap3A = arith.constant 0 : index
    %swap3A_52 = arith.constant 0 : index
    %swap3A_53 = vector.load %arg10[%swap3A, %swap3A_52] : memref<64x1000xf32, #tpu.memory_space<vmem>>, vector<64x1000xf32>
    tpu.vector_store %arg10[%swap3A, %swap3A_52], %add3A_51 {strides = array<i32>} : memref<64x1000xf32, #tpu.memory_space<vmem>>, vector<64x1000xf32>,
    return
  }
}

</mosaic_0001>

<sc_bundles>
// kernel: kernel.20.cloned.1.call-start
scs
__scs_entry_jumppad:
0x0: {  	(pc) =	sbr.rel $0x88, $3  }
0x1: {  	(tag) =	ssettag $0x0;
	lr =	simm.s32 $0x1  }
0x2: {  	[smem:$0x3F64] =	sst lr;
	_ =	strace $0xD0000000  }
0x3: {  	_ = 	snop  }
0x4: {  	_ = 	snop  }
0x5: {  	_ = 	snop  }
0x6: {  	_ = 	snop  }
0x7: {  	_ = 	snop  }
__scs_overlays_trampoline_lowered:
0x8: {  	[smem:$0x3F73] =	sst s0  }
0x9: {  	[smem:$0x3F74] =	sst s1  }
0xa: {  	[smem:$0x3F75] =	sst s2  }
0xb: {  	[smem:$0x3F76] =	sst s3  }
0xc: {  	[smem:$0x3F77] =	sst s4  }
0xd: {  	[smem:$0x3F78] =	sst s5  }
0xe: {  	[smem:$0x3F79] =	sst s6  }
0xf: {  	[smem:$0x3F7A] =	sst s7  }
0x10: {  	[smem:$0x3F7B] =	sst s8  }
0x11: {  	[smem:$0x3F7C] =	sst s9;
	s0 =	simm.s32 @!p0 $0x0  }
0x12: {  	s1 =	sld [smem:$0x3F62];
	s0 =	simm.s32 @p0 $0x1  }
0x13: {  	[smem:$0x3F7D] =	sst s0;
	s0 =	simm.s32 @!p1 $0x0  }
0x14: {  	s2 =	sld [smem:$0x3F61];
	s0 =	simm.s32 @p1 $0x1  }
0x15: {  	[smem:$0x3F7E] =	sst s0;
	s0 =	simm.s32 @!p2 $0x0  }
0x16: {  	s3 =	sld [smem:$0x3FDB];
	s0 =	simm.s32 @p2 $0x1  }
0x17: {  	s4 =	simm.s32 $0x1BF5;
	[smem:$0x3F80] =	sst s0  }
0x18: {  	s0 =	sld [smem:$0x3F63];
	_ =	swait.ge [sflag:s4], $0x0  }
0x19: {  	s7 =	sld [smem:$0x3F64]  }
0x1a: {  	s8 =	sadd.s32 $0xFFFFE003, lr  }
0x1b: {  	s9 =	sadd.s32 $0xFFFFFEF7, lr;
	s5 =	simm.s32 $0xFFFFFFFF;
	p2 =	slt.u32 s8, $0xFFFFF086  }
0x1c: {  	p1 =	slt.u32 s9, $0xF7A;
	s5 =	simm.s32 @!p2 $0x0  }
0x1d: {  	s5 =	simm.s32 @p1 $0x1;
	p0 =	seq.s32 s7, s2  }
0x1e: {  	s7 =	smul.u32 @!p0 $0xF7A, s2;
	p2 =	seq.s32 @!p0 s5, $0x0  }
0x1f: {  	s9 =	smul.u32 $0xF7A, s1;
	s8 =	simm.s32 @!p0 $0x1BF5;
	p2 =	por !p2, p0  }
0x20: {  	[sflag:s8] =	ssyncset.s32 @!p0 $0xFFFFF086;
	s6 =	sadd.s32 @!p0 s3, s7;
	s7 =	simm.s32 @!p0 $0x108  }
0x21: {  	s3 =	sadd.s32 s3, s9;
	s6 =	sadd.s32 @!p0 $0x88, s6;
	s7 =	simm.s32 @p2 $0x1082  }
0x22: {  	[simem:s7], [sflag:s8] =	dma.local @!p0 [hbm:s6], $0xF7A  }
0x23: {  	s9 =	sor.u32 $0xD0000000, s2;
	s6 =	simm.s32 $0x108;
	_ =	swait.ge @!p0 [sflag:s8], $0x0  }
0x24: {  	s3 =	sadd.s32 $0x88, s3;
	s6 =	simm.s32 @!p1 $0x1082;
	[sflag:s4] =	ssyncset.s32 $0xFFFFF086  }
0x25: {  	[simem:s6], [sflag:s4] =	dma.local [hbm:s3], $0xF7A  }
0x26: {  	[smem:$0x3F64] =	sst s1;
	(tag) =	ssettag s2;
	_ =	strace s9  }
0x27: {  	s1 =	sld [smem:$0x3F74]  }
0x28: {  	s2 =	sld [smem:$0x3F75]  }
0x29: {  	s4 =	sld [smem:$0x3F77]  }
0x2a: {  	p0 =	seq.s32 s5, $0x0;
	s5 =	sld [smem:$0x3F78]  }
0x2b: {  	s6 =	sld [smem:$0x3F79]  }
0x2c: {  	s7 =	sld [smem:$0x3F7A]  }
0x2d: {  	s3 =	simm.s32 $0x108;
	s8 =	sld [smem:$0x3F7B]  }
0x2e: {  	s3 =	simm.s32 @!p0 $0x1082;
	s9 =	sld [smem:$0x3F7C]  }
0x2f: {  	lr =	sadd.s32 s0, s3;
	s0 =	sld [smem:$0x3F73]  }
0x30: {  	s3 =	sld [smem:$0x3F76]  }
0x31: {  	[smem:$0x3F7F] =	sst s10  }
0x32: {  	s10 =	sld [smem:$0x3F7D];
	_ =	sdelay $0x3  }
0x33: {  	p0 =	seq.s32 s10, $0x1;
	s10 =	sld [smem:$0x3F7F];
	_ =	sdelay $0x3  }
0x34: {  	[smem:$0x3F7F] =	sst s10  }
0x35: {  	s10 =	sld [smem:$0x3F7E];
	_ =	sdelay $0x3  }
0x36: {  	p1 =	seq.s32 s10, $0x1;
	s10 =	sld [smem:$0x3F7F];
	_ =	sdelay $0x3  }
0x37: {  	[smem:$0x3F7F] =	sst s10  }
0x38: {  	s10 =	sld [smem:$0x3F80]  }
0x39: {  	_ = 	snop;
	(pc) =	sbr.ind lr, $3  }
0x3a: {  	_ = 	snop  }
0x3b: {  	_ = 	snop  }
0x3c: {  	p2 =	seq.s32 s10, $0x1;
	s10 =	sld [smem:$0x3F7F]  }
0x3d: {  	_ =	shalt  }
0x3e: {  	_ =	shalt  }
0x3f: {  	_ =	shalt  }
0x40: {  	_ =	shalt  }
0x41: {  	_ =	shalt  }
0x42: {  	_ =	shalt  }
0x43: {  	_ =	shalt  }
0x44: {  	_ =	shalt  }
0x45: {  	_ =	shalt  }
0x46: {  	_ =	shalt  }
0x47: {  	_ =	shalt  }
0x48: {  	_ =	shalt  }
0x49: {  	_ =	shalt  }
0x4a: {  	_ =	shalt  }
0x4b: {  	_ =	shalt  }
0x4c: {  	_ =	shalt  }
0x4d: {  	_ =	shalt  }
0x4e: {  	_ =	shalt  }
0x4f: {  	_ =	shalt  }
0x50: {  	_ =	shalt  }
0x51: {  	_ =	shalt  }
0x52: {  	_ =	shalt  }
0x53: {  	_ =	shalt  }
0x54: {  	_ =	shalt  }
0x55: {  	_ =	shalt  }
0x56: {  	_ =	shalt  }
0x57: {  	_ =	shalt  }
0x58: {  	_ =	shalt  }
0x59: {  	_ =	shalt  }
0x5a: {  	_ =	shalt  }
0x5b: {  	_ =	shalt  }
0x5c: {  	_ =	shalt  }
0x5d: {  	_ =	shalt  }
0x5e: {  	_ =	shalt  }
0x5f: {  	_ =	shalt  }
0x60: {  	_ =	shalt  }
0x61: {  	_ =	shalt  }
0x62: {  	_ =	shalt  }
0x63: {  	_ =	shalt  }
0x64: {  	_ =	shalt  }
0x65: {  	_ =	shalt  }
0x66: {  	_ =	shalt  }
0x67: {  	_ =	shalt  }
0x68: {  	_ =	shalt  }
0x69: {  	_ =	shalt  }
0x6a: {  	_ =	shalt  }
0x6b: {  	_ =	shalt  }
0x6c: {  	_ =	shalt  }
0x6d: {  	_ =	shalt  }
0x6e: {  	_ =	shalt  }
0x6f: {  	_ =	shalt  }
0x70: {  	_ =	shalt  }
0x71: {  	_ =	shalt  }
0x72: {  	_ =	shalt  }
0x73: {  	_ =	shalt  }
0x74: {  	_ =	shalt  }
0x75: {  	_ =	shalt  }
0x76: {  	_ =	shalt  }
0x77: {  	_ =	shalt  }
0x78: {  	_ =	shalt  }
0x79: {  	_ =	shalt  }
0x7a: {  	_ =	shalt  }
0x7b: {  	_ =	shalt  }
0x7c: {  	_ =	shalt  }
0x7d: {  	_ =	shalt  }
0x7e: {  	_ =	shalt  }
0x7f: {  	_ =	shalt  }
0x80: {  	_ =	shalt  }
0x81: {  	_ =	shalt  }
0x82: {  	_ =	shalt  }
0x83: {  	_ =	shalt  }
0x84: {  	_ =	shalt  }
0x85: {  	_ =	shalt  }
0x86: {  	_ =	shalt  }
0x87: {  	_ =	shalt  }
.Lfunc_end0:
.L_simem_size_0:
called_computation_lowered:
.L_overlay_start_0:
0x88: {  	s2 =	sld [smem:$0x3FD9]  }
0x89: {  	s3 =	sld [smem:$0x3FFE];
	_ =	sdelay $0x1  }
0x8a: {  	s1 =	srdreg.scid  }
0x8b: {  	s0 =	sand.u32 $0x1, s1  }
0x8c: {  	s16 =	sshll.u32 s0, $0xA;
	s2 =	sadd.s32 s3, s2  }
0x8d: {  	s2 =	sadd.s32 s2, s16  }
0x8e: {  	[smem:$0x3F8B] =	sst s2  }
0x8f: {  	_ = 	snop  }
0x90: {  	(tm) =	ssettm $0x1  }
0x91: {  	s17 =	sld [smem:$0x3FFB];
	_ =	sdelay $0x3  }
0x92: {  	_ =	strace s17  }
0x93: {  	s2 =	sld [smem:$0x3FFC];
	_ =	sdelay $0x3  }
0x94: {  	_ =	strace s2  }
0x95: {  	s2 =	sld [smem:$0x3FFD];
	_ =	sdelay $0x3  }
0x96: {  	_ =	strace s2  }
0x97: {  	_ =	strace $0x8FFFFFFF  }
0x98: {  	s18 =	sld [smem:$0x3FDB];
	_ =	sdelay $0x1  }
0x99: {  	s19 =	simm.s32 $_scs_section_size  }
0x9a: {  	s4 =	simm.s32 $_size__tile_overlayer_lowered;
	s5 =	simm.s32 $_tile_overlayer_lowered  }
0x9b: {  	s22 =	simm.s32 $0x1BFF;
	s21 =	sshll.u32 s5, $0x1;
	s2 =	sadd.s32 s19, s18  }
0x9c: {  	s6 =	simm.s32 $0x0;
	s20 =	sshll.u32 s4, $0x1;
	s4 =	sadd.s32 s21, s2  }
0x9d: {  	[timem:s6], [sflag:s22] =	dma.local [hbm:s4], s20  }
0x9e: {  	_ =	swait.ge [sflag:s22], s20  }
0x9f: {  	s3 =	ssub.s32 $0x0, s20;
	[sflag:s22] =	ssyncset.done $0x0  }
0xa0: {  	[sflag:s22] =	ssyncadd.s32 s3;
	_ =	sdelay $0x1  }
0xa1: {  	s23 =	simm.s32 $0x1B8B  }
0xa2: {  	_ =	swait.ge [sflag:s23], $0x1  }
0xa3: {  	[sflag:s23] =	ssyncset.done $0x0  }
0xa4: {  	s25 =	simm.s32 $0x1B8E;
	s24 =	sld [smem:$0x3FFE];
	[sflag:s23] =	ssyncadd.s32 $0xFFFFFFFF  }
0xa5: {  	s26 =	simm.s32 $execute0_lowered;
	[smem:$0x3FD2] =	sst s25  }
0xa6: {  	s4 =	sshll.u32 s26, $0x1;
	_ =	strace $0x80000046;
	[dreg:$0x1] =	wrdreg $0xFFFFFFFF  }
0xa7: {  	s28 =	simm.s32 $_size_execute0_lowered;
	s2 =	sadd.s32 s2, s4;
	[dreg:$0x0] =	wrdreg $0x0  }
0xa8: {  	s4 =	sshll.u32 s28, $0x1;
	[dreg:$0x2] =	wrdreg s2  }
0xa9: {  	[dreg:$0x3] =	wrdreg s4  }
0xaa: {  	[dreg:$0x4] =	wrdreg $0xC0  }
0xab: {  	_ =	task [dreg:s6], $0x5FFFF  }
0xac: {  	[dreg:$0x1] =	wrdreg $0xFFFFFFFF  }
0xad: {  	[dreg:$0x0] =	wrdreg $0x60  }
0xae: {  	[dreg:$0x2] =	wrdreg s24  }
0xaf: {  	[dreg:$0x3] =	wrdreg $0x9  }
0xb0: {  	_ =	task.clear_ibuf [dreg:s6], $0x4FFFF;
	_ =	strace $0x90000046  }
0xb1: {  	s29 =	simm.s32 $0x9;
	_ =	strace $0x80000048  }
0xb2: {  	_ =	swait.ge [sflag:s29], $0x1  }
0xb3: {  	[sflag:s29] =	ssyncadd.s32 $0xFFFFFFFF  }
0xb4: {  	_ =	strace $0x90000048  }
0xb5: {  	_ =	sfence  }
0xb6: {  	s30 =	sld [smem:$0x0];
	_ =	sdelay $0x2  }
0xb7: {  	s31 =	sshll.u32 s1, $0xD;
	s1 =	sshrl.u32 s1, $0x2  }
0xb8: {  	s3 =	sand.u32 $0x4000, s31;
	s1 =	sadd.s32 s1, s30  }
0xb9: {  	s0 =	sor.u32 s3, s0;
	s1 =	sshll.u32 s1, $0x11  }
0xba: {  	s0 =	sor.u32 s1, s0  }
0xbb: {  	s0 =	sadd.s32 $0x8F2B, s0  }
0xbc: {  	[sflag:s0] =	ssyncadd.remote.s32 $0x1  }
0xbd: {  	_ =	sfence.sel $0xFFFF  }
0xbe: {  	[dreg:$0x0] =	wrdreg $0xFFFFFFFF;
	(pc) =	sbr.abs _section_cstart, $3  }
0xbf: {  	[dreg:$0x1] =	wrdreg $0xFFFFFFFF  }
0xc0: {  	_ =	task.clear_ibuf [dreg:s6], $0x2FFFF;
	_ =	strace $0x9FFFFFFF  }
0xc1: {  	(tm) =	ssettm $0x7FFFFFFF  }
tec
execute0_lowered:
.L_overlay_start_1:
0x0: {  	(tag) =	ssettag $0x1  }
0x1: {  	s6 =	rddreg [dreg:$0x0]  }
0x2: {  	s0 =	rddreg [dreg:$0x1]  }
0x3: {  	s3 =	srdreg.scid;
	s1 =	stileid.u32  }
0x4: {  	s2 =	simm.s32 $0x0;
	s13 =	simm.s32 $0x3;
	s14 =	simm.s32 $0x50  }
0x5: {  	s15 =	simm.s32 $0xA0;
	s16 =	simm.s32 $0x14A0;
	s4 =	smul.u32 $0x4E20, s1  }
0x6: {  	s17 =	simm.s32 $0x28A0;
	s18 =	simm.s32 $0x2DA0;
	s8 =	smul.u32 $0x27100, s1  }
0x7: {  	s19 =	simm.s32 $0x1;
	s7 =	sand.u32 $0x1, s3;
	s10 =	smul.u32 $0x9C40, s1  }
0x8: {  	s20 =	simm.s32 $0x2;
	s21 =	simm.s32 $0x0;
	s5 =	smul.u32 $0x2710, s7  }
0x9: {  	[smem:$0x7FF] =	sst s2;
	s3 =	sadd.s32 $0x3A800, s6;
	s28 =	smul.u32 $0x4E20, s7  }
0xa: {  	_ =	strace $0x80000047;
	s11 =	ssub.s32 $0x2, s7;
	s7 =	smul.u32 $0x13880, s7  }
0xb: {  	s10 =	sadd.s32 s10, s6;
	s8 =	sadd.s32 s8, s6;
	s29 =	sshrl.u32 s11, $0x1  }
0xc: {  	s5 =	sadd.s32 s5, s4;
	s4 =	sadd.s32 $0x4E200, s6;
	s30 =	ssub.s32 s11, s29  }
0xd: {  	s31 =	sadd.s32 s7, s8;
	s9 =	sshrl.u32 s5, $0x3;
	s5 =	sadd.s32 $0x88E00, s6  }
0xe: {  	s12 =	sadd.s32 s9, s6;
	s9 =	sadd.s32 s28, s10;
	s10 =	sadd.s32 $0xA1A00, s31  }
0xf: {  	s7 =	smax.u32 s30, $0x1;
	s6 =	sadd.s32 $0x61FE00, s9;
	s8 =	sadd.s32 $0x583A00, s9  }
0x10: {  	s9 =	sadd.s32 $0x312A00, s31;
	s11 =	sadd.s32 $0x8DE00, s12;
	s12 =	sadd.s32 $0x97C00, s12  }
.LBB2_1:
0x11: {  	[tilespmem:s2], [sflag:$0x3] =	stream.linear.gather [hbm4b:s12+s2], $0x50, $0x38;
	[tilespmem:$0x32A0] =	vst v63  }
0x12: {  	_ =	swait.ge [sflag:s13], $0x50  }
0x13: {  	[sflag:s13] =	ssyncset.done $0x0  }
0x14: {  	[sflag:s13] =	ssyncadd.s32 $0xFFFFFFB0  }
0x15: {  	[tilespmem:s14], [sflag:$0x3] =	stream.linear.gather [hbm4b:s11+s2], $0x50, $0x38;
	[tilespmem:$0x32A0] =	vst v63  }
0x16: {  	_ =	swait.ge [sflag:s13], $0x50  }
0x17: {  	[sflag:s13] =	ssyncset.done $0x0  }
0x18: {  	[sflag:s13] =	ssyncadd.s32 $0xFFFFFFB0  }
0x19: {  	[tilespmem:s15], [sflag:$0x1] =	stream.indirect.gather [hbm4b:s3+s14], $0x40, s2, s14, $0xb8;
	[tilespmem:$0x32A0] =	vst v63  }
0x1a: {  	_ = 	snop  }
0x1b: {  	[tilespmem:s16], [sflag:$0x1] =	stream.indirect.gather [hbm4b:s4+s14], $0x40, s14, s14, $0xb8;
	[tilespmem:$0x32A0] =	vst v63  }
0x1c: {  	_ = 	snop  }
0x1d: {  	[tilespmem:s17], [sflag:$0x1] =	stream.indirect.gather [hbm4b:s5+s14], $0x10, s2, s14, $0xb8;
	[tilespmem:$0x32A0] =	vst v63  }
0x1e: {  	_ = 	snop  }
0x1f: {  	[tilespmem:s18], [sflag:$0x1] =	stream.indirect.gather [hbm4b:s5+s14], $0x10, s14, s14, $0xb8;
	[tilespmem:$0x32A0] =	vst v63  }
0x20: {  	_ =	swait.ge [sflag:s19], $0x1400  }
0x21: {  	[sflag:s19] =	ssyncset.done $0x0  }
0x22: {  	[sflag:s19] =	ssyncadd.s32 $0xFFFFEC00  }
0x23: {  	_ =	swait.ge [sflag:s19], $0x1400  }
0x24: {  	[sflag:s19] =	ssyncset.done $0x0  }
0x25: {  	[sflag:s19] =	ssyncadd.s32 $0xFFFFEC00  }
0x26: {  	_ =	swait.ge [sflag:s19], $0x500  }
0x27: {  	[sflag:s19] =	ssyncset.done $0x0  }
0x28: {  	[sflag:s19] =	ssyncadd.s32 $0xFFFFFB00  }
0x29: {  	_ =	swait.ge [sflag:s19], $0x500  }
0x2a: {  	[sflag:s19] =	ssyncset.done $0x0  }
0x2b: {  	[sflag:s19] =	ssyncadd.s32 $0xFFFFFB00  }
0x2c: {  	[hbm4b:s10+s2] =	stream.linear.scatter [tilespmem:s15], [sflag:$0x2], $0x1400, $0x38;
	[tilespmem:$0x32A0] =	vst v63  }
0x2d: {  	_ = 	snop  }
0x2e: {  	[hbm4b:s9+s2] =	stream.linear.scatter [tilespmem:s16], [sflag:$0x2], $0x1400, $0x38;
	[tilespmem:$0x32A0] =	vst v63  }
0x2f: {  	s22 =	sadd.s32 $0x0, s8  }
0x30: {  	[hbm4b:s22+s2] =	stream.linear.scatter [tilespmem:s17], [sflag:$0x2], $0x500, $0x38;
	[tilespmem:$0x32A0] =	vst v63  }
0x31: {  	s31 =	sadd.s32 $0x0, s6  }
0x32: {  	[hbm4b:s31+s2] =	stream.linear.scatter [tilespmem:s18], [sflag:$0x2], $0x500, $0x38;
	[tilespmem:$0x32A0] =	vst v63  }
0x33: {  	_ =	swait.ge [sflag:s20], $0x1400  }
0x34: {  	[sflag:s20] =	ssyncset.done $0x0  }
0x35: {  	[sflag:s20] =	ssyncadd.s32 $0xFFFFEC00  }
0x36: {  	_ =	swait.ge [sflag:s20], $0x1400  }
0x37: {  	[sflag:s20] =	ssyncset.done $0x0  }
0x38: {  	[sflag:s20] =	ssyncadd.s32 $0xFFFFEC00  }
0x39: {  	_ =	swait.ge [sflag:s20], $0x500  }
0x3a: {  	[sflag:s20] =	ssyncset.done $0x0  }
0x3b: {  	s23 =	sadd.s32 $0xA, s11;
	[sflag:s20] =	ssyncadd.s32 $0xFFFFFB00  }
0x3c: {  	s24 =	sadd.s32 $0xA, s12;
	s25 =	smov.u32 s9;
	_ =	swait.ge [sflag:s20], $0x500  }
0x3d: {  	s26 =	smov.u32 s10;
	s22 =	simm.s32 $0xA0;
	[sflag:s20] =	ssyncset.done $0x0  }
.LBB2_2:
0x3e: {  	[sflag:s20] =	ssyncadd.s32 $0xFFFFFB00  }
0x3f: {  	s25 =	sadd.s32 $0x280, s25;
	s26 =	sadd.s32 $0x280, s26;
	s28 =	smov.u32 s22  }
0x40: {  	[tilespmem:s2], [sflag:$0x3] =	stream.linear.gather [hbm4b:s24+s2], $0x50, $0x38;
	[tilespmem:$0x32A0] =	vst v63  }
0x41: {  	p0 =	sne.s32 s22, $0x4D80;
	s22 =	sadd.s32 $0xA0, s22;
	_ =	swait.ge [sflag:s13], $0x50  }
0x42: {  	[sflag:s13] =	ssyncset.done $0x0  }
0x43: {  	[sflag:s13] =	ssyncadd.s32 $0xFFFFFFB0  }
0x44: {  	[tilespmem:s14], [sflag:$0x3] =	stream.linear.gather [hbm4b:s23+s2], $0x50, $0x38;
	[tilespmem:$0x32A0] =	vst v63  }
0x45: {  	_ =	swait.ge [sflag:s13], $0x50  }
0x46: {  	[sflag:s13] =	ssyncset.done $0x0  }
0x47: {  	[sflag:s13] =	ssyncadd.s32 $0xFFFFFFB0  }
0x48: {  	[tilespmem:s15], [sflag:$0x1] =	stream.indirect.gather [hbm4b:s3+s14], $0x40, s2, s14, $0xb8;
	[tilespmem:$0x32A0] =	vst v63  }
0x49: {  	_ = 	snop  }
0x4a: {  	[tilespmem:s16], [sflag:$0x1] =	stream.indirect.gather [hbm4b:s4+s14], $0x40, s14, s14, $0xb8;
	[tilespmem:$0x32A0] =	vst v63  }
0x4b: {  	_ = 	snop  }
0x4c: {  	[tilespmem:s17], [sflag:$0x1] =	stream.indirect.gather [hbm4b:s5+s14], $0x10, s2, s14, $0xb8;
	[tilespmem:$0x32A0] =	vst v63  }
0x4d: {  	_ = 	snop  }
0x4e: {  	[tilespmem:s18], [sflag:$0x1] =	stream.indirect.gather [hbm4b:s5+s14], $0x10, s14, s14, $0xb8;
	[tilespmem:$0x32A0] =	vst v63  }
0x4f: {  	_ =	swait.ge [sflag:s19], $0x1400  }
0x50: {  	[sflag:s19] =	ssyncset.done $0x0  }
0x51: {  	[sflag:s19] =	ssyncadd.s32 $0xFFFFEC00  }
0x52: {  	_ =	swait.ge [sflag:s19], $0x1400  }
0x53: {  	[sflag:s19] =	ssyncset.done $0x0  }
0x54: {  	[sflag:s19] =	ssyncadd.s32 $0xFFFFEC00  }
0x55: {  	_ =	swait.ge [sflag:s19], $0x500  }
0x56: {  	[sflag:s19] =	ssyncset.done $0x0  }
0x57: {  	[sflag:s19] =	ssyncadd.s32 $0xFFFFFB00  }
0x58: {  	_ =	swait.ge [sflag:s19], $0x500  }
0x59: {  	[sflag:s19] =	ssyncset.done $0x0  }
0x5a: {  	[sflag:s19] =	ssyncadd.s32 $0xFFFFFB00  }
0x5b: {  	[hbm4b:s26+s2] =	stream.linear.scatter [tilespmem:s15], [sflag:$0x2], $0x1400, $0x38;
	[tilespmem:$0x32A0] =	vst v63  }
0x5c: {  	_ = 	snop  }
0x5d: {  	[hbm4b:s25+s2] =	stream.linear.scatter [tilespmem:s16], [sflag:$0x2], $0x1400, $0x38;
	[tilespmem:$0x32A0] =	vst v63  }
0x5e: {  	s29 =	sadd.s32 s28, s8  }
0x5f: {  	[hbm4b:s29+s2] =	stream.linear.scatter [tilespmem:s17], [sflag:$0x2], $0x500, $0x38;
	[tilespmem:$0x32A0] =	vst v63  }
0x60: {  	s28 =	sadd.s32 s28, s6  }
0x61: {  	[hbm4b:s28+s2] =	stream.linear.scatter [tilespmem:s18], [sflag:$0x2], $0x500, $0x38;
	[tilespmem:$0x32A0] =	vst v63  }
0x62: {  	_ =	swait.ge [sflag:s20], $0x1400  }
0x63: {  	[sflag:s20] =	ssyncset.done $0x0  }
0x64: {  	[sflag:s20] =	ssyncadd.s32 $0xFFFFEC00  }
0x65: {  	_ =	swait.ge [sflag:s20], $0x1400  }
0x66: {  	[sflag:s20] =	ssyncset.done $0x0  }
0x67: {  	[sflag:s20] =	ssyncadd.s32 $0xFFFFEC00  }
.Ltmp0:
0x68: {  	_ =	swait.ge [sflag:s20], $0x500;
	(pc) =	sbr.rel @p0 .LBB2_2-.Ltmp0, $4  }
0x69: {  	[sflag:s20] =	ssyncset.done $0x0  }
0x6a: {  	[sflag:s20] =	ssyncadd.s32 $0xFFFFFB00  }
0x6b: {  	_ =	swait.ge [sflag:s20], $0x500  }
0x6c: {  	s24 =	sadd.s32 $0xA, s24;
	s23 =	sadd.s32 $0xA, s23;
	[sflag:s20] =	ssyncset.done $0x0  }
0x6d: {  	s21 =	sadd.s32 $0x1, s21  }
0x6e: {  	p0 =	sne.s32 s21, s7  }
.Ltmp1:
0x6f: {  	_ = 	snop;
	(pc) =	sbr.rel @p0 .LBB2_1-.Ltmp1, $2  }
0x70: {  	_ =	sdelay $0x2  }
0x71: {  	[sflag:s20] =	ssyncadd.s32 $0xFFFFFB00  }
0x72: {  	_ =	sfence.sel $0x180000  }
0x73: {  	[bflag:$0x0] =	sbarrier.arrive $0xFFFF  }
0x74: {  	p0 =	sne.s32 s1, $0x0;
	_ =	strace $0x90000047  }
0x75: {  	s0 =	sadd.s32 @!p0 $0x100000, s0;
	[bflag:$0x2] =	sbarrier.arrive $0xFFFF  }
0x76: {  	[sflag:s0] =	ssyncadd.tile.s32 @!p0 $0x1;
	_ =	shalt  }
.Lfunc_end2:
_tile_overlayer_lowered:
.L_overlay_start_2:
0x77: {  	(tag) =	ssettag $0x2  }
0x78: {  	s0 =	rddreg [dreg:$0x0];
	s2 =	stileid.u32  }
0x79: {  	s1 =	rddreg [dreg:$0x1];
	p0 =	sne.s32 s2, $0x0  }
0x7a: {  	s3 =	rddreg [dreg:$0x2];
	[bflag:$0x3] =	sbarrier.arrive $0xFFFF;
	s2 =	simm.s32 @!p0 $0x1C03  }
0x7b: {  	[timem:s3], [sflag:s2] =	dma.local @!p0 [hbm:s0], s1  }
0x7c: {  	s0 =	simm.s32 @!p0 $0x3  }
0x7d: {  	_ =	swait.ge @!p0 [sflag:s0], s1  }
0x7e: {  	s1 =	ssub.s32 @!p0 $0x0, s1;
	[sflag:s0] =	ssyncset.done @!p0 $0x0  }
0x7f: {  	[sflag:s0] =	ssyncadd.s32 @!p0 s1  }
0x80: {  	[bflag:$0x3] =	sbarrier.arrive $0xFFFF  }
0x81: {  	_ =	shalt  }

// kernel: kernel.23.cloned.1.call-start
scs
__scs_entry_jumppad:
0x0: {  	(pc) =	sbr.rel $0x88, $3  }
0x1: {  	(tag) =	ssettag $0x0;
	lr =	simm.s32 $0x1  }
0x2: {  	[smem:$0x3F64] =	sst lr;
	_ =	strace $0xD0000000  }
0x3: {  	_ = 	snop  }
0x4: {  	_ = 	snop  }
0x5: {  	_ = 	snop  }
0x6: {  	_ = 	snop  }
0x7: {  	_ = 	snop  }
__scs_overlays_trampoline_lowered:
0x8: {  	[smem:$0x3F73] =	sst s0  }
0x9: {  	[smem:$0x3F74] =	sst s1  }
0xa: {  	[smem:$0x3F75] =	sst s2  }
0xb: {  	[smem:$0x3F76] =	sst s3  }
0xc: {  	[smem:$0x3F77] =	sst s4  }
0xd: {  	[smem:$0x3F78] =	sst s5  }
0xe: {  	[smem:$0x3F79] =	sst s6  }
0xf: {  	[smem:$0x3F7A] =	sst s7  }
0x10: {  	[smem:$0x3F7B] =	sst s8  }
0x11: {  	[smem:$0x3F7C] =	sst s9;
	s0 =	simm.s32 @!p0 $0x0  }
0x12: {  	s1 =	sld [smem:$0x3F62];
	s0 =	simm.s32 @p0 $0x1  }
0x13: {  	[smem:$0x3F7D] =	sst s0;
	s0 =	simm.s32 @!p1 $0x0  }
0x14: {  	s2 =	sld [smem:$0x3F61];
	s0 =	simm.s32 @p1 $0x1  }
0x15: {  	[smem:$0x3F7E] =	sst s0;
	s0 =	simm.s32 @!p2 $0x0  }
0x16: {  	s3 =	sld [smem:$0x3FDB];
	s0 =	simm.s32 @p2 $0x1  }
0x17: {  	s4 =	simm.s32 $0x1BF5;
	[smem:$0x3F80] =	sst s0  }
0x18: {  	s0 =	sld [smem:$0x3F63];
	_ =	swait.ge [sflag:s4], $0x0  }
0x19: {  	s7 =	sld [smem:$0x3F64]  }
0x1a: {  	s8 =	sadd.s32 $0xFFFFE003, lr  }
0x1b: {  	s9 =	sadd.s32 $0xFFFFFEF7, lr;
	s5 =	simm.s32 $0xFFFFFFFF;
	p2 =	slt.u32 s8, $0xFFFFF086  }
0x1c: {  	p1 =	slt.u32 s9, $0xF7A;
	s5 =	simm.s32 @!p2 $0x0  }
0x1d: {  	s5 =	simm.s32 @p1 $0x1;
	p0 =	seq.s32 s7, s2  }
0x1e: {  	s7 =	smul.u32 @!p0 $0xF7A, s2;
	p2 =	seq.s32 @!p0 s5, $0x0  }
0x1f: {  	s9 =	smul.u32 $0xF7A, s1;
	s8 =	simm.s32 @!p0 $0x1BF5;
	p2 =	por !p2, p0  }
0x20: {  	[sflag:s8] =	ssyncset.s32 @!p0 $0xFFFFF086;
	s6 =	sadd.s32 @!p0 s3, s7;
	s7 =	simm.s32 @!p0 $0x108  }
0x21: {  	s3 =	sadd.s32 s3, s9;
	s6 =	sadd.s32 @!p0 $0x88, s6;
	s7 =	simm.s32 @p2 $0x1082  }
0x22: {  	[simem:s7], [sflag:s8] =	dma.local @!p0 [hbm:s6], $0xF7A  }
0x23: {  	s9 =	sor.u32 $0xD0000000, s2;
	s6 =	simm.s32 $0x108;
	_ =	swait.ge @!p0 [sflag:s8], $0x0  }
0x24: {  	s3 =	sadd.s32 $0x88, s3;
	s6 =	simm.s32 @!p1 $0x1082;
	[sflag:s4] =	ssyncset.s32 $0xFFFFF086  }
0x25: {  	[simem:s6], [sflag:s4] =	dma.local [hbm:s3], $0xF7A  }
0x26: {  	[smem:$0x3F64] =	sst s1;
	(tag) =	ssettag s2;
	_ =	strace s9  }
0x27: {  	s1 =	sld [smem:$0x3F74]  }
0x28: {  	s2 =	sld [smem:$0x3F75]  }
0x29: {  	s4 =	sld [smem:$0x3F77]  }
0x2a: {  	p0 =	seq.s32 s5, $0x0;
	s5 =	sld [smem:$0x3F78]  }
0x2b: {  	s6 =	sld [smem:$0x3F79]  }
0x2c: {  	s7 =	sld [smem:$0x3F7A]  }
0x2d: {  	s3 =	simm.s32 $0x108;
	s8 =	sld [smem:$0x3F7B]  }
0x2e: {  	s3 =	simm.s32 @!p0 $0x1082;
	s9 =	sld [smem:$0x3F7C]  }
0x2f: {  	lr =	sadd.s32 s0, s3;
	s0 =	sld [smem:$0x3F73]  }
0x30: {  	s3 =	sld [smem:$0x3F76]  }
0x31: {  	[smem:$0x3F7F] =	sst s10  }
0x32: {  	s10 =	sld [smem:$0x3F7D];
	_ =	sdelay $0x3  }
0x33: {  	p0 =	seq.s32 s10, $0x1;
	s10 =	sld [smem:$0x3F7F];
	_ =	sdelay $0x3  }
0x34: {  	[smem:$0x3F7F] =	sst s10  }
0x35: {  	s10 =	sld [smem:$0x3F7E];
	_ =	sdelay $0x3  }
0x36: {  	p1 =	seq.s32 s10, $0x1;
	s10 =	sld [smem:$0x3F7F];
	_ =	sdelay $0x3  }
0x37: {  	[smem:$0x3F7F] =	sst s10  }
0x38: {  	s10 =	sld [smem:$0x3F80]  }
0x39: {  	_ = 	snop;
	(pc) =	sbr.ind lr, $3  }
0x3a: {  	_ = 	snop  }
0x3b: {  	_ = 	snop  }
0x3c: {  	p2 =	seq.s32 s10, $0x1;
	s10 =	sld [smem:$0x3F7F]  }
0x3d: {  	_ =	shalt  }
0x3e: {  	_ =	shalt  }
0x3f: {  	_ =	shalt  }
0x40: {  	_ =	shalt  }
0x41: {  	_ =	shalt  }
0x42: {  	_ =	shalt  }
0x43: {  	_ =	shalt  }
0x44: {  	_ =	shalt  }
0x45: {  	_ =	shalt  }
0x46: {  	_ =	shalt  }
0x47: {  	_ =	shalt  }
0x48: {  	_ =	shalt  }
0x49: {  	_ =	shalt  }
0x4a: {  	_ =	shalt  }
0x4b: {  	_ =	shalt  }
0x4c: {  	_ =	shalt  }
0x4d: {  	_ =	shalt  }
0x4e: {  	_ =	shalt  }
0x4f: {  	_ =	shalt  }
0x50: {  	_ =	shalt  }
0x51: {  	_ =	shalt  }
0x52: {  	_ =	shalt  }
0x53: {  	_ =	shalt  }
0x54: {  	_ =	shalt  }
0x55: {  	_ =	shalt  }
0x56: {  	_ =	shalt  }
0x57: {  	_ =	shalt  }
0x58: {  	_ =	shalt  }
0x59: {  	_ =	shalt  }
0x5a: {  	_ =	shalt  }
0x5b: {  	_ =	shalt  }
0x5c: {  	_ =	shalt  }
0x5d: {  	_ =	shalt  }
0x5e: {  	_ =	shalt  }
0x5f: {  	_ =	shalt  }
0x60: {  	_ =	shalt  }
0x61: {  	_ =	shalt  }
0x62: {  	_ =	shalt  }
0x63: {  	_ =	shalt  }
0x64: {  	_ =	shalt  }
0x65: {  	_ =	shalt  }
0x66: {  	_ =	shalt  }
0x67: {  	_ =	shalt  }
0x68: {  	_ =	shalt  }
0x69: {  	_ =	shalt  }
0x6a: {  	_ =	shalt  }
0x6b: {  	_ =	shalt  }
0x6c: {  	_ =	shalt  }
0x6d: {  	_ =	shalt  }
0x6e: {  	_ =	shalt  }
0x6f: {  	_ =	shalt  }
0x70: {  	_ =	shalt  }
0x71: {  	_ =	shalt  }
0x72: {  	_ =	shalt  }
0x73: {  	_ =	shalt  }
0x74: {  	_ =	shalt  }
0x75: {  	_ =	shalt  }
0x76: {  	_ =	shalt  }
0x77: {  	_ =	shalt  }
0x78: {  	_ =	shalt  }
0x79: {  	_ =	shalt  }
0x7a: {  	_ =	shalt  }
0x7b: {  	_ =	shalt  }
0x7c: {  	_ =	shalt  }
0x7d: {  	_ =	shalt  }
0x7e: {  	_ =	shalt  }
0x7f: {  	_ =	shalt  }
0x80: {  	_ =	shalt  }
0x81: {  	_ =	shalt  }
0x82: {  	_ =	shalt  }
0x83: {  	_ =	shalt  }
0x84: {  	_ =	shalt  }
0x85: {  	_ =	shalt  }
0x86: {  	_ =	shalt  }
0x87: {  	_ =	shalt  }
.Lfunc_end0:
.L_simem_size_0:
called_computation.1_lowered:
.L_overlay_start_0:
0x88: {  	s2 =	sld [smem:$0x3FD9]  }
0x89: {  	s3 =	sld [smem:$0x3FFE];
	_ =	sdelay $0x1  }
0x8a: {  	s1 =	srdreg.scid  }
0x8b: {  	s0 =	sand.u32 $0x1, s1  }
0x8c: {  	s16 =	sshll.u32 s0, $0xA;
	s2 =	sadd.s32 s3, s2  }
0x8d: {  	s2 =	sadd.s32 s2, s16  }
0x8e: {  	[smem:$0x3F8B] =	sst s2  }
0x8f: {  	_ = 	snop  }
0x90: {  	(tm) =	ssettm $0x1  }
0x91: {  	s17 =	sld [smem:$0x3FFB];
	_ =	sdelay $0x3  }
0x92: {  	_ =	strace s17  }
0x93: {  	s2 =	sld [smem:$0x3FFC];
	_ =	sdelay $0x3  }
0x94: {  	_ =	strace s2  }
0x95: {  	s2 =	sld [smem:$0x3FFD];
	_ =	sdelay $0x3  }
0x96: {  	_ =	strace s2  }
0x97: {  	_ =	strace $0x8FFFFFFF  }
0x98: {  	s18 =	sld [smem:$0x3FDB];
	_ =	sdelay $0x1  }
0x99: {  	s19 =	simm.s32 $_scs_section_size  }
0x9a: {  	s4 =	simm.s32 $_size__tile_overlayer_lowered;
	s5 =	simm.s32 $_tile_overlayer_lowered  }
0x9b: {  	s22 =	simm.s32 $0x1BFF;
	s21 =	sshll.u32 s5, $0x1;
	s2 =	sadd.s32 s19, s18  }
0x9c: {  	s6 =	simm.s32 $0x0;
	s20 =	sshll.u32 s4, $0x1;
	s4 =	sadd.s32 s21, s2  }
0x9d: {  	[timem:s6], [sflag:s22] =	dma.local [hbm:s4], s20  }
0x9e: {  	_ =	swait.ge [sflag:s22], s20  }
0x9f: {  	s3 =	ssub.s32 $0x0, s20;
	[sflag:s22] =	ssyncset.done $0x0  }
0xa0: {  	[sflag:s22] =	ssyncadd.s32 s3;
	_ =	sdelay $0x1  }
0xa1: {  	s23 =	simm.s32 $0x1B8B  }
0xa2: {  	_ =	swait.ge [sflag:s23], $0x1  }
0xa3: {  	[sflag:s23] =	ssyncset.done $0x0  }
0xa4: {  	s25 =	simm.s32 $0x1B8E;
	s24 =	sld [smem:$0x3FFE];
	[sflag:s23] =	ssyncadd.s32 $0xFFFFFFFF  }
0xa5: {  	s26 =	simm.s32 $execute0_lowered;
	[smem:$0x3FD2] =	sst s25  }
0xa6: {  	s4 =	sshll.u32 s26, $0x1;
	_ =	strace $0x80000049;
	[dreg:$0x1] =	wrdreg $0xFFFFFFFF  }
0xa7: {  	s28 =	simm.s32 $_size_execute0_lowered;
	s2 =	sadd.s32 s2, s4;
	[dreg:$0x0] =	wrdreg $0x0  }
0xa8: {  	s4 =	sshll.u32 s28, $0x1;
	[dreg:$0x2] =	wrdreg s2  }
0xa9: {  	[dreg:$0x3] =	wrdreg s4  }
0xaa: {  	[dreg:$0x4] =	wrdreg $0xC0  }
0xab: {  	_ =	task [dreg:s6], $0x5FFFF  }
0xac: {  	[dreg:$0x1] =	wrdreg $0xFFFFFFFF  }
0xad: {  	[dreg:$0x0] =	wrdreg $0x60  }
0xae: {  	[dreg:$0x2] =	wrdreg s24  }
0xaf: {  	[dreg:$0x3] =	wrdreg $0x2D500  }
0xb0: {  	[dreg:$0x4] =	wrdreg $0x165D00  }
0xb1: {  	[dreg:$0x5] =	wrdreg $0x9  }
0xb2: {  	_ =	task.clear_ibuf [dreg:s6], $0x6FFFF;
	_ =	strace $0x90000049  }
0xb3: {  	s29 =	simm.s32 $0x9;
	_ =	strace $0x8000004B  }
0xb4: {  	_ =	swait.ge [sflag:s29], $0x1  }
0xb5: {  	[sflag:s29] =	ssyncadd.s32 $0xFFFFFFFF  }
0xb6: {  	_ =	strace $0x9000004B  }
0xb7: {  	_ =	sfence  }
0xb8: {  	s30 =	sld [smem:$0x0];
	_ =	sdelay $0x2  }
0xb9: {  	s31 =	sshll.u32 s1, $0xD;
	s1 =	sshrl.u32 s1, $0x2  }
0xba: {  	s3 =	sand.u32 $0x4000, s31;
	s1 =	sadd.s32 s1, s30  }
0xbb: {  	s0 =	sor.u32 s3, s0;
	s1 =	sshll.u32 s1, $0x11  }
0xbc: {  	s0 =	sor.u32 s1, s0  }
0xbd: {  	s0 =	sadd.s32 $0x8F2B, s0  }
0xbe: {  	[sflag:s0] =	ssyncadd.remote.s32 $0x1  }
0xbf: {  	_ =	sfence.sel $0xFFFF  }
0xc0: {  	[dreg:$0x0] =	wrdreg $0xFFFFFFFF;
	(pc) =	sbr.abs _section_cstart, $3  }
0xc1: {  	[dreg:$0x1] =	wrdreg $0xFFFFFFFF  }
0xc2: {  	_ =	task.clear_ibuf [dreg:s6], $0x2FFFF;
	_ =	strace $0x9FFFFFFF  }
0xc3: {  	(tm) =	ssettm $0x7FFFFFFF  }
tec
execute0_lowered:
.L_overlay_start_1:
0x0: {  	(tag) =	ssettag $0x1  }
0x1: {  	s6 =	rddreg [dreg:$0x0];
	s0 =	srdreg.scid  }
0x2: {  	s10 =	stileid.u32;
	s1 =	rddreg [dreg:$0x1]  }
0x3: {  	s2 =	rddreg [dreg:$0x2];
	s4 =	smul.u32 $0x4E20, s10  }
0x4: {  	s3 =	simm.s32 $0x0;
	s15 =	simm.s32 $0x50;
	s13 =	smul.u32 $0x9C40, s10  }
0x5: {  	s16 =	simm.s32 $0x2850;
	s7 =	sand.u32 $0x1, s0;
	s14 =	smul.u32 $0x4E200, s10  }
0x6: {  	s17 =	simm.s32 $0x1;
	s0 =	rddreg [dreg:$0x3];
	s5 =	smul.u32 $0x2710, s7  }
0x7: {  	s18 =	simm.s32 $0x0;
	[smem:$0x7FF] =	sst s3;
	s8 =	smul.u32 $0x27100, s7  }
0x8: {  	p0 =	sne.s32 s10, $0x0;
	s9 =	smul.u32 $0x4E20, s7;
	s7 =	ssub.s32 $0x2, s7  }
0x9: {  	_ =	strace $0x8000004A;
	s30 =	sshrl.u32 s7, $0x1;
	s4 =	sadd.s32 s5, s4  }
0xa: {  	s5 =	sadd.s32 $0x88E00, s6;
	s12 =	sadd.s32 s8, s6;
	s9 =	sadd.s32 s9, s6  }
0xb: {  	s31 =	ssub.s32 s7, s30;
	s4 =	sshrl.u32 s4, $0x3;
	s7 =	sadd.s32 $0x18C000, s9  }
0xc: {  	s8 =	smax.u32 s31, $0x1;
	s9 =	sadd.s32 s13, s9;
	s13 =	sshrl.u32 @!p0 s2, $0x3  }
0xd: {  	s11 =	sadd.s32 s4, s6;
	s4 =	sadd.s32 $0x3A800, s6;
	s6 =	sadd.s32 $0x13DE00, s12  }
0xe: {  	s9 =	sadd.s32 $0xA1A00, s9;
	s12 =	sadd.s32 s14, s12;
	s14 =	simm.s32 $0x2  }
0xf: {  	s10 =	sadd.s32 $0x1CB5400, s12;
	s11 =	sadd.s32 $0x97C00, s11;
	s12 =	sshrl.u32 @!p0 s1, $0x3  }
.LBB2_1:
0x10: {  	s19 =	simm.s32 @!p0 $0x1C02;
	s20 =	simm.s32 @!p0 $0x2  }
0x11: {  	[spmem:s12], [sflag:s19] =	dma.local @!p0 [hbm:s4], $0x27100  }
0x12: {  	_ =	swait.ge @!p0 [sflag:s20], $0x27100  }
0x13: {  	[sflag:s20] =	ssyncset.done @!p0 $0x0  }
0x14: {  	[sflag:s20] =	ssyncadd.s32 @!p0 $0xFFFD8F00  }
0x15: {  	[spmem:s13], [sflag:s19] =	dma.local @!p0 [hbm:s5], $0x4E20  }
0x16: {  	_ =	swait.ge @!p0 [sflag:s20], $0x4E20  }
0x17: {  	[sflag:s20] =	ssyncset.done @!p0 $0x0  }
0x18: {  	[sflag:s20] =	ssyncadd.s32 @!p0 $0xFFFFB1E0  }
0x19: {  	s31 =	sadd.s32 $0x0, s11;
	[bflag:$0x0] =	sbarrier.arrive $0xFFFF  }
0x1a: {  	[tilespmem:s3], [sflag:$0x2] =	stream.linear.gather [hbm4b:s31+s3], $0x50, $0x38;
	[tilespmem:$0x18CE0] =	vst v63  }
0x1b: {  	_ =	swait.ge [sflag:s14], $0x50  }
0x1c: {  	[sflag:s14] =	ssyncset.done $0x0  }
0x1d: {  	[sflag:s14] =	ssyncadd.s32 $0xFFFFFFB0  }
0x1e: {  	[tilespmem:s15], [sflag:$0x1] =	stream.linear.gather [hbm4b:s10+s3], $0x2800, $0x38;
	[tilespmem:$0x18CE0] =	vst v63  }
0x1f: {  	_ = 	snop  }
0x20: {  	[tilespmem:s16], [sflag:$0x1] =	stream.linear.gather [hbm4b:s9+s3], $0x500, $0x38;
	[tilespmem:$0x18CE0] =	vst v63  }
0x21: {  	_ =	swait.ge [sflag:s17], $0x2800  }
0x22: {  	[sflag:s17] =	ssyncset.done $0x0  }
0x23: {  	[sflag:s17] =	ssyncadd.s32 $0xFFFFD800  }
0x24: {  	_ =	swait.ge [sflag:s17], $0x500  }
0x25: {  	[sflag:s17] =	ssyncset.done $0x0  }
0x26: {  	[sflag:s17] =	ssyncadd.s32 $0xFFFFFB00  }
0x27: {  	[spmem:s1] =	stream.indirect.scatter.add.f32 [tilespmem:s15], [sflag:$0x2], $0x80, s3, s15, $0xb8;
	[tilespmem:$0x18CE0] =	vst v63  }
0x28: {  	_ =	swait.ge [sflag:s14], $0x2800  }
0x29: {  	[sflag:s14] =	ssyncset.done $0x0  }
0x2a: {  	[sflag:s14] =	ssyncadd.s32 $0xFFFFD800  }
0x2b: {  	[spmem:s2] =	stream.indirect.scatter.add.f32 [tilespmem:s16], [sflag:$0x2], $0x10, s3, s15, $0xb8;
	[tilespmem:$0x18CE0] =	vst v63  }
0x2c: {  	s21 =	simm.s32 $0xA;
	s22 =	simm.s32 $0x14;
	_ =	swait.ge [sflag:s14], $0x500  }
0x2d: {  	s19 =	sadd.s32 $0xA0, s9;
	s20 =	sadd.s32 $0x500, s10;
	[sflag:s14] =	ssyncset.done $0x0  }
.LBB2_2:
0x2e: {  	s23 =	sadd.s32 s21, s11  }
0x2f: {  	[sflag:s14] =	ssyncadd.s32 $0xFFFFFB00;
	s21 =	smov.u32 s22;
	s24 =	sadd.s32 $0xA, s22  }
0x30: {  	[tilespmem:s3], [sflag:$0x2] =	stream.linear.gather [hbm4b:s23+s3], $0x50, $0x38;
	[tilespmem:$0x18CE0] =	vst v63  }
0x31: {  	p1 =	sne.s32 s22, $0x4D8;
	_ =	swait.ge [sflag:s14], $0x50  }
0x32: {  	[sflag:s14] =	ssyncset.done $0x0  }
0x33: {  	[sflag:s14] =	ssyncadd.s32 $0xFFFFFFB0  }
0x34: {  	[tilespmem:s15], [sflag:$0x1] =	stream.linear.gather [hbm4b:s20+s3], $0x2800, $0x38;
	[tilespmem:$0x18CE0] =	vst v63  }
0x35: {  	_ = 	snop  }
0x36: {  	[tilespmem:s16], [sflag:$0x1] =	stream.linear.gather [hbm4b:s19+s3], $0x500, $0x38;
	[tilespmem:$0x18CE0] =	vst v63  }
0x37: {  	_ =	swait.ge [sflag:s17], $0x2800  }
0x38: {  	[sflag:s17] =	ssyncset.done $0x0  }
0x39: {  	[sflag:s17] =	ssyncadd.s32 $0xFFFFD800  }
0x3a: {  	_ =	swait.ge [sflag:s17], $0x500  }
0x3b: {  	[sflag:s17] =	ssyncset.done $0x0  }
0x3c: {  	[sflag:s17] =	ssyncadd.s32 $0xFFFFFB00  }
0x3d: {  	[spmem:s1] =	stream.indirect.scatter.add.f32 [tilespmem:s15], [sflag:$0x2], $0x80, s3, s15, $0xb8;
	[tilespmem:$0x18CE0] =	vst v63  }
0x3e: {  	_ =	swait.ge [sflag:s14], $0x2800  }
.Ltmp0:
0x3f: {  	[sflag:s14] =	ssyncset.done $0x0;
	(pc) =	sbr.rel @p1 .LBB2_2-.Ltmp0, $4  }
0x40: {  	[sflag:s14] =	ssyncadd.s32 $0xFFFFD800  }
0x41: {  	[spmem:s2] =	stream.indirect.scatter.add.f32 [tilespmem:s16], [sflag:$0x2], $0x10, s3, s15, $0xb8;
	[tilespmem:$0x18CE0] =	vst v63  }
0x42: {  	s22 =	smov.u32 s24;
	_ =	swait.ge [sflag:s14], $0x500  }
0x43: {  	s20 =	sadd.s32 $0x500, s20;
	s19 =	sadd.s32 $0xA0, s19;
	[sflag:s14] =	ssyncset.done $0x0  }
0x44: {  	s21 =	sadd.s32 s21, s11;
	[sflag:s14] =	ssyncadd.s32 $0xFFFFFB00  }
0x45: {  	[tilespmem:s3], [sflag:$0x2] =	stream.linear.gather [hbm4b:s21+s3], $0x50, $0x38;
	[tilespmem:$0x18CE0] =	vst v63  }
0x46: {  	_ =	swait.ge [sflag:s14], $0x50  }
0x47: {  	[sflag:s14] =	ssyncset.done $0x0  }
0x48: {  	[sflag:s14] =	ssyncadd.s32 $0xFFFFFFB0  }
0x49: {  	[tilespmem:s15], [sflag:$0x1] =	stream.linear.gather [hbm4b:s20+s3], $0x2800, $0x38;
	[tilespmem:$0x18CE0] =	vst v63  }
0x4a: {  	_ = 	snop  }
0x4b: {  	[tilespmem:s16], [sflag:$0x1] =	stream.linear.gather [hbm4b:s19+s3], $0x500, $0x38;
	[tilespmem:$0x18CE0] =	vst v63  }
0x4c: {  	_ =	swait.ge [sflag:s17], $0x2800  }
0x4d: {  	[sflag:s17] =	ssyncset.done $0x0  }
0x4e: {  	[sflag:s17] =	ssyncadd.s32 $0xFFFFD800  }
0x4f: {  	_ =	swait.ge [sflag:s17], $0x500  }
0x50: {  	[sflag:s17] =	ssyncset.done $0x0  }
0x51: {  	[sflag:s17] =	ssyncadd.s32 $0xFFFFFB00  }
0x52: {  	[spmem:s1] =	stream.indirect.scatter.add.f32 [tilespmem:s15], [sflag:$0x2], $0x80, s3, s15, $0xb8;
	[tilespmem:$0x18CE0] =	vst v63  }
0x53: {  	_ =	swait.ge [sflag:s14], $0x2800  }
0x54: {  	[sflag:s14] =	ssyncset.done $0x0  }
0x55: {  	[sflag:s14] =	ssyncadd.s32 $0xFFFFD800  }
0x56: {  	[spmem:s2] =	stream.indirect.scatter.add.f32 [tilespmem:s16], [sflag:$0x2], $0x10, s3, s15, $0xb8;
	[tilespmem:$0x18CE0] =	vst v63  }
0x57: {  	_ =	swait.ge [sflag:s14], $0x500  }
0x58: {  	[sflag:s14] =	ssyncset.done $0x0  }
0x59: {  	[sflag:s14] =	ssyncadd.s32 $0xFFFFFB00  }
0x5a: {  	s20 =	simm.s32 @!p0 $0x2;
	s19 =	simm.s32 @!p0 $0x1C02;
	[bflag:$0x0] =	sbarrier.arrive $0xFFFF  }
0x5b: {  	[hbm:s6], [sflag:s19] =	dma.local @!p0 [spmem:s12], $0x27100  }
0x5c: {  	s18 =	sadd.s32 $0x1, s18;
	_ =	swait.ge @!p0 [sflag:s20], $0x27100  }
0x5d: {  	p1 =	sne.s32 s18, s8;
	[sflag:s20] =	ssyncset.done @!p0 $0x0  }
.Ltmp1:
0x5e: {  	[sflag:s20] =	ssyncadd.s32 @!p0 $0xFFFD8F00;
	(pc) =	sbr.rel @p1 .LBB2_1-.Ltmp1, $4  }
0x5f: {  	[hbm:s7], [sflag:s19] =	dma.local @!p0 [spmem:s13], $0x4E20  }
0x60: {  	_ =	swait.ge @!p0 [sflag:s20], $0x4E20  }
0x61: {  	[sflag:s20] =	ssyncset.done @!p0 $0x0  }
0x62: {  	[sflag:s20] =	ssyncadd.s32 @!p0 $0xFFFFB1E0  }
0x63: {  	_ =	sfence.sel $0x180000  }
0x64: {  	[bflag:$0x0] =	sbarrier.arrive $0xFFFF  }
0x65: {  	_ =	strace $0x9000004A  }
0x66: {  	s0 =	sadd.s32 @!p0 $0x100000, s0;
	[bflag:$0x2] =	sbarrier.arrive $0xFFFF  }
0x67: {  	[sflag:s0] =	ssyncadd.tile.s32 @!p0 $0x1;
	_ =	shalt  }
.Lfunc_end2:
_tile_overlayer_lowered:
.L_overlay_start_2:
0x68: {  	(tag) =	ssettag $0x2  }
0x69: {  	s0 =	rddreg [dreg:$0x0];
	s2 =	stileid.u32  }
0x6a: {  	s1 =	rddreg [dreg:$0x1];
	p0 =	sne.s32 s2, $0x0  }
0x6b: {  	s3 =	rddreg [dreg:$0x2];
	[bflag:$0x3] =	sbarrier.arrive $0xFFFF;
	s2 =	simm.s32 @!p0 $0x1C02  }
0x6c: {  	[timem:s3], [sflag:s2] =	dma.local @!p0 [hbm:s0], s1  }
0x6d: {  	s0 =	simm.s32 @!p0 $0x2  }
0x6e: {  	_ =	swait.ge @!p0 [sflag:s0], s1  }
0x6f: {  	s1 =	ssub.s32 @!p0 $0x0, s1;
	[sflag:s0] =	ssyncset.done @!p0 $0x0  }
0x70: {  	[sflag:s0] =	ssyncadd.s32 @!p0 s1  }
0x71: {  	[bflag:$0x3] =	sbarrier.arrive $0xFFFF  }
0x72: {  	_ =	shalt  }

// kernel: kernel.26.cloned.1.call-start
scs
__scs_entry_jumppad:
0x0: {  	(pc) =	sbr.rel $0x88, $3  }
0x1: {  	(tag) =	ssettag $0x0;
	lr =	simm.s32 $0x1  }
0x2: {  	[smem:$0x3F64] =	sst lr;
	_ =	strace $0xD0000000  }
0x3: {  	_ = 	snop  }
0x4: {  	_ = 	snop  }
0x5: {  	_ = 	snop  }
0x6: {  	_ = 	snop  }
0x7: {  	_ = 	snop  }
__scs_overlays_trampoline_lowered:
0x8: {  	[smem:$0x3F73] =	sst s0  }
0x9: {  	[smem:$0x3F74] =	sst s1  }
0xa: {  	[smem:$0x3F75] =	sst s2  }
0xb: {  	[smem:$0x3F76] =	sst s3  }
0xc: {  	[smem:$0x3F77] =	sst s4  }
0xd: {  	[smem:$0x3F78] =	sst s5  }
0xe: {  	[smem:$0x3F79] =	sst s6  }
0xf: {  	[smem:$0x3F7A] =	sst s7  }
0x10: {  	[smem:$0x3F7B] =	sst s8  }
0x11: {  	[smem:$0x3F7C] =	sst s9;
	s0 =	simm.s32 @!p0 $0x0  }
0x12: {  	s1 =	sld [smem:$0x3F62];
	s0 =	simm.s32 @p0 $0x1  }
0x13: {  	[smem:$0x3F7D] =	sst s0;
	s0 =	simm.s32 @!p1 $0x0  }
0x14: {  	s2 =	sld [smem:$0x3F61];
	s0 =	simm.s32 @p1 $0x1  }
0x15: {  	[smem:$0x3F7E] =	sst s0;
	s0 =	simm.s32 @!p2 $0x0  }
0x16: {  	s3 =	sld [smem:$0x3FDB];
	s0 =	simm.s32 @p2 $0x1  }
0x17: {  	s4 =	simm.s32 $0x1BF5;
	[smem:$0x3F80] =	sst s0  }
0x18: {  	s0 =	sld [smem:$0x3F63];
	_ =	swait.ge [sflag:s4], $0x0  }
0x19: {  	s7 =	sld [smem:$0x3F64]  }
0x1a: {  	s8 =	sadd.s32 $0xFFFFE003, lr  }
0x1b: {  	s9 =	sadd.s32 $0xFFFFFEF7, lr;
	s5 =	simm.s32 $0xFFFFFFFF;
	p2 =	slt.u32 s8, $0xFFFFF086  }
0x1c: {  	p1 =	slt.u32 s9, $0xF7A;
	s5 =	simm.s32 @!p2 $0x0  }
0x1d: {  	s5 =	simm.s32 @p1 $0x1;
	p0 =	seq.s32 s7, s2  }
0x1e: {  	s7 =	smul.u32 @!p0 $0xF7A, s2;
	p2 =	seq.s32 @!p0 s5, $0x0  }
0x1f: {  	s9 =	smul.u32 $0xF7A, s1;
	s8 =	simm.s32 @!p0 $0x1BF5;
	p2 =	por !p2, p0  }
0x20: {  	[sflag:s8] =	ssyncset.s32 @!p0 $0xFFFFF086;
	s6 =	sadd.s32 @!p0 s3, s7;
	s7 =	simm.s32 @!p0 $0x108  }
0x21: {  	s3 =	sadd.s32 s3, s9;
	s6 =	sadd.s32 @!p0 $0x88, s6;
	s7 =	simm.s32 @p2 $0x1082  }
0x22: {  	[simem:s7], [sflag:s8] =	dma.local @!p0 [hbm:s6], $0xF7A  }
0x23: {  	s9 =	sor.u32 $0xD0000000, s2;
	s6 =	simm.s32 $0x108;
	_ =	swait.ge @!p0 [sflag:s8], $0x0  }
0x24: {  	s3 =	sadd.s32 $0x88, s3;
	s6 =	simm.s32 @!p1 $0x1082;
	[sflag:s4] =	ssyncset.s32 $0xFFFFF086  }
0x25: {  	[simem:s6], [sflag:s4] =	dma.local [hbm:s3], $0xF7A  }
0x26: {  	[smem:$0x3F64] =	sst s1;
	(tag) =	ssettag s2;
	_ =	strace s9  }
0x27: {  	s1 =	sld [smem:$0x3F74]  }
0x28: {  	s2 =	sld [smem:$0x3F75]  }
0x29: {  	s4 =	sld [smem:$0x3F77]  }
0x2a: {  	p0 =	seq.s32 s5, $0x0;
	s5 =	sld [smem:$0x3F78]  }
0x2b: {  	s6 =	sld [smem:$0x3F79]  }
0x2c: {  	s7 =	sld [smem:$0x3F7A]  }
0x2d: {  	s3 =	simm.s32 $0x108;
	s8 =	sld [smem:$0x3F7B]  }
0x2e: {  	s3 =	simm.s32 @!p0 $0x1082;
	s9 =	sld [smem:$0x3F7C]  }
0x2f: {  	lr =	sadd.s32 s0, s3;
	s0 =	sld [smem:$0x3F73]  }
0x30: {  	s3 =	sld [smem:$0x3F76]  }
0x31: {  	[smem:$0x3F7F] =	sst s10  }
0x32: {  	s10 =	sld [smem:$0x3F7D];
	_ =	sdelay $0x3  }
0x33: {  	p0 =	seq.s32 s10, $0x1;
	s10 =	sld [smem:$0x3F7F];
	_ =	sdelay $0x3  }
0x34: {  	[smem:$0x3F7F] =	sst s10  }
0x35: {  	s10 =	sld [smem:$0x3F7E];
	_ =	sdelay $0x3  }
0x36: {  	p1 =	seq.s32 s10, $0x1;
	s10 =	sld [smem:$0x3F7F];
	_ =	sdelay $0x3  }
0x37: {  	[smem:$0x3F7F] =	sst s10  }
0x38: {  	s10 =	sld [smem:$0x3F80]  }
0x39: {  	_ = 	snop;
	(pc) =	sbr.ind lr, $3  }
0x3a: {  	_ = 	snop  }
0x3b: {  	_ = 	snop  }
0x3c: {  	p2 =	seq.s32 s10, $0x1;
	s10 =	sld [smem:$0x3F7F]  }
0x3d: {  	_ =	shalt  }
0x3e: {  	_ =	shalt  }
0x3f: {  	_ =	shalt  }
0x40: {  	_ =	shalt  }
0x41: {  	_ =	shalt  }
0x42: {  	_ =	shalt  }
0x43: {  	_ =	shalt  }
0x44: {  	_ =	shalt  }
0x45: {  	_ =	shalt  }
0x46: {  	_ =	shalt  }
0x47: {  	_ =	shalt  }
0x48: {  	_ =	shalt  }
0x49: {  	_ =	shalt  }
0x4a: {  	_ =	shalt  }
0x4b: {  	_ =	shalt  }
0x4c: {  	_ =	shalt  }
0x4d: {  	_ =	shalt  }
0x4e: {  	_ =	shalt  }
0x4f: {  	_ =	shalt  }
0x50: {  	_ =	shalt  }
0x51: {  	_ =	shalt  }
0x52: {  	_ =	shalt  }
0x53: {  	_ =	shalt  }
0x54: {  	_ =	shalt  }
0x55: {  	_ =	shalt  }
0x56: {  	_ =	shalt  }
0x57: {  	_ =	shalt  }
0x58: {  	_ =	shalt  }
0x59: {  	_ =	shalt  }
0x5a: {  	_ =	shalt  }
0x5b: {  	_ =	shalt  }
0x5c: {  	_ =	shalt  }
0x5d: {  	_ =	shalt  }
0x5e: {  	_ =	shalt  }
0x5f: {  	_ =	shalt  }
0x60: {  	_ =	shalt  }
0x61: {  	_ =	shalt  }
0x62: {  	_ =	shalt  }
0x63: {  	_ =	shalt  }
0x64: {  	_ =	shalt  }
0x65: {  	_ =	shalt  }
0x66: {  	_ =	shalt  }
0x67: {  	_ =	shalt  }
0x68: {  	_ =	shalt  }
0x69: {  	_ =	shalt  }
0x6a: {  	_ =	shalt  }
0x6b: {  	_ =	shalt  }
0x6c: {  	_ =	shalt  }
0x6d: {  	_ =	shalt  }
0x6e: {  	_ =	shalt  }
0x6f: {  	_ =	shalt  }
0x70: {  	_ =	shalt  }
0x71: {  	_ =	shalt  }
0x72: {  	_ =	shalt  }
0x73: {  	_ =	shalt  }
0x74: {  	_ =	shalt  }
0x75: {  	_ =	shalt  }
0x76: {  	_ =	shalt  }
0x77: {  	_ =	shalt  }
0x78: {  	_ =	shalt  }
0x79: {  	_ =	shalt  }
0x7a: {  	_ =	shalt  }
0x7b: {  	_ =	shalt  }
0x7c: {  	_ =	shalt  }
0x7d: {  	_ =	shalt  }
0x7e: {  	_ =	shalt  }
0x7f: {  	_ =	shalt  }
0x80: {  	_ =	shalt  }
0x81: {  	_ =	shalt  }
0x82: {  	_ =	shalt  }
0x83: {  	_ =	shalt  }
0x84: {  	_ =	shalt  }
0x85: {  	_ =	shalt  }
0x86: {  	_ =	shalt  }
0x87: {  	_ =	shalt  }
.Lfunc_end0:
.L_simem_size_0:
called_computation.2_lowered:
.L_overlay_start_0:
0x88: {  	s2 =	sld [smem:$0x3FD9]  }
0x89: {  	s3 =	sld [smem:$0x3FFE];
	_ =	sdelay $0x1  }
0x8a: {  	s1 =	srdreg.scid  }
0x8b: {  	s0 =	sand.u32 $0x1, s1  }
0x8c: {  	s16 =	sshll.u32 s0, $0xA;
	s2 =	sadd.s32 s3, s2  }
0x8d: {  	s2 =	sadd.s32 s2, s16  }
0x8e: {  	[smem:$0x3F8B] =	sst s2  }
0x8f: {  	_ = 	snop  }
0x90: {  	(tm) =	ssettm $0x1  }
0x91: {  	s17 =	sld [smem:$0x3FFB];
	_ =	sdelay $0x3  }
0x92: {  	_ =	strace s17  }
0x93: {  	s2 =	sld [smem:$0x3FFC];
	_ =	sdelay $0x3  }
0x94: {  	_ =	strace s2  }
0x95: {  	s2 =	sld [smem:$0x3FFD];
	_ =	sdelay $0x3  }
0x96: {  	_ =	strace s2  }
0x97: {  	_ =	strace $0x8FFFFFFF  }
0x98: {  	s18 =	sld [smem:$0x3FDB];
	_ =	sdelay $0x1  }
0x99: {  	s19 =	simm.s32 $_scs_section_size  }
0x9a: {  	s4 =	simm.s32 $_size__tile_overlayer_lowered;
	s5 =	simm.s32 $_tile_overlayer_lowered  }
0x9b: {  	s22 =	simm.s32 $0x1BFF;
	s21 =	sshll.u32 s5, $0x1;
	s2 =	sadd.s32 s19, s18  }
0x9c: {  	s6 =	simm.s32 $0x0;
	s20 =	sshll.u32 s4, $0x1;
	s4 =	sadd.s32 s21, s2  }
0x9d: {  	[timem:s6], [sflag:s22] =	dma.local [hbm:s4], s20  }
0x9e: {  	_ =	swait.ge [sflag:s22], s20  }
0x9f: {  	s3 =	ssub.s32 $0x0, s20;
	[sflag:s22] =	ssyncset.done $0x0  }
0xa0: {  	[sflag:s22] =	ssyncadd.s32 s3;
	_ =	sdelay $0x1  }
0xa1: {  	s23 =	simm.s32 $0x1B8B  }
0xa2: {  	_ =	swait.ge [sflag:s23], $0x1  }
0xa3: {  	[sflag:s23] =	ssyncset.done $0x0  }
0xa4: {  	s25 =	simm.s32 $0x1B8E;
	s24 =	sld [smem:$0x3FFE];
	[sflag:s23] =	ssyncadd.s32 $0xFFFFFFFF  }
0xa5: {  	s26 =	simm.s32 $execute0_lowered;
	[smem:$0x3FD2] =	sst s25  }
0xa6: {  	s4 =	sshll.u32 s26, $0x1;
	_ =	strace $0x8000004C;
	[dreg:$0x1] =	wrdreg $0xFFFFFFFF  }
0xa7: {  	s28 =	simm.s32 $_size_execute0_lowered;
	s2 =	sadd.s32 s2, s4;
	[dreg:$0x0] =	wrdreg $0x0  }
0xa8: {  	s4 =	sshll.u32 s28, $0x1;
	[dreg:$0x2] =	wrdreg s2  }
0xa9: {  	[dreg:$0x3] =	wrdreg s4  }
0xaa: {  	[dreg:$0x4] =	wrdreg $0xC0  }
0xab: {  	_ =	task [dreg:s6], $0x5FFFF  }
0xac: {  	[dreg:$0x1] =	wrdreg $0xFFFFFFFF  }
0xad: {  	[dreg:$0x0] =	wrdreg $0x60  }
0xae: {  	[dreg:$0x2] =	wrdreg s24  }
0xaf: {  	[dreg:$0x3] =	wrdreg $0x9  }
0xb0: {  	_ =	task.clear_ibuf [dreg:s6], $0x4FFFF;
	_ =	strace $0x9000004C  }
0xb1: {  	s29 =	simm.s32 $0x9;
	_ =	strace $0x8000004E  }
0xb2: {  	_ =	swait.ge [sflag:s29], $0x1  }
0xb3: {  	[sflag:s29] =	ssyncadd.s32 $0xFFFFFFFF  }
0xb4: {  	_ =	strace $0x9000004E  }
0xb5: {  	_ =	sfence  }
0xb6: {  	s30 =	sld [smem:$0x0];
	_ =	sdelay $0x2  }
0xb7: {  	s31 =	sshll.u32 s1, $0xD;
	s1 =	sshrl.u32 s1, $0x2  }
0xb8: {  	s3 =	sand.u32 $0x4000, s31;
	s1 =	sadd.s32 s1, s30  }
0xb9: {  	s0 =	sor.u32 s3, s0;
	s1 =	sshll.u32 s1, $0x11  }
0xba: {  	s0 =	sor.u32 s1, s0  }
0xbb: {  	s0 =	sadd.s32 $0x8F2B, s0  }
0xbc: {  	[sflag:s0] =	ssyncadd.remote.s32 $0x1  }
0xbd: {  	_ =	sfence.sel $0xFFFF  }
0xbe: {  	[dreg:$0x0] =	wrdreg $0xFFFFFFFF;
	(pc) =	sbr.abs _section_cstart, $3  }
0xbf: {  	[dreg:$0x1] =	wrdreg $0xFFFFFFFF  }
0xc0: {  	_ =	task.clear_ibuf [dreg:s6], $0x2FFFF;
	_ =	strace $0x9FFFFFFF  }
0xc1: {  	(tm) =	ssettm $0x7FFFFFFF  }
tec
execute0_lowered:
.L_overlay_start_1:
0x0: {  	(tag) =	ssettag $0x1  }
0x1: {  	s6 =	rddreg [dreg:$0x0]  }
0x2: {  	s0 =	rddreg [dreg:$0x1]  }
0x3: {  	s3 =	srdreg.scid;
	s1 =	stileid.u32  }
0x4: {  	s2 =	simm.s32 $0x0;
	s13 =	simm.s32 $0x3;
	s14 =	simm.s32 $0x50  }
0x5: {  	s15 =	simm.s32 $0xA0;
	s16 =	simm.s32 $0x14A0;
	s4 =	smul.u32 $0x4E20, s1  }
0x6: {  	s17 =	simm.s32 $0x28A0;
	s18 =	simm.s32 $0x2DA0;
	s8 =	smul.u32 $0x27100, s1  }
0x7: {  	s19 =	simm.s32 $0x1;
	s7 =	sand.u32 $0x1, s3;
	s10 =	smul.u32 $0x9C40, s1  }
0x8: {  	s20 =	simm.s32 $0x2;
	s21 =	simm.s32 $0x0;
	s5 =	smul.u32 $0x2710, s7  }
0x9: {  	[smem:$0x7FF] =	sst s2;
	s3 =	sadd.s32 $0xA1A00, s6;
	s28 =	smul.u32 $0x4E20, s7  }
0xa: {  	_ =	strace $0x8000004D;
	s11 =	ssub.s32 $0x2, s7;
	s7 =	smul.u32 $0x13880, s7  }
0xb: {  	s10 =	sadd.s32 s10, s6;
	s8 =	sadd.s32 s8, s6;
	s29 =	sshrl.u32 s11, $0x1  }
0xc: {  	s5 =	sadd.s32 s5, s4;
	s4 =	sadd.s32 $0xB5400, s6;
	s30 =	ssub.s32 s11, s29  }
0xd: {  	s31 =	sadd.s32 s7, s8;
	s9 =	sshrl.u32 s5, $0x3;
	s5 =	sadd.s32 $0xC8E00, s6  }
0xe: {  	s12 =	sadd.s32 s9, s6;
	s9 =	sadd.s32 s28, s10;
	s10 =	sadd.s32 $0xCDE00, s31  }
0xf: {  	s7 =	smax.u32 s30, $0x1;
	s6 =	sadd.s32 $0xB9E400, s9;
	s8 =	sadd.s32 $0x5AFE00, s9  }
0x10: {  	s9 =	sadd.s32 $0x33EE00, s31;
	s11 =	sadd.s32 $0x8DE00, s12;
	s12 =	sadd.s32 $0x97C00, s12  }
.LBB2_1:
0x11: {  	[tilespmem:s2], [sflag:$0x3] =	stream.linear.gather [hbm4b:s12+s2], $0x50, $0x38;
	[tilespmem:$0x32A0] =	vst v63  }
0x12: {  	_ =	swait.ge [sflag:s13], $0x50  }
0x13: {  	[sflag:s13] =	ssyncset.done $0x0  }
0x14: {  	[sflag:s13] =	ssyncadd.s32 $0xFFFFFFB0  }
0x15: {  	[tilespmem:s14], [sflag:$0x3] =	stream.linear.gather [hbm4b:s11+s2], $0x50, $0x38;
	[tilespmem:$0x32A0] =	vst v63  }
0x16: {  	_ =	swait.ge [sflag:s13], $0x50  }
0x17: {  	[sflag:s13] =	ssyncset.done $0x0  }
0x18: {  	[sflag:s13] =	ssyncadd.s32 $0xFFFFFFB0  }
0x19: {  	[tilespmem:s15], [sflag:$0x1] =	stream.indirect.gather [hbm4b:s3+s14], $0x40, s2, s14, $0xb8;
	[tilespmem:$0x32A0] =	vst v63  }
0x1a: {  	_ = 	snop  }
0x1b: {  	[tilespmem:s16], [sflag:$0x1] =	stream.indirect.gather [hbm4b:s4+s14], $0x40, s14, s14, $0xb8;
	[tilespmem:$0x32A0] =	vst v63  }
0x1c: {  	_ = 	snop  }
0x1d: {  	[tilespmem:s17], [sflag:$0x1] =	stream.indirect.gather [hbm4b:s5+s14], $0x10, s2, s14, $0xb8;
	[tilespmem:$0x32A0] =	vst v63  }
0x1e: {  	_ = 	snop  }
0x1f: {  	[tilespmem:s18], [sflag:$0x1] =	stream.indirect.gather [hbm4b:s5+s14], $0x10, s14, s14, $0xb8;
	[tilespmem:$0x32A0] =	vst v63  }
0x20: {  	_ =	swait.ge [sflag:s19], $0x1400  }
0x21: {  	[sflag:s19] =	ssyncset.done $0x0  }
0x22: {  	[sflag:s19] =	ssyncadd.s32 $0xFFFFEC00  }
0x23: {  	_ =	swait.ge [sflag:s19], $0x1400  }
0x24: {  	[sflag:s19] =	ssyncset.done $0x0  }
0x25: {  	[sflag:s19] =	ssyncadd.s32 $0xFFFFEC00  }
0x26: {  	_ =	swait.ge [sflag:s19], $0x500  }
0x27: {  	[sflag:s19] =	ssyncset.done $0x0  }
0x28: {  	[sflag:s19] =	ssyncadd.s32 $0xFFFFFB00  }
0x29: {  	_ =	swait.ge [sflag:s19], $0x500  }
0x2a: {  	[sflag:s19] =	ssyncset.done $0x0  }
0x2b: {  	[sflag:s19] =	ssyncadd.s32 $0xFFFFFB00  }
0x2c: {  	[hbm4b:s10+s2] =	stream.linear.scatter [tilespmem:s15], [sflag:$0x2], $0x1400, $0x38;
	[tilespmem:$0x32A0] =	vst v63  }
0x2d: {  	_ = 	snop  }
0x2e: {  	[hbm4b:s9+s2] =	stream.linear.scatter [tilespmem:s16], [sflag:$0x2], $0x1400, $0x38;
	[tilespmem:$0x32A0] =	vst v63  }
0x2f: {  	s22 =	sadd.s32 $0x0, s8  }
0x30: {  	[hbm4b:s22+s2] =	stream.linear.scatter [tilespmem:s17], [sflag:$0x2], $0x500, $0x38;
	[tilespmem:$0x32A0] =	vst v63  }
0x31: {  	s31 =	sadd.s32 $0x0, s6  }
0x32: {  	[hbm4b:s31+s2] =	stream.linear.scatter [tilespmem:s18], [sflag:$0x2], $0x500, $0x38;
	[tilespmem:$0x32A0] =	vst v63  }
0x33: {  	_ =	swait.ge [sflag:s20], $0x1400  }
0x34: {  	[sflag:s20] =	ssyncset.done $0x0  }
0x35: {  	[sflag:s20] =	ssyncadd.s32 $0xFFFFEC00  }
0x36: {  	_ =	swait.ge [sflag:s20], $0x1400  }
0x37: {  	[sflag:s20] =	ssyncset.done $0x0  }
0x38: {  	[sflag:s20] =	ssyncadd.s32 $0xFFFFEC00  }
0x39: {  	_ =	swait.ge [sflag:s20], $0x500  }
0x3a: {  	[sflag:s20] =	ssyncset.done $0x0  }
0x3b: {  	s23 =	sadd.s32 $0xA, s11;
	[sflag:s20] =	ssyncadd.s32 $0xFFFFFB00  }
0x3c: {  	s24 =	sadd.s32 $0xA, s12;
	s25 =	smov.u32 s9;
	_ =	swait.ge [sflag:s20], $0x500  }
0x3d: {  	s26 =	smov.u32 s10;
	s22 =	simm.s32 $0xA0;
	[sflag:s20] =	ssyncset.done $0x0  }
.LBB2_2:
0x3e: {  	[sflag:s20] =	ssyncadd.s32 $0xFFFFFB00  }
0x3f: {  	s25 =	sadd.s32 $0x280, s25;
	s26 =	sadd.s32 $0x280, s26;
	s28 =	smov.u32 s22  }
0x40: {  	[tilespmem:s2], [sflag:$0x3] =	stream.linear.gather [hbm4b:s24+s2], $0x50, $0x38;
	[tilespmem:$0x32A0] =	vst v63  }
0x41: {  	p0 =	sne.s32 s22, $0x4D80;
	s22 =	sadd.s32 $0xA0, s22;
	_ =	swait.ge [sflag:s13], $0x50  }
0x42: {  	[sflag:s13] =	ssyncset.done $0x0  }
0x43: {  	[sflag:s13] =	ssyncadd.s32 $0xFFFFFFB0  }
0x44: {  	[tilespmem:s14], [sflag:$0x3] =	stream.linear.gather [hbm4b:s23+s2], $0x50, $0x38;
	[tilespmem:$0x32A0] =	vst v63  }
0x45: {  	_ =	swait.ge [sflag:s13], $0x50  }
0x46: {  	[sflag:s13] =	ssyncset.done $0x0  }
0x47: {  	[sflag:s13] =	ssyncadd.s32 $0xFFFFFFB0  }
0x48: {  	[tilespmem:s15], [sflag:$0x1] =	stream.indirect.gather [hbm4b:s3+s14], $0x40, s2, s14, $0xb8;
	[tilespmem:$0x32A0] =	vst v63  }
0x49: {  	_ = 	snop  }
0x4a: {  	[tilespmem:s16], [sflag:$0x1] =	stream.indirect.gather [hbm4b:s4+s14], $0x40, s14, s14, $0xb8;
	[tilespmem:$0x32A0] =	vst v63  }
0x4b: {  	_ = 	snop  }
0x4c: {  	[tilespmem:s17], [sflag:$0x1] =	stream.indirect.gather [hbm4b:s5+s14], $0x10, s2, s14, $0xb8;
	[tilespmem:$0x32A0] =	vst v63  }
0x4d: {  	_ = 	snop  }
0x4e: {  	[tilespmem:s18], [sflag:$0x1] =	stream.indirect.gather [hbm4b:s5+s14], $0x10, s14, s14, $0xb8;
	[tilespmem:$0x32A0] =	vst v63  }
0x4f: {  	_ =	swait.ge [sflag:s19], $0x1400  }
0x50: {  	[sflag:s19] =	ssyncset.done $0x0  }
0x51: {  	[sflag:s19] =	ssyncadd.s32 $0xFFFFEC00  }
0x52: {  	_ =	swait.ge [sflag:s19], $0x1400  }
0x53: {  	[sflag:s19] =	ssyncset.done $0x0  }
0x54: {  	[sflag:s19] =	ssyncadd.s32 $0xFFFFEC00  }
0x55: {  	_ =	swait.ge [sflag:s19], $0x500  }
0x56: {  	[sflag:s19] =	ssyncset.done $0x0  }
0x57: {  	[sflag:s19] =	ssyncadd.s32 $0xFFFFFB00  }
0x58: {  	_ =	swait.ge [sflag:s19], $0x500  }
0x59: {  	[sflag:s19] =	ssyncset.done $0x0  }
0x5a: {  	[sflag:s19] =	ssyncadd.s32 $0xFFFFFB00  }
0x5b: {  	[hbm4b:s26+s2] =	stream.linear.scatter [tilespmem:s15], [sflag:$0x2], $0x1400, $0x38;
	[tilespmem:$0x32A0] =	vst v63  }
0x5c: {  	_ = 	snop  }
0x5d: {  	[hbm4b:s25+s2] =	stream.linear.scatter [tilespmem:s16], [sflag:$0x2], $0x1400, $0x38;
	[tilespmem:$0x32A0] =	vst v63  }
0x5e: {  	s29 =	sadd.s32 s28, s8  }
0x5f: {  	[hbm4b:s29+s2] =	stream.linear.scatter [tilespmem:s17], [sflag:$0x2], $0x500, $0x38;
	[tilespmem:$0x32A0] =	vst v63  }
0x60: {  	s28 =	sadd.s32 s28, s6  }
0x61: {  	[hbm4b:s28+s2] =	stream.linear.scatter [tilespmem:s18], [sflag:$0x2], $0x500, $0x38;
	[tilespmem:$0x32A0] =	vst v63  }
0x62: {  	_ =	swait.ge [sflag:s20], $0x1400  }
0x63: {  	[sflag:s20] =	ssyncset.done $0x0  }
0x64: {  	[sflag:s20] =	ssyncadd.s32 $0xFFFFEC00  }
0x65: {  	_ =	swait.ge [sflag:s20], $0x1400  }
0x66: {  	[sflag:s20] =	ssyncset.done $0x0  }
0x67: {  	[sflag:s20] =	ssyncadd.s32 $0xFFFFEC00  }
.Ltmp0:
0x68: {  	_ =	swait.ge [sflag:s20], $0x500;
	(pc) =	sbr.rel @p0 .LBB2_2-.Ltmp0, $4  }
0x69: {  	[sflag:s20] =	ssyncset.done $0x0  }
0x6a: {  	[sflag:s20] =	ssyncadd.s32 $0xFFFFFB00  }
0x6b: {  	_ =	swait.ge [sflag:s20], $0x500  }
0x6c: {  	s24 =	sadd.s32 $0xA, s24;
	s23 =	sadd.s32 $0xA, s23;
	[sflag:s20] =	ssyncset.done $0x0  }
0x6d: {  	s21 =	sadd.s32 $0x1, s21  }
0x6e: {  	p0 =	sne.s32 s21, s7  }
.Ltmp1:
0x6f: {  	_ = 	snop;
	(pc) =	sbr.rel @p0 .LBB2_1-.Ltmp1, $2  }
0x70: {  	_ =	sdelay $0x2  }
0x71: {  	[sflag:s20] =	ssyncadd.s32 $0xFFFFFB00  }
0x72: {  	_ =	sfence.sel $0x180000  }
0x73: {  	[bflag:$0x0] =	sbarrier.arrive $0xFFFF  }
0x74: {  	p0 =	sne.s32 s1, $0x0;
	_ =	strace $0x9000004D  }
0x75: {  	s0 =	sadd.s32 @!p0 $0x100000, s0;
	[bflag:$0x2] =	sbarrier.arrive $0xFFFF  }
0x76: {  	[sflag:s0] =	ssyncadd.tile.s32 @!p0 $0x1;
	_ =	shalt  }
.Lfunc_end2:
_tile_overlayer_lowered:
.L_overlay_start_2:
0x77: {  	(tag) =	ssettag $0x2  }
0x78: {  	s0 =	rddreg [dreg:$0x0];
	s2 =	stileid.u32  }
0x79: {  	s1 =	rddreg [dreg:$0x1];
	p0 =	sne.s32 s2, $0x0  }
0x7a: {  	s3 =	rddreg [dreg:$0x2];
	[bflag:$0x3] =	sbarrier.arrive $0xFFFF;
	s2 =	simm.s32 @!p0 $0x1C03  }
0x7b: {  	[timem:s3], [sflag:s2] =	dma.local @!p0 [hbm:s0], s1  }
0x7c: {  	s0 =	simm.s32 @!p0 $0x3  }
0x7d: {  	_ =	swait.ge @!p0 [sflag:s0], s1  }
0x7e: {  	s1 =	ssub.s32 @!p0 $0x0, s1;
	[sflag:s0] =	ssyncset.done @!p0 $0x0  }
0x7f: {  	[sflag:s0] =	ssyncadd.s32 @!p0 s1  }
0x80: {  	[bflag:$0x3] =	sbarrier.arrive $0xFFFF  }
0x81: {  	_ =	shalt  }

// kernel: kernel.29.cloned.1.call-start
scs
__scs_entry_jumppad:
0x0: {  	(pc) =	sbr.rel $0x88, $3  }
0x1: {  	(tag) =	ssettag $0x0;
	lr =	simm.s32 $0x1  }
0x2: {  	[smem:$0x3F64] =	sst lr;
	_ =	strace $0xD0000000  }
0x3: {  	_ = 	snop  }
0x4: {  	_ = 	snop  }
0x5: {  	_ = 	snop  }
0x6: {  	_ = 	snop  }
0x7: {  	_ = 	snop  }
__scs_overlays_trampoline_lowered:
0x8: {  	[smem:$0x3F73] =	sst s0  }
0x9: {  	[smem:$0x3F74] =	sst s1  }
0xa: {  	[smem:$0x3F75] =	sst s2  }
0xb: {  	[smem:$0x3F76] =	sst s3  }
0xc: {  	[smem:$0x3F77] =	sst s4  }
0xd: {  	[smem:$0x3F78] =	sst s5  }
0xe: {  	[smem:$0x3F79] =	sst s6  }
0xf: {  	[smem:$0x3F7A] =	sst s7  }
0x10: {  	[smem:$0x3F7B] =	sst s8  }
0x11: {  	[smem:$0x3F7C] =	sst s9;
	s0 =	simm.s32 @!p0 $0x0  }
0x12: {  	s1 =	sld [smem:$0x3F62];
	s0 =	simm.s32 @p0 $0x1  }
0x13: {  	[smem:$0x3F7D] =	sst s0;
	s0 =	simm.s32 @!p1 $0x0  }
0x14: {  	s2 =	sld [smem:$0x3F61];
	s0 =	simm.s32 @p1 $0x1  }
0x15: {  	[smem:$0x3F7E] =	sst s0;
	s0 =	simm.s32 @!p2 $0x0  }
0x16: {  	s3 =	sld [smem:$0x3FDB];
	s0 =	simm.s32 @p2 $0x1  }
0x17: {  	s4 =	simm.s32 $0x1BF5;
	[smem:$0x3F80] =	sst s0  }
0x18: {  	s0 =	sld [smem:$0x3F63];
	_ =	swait.ge [sflag:s4], $0x0  }
0x19: {  	s7 =	sld [smem:$0x3F64]  }
0x1a: {  	s8 =	sadd.s32 $0xFFFFE003, lr  }
0x1b: {  	s9 =	sadd.s32 $0xFFFFFEF7, lr;
	s5 =	simm.s32 $0xFFFFFFFF;
	p2 =	slt.u32 s8, $0xFFFFF086  }
0x1c: {  	p1 =	slt.u32 s9, $0xF7A;
	s5 =	simm.s32 @!p2 $0x0  }
0x1d: {  	s5 =	simm.s32 @p1 $0x1;
	p0 =	seq.s32 s7, s2  }
0x1e: {  	s7 =	smul.u32 @!p0 $0xF7A, s2;
	p2 =	seq.s32 @!p0 s5, $0x0  }
0x1f: {  	s9 =	smul.u32 $0xF7A, s1;
	s8 =	simm.s32 @!p0 $0x1BF5;
	p2 =	por !p2, p0  }
0x20: {  	[sflag:s8] =	ssyncset.s32 @!p0 $0xFFFFF086;
	s6 =	sadd.s32 @!p0 s3, s7;
	s7 =	simm.s32 @!p0 $0x108  }
0x21: {  	s3 =	sadd.s32 s3, s9;
	s6 =	sadd.s32 @!p0 $0x88, s6;
	s7 =	simm.s32 @p2 $0x1082  }
0x22: {  	[simem:s7], [sflag:s8] =	dma.local @!p0 [hbm:s6], $0xF7A  }
0x23: {  	s9 =	sor.u32 $0xD0000000, s2;
	s6 =	simm.s32 $0x108;
	_ =	swait.ge @!p0 [sflag:s8], $0x0  }
0x24: {  	s3 =	sadd.s32 $0x88, s3;
	s6 =	simm.s32 @!p1 $0x1082;
	[sflag:s4] =	ssyncset.s32 $0xFFFFF086  }
0x25: {  	[simem:s6], [sflag:s4] =	dma.local [hbm:s3], $0xF7A  }
0x26: {  	[smem:$0x3F64] =	sst s1;
	(tag) =	ssettag s2;
	_ =	strace s9  }
0x27: {  	s1 =	sld [smem:$0x3F74]  }
0x28: {  	s2 =	sld [smem:$0x3F75]  }
0x29: {  	s4 =	sld [smem:$0x3F77]  }
0x2a: {  	p0 =	seq.s32 s5, $0x0;
	s5 =	sld [smem:$0x3F78]  }
0x2b: {  	s6 =	sld [smem:$0x3F79]  }
0x2c: {  	s7 =	sld [smem:$0x3F7A]  }
0x2d: {  	s3 =	simm.s32 $0x108;
	s8 =	sld [smem:$0x3F7B]  }
0x2e: {  	s3 =	simm.s32 @!p0 $0x1082;
	s9 =	sld [smem:$0x3F7C]  }
0x2f: {  	lr =	sadd.s32 s0, s3;
	s0 =	sld [smem:$0x3F73]  }
0x30: {  	s3 =	sld [smem:$0x3F76]  }
0x31: {  	[smem:$0x3F7F] =	sst s10  }
0x32: {  	s10 =	sld [smem:$0x3F7D];
	_ =	sdelay $0x3  }
0x33: {  	p0 =	seq.s32 s10, $0x1;
	s10 =	sld [smem:$0x3F7F];
	_ =	sdelay $0x3  }
0x34: {  	[smem:$0x3F7F] =	sst s10  }
0x35: {  	s10 =	sld [smem:$0x3F7E];
	_ =	sdelay $0x3  }
0x36: {  	p1 =	seq.s32 s10, $0x1;
	s10 =	sld [smem:$0x3F7F];
	_ =	sdelay $0x3  }
0x37: {  	[smem:$0x3F7F] =	sst s10  }
0x38: {  	s10 =	sld [smem:$0x3F80]  }
0x39: {  	_ = 	snop;
	(pc) =	sbr.ind lr, $3  }
0x3a: {  	_ = 	snop  }
0x3b: {  	_ = 	snop  }
0x3c: {  	p2 =	seq.s32 s10, $0x1;
	s10 =	sld [smem:$0x3F7F]  }
0x3d: {  	_ =	shalt  }
0x3e: {  	_ =	shalt  }
0x3f: {  	_ =	shalt  }
0x40: {  	_ =	shalt  }
0x41: {  	_ =	shalt  }
0x42: {  	_ =	shalt  }
0x43: {  	_ =	shalt  }
0x44: {  	_ =	shalt  }
0x45: {  	_ =	shalt  }
0x46: {  	_ =	shalt  }
0x47: {  	_ =	shalt  }
0x48: {  	_ =	shalt  }
0x49: {  	_ =	shalt  }
0x4a: {  	_ =	shalt  }
0x4b: {  	_ =	shalt  }
0x4c: {  	_ =	shalt  }
0x4d: {  	_ =	shalt  }
0x4e: {  	_ =	shalt  }
0x4f: {  	_ =	shalt  }
0x50: {  	_ =	shalt  }
0x51: {  	_ =	shalt  }
0x52: {  	_ =	shalt  }
0x53: {  	_ =	shalt  }
0x54: {  	_ =	shalt  }
0x55: {  	_ =	shalt  }
0x56: {  	_ =	shalt  }
0x57: {  	_ =	shalt  }
0x58: {  	_ =	shalt  }
0x59: {  	_ =	shalt  }
0x5a: {  	_ =	shalt  }
0x5b: {  	_ =	shalt  }
0x5c: {  	_ =	shalt  }
0x5d: {  	_ =	shalt  }
0x5e: {  	_ =	shalt  }
0x5f: {  	_ =	shalt  }
0x60: {  	_ =	shalt  }
0x61: {  	_ =	shalt  }
0x62: {  	_ =	shalt  }
0x63: {  	_ =	shalt  }
0x64: {  	_ =	shalt  }
0x65: {  	_ =	shalt  }
0x66: {  	_ =	shalt  }
0x67: {  	_ =	shalt  }
0x68: {  	_ =	shalt  }
0x69: {  	_ =	shalt  }
0x6a: {  	_ =	shalt  }
0x6b: {  	_ =	shalt  }
0x6c: {  	_ =	shalt  }
0x6d: {  	_ =	shalt  }
0x6e: {  	_ =	shalt  }
0x6f: {  	_ =	shalt  }
0x70: {  	_ =	shalt  }
0x71: {  	_ =	shalt  }
0x72: {  	_ =	shalt  }
0x73: {  	_ =	shalt  }
0x74: {  	_ =	shalt  }
0x75: {  	_ =	shalt  }
0x76: {  	_ =	shalt  }
0x77: {  	_ =	shalt  }
0x78: {  	_ =	shalt  }
0x79: {  	_ =	shalt  }
0x7a: {  	_ =	shalt  }
0x7b: {  	_ =	shalt  }
0x7c: {  	_ =	shalt  }
0x7d: {  	_ =	shalt  }
0x7e: {  	_ =	shalt  }
0x7f: {  	_ =	shalt  }
0x80: {  	_ =	shalt  }
0x81: {  	_ =	shalt  }
0x82: {  	_ =	shalt  }
0x83: {  	_ =	shalt  }
0x84: {  	_ =	shalt  }
0x85: {  	_ =	shalt  }
0x86: {  	_ =	shalt  }
0x87: {  	_ =	shalt  }
.Lfunc_end0:
.L_simem_size_0:
called_computation.3_lowered:
.L_overlay_start_0:
0x88: {  	s2 =	sld [smem:$0x3FD9]  }
0x89: {  	s3 =	sld [smem:$0x3FFE];
	_ =	sdelay $0x1  }
0x8a: {  	s1 =	srdreg.scid  }
0x8b: {  	s0 =	sand.u32 $0x1, s1  }
0x8c: {  	s16 =	sshll.u32 s0, $0xA;
	s2 =	sadd.s32 s3, s2  }
0x8d: {  	s2 =	sadd.s32 s2, s16  }
0x8e: {  	[smem:$0x3F8B] =	sst s2  }
0x8f: {  	_ = 	snop  }
0x90: {  	(tm) =	ssettm $0x1  }
0x91: {  	s17 =	sld [smem:$0x3FFB];
	_ =	sdelay $0x3  }
0x92: {  	_ =	strace s17  }
0x93: {  	s2 =	sld [smem:$0x3FFC];
	_ =	sdelay $0x3  }
0x94: {  	_ =	strace s2  }
0x95: {  	s2 =	sld [smem:$0x3FFD];
	_ =	sdelay $0x3  }
0x96: {  	_ =	strace s2  }
0x97: {  	_ =	strace $0x8FFFFFFF  }
0x98: {  	s18 =	sld [smem:$0x3FDB];
	_ =	sdelay $0x1  }
0x99: {  	s19 =	simm.s32 $_scs_section_size  }
0x9a: {  	s4 =	simm.s32 $_size__tile_overlayer_lowered;
	s5 =	simm.s32 $_tile_overlayer_lowered  }
0x9b: {  	s22 =	simm.s32 $0x1BFF;
	s21 =	sshll.u32 s5, $0x1;
	s2 =	sadd.s32 s19, s18  }
0x9c: {  	s6 =	simm.s32 $0x0;
	s20 =	sshll.u32 s4, $0x1;
	s4 =	sadd.s32 s21, s2  }
0x9d: {  	[timem:s6], [sflag:s22] =	dma.local [hbm:s4], s20  }
0x9e: {  	_ =	swait.ge [sflag:s22], s20  }
0x9f: {  	s3 =	ssub.s32 $0x0, s20;
	[sflag:s22] =	ssyncset.done $0x0  }
0xa0: {  	[sflag:s22] =	ssyncadd.s32 s3;
	_ =	sdelay $0x1  }
0xa1: {  	s23 =	simm.s32 $0x1B8B  }
0xa2: {  	_ =	swait.ge [sflag:s23], $0x1  }
0xa3: {  	[sflag:s23] =	ssyncset.done $0x0  }
0xa4: {  	s25 =	simm.s32 $0x1B8E;
	s24 =	sld [smem:$0x3FFE];
	[sflag:s23] =	ssyncadd.s32 $0xFFFFFFFF  }
0xa5: {  	s26 =	simm.s32 $execute0_lowered;
	[smem:$0x3FD2] =	sst s25  }
0xa6: {  	s4 =	sshll.u32 s26, $0x1;
	_ =	strace $0x8000004F;
	[dreg:$0x1] =	wrdreg $0xFFFFFFFF  }
0xa7: {  	s28 =	simm.s32 $_size_execute0_lowered;
	s2 =	sadd.s32 s2, s4;
	[dreg:$0x0] =	wrdreg $0x0  }
0xa8: {  	s4 =	sshll.u32 s28, $0x1;
	[dreg:$0x2] =	wrdreg s2  }
0xa9: {  	[dreg:$0x3] =	wrdreg s4  }
0xaa: {  	[dreg:$0x4] =	wrdreg $0xC0  }
0xab: {  	_ =	task [dreg:s6], $0x5FFFF  }
0xac: {  	[dreg:$0x1] =	wrdreg $0xFFFFFFFF  }
0xad: {  	[dreg:$0x0] =	wrdreg $0x60  }
0xae: {  	[dreg:$0x2] =	wrdreg s24  }
0xaf: {  	[dreg:$0x3] =	wrdreg $0x2D500  }
0xb0: {  	[dreg:$0x4] =	wrdreg $0x165D00  }
0xb1: {  	[dreg:$0x5] =	wrdreg $0x9  }
0xb2: {  	_ =	task.clear_ibuf [dreg:s6], $0x6FFFF;
	_ =	strace $0x9000004F  }
0xb3: {  	s29 =	simm.s32 $0x9;
	_ =	strace $0x80000051  }
0xb4: {  	_ =	swait.ge [sflag:s29], $0x1  }
0xb5: {  	[sflag:s29] =	ssyncadd.s32 $0xFFFFFFFF  }
0xb6: {  	_ =	strace $0x90000051  }
0xb7: {  	_ =	sfence  }
0xb8: {  	s30 =	sld [smem:$0x0];
	_ =	sdelay $0x2  }
0xb9: {  	s31 =	sshll.u32 s1, $0xD;
	s1 =	sshrl.u32 s1, $0x2  }
0xba: {  	s3 =	sand.u32 $0x4000, s31;
	s1 =	sadd.s32 s1, s30  }
0xbb: {  	s0 =	sor.u32 s3, s0;
	s1 =	sshll.u32 s1, $0x11  }
0xbc: {  	s0 =	sor.u32 s1, s0  }
0xbd: {  	s0 =	sadd.s32 $0x8F2B, s0  }
0xbe: {  	[sflag:s0] =	ssyncadd.remote.s32 $0x1  }
0xbf: {  	_ =	sfence.sel $0xFFFF  }
0xc0: {  	[dreg:$0x0] =	wrdreg $0xFFFFFFFF;
	(pc) =	sbr.abs _section_cstart, $3  }
0xc1: {  	[dreg:$0x1] =	wrdreg $0xFFFFFFFF  }
0xc2: {  	_ =	task.clear_ibuf [dreg:s6], $0x2FFFF;
	_ =	strace $0x9FFFFFFF  }
0xc3: {  	(tm) =	ssettm $0x7FFFFFFF  }
tec
execute0_lowered:
.L_overlay_start_1:
0x0: {  	(tag) =	ssettag $0x1  }
0x1: {  	s6 =	rddreg [dreg:$0x0];
	s0 =	srdreg.scid  }
0x2: {  	s10 =	stileid.u32;
	s1 =	rddreg [dreg:$0x1]  }
0x3: {  	s2 =	rddreg [dreg:$0x2];
	s4 =	smul.u32 $0x4E20, s10  }
0x4: {  	s3 =	simm.s32 $0x0;
	s15 =	simm.s32 $0x50;
	s13 =	smul.u32 $0x9C40, s10  }
0x5: {  	s16 =	simm.s32 $0x2850;
	s7 =	sand.u32 $0x1, s0;
	s14 =	smul.u32 $0x4E200, s10  }
0x6: {  	s17 =	simm.s32 $0x1;
	s0 =	rddreg [dreg:$0x3];
	s5 =	smul.u32 $0x2710, s7  }
0x7: {  	s18 =	simm.s32 $0x0;
	[smem:$0x7FF] =	sst s3;
	s8 =	smul.u32 $0x27100, s7  }
0x8: {  	p0 =	sne.s32 s10, $0x0;
	s9 =	smul.u32 $0x4E20, s7;
	s7 =	ssub.s32 $0x2, s7  }
0x9: {  	_ =	strace $0x80000050;
	s30 =	sshrl.u32 s7, $0x1;
	s4 =	sadd.s32 s5, s4  }
0xa: {  	s5 =	sadd.s32 $0x88E00, s6;
	s12 =	sadd.s32 s8, s6;
	s9 =	sadd.s32 s9, s6  }
0xb: {  	s31 =	ssub.s32 s7, s30;
	s4 =	sshrl.u32 s4, $0x3;
	s7 =	sadd.s32 $0x18C000, s9  }
0xc: {  	s8 =	smax.u32 s31, $0x1;
	s9 =	sadd.s32 s13, s9;
	s13 =	sshrl.u32 @!p0 s2, $0x3  }
0xd: {  	s11 =	sadd.s32 s4, s6;
	s4 =	sadd.s32 $0x3A800, s6;
	s6 =	sadd.s32 $0x13DE00, s12  }
0xe: {  	s9 =	sadd.s32 $0xA1A00, s9;
	s12 =	sadd.s32 s14, s12;
	s14 =	simm.s32 $0x2  }
0xf: {  	s10 =	sadd.s32 $0x1D51800, s12;
	s11 =	sadd.s32 $0x97C00, s11;
	s12 =	sshrl.u32 @!p0 s1, $0x3  }
.LBB2_1:
0x10: {  	s19 =	simm.s32 @!p0 $0x1C02;
	s20 =	simm.s32 @!p0 $0x2  }
0x11: {  	[spmem:s12], [sflag:s19] =	dma.local @!p0 [hbm:s4], $0x27100  }
0x12: {  	_ =	swait.ge @!p0 [sflag:s20], $0x27100  }
0x13: {  	[sflag:s20] =	ssyncset.done @!p0 $0x0  }
0x14: {  	[sflag:s20] =	ssyncadd.s32 @!p0 $0xFFFD8F00  }
0x15: {  	[spmem:s13], [sflag:s19] =	dma.local @!p0 [hbm:s5], $0x4E20  }
0x16: {  	_ =	swait.ge @!p0 [sflag:s20], $0x4E20  }
0x17: {  	[sflag:s20] =	ssyncset.done @!p0 $0x0  }
0x18: {  	[sflag:s20] =	ssyncadd.s32 @!p0 $0xFFFFB1E0  }
0x19: {  	s31 =	sadd.s32 $0x0, s11;
	[bflag:$0x0] =	sbarrier.arrive $0xFFFF  }
0x1a: {  	[tilespmem:s3], [sflag:$0x2] =	stream.linear.gather [hbm4b:s31+s3], $0x50, $0x38;
	[tilespmem:$0x18CE0] =	vst v63  }
0x1b: {  	_ =	swait.ge [sflag:s14], $0x50  }
0x1c: {  	[sflag:s14] =	ssyncset.done $0x0  }
0x1d: {  	[sflag:s14] =	ssyncadd.s32 $0xFFFFFFB0  }
0x1e: {  	[tilespmem:s15], [sflag:$0x1] =	stream.linear.gather [hbm4b:s10+s3], $0x2800, $0x38;
	[tilespmem:$0x18CE0] =	vst v63  }
0x1f: {  	_ = 	snop  }
0x20: {  	[tilespmem:s16], [sflag:$0x1] =	stream.linear.gather [hbm4b:s9+s3], $0x500, $0x38;
	[tilespmem:$0x18CE0] =	vst v63  }
0x21: {  	_ =	swait.ge [sflag:s17], $0x2800  }
0x22: {  	[sflag:s17] =	ssyncset.done $0x0  }
0x23: {  	[sflag:s17] =	ssyncadd.s32 $0xFFFFD800  }
0x24: {  	_ =	swait.ge [sflag:s17], $0x500  }
0x25: {  	[sflag:s17] =	ssyncset.done $0x0  }
0x26: {  	[sflag:s17] =	ssyncadd.s32 $0xFFFFFB00  }
0x27: {  	[spmem:s1] =	stream.indirect.scatter.add.f32 [tilespmem:s15], [sflag:$0x2], $0x80, s3, s15, $0xb8;
	[tilespmem:$0x18CE0] =	vst v63  }
0x28: {  	_ =	swait.ge [sflag:s14], $0x2800  }
0x29: {  	[sflag:s14] =	ssyncset.done $0x0  }
0x2a: {  	[sflag:s14] =	ssyncadd.s32 $0xFFFFD800  }
0x2b: {  	[spmem:s2] =	stream.indirect.scatter.add.f32 [tilespmem:s16], [sflag:$0x2], $0x10, s3, s15, $0xb8;
	[tilespmem:$0x18CE0] =	vst v63  }
0x2c: {  	s21 =	simm.s32 $0xA;
	s22 =	simm.s32 $0x14;
	_ =	swait.ge [sflag:s14], $0x500  }
0x2d: {  	s19 =	sadd.s32 $0xA0, s9;
	s20 =	sadd.s32 $0x500, s10;
	[sflag:s14] =	ssyncset.done $0x0  }
.LBB2_2:
0x2e: {  	s23 =	sadd.s32 s21, s11  }
0x2f: {  	[sflag:s14] =	ssyncadd.s32 $0xFFFFFB00;
	s21 =	smov.u32 s22;
	s24 =	sadd.s32 $0xA, s22  }
0x30: {  	[tilespmem:s3], [sflag:$0x2] =	stream.linear.gather [hbm4b:s23+s3], $0x50, $0x38;
	[tilespmem:$0x18CE0] =	vst v63  }
0x31: {  	p1 =	sne.s32 s22, $0x4D8;
	_ =	swait.ge [sflag:s14], $0x50  }
0x32: {  	[sflag:s14] =	ssyncset.done $0x0  }
0x33: {  	[sflag:s14] =	ssyncadd.s32 $0xFFFFFFB0  }
0x34: {  	[tilespmem:s15], [sflag:$0x1] =	stream.linear.gather [hbm4b:s20+s3], $0x2800, $0x38;
	[tilespmem:$0x18CE0] =	vst v63  }
0x35: {  	_ = 	snop  }
0x36: {  	[tilespmem:s16], [sflag:$0x1] =	stream.linear.gather [hbm4b:s19+s3], $0x500, $0x38;
	[tilespmem:$0x18CE0] =	vst v63  }
0x37: {  	_ =	swait.ge [sflag:s17], $0x2800  }
0x38: {  	[sflag:s17] =	ssyncset.done $0x0  }
0x39: {  	[sflag:s17] =	ssyncadd.s32 $0xFFFFD800  }
0x3a: {  	_ =	swait.ge [sflag:s17], $0x500  }
0x3b: {  	[sflag:s17] =	ssyncset.done $0x0  }
0x3c: {  	[sflag:s17] =	ssyncadd.s32 $0xFFFFFB00  }
0x3d: {  	[spmem:s1] =	stream.indirect.scatter.add.f32 [tilespmem:s15], [sflag:$0x2], $0x80, s3, s15, $0xb8;
	[tilespmem:$0x18CE0] =	vst v63  }
0x3e: {  	_ =	swait.ge [sflag:s14], $0x2800  }
.Ltmp0:
0x3f: {  	[sflag:s14] =	ssyncset.done $0x0;
	(pc) =	sbr.rel @p1 .LBB2_2-.Ltmp0, $4  }
0x40: {  	[sflag:s14] =	ssyncadd.s32 $0xFFFFD800  }
0x41: {  	[spmem:s2] =	stream.indirect.scatter.add.f32 [tilespmem:s16], [sflag:$0x2], $0x10, s3, s15, $0xb8;
	[tilespmem:$0x18CE0] =	vst v63  }
0x42: {  	s22 =	smov.u32 s24;
	_ =	swait.ge [sflag:s14], $0x500  }
0x43: {  	s20 =	sadd.s32 $0x500, s20;
	s19 =	sadd.s32 $0xA0, s19;
	[sflag:s14] =	ssyncset.done $0x0  }
0x44: {  	s21 =	sadd.s32 s21, s11;
	[sflag:s14] =	ssyncadd.s32 $0xFFFFFB00  }
0x45: {  	[tilespmem:s3], [sflag:$0x2] =	stream.linear.gather [hbm4b:s21+s3], $0x50, $0x38;
	[tilespmem:$0x18CE0] =	vst v63  }
0x46: {  	_ =	swait.ge [sflag:s14], $0x50  }
0x47: {  	[sflag:s14] =	ssyncset.done $0x0  }
0x48: {  	[sflag:s14] =	ssyncadd.s32 $0xFFFFFFB0  }
0x49: {  	[tilespmem:s15], [sflag:$0x1] =	stream.linear.gather [hbm4b:s20+s3], $0x2800, $0x38;
	[tilespmem:$0x18CE0] =	vst v63  }
0x4a: {  	_ = 	snop  }
0x4b: {  	[tilespmem:s16], [sflag:$0x1] =	stream.linear.gather [hbm4b:s19+s3], $0x500, $0x38;
	[tilespmem:$0x18CE0] =	vst v63  }
0x4c: {  	_ =	swait.ge [sflag:s17], $0x2800  }
0x4d: {  	[sflag:s17] =	ssyncset.done $0x0  }
0x4e: {  	[sflag:s17] =	ssyncadd.s32 $0xFFFFD800  }
0x4f: {  	_ =	swait.ge [sflag:s17], $0x500  }
0x50: {  	[sflag:s17] =	ssyncset.done $0x0  }
0x51: {  	[sflag:s17] =	ssyncadd.s32 $0xFFFFFB00  }
0x52: {  	[spmem:s1] =	stream.indirect.scatter.add.f32 [tilespmem:s15], [sflag:$0x2], $0x80, s3, s15, $0xb8;
	[tilespmem:$0x18CE0] =	vst v63  }
0x53: {  	_ =	swait.ge [sflag:s14], $0x2800  }
0x54: {  	[sflag:s14] =	ssyncset.done $0x0  }
0x55: {  	[sflag:s14] =	ssyncadd.s32 $0xFFFFD800  }
0x56: {  	[spmem:s2] =	stream.indirect.scatter.add.f32 [tilespmem:s16], [sflag:$0x2], $0x10, s3, s15, $0xb8;
	[tilespmem:$0x18CE0] =	vst v63  }
0x57: {  	_ =	swait.ge [sflag:s14], $0x500  }
0x58: {  	[sflag:s14] =	ssyncset.done $0x0  }
0x59: {  	[sflag:s14] =	ssyncadd.s32 $0xFFFFFB00  }
0x5a: {  	s20 =	simm.s32 @!p0 $0x2;
	s19 =	simm.s32 @!p0 $0x1C02;
	[bflag:$0x0] =	sbarrier.arrive $0xFFFF  }
0x5b: {  	[hbm:s6], [sflag:s19] =	dma.local @!p0 [spmem:s12], $0x27100  }
0x5c: {  	s18 =	sadd.s32 $0x1, s18;
	_ =	swait.ge @!p0 [sflag:s20], $0x27100  }
0x5d: {  	p1 =	sne.s32 s18, s8;
	[sflag:s20] =	ssyncset.done @!p0 $0x0  }
.Ltmp1:
0x5e: {  	[sflag:s20] =	ssyncadd.s32 @!p0 $0xFFFD8F00;
	(pc) =	sbr.rel @p1 .LBB2_1-.Ltmp1, $4  }
0x5f: {  	[hbm:s7], [sflag:s19] =	dma.local @!p0 [spmem:s13], $0x4E20  }
0x60: {  	_ =	swait.ge @!p0 [sflag:s20], $0x4E20  }
0x61: {  	[sflag:s20] =	ssyncset.done @!p0 $0x0  }
0x62: {  	[sflag:s20] =	ssyncadd.s32 @!p0 $0xFFFFB1E0  }
0x63: {  	_ =	sfence.sel $0x180000  }
0x64: {  	[bflag:$0x0] =	sbarrier.arrive $0xFFFF  }
0x65: {  	_ =	strace $0x90000050  }
0x66: {  	s0 =	sadd.s32 @!p0 $0x100000, s0;
	[bflag:$0x2] =	sbarrier.arrive $0xFFFF  }
0x67: {  	[sflag:s0] =	ssyncadd.tile.s32 @!p0 $0x1;
	_ =	shalt  }
.Lfunc_end2:
_tile_overlayer_lowered:
.L_overlay_start_2:
0x68: {  	(tag) =	ssettag $0x2  }
0x69: {  	s0 =	rddreg [dreg:$0x0];
	s2 =	stileid.u32  }
0x6a: {  	s1 =	rddreg [dreg:$0x1];
	p0 =	sne.s32 s2, $0x0  }
0x6b: {  	s3 =	rddreg [dreg:$0x2];
	[bflag:$0x3] =	sbarrier.arrive $0xFFFF;
	s2 =	simm.s32 @!p0 $0x1C02  }
0x6c: {  	[timem:s3], [sflag:s2] =	dma.local @!p0 [hbm:s0], s1  }
0x6d: {  	s0 =	simm.s32 @!p0 $0x2  }
0x6e: {  	_ =	swait.ge @!p0 [sflag:s0], s1  }
0x6f: {  	s1 =	ssub.s32 @!p0 $0x0, s1;
	[sflag:s0] =	ssyncset.done @!p0 $0x0  }
0x70: {  	[sflag:s0] =	ssyncadd.s32 @!p0 s1  }
0x71: {  	[bflag:$0x3] =	sbarrier.arrive $0xFFFF  }
0x72: {  	_ =	shalt  }

// kernel: kernel.32.cloned.1.call-start
scs
__scs_entry_jumppad:
0x0: {  	(pc) =	sbr.rel $0x88, $3  }
0x1: {  	(tag) =	ssettag $0x0;
	lr =	simm.s32 $0x1  }
0x2: {  	[smem:$0x3F64] =	sst lr;
	_ =	strace $0xD0000000  }
0x3: {  	_ = 	snop  }
0x4: {  	_ = 	snop  }
0x5: {  	_ = 	snop  }
0x6: {  	_ = 	snop  }
0x7: {  	_ = 	snop  }
__scs_overlays_trampoline_lowered:
0x8: {  	[smem:$0x3F73] =	sst s0  }
0x9: {  	[smem:$0x3F74] =	sst s1  }
0xa: {  	[smem:$0x3F75] =	sst s2  }
0xb: {  	[smem:$0x3F76] =	sst s3  }
0xc: {  	[smem:$0x3F77] =	sst s4  }
0xd: {  	[smem:$0x3F78] =	sst s5  }
0xe: {  	[smem:$0x3F79] =	sst s6  }
0xf: {  	[smem:$0x3F7A] =	sst s7  }
0x10: {  	[smem:$0x3F7B] =	sst s8  }
0x11: {  	[smem:$0x3F7C] =	sst s9;
	s0 =	simm.s32 @!p0 $0x0  }
0x12: {  	s1 =	sld [smem:$0x3F62];
	s0 =	simm.s32 @p0 $0x1  }
0x13: {  	[smem:$0x3F7D] =	sst s0;
	s0 =	simm.s32 @!p1 $0x0  }
0x14: {  	s2 =	sld [smem:$0x3F61];
	s0 =	simm.s32 @p1 $0x1  }
0x15: {  	[smem:$0x3F7E] =	sst s0;
	s0 =	simm.s32 @!p2 $0x0  }
0x16: {  	s3 =	sld [smem:$0x3FDB];
	s0 =	simm.s32 @p2 $0x1  }
0x17: {  	s4 =	simm.s32 $0x1BF5;
	[smem:$0x3F80] =	sst s0  }
0x18: {  	s0 =	sld [smem:$0x3F63];
	_ =	swait.ge [sflag:s4], $0x0  }
0x19: {  	s7 =	sld [smem:$0x3F64]  }
0x1a: {  	s8 =	sadd.s32 $0xFFFFE003, lr  }
0x1b: {  	s9 =	sadd.s32 $0xFFFFFEF7, lr;
	s5 =	simm.s32 $0xFFFFFFFF;
	p2 =	slt.u32 s8, $0xFFFFF086  }
0x1c: {  	p1 =	slt.u32 s9, $0xF7A;
	s5 =	simm.s32 @!p2 $0x0  }
0x1d: {  	s5 =	simm.s32 @p1 $0x1;
	p0 =	seq.s32 s7, s2  }
0x1e: {  	s7 =	smul.u32 @!p0 $0xF7A, s2;
	p2 =	seq.s32 @!p0 s5, $0x0  }
0x1f: {  	s9 =	smul.u32 $0xF7A, s1;
	s8 =	simm.s32 @!p0 $0x1BF5;
	p2 =	por !p2, p0  }
0x20: {  	[sflag:s8] =	ssyncset.s32 @!p0 $0xFFFFF086;
	s6 =	sadd.s32 @!p0 s3, s7;
	s7 =	simm.s32 @!p0 $0x108  }
0x21: {  	s3 =	sadd.s32 s3, s9;
	s6 =	sadd.s32 @!p0 $0x88, s6;
	s7 =	simm.s32 @p2 $0x1082  }
0x22: {  	[simem:s7], [sflag:s8] =	dma.local @!p0 [hbm:s6], $0xF7A  }
0x23: {  	s9 =	sor.u32 $0xD0000000, s2;
	s6 =	simm.s32 $0x108;
	_ =	swait.ge @!p0 [sflag:s8], $0x0  }
0x24: {  	s3 =	sadd.s32 $0x88, s3;
	s6 =	simm.s32 @!p1 $0x1082;
	[sflag:s4] =	ssyncset.s32 $0xFFFFF086  }
0x25: {  	[simem:s6], [sflag:s4] =	dma.local [hbm:s3], $0xF7A  }
0x26: {  	[smem:$0x3F64] =	sst s1;
	(tag) =	ssettag s2;
	_ =	strace s9  }
0x27: {  	s1 =	sld [smem:$0x3F74]  }
0x28: {  	s2 =	sld [smem:$0x3F75]  }
0x29: {  	s4 =	sld [smem:$0x3F77]  }
0x2a: {  	p0 =	seq.s32 s5, $0x0;
	s5 =	sld [smem:$0x3F78]  }
0x2b: {  	s6 =	sld [smem:$0x3F79]  }
0x2c: {  	s7 =	sld [smem:$0x3F7A]  }
0x2d: {  	s3 =	simm.s32 $0x108;
	s8 =	sld [smem:$0x3F7B]  }
0x2e: {  	s3 =	simm.s32 @!p0 $0x1082;
	s9 =	sld [smem:$0x3F7C]  }
0x2f: {  	lr =	sadd.s32 s0, s3;
	s0 =	sld [smem:$0x3F73]  }
0x30: {  	s3 =	sld [smem:$0x3F76]  }
0x31: {  	[smem:$0x3F7F] =	sst s10  }
0x32: {  	s10 =	sld [smem:$0x3F7D];
	_ =	sdelay $0x3  }
0x33: {  	p0 =	seq.s32 s10, $0x1;
	s10 =	sld [smem:$0x3F7F];
	_ =	sdelay $0x3  }
0x34: {  	[smem:$0x3F7F] =	sst s10  }
0x35: {  	s10 =	sld [smem:$0x3F7E];
	_ =	sdelay $0x3  }
0x36: {  	p1 =	seq.s32 s10, $0x1;
	s10 =	sld [smem:$0x3F7F];
	_ =	sdelay $0x3  }
0x37: {  	[smem:$0x3F7F] =	sst s10  }
0x38: {  	s10 =	sld [smem:$0x3F80]  }
0x39: {  	_ = 	snop;
	(pc) =	sbr.ind lr, $3  }
0x3a: {  	_ = 	snop  }
0x3b: {  	_ = 	snop  }
0x3c: {  	p2 =	seq.s32 s10, $0x1;
	s10 =	sld [smem:$0x3F7F]  }
0x3d: {  	_ =	shalt  }
0x3e: {  	_ =	shalt  }
0x3f: {  	_ =	shalt  }
0x40: {  	_ =	shalt  }
0x41: {  	_ =	shalt  }
0x42: {  	_ =	shalt  }
0x43: {  	_ =	shalt  }
0x44: {  	_ =	shalt  }
0x45: {  	_ =	shalt  }
0x46: {  	_ =	shalt  }
0x47: {  	_ =	shalt  }
0x48: {  	_ =	shalt  }
0x49: {  	_ =	shalt  }
0x4a: {  	_ =	shalt  }
0x4b: {  	_ =	shalt  }
0x4c: {  	_ =	shalt  }
0x4d: {  	_ =	shalt  }
0x4e: {  	_ =	shalt  }
0x4f: {  	_ =	shalt  }
0x50: {  	_ =	shalt  }
0x51: {  	_ =	shalt  }
0x52: {  	_ =	shalt  }
0x53: {  	_ =	shalt  }
0x54: {  	_ =	shalt  }
0x55: {  	_ =	shalt  }
0x56: {  	_ =	shalt  }
0x57: {  	_ =	shalt  }
0x58: {  	_ =	shalt  }
0x59: {  	_ =	shalt  }
0x5a: {  	_ =	shalt  }
0x5b: {  	_ =	shalt  }
0x5c: {  	_ =	shalt  }
0x5d: {  	_ =	shalt  }
0x5e: {  	_ =	shalt  }
0x5f: {  	_ =	shalt  }
0x60: {  	_ =	shalt  }
0x61: {  	_ =	shalt  }
0x62: {  	_ =	shalt  }
0x63: {  	_ =	shalt  }
0x64: {  	_ =	shalt  }
0x65: {  	_ =	shalt  }
0x66: {  	_ =	shalt  }
0x67: {  	_ =	shalt  }
0x68: {  	_ =	shalt  }
0x69: {  	_ =	shalt  }
0x6a: {  	_ =	shalt  }
0x6b: {  	_ =	shalt  }
0x6c: {  	_ =	shalt  }
0x6d: {  	_ =	shalt  }
0x6e: {  	_ =	shalt  }
0x6f: {  	_ =	shalt  }
0x70: {  	_ =	shalt  }
0x71: {  	_ =	shalt  }
0x72: {  	_ =	shalt  }
0x73: {  	_ =	shalt  }
0x74: {  	_ =	shalt  }
0x75: {  	_ =	shalt  }
0x76: {  	_ =	shalt  }
0x77: {  	_ =	shalt  }
0x78: {  	_ =	shalt  }
0x79: {  	_ =	shalt  }
0x7a: {  	_ =	shalt  }
0x7b: {  	_ =	shalt  }
0x7c: {  	_ =	shalt  }
0x7d: {  	_ =	shalt  }
0x7e: {  	_ =	shalt  }
0x7f: {  	_ =	shalt  }
0x80: {  	_ =	shalt  }
0x81: {  	_ =	shalt  }
0x82: {  	_ =	shalt  }
0x83: {  	_ =	shalt  }
0x84: {  	_ =	shalt  }
0x85: {  	_ =	shalt  }
0x86: {  	_ =	shalt  }
0x87: {  	_ =	shalt  }
.Lfunc_end0:
.L_simem_size_0:
called_computation.4_lowered:
.L_overlay_start_0:
0x88: {  	s2 =	sld [smem:$0x3FD9]  }
0x89: {  	s3 =	sld [smem:$0x3FFE];
	_ =	sdelay $0x1  }
0x8a: {  	s1 =	srdreg.scid  }
0x8b: {  	s0 =	sand.u32 $0x1, s1  }
0x8c: {  	s16 =	sshll.u32 s0, $0xA;
	s2 =	sadd.s32 s3, s2  }
0x8d: {  	s2 =	sadd.s32 s2, s16  }
0x8e: {  	[smem:$0x3F8B] =	sst s2  }
0x8f: {  	_ = 	snop  }
0x90: {  	(tm) =	ssettm $0x1  }
0x91: {  	s17 =	sld [smem:$0x3FFB];
	_ =	sdelay $0x3  }
0x92: {  	_ =	strace s17  }
0x93: {  	s2 =	sld [smem:$0x3FFC];
	_ =	sdelay $0x3  }
0x94: {  	_ =	strace s2  }
0x95: {  	s2 =	sld [smem:$0x3FFD];
	_ =	sdelay $0x3  }
0x96: {  	_ =	strace s2  }
0x97: {  	_ =	strace $0x8FFFFFFF  }
0x98: {  	s18 =	sld [smem:$0x3FDB];
	_ =	sdelay $0x1  }
0x99: {  	s19 =	simm.s32 $_scs_section_size  }
0x9a: {  	s4 =	simm.s32 $_size__tile_overlayer_lowered;
	s5 =	simm.s32 $_tile_overlayer_lowered  }
0x9b: {  	s22 =	simm.s32 $0x1BFF;
	s21 =	sshll.u32 s5, $0x1;
	s2 =	sadd.s32 s19, s18  }
0x9c: {  	s6 =	simm.s32 $0x0;
	s20 =	sshll.u32 s4, $0x1;
	s4 =	sadd.s32 s21, s2  }
0x9d: {  	[timem:s6], [sflag:s22] =	dma.local [hbm:s4], s20  }
0x9e: {  	_ =	swait.ge [sflag:s22], s20  }
0x9f: {  	s3 =	ssub.s32 $0x0, s20;
	[sflag:s22] =	ssyncset.done $0x0  }
0xa0: {  	[sflag:s22] =	ssyncadd.s32 s3;
	_ =	sdelay $0x1  }
0xa1: {  	s23 =	simm.s32 $0x1B8B  }
0xa2: {  	_ =	swait.ge [sflag:s23], $0x1  }
0xa3: {  	[sflag:s23] =	ssyncset.done $0x0  }
0xa4: {  	s25 =	simm.s32 $0x1B8E;
	s24 =	sld [smem:$0x3FFE];
	[sflag:s23] =	ssyncadd.s32 $0xFFFFFFFF  }
0xa5: {  	s26 =	simm.s32 $execute0_lowered;
	[smem:$0x3FD2] =	sst s25  }
0xa6: {  	s4 =	sshll.u32 s26, $0x1;
	_ =	strace $0x80000052;
	[dreg:$0x1] =	wrdreg $0xFFFFFFFF  }
0xa7: {  	s28 =	simm.s32 $_size_execute0_lowered;
	s2 =	sadd.s32 s2, s4;
	[dreg:$0x0] =	wrdreg $0x0  }
0xa8: {  	s4 =	sshll.u32 s28, $0x1;
	[dreg:$0x2] =	wrdreg s2  }
0xa9: {  	[dreg:$0x3] =	wrdreg s4  }
0xaa: {  	[dreg:$0x4] =	wrdreg $0xC0  }
0xab: {  	_ =	task [dreg:s6], $0x5FFFF  }
0xac: {  	[dreg:$0x1] =	wrdreg $0xFFFFFFFF  }
0xad: {  	[dreg:$0x0] =	wrdreg $0x60  }
0xae: {  	[dreg:$0x2] =	wrdreg s24  }
0xaf: {  	[dreg:$0x3] =	wrdreg $0x9  }
0xb0: {  	_ =	task.clear_ibuf [dreg:s6], $0x4FFFF;
	_ =	strace $0x90000052  }
0xb1: {  	s29 =	simm.s32 $0x9;
	_ =	strace $0x80000054  }
0xb2: {  	_ =	swait.ge [sflag:s29], $0x1  }
0xb3: {  	[sflag:s29] =	ssyncadd.s32 $0xFFFFFFFF  }
0xb4: {  	_ =	strace $0x90000054  }
0xb5: {  	_ =	sfence  }
0xb6: {  	s30 =	sld [smem:$0x0];
	_ =	sdelay $0x2  }
0xb7: {  	s31 =	sshll.u32 s1, $0xD;
	s1 =	sshrl.u32 s1, $0x2  }
0xb8: {  	s3 =	sand.u32 $0x4000, s31;
	s1 =	sadd.s32 s1, s30  }
0xb9: {  	s0 =	sor.u32 s3, s0;
	s1 =	sshll.u32 s1, $0x11  }
0xba: {  	s0 =	sor.u32 s1, s0  }
0xbb: {  	s0 =	sadd.s32 $0x8F2B, s0  }
0xbc: {  	[sflag:s0] =	ssyncadd.remote.s32 $0x1  }
0xbd: {  	_ =	sfence.sel $0xFFFF  }
0xbe: {  	[dreg:$0x0] =	wrdreg $0xFFFFFFFF;
	(pc) =	sbr.abs _section_cstart, $3  }
0xbf: {  	[dreg:$0x1] =	wrdreg $0xFFFFFFFF  }
0xc0: {  	_ =	task.clear_ibuf [dreg:s6], $0x2FFFF;
	_ =	strace $0x9FFFFFFF  }
0xc1: {  	(tm) =	ssettm $0x7FFFFFFF  }
tec
execute0_lowered:
.L_overlay_start_1:
0x0: {  	(tag) =	ssettag $0x1  }
0x1: {  	s6 =	rddreg [dreg:$0x0]  }
0x2: {  	s0 =	rddreg [dreg:$0x1]  }
0x3: {  	s3 =	srdreg.scid;
	s1 =	stileid.u32  }
0x4: {  	s2 =	simm.s32 $0x0;
	s13 =	simm.s32 $0x3;
	s14 =	simm.s32 $0x50  }
0x5: {  	s15 =	simm.s32 $0xA0;
	s16 =	simm.s32 $0x14A0;
	s4 =	smul.u32 $0x4E20, s1  }
0x6: {  	s17 =	simm.s32 $0x28A0;
	s18 =	simm.s32 $0x2DA0;
	s8 =	smul.u32 $0x27100, s1  }
0x7: {  	s19 =	simm.s32 $0x1;
	s7 =	sand.u32 $0x1, s3;
	s10 =	smul.u32 $0x9C40, s1  }
0x8: {  	s20 =	simm.s32 $0x2;
	s21 =	simm.s32 $0x0;
	s5 =	smul.u32 $0x2710, s7  }
0x9: {  	[smem:$0x7FF] =	sst s2;
	s3 =	sadd.s32 $0xA1A00, s6;
	s28 =	smul.u32 $0x4E20, s7  }
0xa: {  	_ =	strace $0x80000053;
	s11 =	ssub.s32 $0x2, s7;
	s7 =	smul.u32 $0x13880, s7  }
0xb: {  	s10 =	sadd.s32 s10, s6;
	s8 =	sadd.s32 s8, s6;
	s29 =	sshrl.u32 s11, $0x1  }
0xc: {  	s5 =	sadd.s32 s5, s4;
	s4 =	sadd.s32 $0xB5400, s6;
	s30 =	ssub.s32 s11, s29  }
0xd: {  	s31 =	sadd.s32 s7, s8;
	s9 =	sshrl.u32 s5, $0x3;
	s5 =	sadd.s32 $0xC8E00, s6  }
0xe: {  	s12 =	sadd.s32 s9, s6;
	s9 =	sadd.s32 s28, s10;
	s10 =	sadd.s32 $0xCDE00, s31  }
0xf: {  	s7 =	smax.u32 s30, $0x1;
	s6 =	sadd.s32 $0xB9E400, s9;
	s8 =	sadd.s32 $0x5AFE00, s9  }
0x10: {  	s9 =	sadd.s32 $0x33EE00, s31;
	s11 =	sadd.s32 $0x8DE00, s12;
	s12 =	sadd.s32 $0x97C00, s12  }
.LBB2_1:
0x11: {  	[tilespmem:s2], [sflag:$0x3] =	stream.linear.gather [hbm4b:s12+s2], $0x50, $0x38;
	[tilespmem:$0x32A0] =	vst v63  }
0x12: {  	_ =	swait.ge [sflag:s13], $0x50  }
0x13: {  	[sflag:s13] =	ssyncset.done $0x0  }
0x14: {  	[sflag:s13] =	ssyncadd.s32 $0xFFFFFFB0  }
0x15: {  	[tilespmem:s14], [sflag:$0x3] =	stream.linear.gather [hbm4b:s11+s2], $0x50, $0x38;
	[tilespmem:$0x32A0] =	vst v63  }
0x16: {  	_ =	swait.ge [sflag:s13], $0x50  }
0x17: {  	[sflag:s13] =	ssyncset.done $0x0  }
0x18: {  	[sflag:s13] =	ssyncadd.s32 $0xFFFFFFB0  }
0x19: {  	[tilespmem:s15], [sflag:$0x1] =	stream.indirect.gather [hbm4b:s3+s14], $0x40, s2, s14, $0xb8;
	[tilespmem:$0x32A0] =	vst v63  }
0x1a: {  	_ = 	snop  }
0x1b: {  	[tilespmem:s16], [sflag:$0x1] =	stream.indirect.gather [hbm4b:s4+s14], $0x40, s14, s14, $0xb8;
	[tilespmem:$0x32A0] =	vst v63  }
0x1c: {  	_ = 	snop  }
0x1d: {  	[tilespmem:s17], [sflag:$0x1] =	stream.indirect.gather [hbm4b:s5+s14], $0x10, s2, s14, $0xb8;
	[tilespmem:$0x32A0] =	vst v63  }
0x1e: {  	_ = 	snop  }
0x1f: {  	[tilespmem:s18], [sflag:$0x1] =	stream.indirect.gather [hbm4b:s5+s14], $0x10, s14, s14, $0xb8;
	[tilespmem:$0x32A0] =	vst v63  }
0x20: {  	_ =	swait.ge [sflag:s19], $0x1400  }
0x21: {  	[sflag:s19] =	ssyncset.done $0x0  }
0x22: {  	[sflag:s19] =	ssyncadd.s32 $0xFFFFEC00  }
0x23: {  	_ =	swait.ge [sflag:s19], $0x1400  }
0x24: {  	[sflag:s19] =	ssyncset.done $0x0  }
0x25: {  	[sflag:s19] =	ssyncadd.s32 $0xFFFFEC00  }
0x26: {  	_ =	swait.ge [sflag:s19], $0x500  }
0x27: {  	[sflag:s19] =	ssyncset.done $0x0  }
0x28: {  	[sflag:s19] =	ssyncadd.s32 $0xFFFFFB00  }
0x29: {  	_ =	swait.ge [sflag:s19], $0x500  }
0x2a: {  	[sflag:s19] =	ssyncset.done $0x0  }
0x2b: {  	[sflag:s19] =	ssyncadd.s32 $0xFFFFFB00  }
0x2c: {  	[hbm4b:s10+s2] =	stream.linear.scatter [tilespmem:s15], [sflag:$0x2], $0x1400, $0x38;
	[tilespmem:$0x32A0] =	vst v63  }
0x2d: {  	_ = 	snop  }
0x2e: {  	[hbm4b:s9+s2] =	stream.linear.scatter [tilespmem:s16], [sflag:$0x2], $0x1400, $0x38;
	[tilespmem:$0x32A0] =	vst v63  }
0x2f: {  	s22 =	sadd.s32 $0x0, s8  }
0x30: {  	[hbm4b:s22+s2] =	stream.linear.scatter [tilespmem:s17], [sflag:$0x2], $0x500, $0x38;
	[tilespmem:$0x32A0] =	vst v63  }
0x31: {  	s31 =	sadd.s32 $0x0, s6  }
0x32: {  	[hbm4b:s31+s2] =	stream.linear.scatter [tilespmem:s18], [sflag:$0x2], $0x500, $0x38;
	[tilespmem:$0x32A0] =	vst v63  }
0x33: {  	_ =	swait.ge [sflag:s20], $0x1400  }
0x34: {  	[sflag:s20] =	ssyncset.done $0x0  }
0x35: {  	[sflag:s20] =	ssyncadd.s32 $0xFFFFEC00  }
0x36: {  	_ =	swait.ge [sflag:s20], $0x1400  }
0x37: {  	[sflag:s20] =	ssyncset.done $0x0  }
0x38: {  	[sflag:s20] =	ssyncadd.s32 $0xFFFFEC00  }
0x39: {  	_ =	swait.ge [sflag:s20], $0x500  }
0x3a: {  	[sflag:s20] =	ssyncset.done $0x0  }
0x3b: {  	s23 =	sadd.s32 $0xA, s11;
	[sflag:s20] =	ssyncadd.s32 $0xFFFFFB00  }
0x3c: {  	s24 =	sadd.s32 $0xA, s12;
	s25 =	smov.u32 s9;
	_ =	swait.ge [sflag:s20], $0x500  }
0x3d: {  	s26 =	smov.u32 s10;
	s22 =	simm.s32 $0xA0;
	[sflag:s20] =	ssyncset.done $0x0  }
.LBB2_2:
0x3e: {  	[sflag:s20] =	ssyncadd.s32 $0xFFFFFB00  }
0x3f: {  	s25 =	sadd.s32 $0x280, s25;
	s26 =	sadd.s32 $0x280, s26;
	s28 =	smov.u32 s22  }
0x40: {  	[tilespmem:s2], [sflag:$0x3] =	stream.linear.gather [hbm4b:s24+s2], $0x50, $0x38;
	[tilespmem:$0x32A0] =	vst v63  }
0x41: {  	p0 =	sne.s32 s22, $0x4D80;
	s22 =	sadd.s32 $0xA0, s22;
	_ =	swait.ge [sflag:s13], $0x50  }
0x42: {  	[sflag:s13] =	ssyncset.done $0x0  }
0x43: {  	[sflag:s13] =	ssyncadd.s32 $0xFFFFFFB0  }
0x44: {  	[tilespmem:s14], [sflag:$0x3] =	stream.linear.gather [hbm4b:s23+s2], $0x50, $0x38;
	[tilespmem:$0x32A0] =	vst v63  }
0x45: {  	_ =	swait.ge [sflag:s13], $0x50  }
0x46: {  	[sflag:s13] =	ssyncset.done $0x0  }
0x47: {  	[sflag:s13] =	ssyncadd.s32 $0xFFFFFFB0  }
0x48: {  	[tilespmem:s15], [sflag:$0x1] =	stream.indirect.gather [hbm4b:s3+s14], $0x40, s2, s14, $0xb8;
	[tilespmem:$0x32A0] =	vst v63  }
0x49: {  	_ = 	snop  }
0x4a: {  	[tilespmem:s16], [sflag:$0x1] =	stream.indirect.gather [hbm4b:s4+s14], $0x40, s14, s14, $0xb8;
	[tilespmem:$0x32A0] =	vst v63  }
0x4b: {  	_ = 	snop  }
0x4c: {  	[tilespmem:s17], [sflag:$0x1] =	stream.indirect.gather [hbm4b:s5+s14], $0x10, s2, s14, $0xb8;
	[tilespmem:$0x32A0] =	vst v63  }
0x4d: {  	_ = 	snop  }
0x4e: {  	[tilespmem:s18], [sflag:$0x1] =	stream.indirect.gather [hbm4b:s5+s14], $0x10, s14, s14, $0xb8;
	[tilespmem:$0x32A0] =	vst v63  }
0x4f: {  	_ =	swait.ge [sflag:s19], $0x1400  }
0x50: {  	[sflag:s19] =	ssyncset.done $0x0  }
0x51: {  	[sflag:s19] =	ssyncadd.s32 $0xFFFFEC00  }
0x52: {  	_ =	swait.ge [sflag:s19], $0x1400  }
0x53: {  	[sflag:s19] =	ssyncset.done $0x0  }
0x54: {  	[sflag:s19] =	ssyncadd.s32 $0xFFFFEC00  }
0x55: {  	_ =	swait.ge [sflag:s19], $0x500  }
0x56: {  	[sflag:s19] =	ssyncset.done $0x0  }
0x57: {  	[sflag:s19] =	ssyncadd.s32 $0xFFFFFB00  }
0x58: {  	_ =	swait.ge [sflag:s19], $0x500  }
0x59: {  	[sflag:s19] =	ssyncset.done $0x0  }
0x5a: {  	[sflag:s19] =	ssyncadd.s32 $0xFFFFFB00  }
0x5b: {  	[hbm4b:s26+s2] =	stream.linear.scatter [tilespmem:s15], [sflag:$0x2], $0x1400, $0x38;
	[tilespmem:$0x32A0] =	vst v63  }
0x5c: {  	_ = 	snop  }
0x5d: {  	[hbm4b:s25+s2] =	stream.linear.scatter [tilespmem:s16], [sflag:$0x2], $0x1400, $0x38;
	[tilespmem:$0x32A0] =	vst v63  }
0x5e: {  	s29 =	sadd.s32 s28, s8  }
0x5f: {  	[hbm4b:s29+s2] =	stream.linear.scatter [tilespmem:s17], [sflag:$0x2], $0x500, $0x38;
	[tilespmem:$0x32A0] =	vst v63  }
0x60: {  	s28 =	sadd.s32 s28, s6  }
0x61: {  	[hbm4b:s28+s2] =	stream.linear.scatter [tilespmem:s18], [sflag:$0x2], $0x500, $0x38;
	[tilespmem:$0x32A0] =	vst v63  }
0x62: {  	_ =	swait.ge [sflag:s20], $0x1400  }
0x63: {  	[sflag:s20] =	ssyncset.done $0x0  }
0x64: {  	[sflag:s20] =	ssyncadd.s32 $0xFFFFEC00  }
0x65: {  	_ =	swait.ge [sflag:s20], $0x1400  }
0x66: {  	[sflag:s20] =	ssyncset.done $0x0  }
0x67: {  	[sflag:s20] =	ssyncadd.s32 $0xFFFFEC00  }
.Ltmp0:
0x68: {  	_ =	swait.ge [sflag:s20], $0x500;
	(pc) =	sbr.rel @p0 .LBB2_2-.Ltmp0, $4  }
0x69: {  	[sflag:s20] =	ssyncset.done $0x0  }
0x6a: {  	[sflag:s20] =	ssyncadd.s32 $0xFFFFFB00  }
0x6b: {  	_ =	swait.ge [sflag:s20], $0x500  }
0x6c: {  	s24 =	sadd.s32 $0xA, s24;
	s23 =	sadd.s32 $0xA, s23;
	[sflag:s20] =	ssyncset.done $0x0  }
0x6d: {  	s21 =	sadd.s32 $0x1, s21  }
0x6e: {  	p0 =	sne.s32 s21, s7  }
.Ltmp1:
0x6f: {  	_ = 	snop;
	(pc) =	sbr.rel @p0 .LBB2_1-.Ltmp1, $2  }
0x70: {  	_ =	sdelay $0x2  }
0x71: {  	[sflag:s20] =	ssyncadd.s32 $0xFFFFFB00  }
0x72: {  	_ =	sfence.sel $0x180000  }
0x73: {  	[bflag:$0x0] =	sbarrier.arrive $0xFFFF  }
0x74: {  	p0 =	sne.s32 s1, $0x0;
	_ =	strace $0x90000053  }
0x75: {  	s0 =	sadd.s32 @!p0 $0x100000, s0;
	[bflag:$0x2] =	sbarrier.arrive $0xFFFF  }
0x76: {  	[sflag:s0] =	ssyncadd.tile.s32 @!p0 $0x1;
	_ =	shalt  }
.Lfunc_end2:
_tile_overlayer_lowered:
.L_overlay_start_2:
0x77: {  	(tag) =	ssettag $0x2  }
0x78: {  	s0 =	rddreg [dreg:$0x0];
	s2 =	stileid.u32  }
0x79: {  	s1 =	rddreg [dreg:$0x1];
	p0 =	sne.s32 s2, $0x0  }
0x7a: {  	s3 =	rddreg [dreg:$0x2];
	[bflag:$0x3] =	sbarrier.arrive $0xFFFF;
	s2 =	simm.s32 @!p0 $0x1C03  }
0x7b: {  	[timem:s3], [sflag:s2] =	dma.local @!p0 [hbm:s0], s1  }
0x7c: {  	s0 =	simm.s32 @!p0 $0x3  }
0x7d: {  	_ =	swait.ge @!p0 [sflag:s0], s1  }
0x7e: {  	s1 =	ssub.s32 @!p0 $0x0, s1;
	[sflag:s0] =	ssyncset.done @!p0 $0x0  }
0x7f: {  	[sflag:s0] =	ssyncadd.s32 @!p0 s1  }
0x80: {  	[bflag:$0x3] =	sbarrier.arrive $0xFFFF  }
0x81: {  	_ =	shalt  }

// kernel: kernel.35.cloned.1.call-start
scs
__scs_entry_jumppad:
0x0: {  	(pc) =	sbr.rel $0x88, $3  }
0x1: {  	(tag) =	ssettag $0x0;
	lr =	simm.s32 $0x1  }
0x2: {  	[smem:$0x3F64] =	sst lr;
	_ =	strace $0xD0000000  }
0x3: {  	_ = 	snop  }
0x4: {  	_ = 	snop  }
0x5: {  	_ = 	snop  }
0x6: {  	_ = 	snop  }
0x7: {  	_ = 	snop  }
__scs_overlays_trampoline_lowered:
0x8: {  	[smem:$0x3F73] =	sst s0  }
0x9: {  	[smem:$0x3F74] =	sst s1  }
0xa: {  	[smem:$0x3F75] =	sst s2  }
0xb: {  	[smem:$0x3F76] =	sst s3  }
0xc: {  	[smem:$0x3F77] =	sst s4  }
0xd: {  	[smem:$0x3F78] =	sst s5  }
0xe: {  	[smem:$0x3F79] =	sst s6  }
0xf: {  	[smem:$0x3F7A] =	sst s7  }
0x10: {  	[smem:$0x3F7B] =	sst s8  }
0x11: {  	[smem:$0x3F7C] =	sst s9;
	s0 =	simm.s32 @!p0 $0x0  }
0x12: {  	s1 =	sld [smem:$0x3F62];
	s0 =	simm.s32 @p0 $0x1  }
0x13: {  	[smem:$0x3F7D] =	sst s0;
	s0 =	simm.s32 @!p1 $0x0  }
0x14: {  	s2 =	sld [smem:$0x3F61];
	s0 =	simm.s32 @p1 $0x1  }
0x15: {  	[smem:$0x3F7E] =	sst s0;
	s0 =	simm.s32 @!p2 $0x0  }
0x16: {  	s3 =	sld [smem:$0x3FDB];
	s0 =	simm.s32 @p2 $0x1  }
0x17: {  	s4 =	simm.s32 $0x1BF5;
	[smem:$0x3F80] =	sst s0  }
0x18: {  	s0 =	sld [smem:$0x3F63];
	_ =	swait.ge [sflag:s4], $0x0  }
0x19: {  	s7 =	sld [smem:$0x3F64]  }
0x1a: {  	s8 =	sadd.s32 $0xFFFFE003, lr  }
0x1b: {  	s9 =	sadd.s32 $0xFFFFFEF7, lr;
	s5 =	simm.s32 $0xFFFFFFFF;
	p2 =	slt.u32 s8, $0xFFFFF086  }
0x1c: {  	p1 =	slt.u32 s9, $0xF7A;
	s5 =	simm.s32 @!p2 $0x0  }
0x1d: {  	s5 =	simm.s32 @p1 $0x1;
	p0 =	seq.s32 s7, s2  }
0x1e: {  	s7 =	smul.u32 @!p0 $0xF7A, s2;
	p2 =	seq.s32 @!p0 s5, $0x0  }
0x1f: {  	s9 =	smul.u32 $0xF7A, s1;
	s8 =	simm.s32 @!p0 $0x1BF5;
	p2 =	por !p2, p0  }
0x20: {  	[sflag:s8] =	ssyncset.s32 @!p0 $0xFFFFF086;
	s6 =	sadd.s32 @!p0 s3, s7;
	s7 =	simm.s32 @!p0 $0x108  }
0x21: {  	s3 =	sadd.s32 s3, s9;
	s6 =	sadd.s32 @!p0 $0x88, s6;
	s7 =	simm.s32 @p2 $0x1082  }
0x22: {  	[simem:s7], [sflag:s8] =	dma.local @!p0 [hbm:s6], $0xF7A  }
0x23: {  	s9 =	sor.u32 $0xD0000000, s2;
	s6 =	simm.s32 $0x108;
	_ =	swait.ge @!p0 [sflag:s8], $0x0  }
0x24: {  	s3 =	sadd.s32 $0x88, s3;
	s6 =	simm.s32 @!p1 $0x1082;
	[sflag:s4] =	ssyncset.s32 $0xFFFFF086  }
0x25: {  	[simem:s6], [sflag:s4] =	dma.local [hbm:s3], $0xF7A  }
0x26: {  	[smem:$0x3F64] =	sst s1;
	(tag) =	ssettag s2;
	_ =	strace s9  }
0x27: {  	s1 =	sld [smem:$0x3F74]  }
0x28: {  	s2 =	sld [smem:$0x3F75]  }
0x29: {  	s4 =	sld [smem:$0x3F77]  }
0x2a: {  	p0 =	seq.s32 s5, $0x0;
	s5 =	sld [smem:$0x3F78]  }
0x2b: {  	s6 =	sld [smem:$0x3F79]  }
0x2c: {  	s7 =	sld [smem:$0x3F7A]  }
0x2d: {  	s3 =	simm.s32 $0x108;
	s8 =	sld [smem:$0x3F7B]  }
0x2e: {  	s3 =	simm.s32 @!p0 $0x1082;
	s9 =	sld [smem:$0x3F7C]  }
0x2f: {  	lr =	sadd.s32 s0, s3;
	s0 =	sld [smem:$0x3F73]  }
0x30: {  	s3 =	sld [smem:$0x3F76]  }
0x31: {  	[smem:$0x3F7F] =	sst s10  }
0x32: {  	s10 =	sld [smem:$0x3F7D];
	_ =	sdelay $0x3  }
0x33: {  	p0 =	seq.s32 s10, $0x1;
	s10 =	sld [smem:$0x3F7F];
	_ =	sdelay $0x3  }
0x34: {  	[smem:$0x3F7F] =	sst s10  }
0x35: {  	s10 =	sld [smem:$0x3F7E];
	_ =	sdelay $0x3  }
0x36: {  	p1 =	seq.s32 s10, $0x1;
	s10 =	sld [smem:$0x3F7F];
	_ =	sdelay $0x3  }
0x37: {  	[smem:$0x3F7F] =	sst s10  }
0x38: {  	s10 =	sld [smem:$0x3F80]  }
0x39: {  	_ = 	snop;
	(pc) =	sbr.ind lr, $3  }
0x3a: {  	_ = 	snop  }
0x3b: {  	_ = 	snop  }
0x3c: {  	p2 =	seq.s32 s10, $0x1;
	s10 =	sld [smem:$0x3F7F]  }
0x3d: {  	_ =	shalt  }
0x3e: {  	_ =	shalt  }
0x3f: {  	_ =	shalt  }
0x40: {  	_ =	shalt  }
0x41: {  	_ =	shalt  }
0x42: {  	_ =	shalt  }
0x43: {  	_ =	shalt  }
0x44: {  	_ =	shalt  }
0x45: {  	_ =	shalt  }
0x46: {  	_ =	shalt  }
0x47: {  	_ =	shalt  }
0x48: {  	_ =	shalt  }
0x49: {  	_ =	shalt  }
0x4a: {  	_ =	shalt  }
0x4b: {  	_ =	shalt  }
0x4c: {  	_ =	shalt  }
0x4d: {  	_ =	shalt  }
0x4e: {  	_ =	shalt  }
0x4f: {  	_ =	shalt  }
0x50: {  	_ =	shalt  }
0x51: {  	_ =	shalt  }
0x52: {  	_ =	shalt  }
0x53: {  	_ =	shalt  }
0x54: {  	_ =	shalt  }
0x55: {  	_ =	shalt  }
0x56: {  	_ =	shalt  }
0x57: {  	_ =	shalt  }
0x58: {  	_ =	shalt  }
0x59: {  	_ =	shalt  }
0x5a: {  	_ =	shalt  }
0x5b: {  	_ =	shalt  }
0x5c: {  	_ =	shalt  }
0x5d: {  	_ =	shalt  }
0x5e: {  	_ =	shalt  }
0x5f: {  	_ =	shalt  }
0x60: {  	_ =	shalt  }
0x61: {  	_ =	shalt  }
0x62: {  	_ =	shalt  }
0x63: {  	_ =	shalt  }
0x64: {  	_ =	shalt  }
0x65: {  	_ =	shalt  }
0x66: {  	_ =	shalt  }
0x67: {  	_ =	shalt  }
0x68: {  	_ =	shalt  }
0x69: {  	_ =	shalt  }
0x6a: {  	_ =	shalt  }
0x6b: {  	_ =	shalt  }
0x6c: {  	_ =	shalt  }
0x6d: {  	_ =	shalt  }
0x6e: {  	_ =	shalt  }
0x6f: {  	_ =	shalt  }
0x70: {  	_ =	shalt  }
0x71: {  	_ =	shalt  }
0x72: {  	_ =	shalt  }
0x73: {  	_ =	shalt  }
0x74: {  	_ =	shalt  }
0x75: {  	_ =	shalt  }
0x76: {  	_ =	shalt  }
0x77: {  	_ =	shalt  }
0x78: {  	_ =	shalt  }
0x79: {  	_ =	shalt  }
0x7a: {  	_ =	shalt  }
0x7b: {  	_ =	shalt  }
0x7c: {  	_ =	shalt  }
0x7d: {  	_ =	shalt  }
0x7e: {  	_ =	shalt  }
0x7f: {  	_ =	shalt  }
0x80: {  	_ =	shalt  }
0x81: {  	_ =	shalt  }
0x82: {  	_ =	shalt  }
0x83: {  	_ =	shalt  }
0x84: {  	_ =	shalt  }
0x85: {  	_ =	shalt  }
0x86: {  	_ =	shalt  }
0x87: {  	_ =	shalt  }
.Lfunc_end0:
.L_simem_size_0:
called_computation.5_lowered:
.L_overlay_start_0:
0x88: {  	s2 =	sld [smem:$0x3FD9]  }
0x89: {  	s3 =	sld [smem:$0x3FFE];
	_ =	sdelay $0x1  }
0x8a: {  	s1 =	srdreg.scid  }
0x8b: {  	s0 =	sand.u32 $0x1, s1  }
0x8c: {  	s16 =	sshll.u32 s0, $0xA;
	s2 =	sadd.s32 s3, s2  }
0x8d: {  	s2 =	sadd.s32 s2, s16  }
0x8e: {  	[smem:$0x3F8B] =	sst s2  }
0x8f: {  	_ = 	snop  }
0x90: {  	(tm) =	ssettm $0x1  }
0x91: {  	s17 =	sld [smem:$0x3FFB];
	_ =	sdelay $0x3  }
0x92: {  	_ =	strace s17  }
0x93: {  	s2 =	sld [smem:$0x3FFC];
	_ =	sdelay $0x3  }
0x94: {  	_ =	strace s2  }
0x95: {  	s2 =	sld [smem:$0x3FFD];
	_ =	sdelay $0x3  }
0x96: {  	_ =	strace s2  }
0x97: {  	_ =	strace $0x8FFFFFFF  }
0x98: {  	s18 =	sld [smem:$0x3FDB];
	_ =	sdelay $0x1  }
0x99: {  	s19 =	simm.s32 $_scs_section_size  }
0x9a: {  	s4 =	simm.s32 $_size__tile_overlayer_lowered;
	s5 =	simm.s32 $_tile_overlayer_lowered  }
0x9b: {  	s22 =	simm.s32 $0x1BFF;
	s21 =	sshll.u32 s5, $0x1;
	s2 =	sadd.s32 s19, s18  }
0x9c: {  	s6 =	simm.s32 $0x0;
	s20 =	sshll.u32 s4, $0x1;
	s4 =	sadd.s32 s21, s2  }
0x9d: {  	[timem:s6], [sflag:s22] =	dma.local [hbm:s4], s20  }
0x9e: {  	_ =	swait.ge [sflag:s22], s20  }
0x9f: {  	s3 =	ssub.s32 $0x0, s20;
	[sflag:s22] =	ssyncset.done $0x0  }
0xa0: {  	[sflag:s22] =	ssyncadd.s32 s3;
	_ =	sdelay $0x1  }
0xa1: {  	s23 =	simm.s32 $0x1B8B  }
0xa2: {  	_ =	swait.ge [sflag:s23], $0x1  }
0xa3: {  	[sflag:s23] =	ssyncset.done $0x0  }
0xa4: {  	s25 =	simm.s32 $0x1B8E;
	s24 =	sld [smem:$0x3FFE];
	[sflag:s23] =	ssyncadd.s32 $0xFFFFFFFF  }
0xa5: {  	s26 =	simm.s32 $execute0_lowered;
	[smem:$0x3FD2] =	sst s25  }
0xa6: {  	s4 =	sshll.u32 s26, $0x1;
	_ =	strace $0x80000055;
	[dreg:$0x1] =	wrdreg $0xFFFFFFFF  }
0xa7: {  	s28 =	simm.s32 $_size_execute0_lowered;
	s2 =	sadd.s32 s2, s4;
	[dreg:$0x0] =	wrdreg $0x0  }
0xa8: {  	s4 =	sshll.u32 s28, $0x1;
	[dreg:$0x2] =	wrdreg s2  }
0xa9: {  	[dreg:$0x3] =	wrdreg s4  }
0xaa: {  	[dreg:$0x4] =	wrdreg $0xC0  }
0xab: {  	_ =	task [dreg:s6], $0x5FFFF  }
0xac: {  	[dreg:$0x1] =	wrdreg $0xFFFFFFFF  }
0xad: {  	[dreg:$0x0] =	wrdreg $0x60  }
0xae: {  	[dreg:$0x2] =	wrdreg s24  }
0xaf: {  	[dreg:$0x3] =	wrdreg $0x2D500  }
0xb0: {  	[dreg:$0x4] =	wrdreg $0x165D00  }
0xb1: {  	[dreg:$0x5] =	wrdreg $0x9  }
0xb2: {  	_ =	task.clear_ibuf [dreg:s6], $0x6FFFF;
	_ =	strace $0x90000055  }
0xb3: {  	s29 =	simm.s32 $0x9;
	_ =	strace $0x80000057  }
0xb4: {  	_ =	swait.ge [sflag:s29], $0x1  }
0xb5: {  	[sflag:s29] =	ssyncadd.s32 $0xFFFFFFFF  }
0xb6: {  	_ =	strace $0x90000057  }
0xb7: {  	_ =	sfence  }
0xb8: {  	s30 =	sld [smem:$0x0];
	_ =	sdelay $0x2  }
0xb9: {  	s31 =	sshll.u32 s1, $0xD;
	s1 =	sshrl.u32 s1, $0x2  }
0xba: {  	s3 =	sand.u32 $0x4000, s31;
	s1 =	sadd.s32 s1, s30  }
0xbb: {  	s0 =	sor.u32 s3, s0;
	s1 =	sshll.u32 s1, $0x11  }
0xbc: {  	s0 =	sor.u32 s1, s0  }
0xbd: {  	s0 =	sadd.s32 $0x8F2B, s0  }
0xbe: {  	[sflag:s0] =	ssyncadd.remote.s32 $0x1  }
0xbf: {  	_ =	sfence.sel $0xFFFF  }
0xc0: {  	[dreg:$0x0] =	wrdreg $0xFFFFFFFF;
	(pc) =	sbr.abs _section_cstart, $3  }
0xc1: {  	[dreg:$0x1] =	wrdreg $0xFFFFFFFF  }
0xc2: {  	_ =	task.clear_ibuf [dreg:s6], $0x2FFFF;
	_ =	strace $0x9FFFFFFF  }
0xc3: {  	(tm) =	ssettm $0x7FFFFFFF  }
tec
execute0_lowered:
.L_overlay_start_1:
0x0: {  	(tag) =	ssettag $0x1  }
0x1: {  	s6 =	rddreg [dreg:$0x0];
	s0 =	srdreg.scid  }
0x2: {  	s10 =	stileid.u32;
	s1 =	rddreg [dreg:$0x1]  }
0x3: {  	s2 =	rddreg [dreg:$0x2];
	s4 =	smul.u32 $0x4E20, s10  }
0x4: {  	s3 =	simm.s32 $0x0;
	s15 =	simm.s32 $0x50;
	s13 =	smul.u32 $0x9C40, s10  }
0x5: {  	s16 =	simm.s32 $0x2850;
	s7 =	sand.u32 $0x1, s0;
	s14 =	smul.u32 $0x4E200, s10  }
0x6: {  	s17 =	simm.s32 $0x1;
	s0 =	rddreg [dreg:$0x3];
	s5 =	smul.u32 $0x2710, s7  }
0x7: {  	s18 =	simm.s32 $0x0;
	[smem:$0x7FF] =	sst s3;
	s8 =	smul.u32 $0x27100, s7  }
0x8: {  	p0 =	sne.s32 s10, $0x0;
	s9 =	smul.u32 $0x4E20, s7;
	s7 =	ssub.s32 $0x2, s7  }
0x9: {  	_ =	strace $0x80000056;
	s30 =	sshrl.u32 s7, $0x1;
	s4 =	sadd.s32 s5, s4  }
0xa: {  	s5 =	sadd.s32 $0x88E00, s6;
	s12 =	sadd.s32 s8, s6;
	s9 =	sadd.s32 s9, s6  }
0xb: {  	s31 =	ssub.s32 s7, s30;
	s4 =	sshrl.u32 s4, $0x3;
	s7 =	sadd.s32 $0x18C000, s9  }
0xc: {  	s8 =	smax.u32 s31, $0x1;
	s9 =	sadd.s32 s13, s9;
	s13 =	sshrl.u32 @!p0 s2, $0x3  }
0xd: {  	s11 =	sadd.s32 s4, s6;
	s4 =	sadd.s32 $0x3A800, s6;
	s6 =	sadd.s32 $0x13DE00, s12  }
0xe: {  	s9 =	sadd.s32 $0xA1A00, s9;
	s12 =	sadd.s32 s14, s12;
	s14 =	simm.s32 $0x2  }
0xf: {  	s10 =	sadd.s32 $0x1D51800, s12;
	s11 =	sadd.s32 $0x97C00, s11;
	s12 =	sshrl.u32 @!p0 s1, $0x3  }
.LBB2_1:
0x10: {  	s19 =	simm.s32 @!p0 $0x1C02;
	s20 =	simm.s32 @!p0 $0x2  }
0x11: {  	[spmem:s12], [sflag:s19] =	dma.local @!p0 [hbm:s4], $0x27100  }
0x12: {  	_ =	swait.ge @!p0 [sflag:s20], $0x27100  }
0x13: {  	[sflag:s20] =	ssyncset.done @!p0 $0x0  }
0x14: {  	[sflag:s20] =	ssyncadd.s32 @!p0 $0xFFFD8F00  }
0x15: {  	[spmem:s13], [sflag:s19] =	dma.local @!p0 [hbm:s5], $0x4E20  }
0x16: {  	_ =	swait.ge @!p0 [sflag:s20], $0x4E20  }
0x17: {  	[sflag:s20] =	ssyncset.done @!p0 $0x0  }
0x18: {  	[sflag:s20] =	ssyncadd.s32 @!p0 $0xFFFFB1E0  }
0x19: {  	s31 =	sadd.s32 $0x0, s11;
	[bflag:$0x0] =	sbarrier.arrive $0xFFFF  }
0x1a: {  	[tilespmem:s3], [sflag:$0x2] =	stream.linear.gather [hbm4b:s31+s3], $0x50, $0x38;
	[tilespmem:$0x18CE0] =	vst v63  }
0x1b: {  	_ =	swait.ge [sflag:s14], $0x50  }
0x1c: {  	[sflag:s14] =	ssyncset.done $0x0  }
0x1d: {  	[sflag:s14] =	ssyncadd.s32 $0xFFFFFFB0  }
0x1e: {  	[tilespmem:s15], [sflag:$0x1] =	stream.linear.gather [hbm4b:s10+s3], $0x2800, $0x38;
	[tilespmem:$0x18CE0] =	vst v63  }
0x1f: {  	_ = 	snop  }
0x20: {  	[tilespmem:s16], [sflag:$0x1] =	stream.linear.gather [hbm4b:s9+s3], $0x500, $0x38;
	[tilespmem:$0x18CE0] =	vst v63  }
0x21: {  	_ =	swait.ge [sflag:s17], $0x2800  }
0x22: {  	[sflag:s17] =	ssyncset.done $0x0  }
0x23: {  	[sflag:s17] =	ssyncadd.s32 $0xFFFFD800  }
0x24: {  	_ =	swait.ge [sflag:s17], $0x500  }
0x25: {  	[sflag:s17] =	ssyncset.done $0x0  }
0x26: {  	[sflag:s17] =	ssyncadd.s32 $0xFFFFFB00  }
0x27: {  	[spmem:s1] =	stream.indirect.scatter.add.f32 [tilespmem:s15], [sflag:$0x2], $0x80, s3, s15, $0xb8;
	[tilespmem:$0x18CE0] =	vst v63  }
0x28: {  	_ =	swait.ge [sflag:s14], $0x2800  }
0x29: {  	[sflag:s14] =	ssyncset.done $0x0  }
0x2a: {  	[sflag:s14] =	ssyncadd.s32 $0xFFFFD800  }
0x2b: {  	[spmem:s2] =	stream.indirect.scatter.add.f32 [tilespmem:s16], [sflag:$0x2], $0x10, s3, s15, $0xb8;
	[tilespmem:$0x18CE0] =	vst v63  }
0x2c: {  	s21 =	simm.s32 $0xA;
	s22 =	simm.s32 $0x14;
	_ =	swait.ge [sflag:s14], $0x500  }
0x2d: {  	s19 =	sadd.s32 $0xA0, s9;
	s20 =	sadd.s32 $0x500, s10;
	[sflag:s14] =	ssyncset.done $0x0  }
.LBB2_2:
0x2e: {  	s23 =	sadd.s32 s21, s11  }
0x2f: {  	[sflag:s14] =	ssyncadd.s32 $0xFFFFFB00;
	s21 =	smov.u32 s22;
	s24 =	sadd.s32 $0xA, s22  }
0x30: {  	[tilespmem:s3], [sflag:$0x2] =	stream.linear.gather [hbm4b:s23+s3], $0x50, $0x38;
	[tilespmem:$0x18CE0] =	vst v63  }
0x31: {  	p1 =	sne.s32 s22, $0x4D8;
	_ =	swait.ge [sflag:s14], $0x50  }
0x32: {  	[sflag:s14] =	ssyncset.done $0x0  }
0x33: {  	[sflag:s14] =	ssyncadd.s32 $0xFFFFFFB0  }
0x34: {  	[tilespmem:s15], [sflag:$0x1] =	stream.linear.gather [hbm4b:s20+s3], $0x2800, $0x38;
	[tilespmem:$0x18CE0] =	vst v63  }
0x35: {  	_ = 	snop  }
0x36: {  	[tilespmem:s16], [sflag:$0x1] =	stream.linear.gather [hbm4b:s19+s3], $0x500, $0x38;
	[tilespmem:$0x18CE0] =	vst v63  }
0x37: {  	_ =	swait.ge [sflag:s17], $0x2800  }
0x38: {  	[sflag:s17] =	ssyncset.done $0x0  }
0x39: {  	[sflag:s17] =	ssyncadd.s32 $0xFFFFD800  }
0x3a: {  	_ =	swait.ge [sflag:s17], $0x500  }
0x3b: {  	[sflag:s17] =	ssyncset.done $0x0  }
0x3c: {  	[sflag:s17] =	ssyncadd.s32 $0xFFFFFB00  }
0x3d: {  	[spmem:s1] =	stream.indirect.scatter.add.f32 [tilespmem:s15], [sflag:$0x2], $0x80, s3, s15, $0xb8;
	[tilespmem:$0x18CE0] =	vst v63  }
0x3e: {  	_ =	swait.ge [sflag:s14], $0x2800  }
.Ltmp0:
0x3f: {  	[sflag:s14] =	ssyncset.done $0x0;
	(pc) =	sbr.rel @p1 .LBB2_2-.Ltmp0, $4  }
0x40: {  	[sflag:s14] =	ssyncadd.s32 $0xFFFFD800  }
0x41: {  	[spmem:s2] =	stream.indirect.scatter.add.f32 [tilespmem:s16], [sflag:$0x2], $0x10, s3, s15, $0xb8;
	[tilespmem:$0x18CE0] =	vst v63  }
0x42: {  	s22 =	smov.u32 s24;
	_ =	swait.ge [sflag:s14], $0x500  }
0x43: {  	s20 =	sadd.s32 $0x500, s20;
	s19 =	sadd.s32 $0xA0, s19;
	[sflag:s14] =	ssyncset.done $0x0  }
0x44: {  	s21 =	sadd.s32 s21, s11;
	[sflag:s14] =	ssyncadd.s32 $0xFFFFFB00  }
0x45: {  	[tilespmem:s3], [sflag:$0x2] =	stream.linear.gather [hbm4b:s21+s3], $0x50, $0x38;
	[tilespmem:$0x18CE0] =	vst v63  }
0x46: {  	_ =	swait.ge [sflag:s14], $0x50  }
0x47: {  	[sflag:s14] =	ssyncset.done $0x0  }
0x48: {  	[sflag:s14] =	ssyncadd.s32 $0xFFFFFFB0  }
0x49: {  	[tilespmem:s15], [sflag:$0x1] =	stream.linear.gather [hbm4b:s20+s3], $0x2800, $0x38;
	[tilespmem:$0x18CE0] =	vst v63  }
0x4a: {  	_ = 	snop  }
0x4b: {  	[tilespmem:s16], [sflag:$0x1] =	stream.linear.gather [hbm4b:s19+s3], $0x500, $0x38;
	[tilespmem:$0x18CE0] =	vst v63  }
0x4c: {  	_ =	swait.ge [sflag:s17], $0x2800  }
0x4d: {  	[sflag:s17] =	ssyncset.done $0x0  }
0x4e: {  	[sflag:s17] =	ssyncadd.s32 $0xFFFFD800  }
0x4f: {  	_ =	swait.ge [sflag:s17], $0x500  }
0x50: {  	[sflag:s17] =	ssyncset.done $0x0  }
0x51: {  	[sflag:s17] =	ssyncadd.s32 $0xFFFFFB00  }
0x52: {  	[spmem:s1] =	stream.indirect.scatter.add.f32 [tilespmem:s15], [sflag:$0x2], $0x80, s3, s15, $0xb8;
	[tilespmem:$0x18CE0] =	vst v63  }
0x53: {  	_ =	swait.ge [sflag:s14], $0x2800  }
0x54: {  	[sflag:s14] =	ssyncset.done $0x0  }
0x55: {  	[sflag:s14] =	ssyncadd.s32 $0xFFFFD800  }
0x56: {  	[spmem:s2] =	stream.indirect.scatter.add.f32 [tilespmem:s16], [sflag:$0x2], $0x10, s3, s15, $0xb8;
	[tilespmem:$0x18CE0] =	vst v63  }
0x57: {  	_ =	swait.ge [sflag:s14], $0x500  }
0x58: {  	[sflag:s14] =	ssyncset.done $0x0  }
0x59: {  	[sflag:s14] =	ssyncadd.s32 $0xFFFFFB00  }
0x5a: {  	s20 =	simm.s32 @!p0 $0x2;
	s19 =	simm.s32 @!p0 $0x1C02;
	[bflag:$0x0] =	sbarrier.arrive $0xFFFF  }
0x5b: {  	[hbm:s6], [sflag:s19] =	dma.local @!p0 [spmem:s12], $0x27100  }
0x5c: {  	s18 =	sadd.s32 $0x1, s18;
	_ =	swait.ge @!p0 [sflag:s20], $0x27100  }
0x5d: {  	p1 =	sne.s32 s18, s8;
	[sflag:s20] =	ssyncset.done @!p0 $0x0  }
.Ltmp1:
0x5e: {  	[sflag:s20] =	ssyncadd.s32 @!p0 $0xFFFD8F00;
	(pc) =	sbr.rel @p1 .LBB2_1-.Ltmp1, $4  }
0x5f: {  	[hbm:s7], [sflag:s19] =	dma.local @!p0 [spmem:s13], $0x4E20  }
0x60: {  	_ =	swait.ge @!p0 [sflag:s20], $0x4E20  }
0x61: {  	[sflag:s20] =	ssyncset.done @!p0 $0x0  }
0x62: {  	[sflag:s20] =	ssyncadd.s32 @!p0 $0xFFFFB1E0  }
0x63: {  	_ =	sfence.sel $0x180000  }
0x64: {  	[bflag:$0x0] =	sbarrier.arrive $0xFFFF  }
0x65: {  	_ =	strace $0x90000056  }
0x66: {  	s0 =	sadd.s32 @!p0 $0x100000, s0;
	[bflag:$0x2] =	sbarrier.arrive $0xFFFF  }
0x67: {  	[sflag:s0] =	ssyncadd.tile.s32 @!p0 $0x1;
	_ =	shalt  }
.Lfunc_end2:
_tile_overlayer_lowered:
.L_overlay_start_2:
0x68: {  	(tag) =	ssettag $0x2  }
0x69: {  	s0 =	rddreg [dreg:$0x0];
	s2 =	stileid.u32  }
0x6a: {  	s1 =	rddreg [dreg:$0x1];
	p0 =	sne.s32 s2, $0x0  }
0x6b: {  	s3 =	rddreg [dreg:$0x2];
	[bflag:$0x3] =	sbarrier.arrive $0xFFFF;
	s2 =	simm.s32 @!p0 $0x1C02  }
0x6c: {  	[timem:s3], [sflag:s2] =	dma.local @!p0 [hbm:s0], s1  }
0x6d: {  	s0 =	simm.s32 @!p0 $0x2  }
0x6e: {  	_ =	swait.ge @!p0 [sflag:s0], s1  }
0x6f: {  	s1 =	ssub.s32 @!p0 $0x0, s1;
	[sflag:s0] =	ssyncset.done @!p0 $0x0  }
0x70: {  	[sflag:s0] =	ssyncadd.s32 @!p0 s1  }
0x71: {  	[bflag:$0x3] =	sbarrier.arrive $0xFFFF  }
0x72: {  	_ =	shalt  }

// kernel: kernel.38.cloned.1.call-start
scs
__scs_entry_jumppad:
0x0: {  	(pc) =	sbr.rel $0x88, $3  }
0x1: {  	(tag) =	ssettag $0x0;
	lr =	simm.s32 $0x1  }
0x2: {  	[smem:$0x3F64] =	sst lr;
	_ =	strace $0xD0000000  }
0x3: {  	_ = 	snop  }
0x4: {  	_ = 	snop  }
0x5: {  	_ = 	snop  }
0x6: {  	_ = 	snop  }
0x7: {  	_ = 	snop  }
__scs_overlays_trampoline_lowered:
0x8: {  	[smem:$0x3F73] =	sst s0  }
0x9: {  	[smem:$0x3F74] =	sst s1  }
0xa: {  	[smem:$0x3F75] =	sst s2  }
0xb: {  	[smem:$0x3F76] =	sst s3  }
0xc: {  	[smem:$0x3F77] =	sst s4  }
0xd: {  	[smem:$0x3F78] =	sst s5  }
0xe: {  	[smem:$0x3F79] =	sst s6  }
0xf: {  	[smem:$0x3F7A] =	sst s7  }
0x10: {  	[smem:$0x3F7B] =	sst s8  }
0x11: {  	[smem:$0x3F7C] =	sst s9;
	s0 =	simm.s32 @!p0 $0x0  }
0x12: {  	s1 =	sld [smem:$0x3F62];
	s0 =	simm.s32 @p0 $0x1  }
0x13: {  	[smem:$0x3F7D] =	sst s0;
	s0 =	simm.s32 @!p1 $0x0  }
0x14: {  	s2 =	sld [smem:$0x3F61];
	s0 =	simm.s32 @p1 $0x1  }
0x15: {  	[smem:$0x3F7E] =	sst s0;
	s0 =	simm.s32 @!p2 $0x0  }
0x16: {  	s3 =	sld [smem:$0x3FDB];
	s0 =	simm.s32 @p2 $0x1  }
0x17: {  	s4 =	simm.s32 $0x1BF5;
	[smem:$0x3F80] =	sst s0  }
0x18: {  	s0 =	sld [smem:$0x3F63];
	_ =	swait.ge [sflag:s4], $0x0  }
0x19: {  	s7 =	sld [smem:$0x3F64]  }
0x1a: {  	s8 =	sadd.s32 $0xFFFFE003, lr  }
0x1b: {  	s9 =	sadd.s32 $0xFFFFFEF7, lr;
	s5 =	simm.s32 $0xFFFFFFFF;
	p2 =	slt.u32 s8, $0xFFFFF086  }
0x1c: {  	p1 =	slt.u32 s9, $0xF7A;
	s5 =	simm.s32 @!p2 $0x0  }
0x1d: {  	s5 =	simm.s32 @p1 $0x1;
	p0 =	seq.s32 s7, s2  }
0x1e: {  	s7 =	smul.u32 @!p0 $0xF7A, s2;
	p2 =	seq.s32 @!p0 s5, $0x0  }
0x1f: {  	s9 =	smul.u32 $0xF7A, s1;
	s8 =	simm.s32 @!p0 $0x1BF5;
	p2 =	por !p2, p0  }
0x20: {  	[sflag:s8] =	ssyncset.s32 @!p0 $0xFFFFF086;
	s6 =	sadd.s32 @!p0 s3, s7;
	s7 =	simm.s32 @!p0 $0x108  }
0x21: {  	s3 =	sadd.s32 s3, s9;
	s6 =	sadd.s32 @!p0 $0x88, s6;
	s7 =	simm.s32 @p2 $0x1082  }
0x22: {  	[simem:s7], [sflag:s8] =	dma.local @!p0 [hbm:s6], $0xF7A  }
0x23: {  	s9 =	sor.u32 $0xD0000000, s2;
	s6 =	simm.s32 $0x108;
	_ =	swait.ge @!p0 [sflag:s8], $0x0  }
0x24: {  	s3 =	sadd.s32 $0x88, s3;
	s6 =	simm.s32 @!p1 $0x1082;
	[sflag:s4] =	ssyncset.s32 $0xFFFFF086  }
0x25: {  	[simem:s6], [sflag:s4] =	dma.local [hbm:s3], $0xF7A  }
0x26: {  	[smem:$0x3F64] =	sst s1;
	(tag) =	ssettag s2;
	_ =	strace s9  }
0x27: {  	s1 =	sld [smem:$0x3F74]  }
0x28: {  	s2 =	sld [smem:$0x3F75]  }
0x29: {  	s4 =	sld [smem:$0x3F77]  }
0x2a: {  	p0 =	seq.s32 s5, $0x0;
	s5 =	sld [smem:$0x3F78]  }
0x2b: {  	s6 =	sld [smem:$0x3F79]  }
0x2c: {  	s7 =	sld [smem:$0x3F7A]  }
0x2d: {  	s3 =	simm.s32 $0x108;
	s8 =	sld [smem:$0x3F7B]  }
0x2e: {  	s3 =	simm.s32 @!p0 $0x1082;
	s9 =	sld [smem:$0x3F7C]  }
0x2f: {  	lr =	sadd.s32 s0, s3;
	s0 =	sld [smem:$0x3F73]  }
0x30: {  	s3 =	sld [smem:$0x3F76]  }
0x31: {  	[smem:$0x3F7F] =	sst s10  }
0x32: {  	s10 =	sld [smem:$0x3F7D];
	_ =	sdelay $0x3  }
0x33: {  	p0 =	seq.s32 s10, $0x1;
	s10 =	sld [smem:$0x3F7F];
	_ =	sdelay $0x3  }
0x34: {  	[smem:$0x3F7F] =	sst s10  }
0x35: {  	s10 =	sld [smem:$0x3F7E];
	_ =	sdelay $0x3  }
0x36: {  	p1 =	seq.s32 s10, $0x1;
	s10 =	sld [smem:$0x3F7F];
	_ =	sdelay $0x3  }
0x37: {  	[smem:$0x3F7F] =	sst s10  }
0x38: {  	s10 =	sld [smem:$0x3F80]  }
0x39: {  	_ = 	snop;
	(pc) =	sbr.ind lr, $3  }
0x3a: {  	_ = 	snop  }
0x3b: {  	_ = 	snop  }
0x3c: {  	p2 =	seq.s32 s10, $0x1;
	s10 =	sld [smem:$0x3F7F]  }
0x3d: {  	_ =	shalt  }
0x3e: {  	_ =	shalt  }
0x3f: {  	_ =	shalt  }
0x40: {  	_ =	shalt  }
0x41: {  	_ =	shalt  }
0x42: {  	_ =	shalt  }
0x43: {  	_ =	shalt  }
0x44: {  	_ =	shalt  }
0x45: {  	_ =	shalt  }
0x46: {  	_ =	shalt  }
0x47: {  	_ =	shalt  }
0x48: {  	_ =	shalt  }
0x49: {  	_ =	shalt  }
0x4a: {  	_ =	shalt  }
0x4b: {  	_ =	shalt  }
0x4c: {  	_ =	shalt  }
0x4d: {  	_ =	shalt  }
0x4e: {  	_ =	shalt  }
0x4f: {  	_ =	shalt  }
0x50: {  	_ =	shalt  }
0x51: {  	_ =	shalt  }
0x52: {  	_ =	shalt  }
0x53: {  	_ =	shalt  }
0x54: {  	_ =	shalt  }
0x55: {  	_ =	shalt  }
0x56: {  	_ =	shalt  }
0x57: {  	_ =	shalt  }
0x58: {  	_ =	shalt  }
0x59: {  	_ =	shalt  }
0x5a: {  	_ =	shalt  }
0x5b: {  	_ =	shalt  }
0x5c: {  	_ =	shalt  }
0x5d: {  	_ =	shalt  }
0x5e: {  	_ =	shalt  }
0x5f: {  	_ =	shalt  }
0x60: {  	_ =	shalt  }
0x61: {  	_ =	shalt  }
0x62: {  	_ =	shalt  }
0x63: {  	_ =	shalt  }
0x64: {  	_ =	shalt  }
0x65: {  	_ =	shalt  }
0x66: {  	_ =	shalt  }
0x67: {  	_ =	shalt  }
0x68: {  	_ =	shalt  }
0x69: {  	_ =	shalt  }
0x6a: {  	_ =	shalt  }
0x6b: {  	_ =	shalt  }
0x6c: {  	_ =	shalt  }
0x6d: {  	_ =	shalt  }
0x6e: {  	_ =	shalt  }
0x6f: {  	_ =	shalt  }
0x70: {  	_ =	shalt  }
0x71: {  	_ =	shalt  }
0x72: {  	_ =	shalt  }
0x73: {  	_ =	shalt  }
0x74: {  	_ =	shalt  }
0x75: {  	_ =	shalt  }
0x76: {  	_ =	shalt  }
0x77: {  	_ =	shalt  }
0x78: {  	_ =	shalt  }
0x79: {  	_ =	shalt  }
0x7a: {  	_ =	shalt  }
0x7b: {  	_ =	shalt  }
0x7c: {  	_ =	shalt  }
0x7d: {  	_ =	shalt  }
0x7e: {  	_ =	shalt  }
0x7f: {  	_ =	shalt  }
0x80: {  	_ =	shalt  }
0x81: {  	_ =	shalt  }
0x82: {  	_ =	shalt  }
0x83: {  	_ =	shalt  }
0x84: {  	_ =	shalt  }
0x85: {  	_ =	shalt  }
0x86: {  	_ =	shalt  }
0x87: {  	_ =	shalt  }
.Lfunc_end0:
.L_simem_size_0:
called_computation.6_lowered:
.L_overlay_start_0:
0x88: {  	s2 =	sld [smem:$0x3FD9]  }
0x89: {  	s3 =	sld [smem:$0x3FFE];
	_ =	sdelay $0x1  }
0x8a: {  	s1 =	srdreg.scid  }
0x8b: {  	s0 =	sand.u32 $0x1, s1  }
0x8c: {  	s16 =	sshll.u32 s0, $0xA;
	s2 =	sadd.s32 s3, s2  }
0x8d: {  	s2 =	sadd.s32 s2, s16  }
0x8e: {  	[smem:$0x3F8B] =	sst s2  }
0x8f: {  	_ = 	snop  }
0x90: {  	(tm) =	ssettm $0x1  }
0x91: {  	s17 =	sld [smem:$0x3FFB];
	_ =	sdelay $0x3  }
0x92: {  	_ =	strace s17  }
0x93: {  	s2 =	sld [smem:$0x3FFC];
	_ =	sdelay $0x3  }
0x94: {  	_ =	strace s2  }
0x95: {  	s2 =	sld [smem:$0x3FFD];
	_ =	sdelay $0x3  }
0x96: {  	_ =	strace s2  }
0x97: {  	_ =	strace $0x8FFFFFFF  }
0x98: {  	s18 =	sld [smem:$0x3FDB];
	_ =	sdelay $0x1  }
0x99: {  	s19 =	simm.s32 $_scs_section_size  }
0x9a: {  	s4 =	simm.s32 $_size__tile_overlayer_lowered;
	s5 =	simm.s32 $_tile_overlayer_lowered  }
0x9b: {  	s22 =	simm.s32 $0x1BFF;
	s21 =	sshll.u32 s5, $0x1;
	s2 =	sadd.s32 s19, s18  }
0x9c: {  	s6 =	simm.s32 $0x0;
	s20 =	sshll.u32 s4, $0x1;
	s4 =	sadd.s32 s21, s2  }
0x9d: {  	[timem:s6], [sflag:s22] =	dma.local [hbm:s4], s20  }
0x9e: {  	_ =	swait.ge [sflag:s22], s20  }
0x9f: {  	s3 =	ssub.s32 $0x0, s20;
	[sflag:s22] =	ssyncset.done $0x0  }
0xa0: {  	[sflag:s22] =	ssyncadd.s32 s3;
	_ =	sdelay $0x1  }
0xa1: {  	s23 =	simm.s32 $0x1B8B  }
0xa2: {  	_ =	swait.ge [sflag:s23], $0x1  }
0xa3: {  	[sflag:s23] =	ssyncset.done $0x0  }
0xa4: {  	s25 =	simm.s32 $0x1B8E;
	s24 =	sld [smem:$0x3FFE];
	[sflag:s23] =	ssyncadd.s32 $0xFFFFFFFF  }
0xa5: {  	s26 =	simm.s32 $execute0_lowered;
	[smem:$0x3FD2] =	sst s25  }
0xa6: {  	s4 =	sshll.u32 s26, $0x1;
	_ =	strace $0x80000058;
	[dreg:$0x1] =	wrdreg $0xFFFFFFFF  }
0xa7: {  	s28 =	simm.s32 $_size_execute0_lowered;
	s2 =	sadd.s32 s2, s4;
	[dreg:$0x0] =	wrdreg $0x0  }
0xa8: {  	s4 =	sshll.u32 s28, $0x1;
	[dreg:$0x2] =	wrdreg s2  }
0xa9: {  	[dreg:$0x3] =	wrdreg s4  }
0xaa: {  	[dreg:$0x4] =	wrdreg $0xC0  }
0xab: {  	_ =	task [dreg:s6], $0x5FFFF  }
0xac: {  	[dreg:$0x1] =	wrdreg $0xFFFFFFFF  }
0xad: {  	[dreg:$0x0] =	wrdreg $0x60  }
0xae: {  	[dreg:$0x2] =	wrdreg s24  }
0xaf: {  	[dreg:$0x3] =	wrdreg $0x9  }
0xb0: {  	_ =	task.clear_ibuf [dreg:s6], $0x4FFFF;
	_ =	strace $0x90000058  }
0xb1: {  	s29 =	simm.s32 $0x9;
	_ =	strace $0x8000005A  }
0xb2: {  	_ =	swait.ge [sflag:s29], $0x1  }
0xb3: {  	[sflag:s29] =	ssyncadd.s32 $0xFFFFFFFF  }
0xb4: {  	_ =	strace $0x9000005A  }
0xb5: {  	_ =	sfence  }
0xb6: {  	s30 =	sld [smem:$0x0];
	_ =	sdelay $0x2  }
0xb7: {  	s31 =	sshll.u32 s1, $0xD;
	s1 =	sshrl.u32 s1, $0x2  }
0xb8: {  	s3 =	sand.u32 $0x4000, s31;
	s1 =	sadd.s32 s1, s30  }
0xb9: {  	s0 =	sor.u32 s3, s0;
	s1 =	sshll.u32 s1, $0x11  }
0xba: {  	s0 =	sor.u32 s1, s0  }
0xbb: {  	s0 =	sadd.s32 $0x8F2B, s0  }
0xbc: {  	[sflag:s0] =	ssyncadd.remote.s32 $0x1  }
0xbd: {  	_ =	sfence.sel $0xFFFF  }
0xbe: {  	[dreg:$0x0] =	wrdreg $0xFFFFFFFF;
	(pc) =	sbr.abs _section_cstart, $3  }
0xbf: {  	[dreg:$0x1] =	wrdreg $0xFFFFFFFF  }
0xc0: {  	_ =	task.clear_ibuf [dreg:s6], $0x2FFFF;
	_ =	strace $0x9FFFFFFF  }
0xc1: {  	(tm) =	ssettm $0x7FFFFFFF  }
tec
execute0_lowered:
.L_overlay_start_1:
0x0: {  	(tag) =	ssettag $0x1  }
0x1: {  	s6 =	rddreg [dreg:$0x0]  }
0x2: {  	s0 =	rddreg [dreg:$0x1]  }
0x3: {  	s3 =	srdreg.scid;
	s1 =	stileid.u32  }
0x4: {  	s2 =	simm.s32 $0x0;
	s13 =	simm.s32 $0x3;
	s14 =	simm.s32 $0x50  }
0x5: {  	s15 =	simm.s32 $0xA0;
	s16 =	simm.s32 $0x14A0;
	s4 =	smul.u32 $0x4E20, s1  }
0x6: {  	s17 =	simm.s32 $0x28A0;
	s18 =	simm.s32 $0x2DA0;
	s8 =	smul.u32 $0x27100, s1  }
0x7: {  	s19 =	simm.s32 $0x1;
	s7 =	sand.u32 $0x1, s3;
	s10 =	smul.u32 $0x9C40, s1  }
0x8: {  	s20 =	simm.s32 $0x2;
	s21 =	simm.s32 $0x0;
	s5 =	smul.u32 $0x2710, s7  }
0x9: {  	[smem:$0x7FF] =	sst s2;
	s3 =	sadd.s32 $0x61A00, s6;
	s28 =	smul.u32 $0x4E20, s7  }
0xa: {  	_ =	strace $0x80000059;
	s11 =	ssub.s32 $0x2, s7;
	s7 =	smul.u32 $0x13880, s7  }
0xb: {  	s10 =	sadd.s32 s10, s6;
	s8 =	sadd.s32 s8, s6;
	s29 =	sshrl.u32 s11, $0x1  }
0xc: {  	s5 =	sadd.s32 s5, s4;
	s4 =	sadd.s32 $0x75400, s6;
	s30 =	ssub.s32 s11, s29  }
0xd: {  	s31 =	sadd.s32 s7, s8;
	s9 =	sshrl.u32 s5, $0x3;
	s5 =	sadd.s32 $0xA1A00, s6  }
0xe: {  	s12 =	sadd.s32 s9, s6;
	s9 =	sadd.s32 s28, s10;
	s10 =	sadd.s32 $0xA6A00, s31  }
0xf: {  	s7 =	smax.u32 s30, $0x1;
	s6 =	sadd.s32 $0xB9E400, s9;
	s8 =	sadd.s32 $0x588A00, s9  }
0x10: {  	s9 =	sadd.s32 $0x317A00, s31;
	s11 =	sadd.s32 $0x8DE00, s12;
	s12 =	sadd.s32 $0x97C00, s12  }
.LBB2_1:
0x11: {  	[tilespmem:s2], [sflag:$0x3] =	stream.linear.gather [hbm4b:s12+s2], $0x50, $0x38;
	[tilespmem:$0x32A0] =	vst v63  }
0x12: {  	_ =	swait.ge [sflag:s13], $0x50  }
0x13: {  	[sflag:s13] =	ssyncset.done $0x0  }
0x14: {  	[sflag:s13] =	ssyncadd.s32 $0xFFFFFFB0  }
0x15: {  	[tilespmem:s14], [sflag:$0x3] =	stream.linear.gather [hbm4b:s11+s2], $0x50, $0x38;
	[tilespmem:$0x32A0] =	vst v63  }
0x16: {  	_ =	swait.ge [sflag:s13], $0x50  }
0x17: {  	[sflag:s13] =	ssyncset.done $0x0  }
0x18: {  	[sflag:s13] =	ssyncadd.s32 $0xFFFFFFB0  }
0x19: {  	[tilespmem:s15], [sflag:$0x1] =	stream.indirect.gather [hbm4b:s3+s14], $0x40, s2, s14, $0xb8;
	[tilespmem:$0x32A0] =	vst v63  }
0x1a: {  	_ = 	snop  }
0x1b: {  	[tilespmem:s16], [sflag:$0x1] =	stream.indirect.gather [hbm4b:s4+s14], $0x40, s14, s14, $0xb8;
	[tilespmem:$0x32A0] =	vst v63  }
0x1c: {  	_ = 	snop  }
0x1d: {  	[tilespmem:s17], [sflag:$0x1] =	stream.indirect.gather [hbm4b:s5+s14], $0x10, s2, s14, $0xb8;
	[tilespmem:$0x32A0] =	vst v63  }
0x1e: {  	_ = 	snop  }
0x1f: {  	[tilespmem:s18], [sflag:$0x1] =	stream.indirect.gather [hbm4b:s5+s14], $0x10, s14, s14, $0xb8;
	[tilespmem:$0x32A0] =	vst v63  }
0x20: {  	_ =	swait.ge [sflag:s19], $0x1400  }
0x21: {  	[sflag:s19] =	ssyncset.done $0x0  }
0x22: {  	[sflag:s19] =	ssyncadd.s32 $0xFFFFEC00  }
0x23: {  	_ =	swait.ge [sflag:s19], $0x1400  }
0x24: {  	[sflag:s19] =	ssyncset.done $0x0  }
0x25: {  	[sflag:s19] =	ssyncadd.s32 $0xFFFFEC00  }
0x26: {  	_ =	swait.ge [sflag:s19], $0x500  }
0x27: {  	[sflag:s19] =	ssyncset.done $0x0  }
0x28: {  	[sflag:s19] =	ssyncadd.s32 $0xFFFFFB00  }
0x29: {  	_ =	swait.ge [sflag:s19], $0x500  }
0x2a: {  	[sflag:s19] =	ssyncset.done $0x0  }
0x2b: {  	[sflag:s19] =	ssyncadd.s32 $0xFFFFFB00  }
0x2c: {  	[hbm4b:s10+s2] =	stream.linear.scatter [tilespmem:s15], [sflag:$0x2], $0x1400, $0x38;
	[tilespmem:$0x32A0] =	vst v63  }
0x2d: {  	_ = 	snop  }
0x2e: {  	[hbm4b:s9+s2] =	stream.linear.scatter [tilespmem:s16], [sflag:$0x2], $0x1400, $0x38;
	[tilespmem:$0x32A0] =	vst v63  }
0x2f: {  	s22 =	sadd.s32 $0x0, s8  }
0x30: {  	[hbm4b:s22+s2] =	stream.linear.scatter [tilespmem:s17], [sflag:$0x2], $0x500, $0x38;
	[tilespmem:$0x32A0] =	vst v63  }
0x31: {  	s31 =	sadd.s32 $0x0, s6  }
0x32: {  	[hbm4b:s31+s2] =	stream.linear.scatter [tilespmem:s18], [sflag:$0x2], $0x500, $0x38;
	[tilespmem:$0x32A0] =	vst v63  }
0x33: {  	_ =	swait.ge [sflag:s20], $0x1400  }
0x34: {  	[sflag:s20] =	ssyncset.done $0x0  }
0x35: {  	[sflag:s20] =	ssyncadd.s32 $0xFFFFEC00  }
0x36: {  	_ =	swait.ge [sflag:s20], $0x1400  }
0x37: {  	[sflag:s20] =	ssyncset.done $0x0  }
0x38: {  	[sflag:s20] =	ssyncadd.s32 $0xFFFFEC00  }
0x39: {  	_ =	swait.ge [sflag:s20], $0x500  }
0x3a: {  	[sflag:s20] =	ssyncset.done $0x0  }
0x3b: {  	s23 =	sadd.s32 $0xA, s11;
	[sflag:s20] =	ssyncadd.s32 $0xFFFFFB00  }
0x3c: {  	s24 =	sadd.s32 $0xA, s12;
	s25 =	smov.u32 s9;
	_ =	swait.ge [sflag:s20], $0x500  }
0x3d: {  	s26 =	smov.u32 s10;
	s22 =	simm.s32 $0xA0;
	[sflag:s20] =	ssyncset.done $0x0  }
.LBB2_2:
0x3e: {  	[sflag:s20] =	ssyncadd.s32 $0xFFFFFB00  }
0x3f: {  	s25 =	sadd.s32 $0x280, s25;
	s26 =	sadd.s32 $0x280, s26;
	s28 =	smov.u32 s22  }
0x40: {  	[tilespmem:s2], [sflag:$0x3] =	stream.linear.gather [hbm4b:s24+s2], $0x50, $0x38;
	[tilespmem:$0x32A0] =	vst v63  }
0x41: {  	p0 =	sne.s32 s22, $0x4D80;
	s22 =	sadd.s32 $0xA0, s22;
	_ =	swait.ge [sflag:s13], $0x50  }
0x42: {  	[sflag:s13] =	ssyncset.done $0x0  }
0x43: {  	[sflag:s13] =	ssyncadd.s32 $0xFFFFFFB0  }
0x44: {  	[tilespmem:s14], [sflag:$0x3] =	stream.linear.gather [hbm4b:s23+s2], $0x50, $0x38;
	[tilespmem:$0x32A0] =	vst v63  }
0x45: {  	_ =	swait.ge [sflag:s13], $0x50  }
0x46: {  	[sflag:s13] =	ssyncset.done $0x0  }
0x47: {  	[sflag:s13] =	ssyncadd.s32 $0xFFFFFFB0  }
0x48: {  	[tilespmem:s15], [sflag:$0x1] =	stream.indirect.gather [hbm4b:s3+s14], $0x40, s2, s14, $0xb8;
	[tilespmem:$0x32A0] =	vst v63  }
0x49: {  	_ = 	snop  }
0x4a: {  	[tilespmem:s16], [sflag:$0x1] =	stream.indirect.gather [hbm4b:s4+s14], $0x40, s14, s14, $0xb8;
	[tilespmem:$0x32A0] =	vst v63  }
0x4b: {  	_ = 	snop  }
0x4c: {  	[tilespmem:s17], [sflag:$0x1] =	stream.indirect.gather [hbm4b:s5+s14], $0x10, s2, s14, $0xb8;
	[tilespmem:$0x32A0] =	vst v63  }
0x4d: {  	_ = 	snop  }
0x4e: {  	[tilespmem:s18], [sflag:$0x1] =	stream.indirect.gather [hbm4b:s5+s14], $0x10, s14, s14, $0xb8;
	[tilespmem:$0x32A0] =	vst v63  }
0x4f: {  	_ =	swait.ge [sflag:s19], $0x1400  }
0x50: {  	[sflag:s19] =	ssyncset.done $0x0  }
0x51: {  	[sflag:s19] =	ssyncadd.s32 $0xFFFFEC00  }
0x52: {  	_ =	swait.ge [sflag:s19], $0x1400  }
0x53: {  	[sflag:s19] =	ssyncset.done $0x0  }
0x54: {  	[sflag:s19] =	ssyncadd.s32 $0xFFFFEC00  }
0x55: {  	_ =	swait.ge [sflag:s19], $0x500  }
0x56: {  	[sflag:s19] =	ssyncset.done $0x0  }
0x57: {  	[sflag:s19] =	ssyncadd.s32 $0xFFFFFB00  }
0x58: {  	_ =	swait.ge [sflag:s19], $0x500  }
0x59: {  	[sflag:s19] =	ssyncset.done $0x0  }
0x5a: {  	[sflag:s19] =	ssyncadd.s32 $0xFFFFFB00  }
0x5b: {  	[hbm4b:s26+s2] =	stream.linear.scatter [tilespmem:s15], [sflag:$0x2], $0x1400, $0x38;
	[tilespmem:$0x32A0] =	vst v63  }
0x5c: {  	_ = 	snop  }
0x5d: {  	[hbm4b:s25+s2] =	stream.linear.scatter [tilespmem:s16], [sflag:$0x2], $0x1400, $0x38;
	[tilespmem:$0x32A0] =	vst v63  }
0x5e: {  	s29 =	sadd.s32 s28, s8  }
0x5f: {  	[hbm4b:s29+s2] =	stream.linear.scatter [tilespmem:s17], [sflag:$0x2], $0x500, $0x38;
	[tilespmem:$0x32A0] =	vst v63  }
0x60: {  	s28 =	sadd.s32 s28, s6  }
0x61: {  	[hbm4b:s28+s2] =	stream.linear.scatter [tilespmem:s18], [sflag:$0x2], $0x500, $0x38;
	[tilespmem:$0x32A0] =	vst v63  }
0x62: {  	_ =	swait.ge [sflag:s20], $0x1400  }
0x63: {  	[sflag:s20] =	ssyncset.done $0x0  }
0x64: {  	[sflag:s20] =	ssyncadd.s32 $0xFFFFEC00  }
0x65: {  	_ =	swait.ge [sflag:s20], $0x1400  }
0x66: {  	[sflag:s20] =	ssyncset.done $0x0  }
0x67: {  	[sflag:s20] =	ssyncadd.s32 $0xFFFFEC00  }
.Ltmp0:
0x68: {  	_ =	swait.ge [sflag:s20], $0x500;
	(pc) =	sbr.rel @p0 .LBB2_2-.Ltmp0, $4  }
0x69: {  	[sflag:s20] =	ssyncset.done $0x0  }
0x6a: {  	[sflag:s20] =	ssyncadd.s32 $0xFFFFFB00  }
0x6b: {  	_ =	swait.ge [sflag:s20], $0x500  }
0x6c: {  	s24 =	sadd.s32 $0xA, s24;
	s23 =	sadd.s32 $0xA, s23;
	[sflag:s20] =	ssyncset.done $0x0  }
0x6d: {  	s21 =	sadd.s32 $0x1, s21  }
0x6e: {  	p0 =	sne.s32 s21, s7  }
.Ltmp1:
0x6f: {  	_ = 	snop;
	(pc) =	sbr.rel @p0 .LBB2_1-.Ltmp1, $2  }
0x70: {  	_ =	sdelay $0x2  }
0x71: {  	[sflag:s20] =	ssyncadd.s32 $0xFFFFFB00  }
0x72: {  	_ =	sfence.sel $0x180000  }
0x73: {  	[bflag:$0x0] =	sbarrier.arrive $0xFFFF  }
0x74: {  	p0 =	sne.s32 s1, $0x0;
	_ =	strace $0x90000059  }
0x75: {  	s0 =	sadd.s32 @!p0 $0x100000, s0;
	[bflag:$0x2] =	sbarrier.arrive $0xFFFF  }
0x76: {  	[sflag:s0] =	ssyncadd.tile.s32 @!p0 $0x1;
	_ =	shalt  }
.Lfunc_end2:
_tile_overlayer_lowered:
.L_overlay_start_2:
0x77: {  	(tag) =	ssettag $0x2  }
0x78: {  	s0 =	rddreg [dreg:$0x0];
	s2 =	stileid.u32  }
0x79: {  	s1 =	rddreg [dreg:$0x1];
	p0 =	sne.s32 s2, $0x0  }
0x7a: {  	s3 =	rddreg [dreg:$0x2];
	[bflag:$0x3] =	sbarrier.arrive $0xFFFF;
	s2 =	simm.s32 @!p0 $0x1C03  }
0x7b: {  	[timem:s3], [sflag:s2] =	dma.local @!p0 [hbm:s0], s1  }
0x7c: {  	s0 =	simm.s32 @!p0 $0x3  }
0x7d: {  	_ =	swait.ge @!p0 [sflag:s0], s1  }
0x7e: {  	s1 =	ssub.s32 @!p0 $0x0, s1;
	[sflag:s0] =	ssyncset.done @!p0 $0x0  }
0x7f: {  	[sflag:s0] =	ssyncadd.s32 @!p0 s1  }
0x80: {  	[bflag:$0x3] =	sbarrier.arrive $0xFFFF  }
0x81: {  	_ =	shalt  }

// kernel: kernel.41.cloned.1.call-start
scs
__scs_entry_jumppad:
0x0: {  	(pc) =	sbr.rel $0x88, $3  }
0x1: {  	(tag) =	ssettag $0x0;
	lr =	simm.s32 $0x1  }
0x2: {  	[smem:$0x3F64] =	sst lr;
	_ =	strace $0xD0000000  }
0x3: {  	_ = 	snop  }
0x4: {  	_ = 	snop  }
0x5: {  	_ = 	snop  }
0x6: {  	_ = 	snop  }
0x7: {  	_ = 	snop  }
__scs_overlays_trampoline_lowered:
0x8: {  	[smem:$0x3F73] =	sst s0  }
0x9: {  	[smem:$0x3F74] =	sst s1  }
0xa: {  	[smem:$0x3F75] =	sst s2  }
0xb: {  	[smem:$0x3F76] =	sst s3  }
0xc: {  	[smem:$0x3F77] =	sst s4  }
0xd: {  	[smem:$0x3F78] =	sst s5  }
0xe: {  	[smem:$0x3F79] =	sst s6  }
0xf: {  	[smem:$0x3F7A] =	sst s7  }
0x10: {  	[smem:$0x3F7B] =	sst s8  }
0x11: {  	[smem:$0x3F7C] =	sst s9;
	s0 =	simm.s32 @!p0 $0x0  }
0x12: {  	s1 =	sld [smem:$0x3F62];
	s0 =	simm.s32 @p0 $0x1  }
0x13: {  	[smem:$0x3F7D] =	sst s0;
	s0 =	simm.s32 @!p1 $0x0  }
0x14: {  	s2 =	sld [smem:$0x3F61];
	s0 =	simm.s32 @p1 $0x1  }
0x15: {  	[smem:$0x3F7E] =	sst s0;
	s0 =	simm.s32 @!p2 $0x0  }
0x16: {  	s3 =	sld [smem:$0x3FDB];
	s0 =	simm.s32 @p2 $0x1  }
0x17: {  	s4 =	simm.s32 $0x1BF5;
	[smem:$0x3F80] =	sst s0  }
0x18: {  	s0 =	sld [smem:$0x3F63];
	_ =	swait.ge [sflag:s4], $0x0  }
0x19: {  	s7 =	sld [smem:$0x3F64]  }
0x1a: {  	s8 =	sadd.s32 $0xFFFFE003, lr  }
0x1b: {  	s9 =	sadd.s32 $0xFFFFFEF7, lr;
	s5 =	simm.s32 $0xFFFFFFFF;
	p2 =	slt.u32 s8, $0xFFFFF086  }
0x1c: {  	p1 =	slt.u32 s9, $0xF7A;
	s5 =	simm.s32 @!p2 $0x0  }
0x1d: {  	s5 =	simm.s32 @p1 $0x1;
	p0 =	seq.s32 s7, s2  }
0x1e: {  	s7 =	smul.u32 @!p0 $0xF7A, s2;
	p2 =	seq.s32 @!p0 s5, $0x0  }
0x1f: {  	s9 =	smul.u32 $0xF7A, s1;
	s8 =	simm.s32 @!p0 $0x1BF5;
	p2 =	por !p2, p0  }
0x20: {  	[sflag:s8] =	ssyncset.s32 @!p0 $0xFFFFF086;
	s6 =	sadd.s32 @!p0 s3, s7;
	s7 =	simm.s32 @!p0 $0x108  }
0x21: {  	s3 =	sadd.s32 s3, s9;
	s6 =	sadd.s32 @!p0 $0x88, s6;
	s7 =	simm.s32 @p2 $0x1082  }
0x22: {  	[simem:s7], [sflag:s8] =	dma.local @!p0 [hbm:s6], $0xF7A  }
0x23: {  	s9 =	sor.u32 $0xD0000000, s2;
	s6 =	simm.s32 $0x108;
	_ =	swait.ge @!p0 [sflag:s8], $0x0  }
0x24: {  	s3 =	sadd.s32 $0x88, s3;
	s6 =	simm.s32 @!p1 $0x1082;
	[sflag:s4] =	ssyncset.s32 $0xFFFFF086  }
0x25: {  	[simem:s6], [sflag:s4] =	dma.local [hbm:s3], $0xF7A  }
0x26: {  	[smem:$0x3F64] =	sst s1;
	(tag) =	ssettag s2;
	_ =	strace s9  }
0x27: {  	s1 =	sld [smem:$0x3F74]  }
0x28: {  	s2 =	sld [smem:$0x3F75]  }
0x29: {  	s4 =	sld [smem:$0x3F77]  }
0x2a: {  	p0 =	seq.s32 s5, $0x0;
	s5 =	sld [smem:$0x3F78]  }
0x2b: {  	s6 =	sld [smem:$0x3F79]  }
0x2c: {  	s7 =	sld [smem:$0x3F7A]  }
0x2d: {  	s3 =	simm.s32 $0x108;
	s8 =	sld [smem:$0x3F7B]  }
0x2e: {  	s3 =	simm.s32 @!p0 $0x1082;
	s9 =	sld [smem:$0x3F7C]  }
0x2f: {  	lr =	sadd.s32 s0, s3;
	s0 =	sld [smem:$0x3F73]  }
0x30: {  	s3 =	sld [smem:$0x3F76]  }
0x31: {  	[smem:$0x3F7F] =	sst s10  }
0x32: {  	s10 =	sld [smem:$0x3F7D];
	_ =	sdelay $0x3  }
0x33: {  	p0 =	seq.s32 s10, $0x1;
	s10 =	sld [smem:$0x3F7F];
	_ =	sdelay $0x3  }
0x34: {  	[smem:$0x3F7F] =	sst s10  }
0x35: {  	s10 =	sld [smem:$0x3F7E];
	_ =	sdelay $0x3  }
0x36: {  	p1 =	seq.s32 s10, $0x1;
	s10 =	sld [smem:$0x3F7F];
	_ =	sdelay $0x3  }
0x37: {  	[smem:$0x3F7F] =	sst s10  }
0x38: {  	s10 =	sld [smem:$0x3F80]  }
0x39: {  	_ = 	snop;
	(pc) =	sbr.ind lr, $3  }
0x3a: {  	_ = 	snop  }
0x3b: {  	_ = 	snop  }
0x3c: {  	p2 =	seq.s32 s10, $0x1;
	s10 =	sld [smem:$0x3F7F]  }
0x3d: {  	_ =	shalt  }
0x3e: {  	_ =	shalt  }
0x3f: {  	_ =	shalt  }
0x40: {  	_ =	shalt  }
0x41: {  	_ =	shalt  }
0x42: {  	_ =	shalt  }
0x43: {  	_ =	shalt  }
0x44: {  	_ =	shalt  }
0x45: {  	_ =	shalt  }
0x46: {  	_ =	shalt  }
0x47: {  	_ =	shalt  }
0x48: {  	_ =	shalt  }
0x49: {  	_ =	shalt  }
0x4a: {  	_ =	shalt  }
0x4b: {  	_ =	shalt  }
0x4c: {  	_ =	shalt  }
0x4d: {  	_ =	shalt  }
0x4e: {  	_ =	shalt  }
0x4f: {  	_ =	shalt  }
0x50: {  	_ =	shalt  }
0x51: {  	_ =	shalt  }
0x52: {  	_ =	shalt  }
0x53: {  	_ =	shalt  }
0x54: {  	_ =	shalt  }
0x55: {  	_ =	shalt  }
0x56: {  	_ =	shalt  }
0x57: {  	_ =	shalt  }
0x58: {  	_ =	shalt  }
0x59: {  	_ =	shalt  }
0x5a: {  	_ =	shalt  }
0x5b: {  	_ =	shalt  }
0x5c: {  	_ =	shalt  }
0x5d: {  	_ =	shalt  }
0x5e: {  	_ =	shalt  }
0x5f: {  	_ =	shalt  }
0x60: {  	_ =	shalt  }
0x61: {  	_ =	shalt  }
0x62: {  	_ =	shalt  }
0x63: {  	_ =	shalt  }
0x64: {  	_ =	shalt  }
0x65: {  	_ =	shalt  }
0x66: {  	_ =	shalt  }
0x67: {  	_ =	shalt  }
0x68: {  	_ =	shalt  }
0x69: {  	_ =	shalt  }
0x6a: {  	_ =	shalt  }
0x6b: {  	_ =	shalt  }
0x6c: {  	_ =	shalt  }
0x6d: {  	_ =	shalt  }
0x6e: {  	_ =	shalt  }
0x6f: {  	_ =	shalt  }
0x70: {  	_ =	shalt  }
0x71: {  	_ =	shalt  }
0x72: {  	_ =	shalt  }
0x73: {  	_ =	shalt  }
0x74: {  	_ =	shalt  }
0x75: {  	_ =	shalt  }
0x76: {  	_ =	shalt  }
0x77: {  	_ =	shalt  }
0x78: {  	_ =	shalt  }
0x79: {  	_ =	shalt  }
0x7a: {  	_ =	shalt  }
0x7b: {  	_ =	shalt  }
0x7c: {  	_ =	shalt  }
0x7d: {  	_ =	shalt  }
0x7e: {  	_ =	shalt  }
0x7f: {  	_ =	shalt  }
0x80: {  	_ =	shalt  }
0x81: {  	_ =	shalt  }
0x82: {  	_ =	shalt  }
0x83: {  	_ =	shalt  }
0x84: {  	_ =	shalt  }
0x85: {  	_ =	shalt  }
0x86: {  	_ =	shalt  }
0x87: {  	_ =	shalt  }
.Lfunc_end0:
.L_simem_size_0:
called_computation.7_lowered:
.L_overlay_start_0:
0x88: {  	s2 =	sld [smem:$0x3FD9]  }
0x89: {  	s3 =	sld [smem:$0x3FFE];
	_ =	sdelay $0x1  }
0x8a: {  	s1 =	srdreg.scid  }
0x8b: {  	s0 =	sand.u32 $0x1, s1  }
0x8c: {  	s16 =	sshll.u32 s0, $0xA;
	s2 =	sadd.s32 s3, s2  }
0x8d: {  	s2 =	sadd.s32 s2, s16  }
0x8e: {  	[smem:$0x3F8B] =	sst s2  }
0x8f: {  	_ = 	snop  }
0x90: {  	(tm) =	ssettm $0x1  }
0x91: {  	s17 =	sld [smem:$0x3FFB];
	_ =	sdelay $0x3  }
0x92: {  	_ =	strace s17  }
0x93: {  	s2 =	sld [smem:$0x3FFC];
	_ =	sdelay $0x3  }
0x94: {  	_ =	strace s2  }
0x95: {  	s2 =	sld [smem:$0x3FFD];
	_ =	sdelay $0x3  }
0x96: {  	_ =	strace s2  }
0x97: {  	_ =	strace $0x8FFFFFFF  }
0x98: {  	s18 =	sld [smem:$0x3FDB];
	_ =	sdelay $0x1  }
0x99: {  	s19 =	simm.s32 $_scs_section_size  }
0x9a: {  	s4 =	simm.s32 $_size__tile_overlayer_lowered;
	s5 =	simm.s32 $_tile_overlayer_lowered  }
0x9b: {  	s22 =	simm.s32 $0x1BFF;
	s21 =	sshll.u32 s5, $0x1;
	s2 =	sadd.s32 s19, s18  }
0x9c: {  	s6 =	simm.s32 $0x0;
	s20 =	sshll.u32 s4, $0x1;
	s4 =	sadd.s32 s21, s2  }
0x9d: {  	[timem:s6], [sflag:s22] =	dma.local [hbm:s4], s20  }
0x9e: {  	_ =	swait.ge [sflag:s22], s20  }
0x9f: {  	s3 =	ssub.s32 $0x0, s20;
	[sflag:s22] =	ssyncset.done $0x0  }
0xa0: {  	[sflag:s22] =	ssyncadd.s32 s3;
	_ =	sdelay $0x1  }
0xa1: {  	s23 =	simm.s32 $0x1B8B  }
0xa2: {  	_ =	swait.ge [sflag:s23], $0x1  }
0xa3: {  	[sflag:s23] =	ssyncset.done $0x0  }
0xa4: {  	s25 =	simm.s32 $0x1B8E;
	s24 =	sld [smem:$0x3FFE];
	[sflag:s23] =	ssyncadd.s32 $0xFFFFFFFF  }
0xa5: {  	s26 =	simm.s32 $execute0_lowered;
	[smem:$0x3FD2] =	sst s25  }
0xa6: {  	s4 =	sshll.u32 s26, $0x1;
	_ =	strace $0x8000005B;
	[dreg:$0x1] =	wrdreg $0xFFFFFFFF  }
0xa7: {  	s28 =	simm.s32 $_size_execute0_lowered;
	s2 =	sadd.s32 s2, s4;
	[dreg:$0x0] =	wrdreg $0x0  }
0xa8: {  	s4 =	sshll.u32 s28, $0x1;
	[dreg:$0x2] =	wrdreg s2  }
0xa9: {  	[dreg:$0x3] =	wrdreg s4  }
0xaa: {  	[dreg:$0x4] =	wrdreg $0xC0  }
0xab: {  	_ =	task [dreg:s6], $0x5FFFF  }
0xac: {  	[dreg:$0x1] =	wrdreg $0xFFFFFFFF  }
0xad: {  	[dreg:$0x0] =	wrdreg $0x60  }
0xae: {  	[dreg:$0x2] =	wrdreg s24  }
0xaf: {  	[dreg:$0x3] =	wrdreg $0x2D500  }
0xb0: {  	[dreg:$0x4] =	wrdreg $0x165D00  }
0xb1: {  	[dreg:$0x5] =	wrdreg $0x9  }
0xb2: {  	_ =	task.clear_ibuf [dreg:s6], $0x6FFFF;
	_ =	strace $0x9000005B  }
0xb3: {  	s29 =	simm.s32 $0x9;
	_ =	strace $0x8000005D  }
0xb4: {  	_ =	swait.ge [sflag:s29], $0x1  }
0xb5: {  	[sflag:s29] =	ssyncadd.s32 $0xFFFFFFFF  }
0xb6: {  	_ =	strace $0x9000005D  }
0xb7: {  	_ =	sfence  }
0xb8: {  	s30 =	sld [smem:$0x0];
	_ =	sdelay $0x2  }
0xb9: {  	s31 =	sshll.u32 s1, $0xD;
	s1 =	sshrl.u32 s1, $0x2  }
0xba: {  	s3 =	sand.u32 $0x4000, s31;
	s1 =	sadd.s32 s1, s30  }
0xbb: {  	s0 =	sor.u32 s3, s0;
	s1 =	sshll.u32 s1, $0x11  }
0xbc: {  	s0 =	sor.u32 s1, s0  }
0xbd: {  	s0 =	sadd.s32 $0x8F2B, s0  }
0xbe: {  	[sflag:s0] =	ssyncadd.remote.s32 $0x1  }
0xbf: {  	_ =	sfence.sel $0xFFFF  }
0xc0: {  	[dreg:$0x0] =	wrdreg $0xFFFFFFFF;
	(pc) =	sbr.abs _section_cstart, $3  }
0xc1: {  	[dreg:$0x1] =	wrdreg $0xFFFFFFFF  }
0xc2: {  	_ =	task.clear_ibuf [dreg:s6], $0x2FFFF;
	_ =	strace $0x9FFFFFFF  }
0xc3: {  	(tm) =	ssettm $0x7FFFFFFF  }
tec
execute0_lowered:
.L_overlay_start_1:
0x0: {  	(tag) =	ssettag $0x1  }
0x1: {  	s6 =	rddreg [dreg:$0x0];
	s0 =	srdreg.scid  }
0x2: {  	s10 =	stileid.u32;
	s1 =	rddreg [dreg:$0x1]  }
0x3: {  	s2 =	rddreg [dreg:$0x2];
	s4 =	smul.u32 $0x4E20, s10  }
0x4: {  	s3 =	simm.s32 $0x0;
	s15 =	simm.s32 $0x50;
	s13 =	smul.u32 $0x9C40, s10  }
0x5: {  	s16 =	simm.s32 $0x2850;
	s7 =	sand.u32 $0x1, s0;
	s14 =	smul.u32 $0x4E200, s10  }
0x6: {  	s17 =	simm.s32 $0x1;
	s0 =	rddreg [dreg:$0x3];
	s5 =	smul.u32 $0x2710, s7  }
0x7: {  	s18 =	simm.s32 $0x0;
	[smem:$0x7FF] =	sst s3;
	s8 =	smul.u32 $0x27100, s7  }
0x8: {  	p0 =	sne.s32 s10, $0x0;
	s9 =	smul.u32 $0x4E20, s7;
	s7 =	ssub.s32 $0x2, s7  }
0x9: {  	_ =	strace $0x8000005C;
	s30 =	sshrl.u32 s7, $0x1;
	s4 =	sadd.s32 s5, s4  }
0xa: {  	s5 =	sadd.s32 $0x88E00, s6;
	s12 =	sadd.s32 s8, s6;
	s9 =	sadd.s32 s9, s6  }
0xb: {  	s31 =	ssub.s32 s7, s30;
	s4 =	sshrl.u32 s4, $0x3;
	s7 =	sadd.s32 $0x8DE00, s9  }
0xc: {  	s8 =	smax.u32 s31, $0x1;
	s9 =	sadd.s32 s13, s9;
	s13 =	sshrl.u32 @!p0 s2, $0x3  }
0xd: {  	s11 =	sadd.s32 s4, s6;
	s4 =	sadd.s32 $0x3A800, s6;
	s6 =	sadd.s32 $0x13DE00, s12  }
0xe: {  	s9 =	sadd.s32 $0xA1A00, s9;
	s12 =	sadd.s32 s14, s12;
	s14 =	simm.s32 $0x2  }
0xf: {  	s10 =	sadd.s32 $0x1D51800, s12;
	s11 =	sadd.s32 $0x97C00, s11;
	s12 =	sshrl.u32 @!p0 s1, $0x3  }
.LBB2_1:
0x10: {  	s19 =	simm.s32 @!p0 $0x1C02;
	s20 =	simm.s32 @!p0 $0x2  }
0x11: {  	[spmem:s12], [sflag:s19] =	dma.local @!p0 [hbm:s4], $0x27100  }
0x12: {  	_ =	swait.ge @!p0 [sflag:s20], $0x27100  }
0x13: {  	[sflag:s20] =	ssyncset.done @!p0 $0x0  }
0x14: {  	[sflag:s20] =	ssyncadd.s32 @!p0 $0xFFFD8F00  }
0x15: {  	[spmem:s13], [sflag:s19] =	dma.local @!p0 [hbm:s5], $0x4E20  }
0x16: {  	_ =	swait.ge @!p0 [sflag:s20], $0x4E20  }
0x17: {  	[sflag:s20] =	ssyncset.done @!p0 $0x0  }
0x18: {  	[sflag:s20] =	ssyncadd.s32 @!p0 $0xFFFFB1E0  }
0x19: {  	s31 =	sadd.s32 $0x0, s11;
	[bflag:$0x0] =	sbarrier.arrive $0xFFFF  }
0x1a: {  	[tilespmem:s3], [sflag:$0x2] =	stream.linear.gather [hbm4b:s31+s3], $0x50, $0x38;
	[tilespmem:$0x18CE0] =	vst v63  }
0x1b: {  	_ =	swait.ge [sflag:s14], $0x50  }
0x1c: {  	[sflag:s14] =	ssyncset.done $0x0  }
0x1d: {  	[sflag:s14] =	ssyncadd.s32 $0xFFFFFFB0  }
0x1e: {  	[tilespmem:s15], [sflag:$0x1] =	stream.linear.gather [hbm4b:s10+s3], $0x2800, $0x38;
	[tilespmem:$0x18CE0] =	vst v63  }
0x1f: {  	_ = 	snop  }
0x20: {  	[tilespmem:s16], [sflag:$0x1] =	stream.linear.gather [hbm4b:s9+s3], $0x500, $0x38;
	[tilespmem:$0x18CE0] =	vst v63  }
0x21: {  	_ =	swait.ge [sflag:s17], $0x2800  }
0x22: {  	[sflag:s17] =	ssyncset.done $0x0  }
0x23: {  	[sflag:s17] =	ssyncadd.s32 $0xFFFFD800  }
0x24: {  	_ =	swait.ge [sflag:s17], $0x500  }
0x25: {  	[sflag:s17] =	ssyncset.done $0x0  }
0x26: {  	[sflag:s17] =	ssyncadd.s32 $0xFFFFFB00  }
0x27: {  	[spmem:s1] =	stream.indirect.scatter.add.f32 [tilespmem:s15], [sflag:$0x2], $0x80, s3, s15, $0xb8;
	[tilespmem:$0x18CE0] =	vst v63  }
0x28: {  	_ =	swait.ge [sflag:s14], $0x2800  }
0x29: {  	[sflag:s14] =	ssyncset.done $0x0  }
0x2a: {  	[sflag:s14] =	ssyncadd.s32 $0xFFFFD800  }
0x2b: {  	[spmem:s2] =	stream.indirect.scatter.add.f32 [tilespmem:s16], [sflag:$0x2], $0x10, s3, s15, $0xb8;
	[tilespmem:$0x18CE0] =	vst v63  }
0x2c: {  	s21 =	simm.s32 $0xA;
	s22 =	simm.s32 $0x14;
	_ =	swait.ge [sflag:s14], $0x500  }
0x2d: {  	s19 =	sadd.s32 $0xA0, s9;
	s20 =	sadd.s32 $0x500, s10;
	[sflag:s14] =	ssyncset.done $0x0  }
.LBB2_2:
0x2e: {  	s23 =	sadd.s32 s21, s11  }
0x2f: {  	[sflag:s14] =	ssyncadd.s32 $0xFFFFFB00;
	s21 =	smov.u32 s22;
	s24 =	sadd.s32 $0xA, s22  }
0x30: {  	[tilespmem:s3], [sflag:$0x2] =	stream.linear.gather [hbm4b:s23+s3], $0x50, $0x38;
	[tilespmem:$0x18CE0] =	vst v63  }
0x31: {  	p1 =	sne.s32 s22, $0x4D8;
	_ =	swait.ge [sflag:s14], $0x50  }
0x32: {  	[sflag:s14] =	ssyncset.done $0x0  }
0x33: {  	[sflag:s14] =	ssyncadd.s32 $0xFFFFFFB0  }
0x34: {  	[tilespmem:s15], [sflag:$0x1] =	stream.linear.gather [hbm4b:s20+s3], $0x2800, $0x38;
	[tilespmem:$0x18CE0] =	vst v63  }
0x35: {  	_ = 	snop  }
0x36: {  	[tilespmem:s16], [sflag:$0x1] =	stream.linear.gather [hbm4b:s19+s3], $0x500, $0x38;
	[tilespmem:$0x18CE0] =	vst v63  }
0x37: {  	_ =	swait.ge [sflag:s17], $0x2800  }
0x38: {  	[sflag:s17] =	ssyncset.done $0x0  }
0x39: {  	[sflag:s17] =	ssyncadd.s32 $0xFFFFD800  }
0x3a: {  	_ =	swait.ge [sflag:s17], $0x500  }
0x3b: {  	[sflag:s17] =	ssyncset.done $0x0  }
0x3c: {  	[sflag:s17] =	ssyncadd.s32 $0xFFFFFB00  }
0x3d: {  	[spmem:s1] =	stream.indirect.scatter.add.f32 [tilespmem:s15], [sflag:$0x2], $0x80, s3, s15, $0xb8;
	[tilespmem:$0x18CE0] =	vst v63  }
0x3e: {  	_ =	swait.ge [sflag:s14], $0x2800  }
.Ltmp0:
0x3f: {  	[sflag:s14] =	ssyncset.done $0x0;
	(pc) =	sbr.rel @p1 .LBB2_2-.Ltmp0, $4  }
0x40: {  	[sflag:s14] =	ssyncadd.s32 $0xFFFFD800  }
0x41: {  	[spmem:s2] =	stream.indirect.scatter.add.f32 [tilespmem:s16], [sflag:$0x2], $0x10, s3, s15, $0xb8;
	[tilespmem:$0x18CE0] =	vst v63  }
0x42: {  	s22 =	smov.u32 s24;
	_ =	swait.ge [sflag:s14], $0x500  }
0x43: {  	s20 =	sadd.s32 $0x500, s20;
	s19 =	sadd.s32 $0xA0, s19;
	[sflag:s14] =	ssyncset.done $0x0  }
0x44: {  	s21 =	sadd.s32 s21, s11;
	[sflag:s14] =	ssyncadd.s32 $0xFFFFFB00  }
0x45: {  	[tilespmem:s3], [sflag:$0x2] =	stream.linear.gather [hbm4b:s21+s3], $0x50, $0x38;
	[tilespmem:$0x18CE0] =	vst v63  }
0x46: {  	_ =	swait.ge [sflag:s14], $0x50  }
0x47: {  	[sflag:s14] =	ssyncset.done $0x0  }
0x48: {  	[sflag:s14] =	ssyncadd.s32 $0xFFFFFFB0  }
0x49: {  	[tilespmem:s15], [sflag:$0x1] =	stream.linear.gather [hbm4b:s20+s3], $0x2800, $0x38;
	[tilespmem:$0x18CE0] =	vst v63  }
0x4a: {  	_ = 	snop  }
0x4b: {  	[tilespmem:s16], [sflag:$0x1] =	stream.linear.gather [hbm4b:s19+s3], $0x500, $0x38;
	[tilespmem:$0x18CE0] =	vst v63  }
0x4c: {  	_ =	swait.ge [sflag:s17], $0x2800  }
0x4d: {  	[sflag:s17] =	ssyncset.done $0x0  }
0x4e: {  	[sflag:s17] =	ssyncadd.s32 $0xFFFFD800  }
0x4f: {  	_ =	swait.ge [sflag:s17], $0x500  }
0x50: {  	[sflag:s17] =	ssyncset.done $0x0  }
0x51: {  	[sflag:s17] =	ssyncadd.s32 $0xFFFFFB00  }
0x52: {  	[spmem:s1] =	stream.indirect.scatter.add.f32 [tilespmem:s15], [sflag:$0x2], $0x80, s3, s15, $0xb8;
	[tilespmem:$0x18CE0] =	vst v63  }
0x53: {  	_ =	swait.ge [sflag:s14], $0x2800  }
0x54: {  	[sflag:s14] =	ssyncset.done $0x0  }
0x55: {  	[sflag:s14] =	ssyncadd.s32 $0xFFFFD800  }
0x56: {  	[spmem:s2] =	stream.indirect.scatter.add.f32 [tilespmem:s16], [sflag:$0x2], $0x10, s3, s15, $0xb8;
	[tilespmem:$0x18CE0] =	vst v63  }
0x57: {  	_ =	swait.ge [sflag:s14], $0x500  }
0x58: {  	[sflag:s14] =	ssyncset.done $0x0  }
0x59: {  	[sflag:s14] =	ssyncadd.s32 $0xFFFFFB00  }
0x5a: {  	s20 =	simm.s32 @!p0 $0x2;
	s19 =	simm.s32 @!p0 $0x1C02;
	[bflag:$0x0] =	sbarrier.arrive $0xFFFF  }
0x5b: {  	[hbm:s6], [sflag:s19] =	dma.local @!p0 [spmem:s12], $0x27100  }
0x5c: {  	s18 =	sadd.s32 $0x1, s18;
	_ =	swait.ge @!p0 [sflag:s20], $0x27100  }
0x5d: {  	p1 =	sne.s32 s18, s8;
	[sflag:s20] =	ssyncset.done @!p0 $0x0  }
.Ltmp1:
0x5e: {  	[sflag:s20] =	ssyncadd.s32 @!p0 $0xFFFD8F00;
	(pc) =	sbr.rel @p1 .LBB2_1-.Ltmp1, $4  }
0x5f: {  	[hbm:s7], [sflag:s19] =	dma.local @!p0 [spmem:s13], $0x4E20  }
0x60: {  	_ =	swait.ge @!p0 [sflag:s20], $0x4E20  }
0x61: {  	[sflag:s20] =	ssyncset.done @!p0 $0x0  }
0x62: {  	[sflag:s20] =	ssyncadd.s32 @!p0 $0xFFFFB1E0  }
0x63: {  	_ =	sfence.sel $0x180000  }
0x64: {  	[bflag:$0x0] =	sbarrier.arrive $0xFFFF  }
0x65: {  	_ =	strace $0x9000005C  }
0x66: {  	s0 =	sadd.s32 @!p0 $0x100000, s0;
	[bflag:$0x2] =	sbarrier.arrive $0xFFFF  }
0x67: {  	[sflag:s0] =	ssyncadd.tile.s32 @!p0 $0x1;
	_ =	shalt  }
.Lfunc_end2:
_tile_overlayer_lowered:
.L_overlay_start_2:
0x68: {  	(tag) =	ssettag $0x2  }
0x69: {  	s0 =	rddreg [dreg:$0x0];
	s2 =	stileid.u32  }
0x6a: {  	s1 =	rddreg [dreg:$0x1];
	p0 =	sne.s32 s2, $0x0  }
0x6b: {  	s3 =	rddreg [dreg:$0x2];
	[bflag:$0x3] =	sbarrier.arrive $0xFFFF;
	s2 =	simm.s32 @!p0 $0x1C02  }
0x6c: {  	[timem:s3], [sflag:s2] =	dma.local @!p0 [hbm:s0], s1  }
0x6d: {  	s0 =	simm.s32 @!p0 $0x2  }
0x6e: {  	_ =	swait.ge @!p0 [sflag:s0], s1  }
0x6f: {  	s1 =	ssub.s32 @!p0 $0x0, s1;
	[sflag:s0] =	ssyncset.done @!p0 $0x0  }
0x70: {  	[sflag:s0] =	ssyncadd.s32 @!p0 s1  }
0x71: {  	[bflag:$0x3] =	sbarrier.arrive $0xFFFF  }
0x72: {  	_ =	shalt  }

</sc_bundles>
